<compile_context>
chip_gen: v7x
topology: tpu7x:2x2x1
jax: 0.10.2.dev20260603
libtpu: 0.0.44.dev20260713+nightly
codegen_flags: <defaults>
</compile_context>

<pallas_src>
import functools

import jax
import jax.numpy as jnp
from jax import lax
from jax.experimental import pallas as pl
from jax.experimental.pallas import tpu as pltpu
from jax.experimental.pallas import tpu_sc as plsc

N = 10000
E = 160000
S = 8
_NEG = -1e30


def _mm_kernel(x_ref, w_ref, o_ref):
    o_ref[...] = jnp.dot(x_ref[...], w_ref[...],
                         preferred_element_type=jnp.float32)


def _matmul(x, w, bn):
    n, k = x.shape
    _, m = w.shape
    return pl.pallas_call(
        _mm_kernel,
        grid=(n // bn,),
        in_specs=[pl.BlockSpec((bn, k), lambda i: (i, 0)),
                  pl.BlockSpec((k, m), lambda i: (0, 0))],
        out_specs=pl.BlockSpec((bn, m), lambda i: (i, 0)),
        out_shape=jax.ShapeDtypeStruct((n, m), jnp.float32),
    )(x, w)


_B2 = 2000


def _l0_alpha_body(elT, erT, src_h, dst_h, mh, alphaT,
                   colL, colR, den, srcb, dstb, eeb, idxb, mv, sden):
    c = lax.axis_index("c")
    t = lax.axis_index("s")
    hl = t // 4
    h = c * 4 + hl
    q = t % 4
    eq = E // 4
    e0 = q * eq

    def z(i, _):
        den[pl.ds(i * 16, 16)] = jnp.zeros((16,), jnp.float32)
        return 0
    lax.fori_loop(0, 4000 // 16, z, 0)
    @pl.when(t < 10)
    def _():
        pltpu.sync_copy(den.at[pl.ds(0, 4000)], sden.at[pl.ds(t * 4000, 4000)])
    plsc.subcore_barrier()

    pltpu.sync_copy(elT.at[pl.ds(h * N, N)], colL)
    pltpu.sync_copy(erT.at[pl.ds(h * N, N)], colR)
    pltpu.sync_copy(mh, mv)
    M = plsc.load_gather(mv, [jnp.full((16,), h, jnp.int32)])

    hlN = hl * N

    def chunk1(k, _):
        off = e0 + k * _B2
        pltpu.sync_copy(src_h.at[pl.ds(off, _B2)], srcb)
        pltpu.sync_copy(dst_h.at[pl.ds(off, _B2)], dstb)
        def inner(i, _):
            sv = srcb[pl.ds(i * 16, 16)]
            dv = dstb[pl.ds(i * 16, 16)]
            gl = plsc.load_gather(colL, [sv])
            gr = plsc.load_gather(colR, [dv])
            x = gl + gr
            x = jnp.where(x > 0, x, 0.2 * x)
            eeb[pl.ds(i * 16, 16)] = jnp.exp(x - M)
            idxb[pl.ds(i * 16, 16)] = dv + hlN
            return 0
        lax.fori_loop(0, _B2 // 16, inner, 0)
        pltpu.sync_copy(eeb, sden.at[idxb], add=True)
        return 0
    lax.fori_loop(0, eq // _B2, chunk1, 0)
    plsc.subcore_barrier()

    pltpu.sync_copy(sden.at[pl.ds(hlN, N)], den)

    def chunk2(k, _):
        off = e0 + k * _B2
        pltpu.sync_copy(src_h.at[pl.ds(off, _B2)], srcb)
        pltpu.sync_copy(dst_h.at[pl.ds(off, _B2)], dstb)
        def inner(i, _):
            sv = srcb[pl.ds(i * 16, 16)]
            dv = dstb[pl.ds(i * 16, 16)]
            gl = plsc.load_gather(colL, [sv])
            gr = plsc.load_gather(colR, [dv])
            x = gl + gr
            x = jnp.where(x > 0, x, 0.2 * x)
            ee = jnp.exp(x - M)
            dn = plsc.load_gather(den, [dv])
            eeb[pl.ds(i * 16, 16)] = ee / (dn + 1e-9)
            return 0
        lax.fori_loop(0, _B2 // 16, inner, 0)
        pltpu.sync_copy(eeb, alphaT.at[pl.ds(h * E + off, _B2)])
        return 0
    lax.fori_loop(0, eq // _B2, chunk2, 0)


def _l0_alpha(elT, erT, src, dst, M):
    mesh = plsc.VectorSubcoreMesh(core_axis_name="c", subcore_axis_name="s")
    return pl.kernel(
        _l0_alpha_body,
        out_type=jax.ShapeDtypeStruct((8 * E,), jnp.float32),
        mesh=mesh,
        compiler_params=pltpu.CompilerParams(needs_layout_passes=False),
        scratch_types=[
            pltpu.VMEM((N,), jnp.float32),
            pltpu.VMEM((N,), jnp.float32),
            pltpu.VMEM((N,), jnp.float32),
            pltpu.VMEM((_B2,), jnp.int32),
            pltpu.VMEM((_B2,), jnp.int32),
            pltpu.VMEM((_B2,), jnp.float32),
            pltpu.VMEM((_B2,), jnp.int32),
            pltpu.VMEM((16,), jnp.float32),
            pltpu.VMEM_SHARED((4 * N,), jnp.float32),
        ],
    )(elT, erT, src, dst, M)


def _noise(layer_key, s):
    return 1.0 + jax.random.normal(jax.random.fold_in(layer_key, s),
                                   (E, 1, 1), dtype=jnp.float32)[:, 0, 0]


def kernel(feat, edge_index, W0, al0, ar0, W1, al1, ar1):
    src = edge_index[0]
    dst = edge_index[1]
    nkey = jax.random.key(42)
    k0 = jax.random.fold_in(nkey, 0)
    k1 = jax.random.fold_in(nkey, 1)
    noise0 = jnp.stack([_noise(k0, s) for s in range(S)], axis=1)
    noise1 = jnp.stack([_noise(k1, s) for s in range(S)], axis=1)

    h = _matmul(feat, W0, 1000)
    h3 = h.reshape(N, 8, 8)
    el = jnp.sum(h3 * al0, -1)
    er = jnp.sum(h3 * ar0, -1)
    M0 = jnp.zeros(16).at[:8].set(jnp.maximum(0.0, el.max(0) + er.max(0)))
    alphaT = _l0_alpha(el.T.reshape(-1), er.T.reshape(-1), src, dst, M0)
    alpha = alphaT.reshape(8, E).T

    msg = (alpha[:, :, None] * h3[src]).reshape(E, 1, 64)
    big = (noise0[:, :, None] * msg).reshape(E, S * 64)
    h0 = jax.ops.segment_sum(big, dst, num_segments=N)
    h0 = jax.nn.elu(h0)

    W1big = jax.scipy.linalg.block_diag(*([W1] * S))
    G = _matmul(h0, W1big, 1000)
    al1b = jnp.tile(al1[:, 0], S)
    ar1b = jnp.tile(ar1[:, 0], S)
    Gl = G * al1b
    Gr = G * ar1b
    e1 = jax.nn.leaky_relu(Gl[src] + Gr[dst], 0.2)
    M1 = jnp.maximum(0.0, Gl.max(0) + Gr.max(0))
    ee1 = jnp.exp(e1 - M1)
    d1 = jax.ops.segment_sum(ee1, dst, num_segments=N)
    alpha1 = ee1 / (d1[dst] + 1e-9)
    noise1b = jnp.repeat(noise1, 7, axis=1)
    out_full = jax.ops.segment_sum(alpha1 * G[src] * noise1b, dst,
                                   num_segments=N)
    return out_full.reshape(N, S, 7).mean(axis=1)

# --- scband reference (transcript-rebuilt; emitter-appended) ---
"""Pipeline reference for scband-model-84877143703775 (READ-ONLY COPY).

The authoritative reference and input builder live on the scoring server;
editing this copy changes nothing except your own understanding.
"""

import jax, jax.numpy as jnp
import numpy as np

N = 10000
E = 160000
S = 8  # num_samples per Stag layer


def setup_inputs(seed: int = 0) -> dict:
    key = jax.random.key(seed)
    ks = jax.random.split(key, 8)
    feat = jax.random.normal(ks[0], (N, 1433), dtype=jnp.float32)
    edge_index = jax.random.randint(ks[1], (2, E), 0, N, dtype=jnp.int32)
    # layer0: Stag(1433, 8, 8) -> H=8 heads, C=8 out feats
    W0 = jax.random.normal(ks[2], (1433, 64), dtype=jnp.float32) * 0.05
    al0 = jax.random.normal(ks[3], (8, 8), dtype=jnp.float32) * 0.05
    ar0 = jax.random.normal(ks[4], (8, 8), dtype=jnp.float32) * 0.05
    # layer1: Stag(64, 7, 1) -> H=7 heads, C=1 out feat
    W1 = jax.random.normal(ks[5], (64, 7), dtype=jnp.float32) * 0.05
    al1 = jax.random.normal(ks[6], (7, 1), dtype=jnp.float32) * 0.05
    ar1 = jax.random.normal(ks[7], (7, 1), dtype=jnp.float32) * 0.05
    return {"feat": feat, "edge_index": edge_index, "W0": W0, "al0": al0,
            "ar0": ar0, "W1": W1, "al1": al1, "ar1": ar1}


def _stag_layer(x, W, al, ar, src, dst, key, use_elu):
    # GAT-style attention layer with stochastic multiplicative edge noise,
    # sampled S times. Output layout: [N, S, H, C].
    H, C = al.shape
    h_shared = None
    if x.ndim == 2:
        h_shared = (x @ W).reshape(N, H, C)
    outs = []
    for s in range(S):
        if h_shared is not None:
            h = h_shared
        else:
            h = (x[:, s, :] @ W).reshape(N, H, C)
        el = jnp.sum(h * al, axis=-1)  # [N, H]
        er = jnp.sum(h * ar, axis=-1)  # [N, H]
        e = jax.nn.leaky_relu(el[src] + er[dst], 0.2)  # [E, H]
        emax = jax.lax.stop_gradient(jax.ops.segment_max(e, dst, num_segments=N))
        ee = jnp.exp(e - emax[dst])
        denom = jax.ops.segment_sum(ee, dst, num_segments=N)
        alpha = ee / (denom[dst] + 1e-9)  # edge softmax over incoming edges
        noise = 1.0 + jax.random.normal(jax.random.fold_in(key, s), (src.shape[0], 1, 1), dtype=jnp.float32)
        msg = h[src] * alpha[:, :, None] * noise  # [E, H, C]
        out = jax.ops.segment_sum(msg, dst, num_segments=N)  # [N, H, C]
        if use_elu:
            out = jax.nn.elu(out)
        outs.append(out)
    return jnp.stack(outs, axis=1)  # [N, S, H, C]


def reference(feat, edge_index, W0, al0, ar0, W1, al1, ar1):
    src = edge_index[0]
    dst = edge_index[1]
    nkey = jax.random.key(42)
    h0 = _stag_layer(feat, W0, al0, ar0, src, dst, jax.random.fold_in(nkey, 0), True)   # [N, S, 8, 8]
    h0 = h0.reshape(N, S, 64)  # flatten(-2, -1)
    h1 = _stag_layer(h0, W1, al1, ar1, src, dst, jax.random.fold_in(nkey, 1), False)  # [N, S, 7, 1]
    out = h1.mean(axis=(-1, -3))  # mean over out-feat dim and sample dim -> [N, 7]
    return out

if __name__ == "__main__":
    import jax
    _d = setup_inputs()
    print(jax.jit(kernel)(*tuple(_d.values())))

</pallas_src>

<mosaic_0001>
#map = affine_map<(d0, d1) -> (0)>
module attributes {stable_mosaic.version = 14 : i64} {
  func.func @_l0_alpha_body(%arg0: i32, %arg1: i32, %arg2: memref<80000xf32, #tpu.memory_space<hbm>>, %arg3: memref<80000xf32, #tpu.memory_space<hbm>>, %arg4: memref<160000xi32, #tpu.memory_space<hbm>>, %arg5: memref<160000xi32, #tpu.memory_space<hbm>>, %arg6: memref<16xf32, #tpu.memory_space<hbm>>, %arg7: memref<1280000xf32, #tpu.memory_space<hbm>>, %arg8: memref<10000xf32, #tpu.memory_space<vmem>>, %arg9: memref<10000xf32, #tpu.memory_space<vmem>>, %arg10: memref<10000xf32, #tpu.memory_space<vmem>>, %arg11: memref<2000xi32, #tpu.memory_space<vmem>>, %arg12: memref<2000xi32, #tpu.memory_space<vmem>>, %arg13: memref<2000xf32, #tpu.memory_space<vmem>>, %arg14: memref<2000xi32, #tpu.memory_space<vmem>>, %arg15: memref<16xf32, #tpu.memory_space<vmem>>, %arg16: memref<40000xf32, #tpu.memory_space<vmem_shared>>) attributes {dimension_semantics = [#tpu.dimension_semantics<core_parallel>, #tpu.dimension_semantics<subcore_parallel>], iteration_bounds = array<i64: 2, 16>, scalar_prefetch = 0 : i64, scratch_operands = 9 : i64, tpu.core_type = #tpu.core_type<sc_vector_subcore>, window_params = [{transform_indices = #map}, {transform_indices = #map}, {transform_indices = #map}, {transform_indices = #map}, {transform_indices = #map}, {transform_indices = #map}]} {
    %jit3A = arith.constant 4 : i32
    %div3A = arith.divsi %arg1, %jit3A : i32
    %sign3A = arith.constant 0 : i32
    %sign3A_0 = arith.cmpi sgt, %arg1, %sign3A : i32
    %sign3A_1 = arith.extui %sign3A_0 : i1 to i32
    %sign3A_2 = arith.constant 0 : i32
    %sign3A_3 = arith.cmpi slt, %arg1, %sign3A_2 : i32
    %sign3A_4 = arith.extui %sign3A_3 : i1 to i32
    %sign3A_5 = arith.subi %sign3A_1, %sign3A_4 : i32
    %sign3A_6 = arith.constant 0 : i32
    %sign3A_7 = arith.cmpi sgt, %jit3A, %sign3A_6 : i32
    %sign3A_8 = arith.extui %sign3A_7 : i1 to i32
    %sign3A_9 = arith.constant 0 : i32
    %sign3A_10 = arith.cmpi slt, %jit3A, %sign3A_9 : i32
    %sign3A_11 = arith.extui %sign3A_10 : i1 to i32
    %sign3A_12 = arith.subi %sign3A_8, %sign3A_11 : i32
    %ne3A = arith.cmpi ne, %sign3A_5, %sign3A_12 : i32
    %rem3A = arith.remsi %arg1, %jit3A : i32
    %ne3A_13 = arith.constant 0 : i32
    %ne3A_14 = arith.cmpi ne, %rem3A, %ne3A_13 : i32
    %and3A = arith.andi %ne3A, %ne3A_14 : i1
    %sub3A = arith.constant 1 : i32
    %sub3A_15 = arith.subi %div3A, %sub3A : i32
    %select_n3A = arith.select %and3A, %sub3A_15, %div3A : i32
    %mul3A = arith.constant 4 : i32
    %mul3A_16 = arith.muli %arg0, %mul3A : i32
    %add3A = arith.addi %mul3A_16, %select_n3A : i32
    %jit3A_17 = arith.constant 4 : i32
    %eq3A = arith.constant 0 : i32
    %eq3A_18 = arith.cmpi eq, %jit3A_17, %eq3A : i32
    %jit3A_19 = arith.constant 1 : i32
    %select_n3A_20 = arith.select %eq3A_18, %jit3A_19, %jit3A_17 : i32
    %rem3A_21 = arith.remsi %arg1, %select_n3A_20 : i32
    %ne3A_22 = arith.constant 0 : i32
    %ne3A_23 = arith.cmpi ne, %rem3A_21, %ne3A_22 : i32
    %lt3A = arith.constant 0 : i32
    %lt3A_24 = arith.cmpi slt, %rem3A_21, %lt3A : i32
    %lt3A_25 = arith.constant 0 : i32
    %lt3A_26 = arith.cmpi slt, %select_n3A_20, %lt3A_25 : i32
    %ne3A_27 = arith.xori %lt3A_24, %lt3A_26 : i1
    %and3A_28 = arith.andi %ne3A_27, %ne3A_23 : i1
    %add3A_29 = arith.addi %rem3A_21, %select_n3A_20 : i32
    %select_n3A_30 = arith.select %and3A_28, %add3A_29, %rem3A_21 : i32
    %mul3A_31 = arith.constant 40000 : i32
    %mul3A_32 = arith.muli %select_n3A_30, %mul3A_31 : i32
    %scan3A = arith.constant 0 : i32
    %scan3A_33 = arith.constant 0 : i32
    %scan3A_34 = arith.constant 250 : i32
    %scan3A_35 = arith.addi %scan3A_33, %scan3A_34 : i32
    %scan3A_36 = arith.constant 1 : i32
    %scan3A_37 = scf.for %scan3A_63 = %scan3A_33 to %scan3A_35 step %scan3A_36 iter_args(%scan3A_64 = %scan3A) -> (i32)  : i32 {
      %broadcast_in_dim3A_65 = arith.constant 0.000000e+00 : f32
      %broadcast_in_dim3A_66 = vector.broadcast %broadcast_in_dim3A_65 : f32 to vector<16xf32>
      %mul3A_67 = arith.constant 16 : i32
      %mul3A_68 = arith.muli %scan3A_63, %mul3A_67 : i32
      %swap3A = arith.index_cast %mul3A_68 : i32 to index
      %swap3A_69 = tpu.vector_load %arg10[%swap3A] {strides = array<i32>} : memref<10000xf32, #tpu.memory_space<vmem>>, vector<16xf32>,
      tpu.vector_store %arg10[%swap3A], %broadcast_in_dim3A_66 {strides = array<i32>} : memref<10000xf32, #tpu.memory_space<vmem>>, vector<16xf32>,
      %scan3A_70 = arith.constant 0 : i32
      scf.yield %scan3A_70 : i32
    }
    %scan3A_38 = arith.constant 250 : i32
    %lt3A_39 = arith.constant 10 : i32
    %lt3A_40 = arith.cmpi slt, %arg1, %lt3A_39 : i32
    %convert_element_type3A = arith.extui %lt3A_40 : i1 to i32
    %cond3A = arith.constant 0 : i32
    %cond3A_41 = arith.cmpi ne, %convert_element_type3A, %cond3A : i32
    scf.if %cond3A_41 {
      %mul3A_63 = arith.constant 4000 : i32
      %mul3A_64 = arith.muli %arg1, %mul3A_63 : i32
      "tpu.region"() ({
        %run_scoped3A = tpu.sem_alloc : memref<!tpu.dma_semaphore, #tpu.memory_space<semaphore_mem>>
        %dma_start3A = arith.constant 0 : i32
        %dma_start3A_65 = tpu.memref_slice %arg10[%dma_start3A] : memref<10000xf32, #tpu.memory_space<vmem>> -> memref<4000xf32, #tpu.memory_space<vmem>>
        %dma_start3A_66 = tpu.memref_slice %arg16[%mul3A_64] : memref<40000xf32, #tpu.memory_space<vmem_shared>> -> memref<4000xf32, #tpu.memory_space<vmem_shared>>
        %dma_start3A_67 = tpu.memref_slice %arg16[%mul3A_64] : memref<40000xf32, #tpu.memory_space<vmem_shared>> -> memref<4000xf32, #tpu.memory_space<vmem_shared>>
        %dma_start3A_68 = arith.constant 0 : i32
        %dma_start3A_69 = tpu.memref_slice %arg10[%dma_start3A_68] : memref<10000xf32, #tpu.memory_space<vmem>> -> memref<4000xf32, #tpu.memory_space<vmem>>
        tpu.enqueue_dma source(%dma_start3A_69 : memref<4000xf32, #tpu.memory_space<vmem>>) target(%dma_start3A_67 : memref<4000xf32, #tpu.memory_space<vmem_shared>>) target_semaphore(%run_scoped3A : memref<!tpu.dma_semaphore, #tpu.memory_space<semaphore_mem>>)
        %dma_wait3A = arith.constant 0 : i32
        %dma_wait3A_70 = tpu.memref_slice %arg10[%dma_wait3A] : memref<10000xf32, #tpu.memory_space<vmem>> -> memref<4000xf32, #tpu.memory_space<vmem>>
        %dma_wait3A_71 = tpu.memref_slice %arg16[%mul3A_64] : memref<40000xf32, #tpu.memory_space<vmem_shared>> -> memref<4000xf32, #tpu.memory_space<vmem_shared>>
        %dma_wait3A_72 = tpu.memref_slice %arg16[%mul3A_64] : memref<40000xf32, #tpu.memory_space<vmem_shared>> -> memref<4000xf32, #tpu.memory_space<vmem_shared>>
        %dma_wait3A_73 = arith.constant 0 : i32
        %dma_wait3A_74 = tpu.memref_slice %arg10[%dma_wait3A_73] : memref<10000xf32, #tpu.memory_space<vmem>> -> memref<4000xf32, #tpu.memory_space<vmem>>
        tpu.wait_dma2 semaphore(%run_scoped3A : memref<!tpu.dma_semaphore, #tpu.memory_space<semaphore_mem>>) src(%dma_wait3A_74 : memref<4000xf32, #tpu.memory_space<vmem>>) dst(%dma_wait3A_72 : memref<4000xf32, #tpu.memory_space<vmem_shared>>)
        tpu.yield
      }) : () -> ()
    } else {
    }
    %barrier3A = arith.constant 0 : index
    tpu.barrier barrier_id(%barrier3A)
    %mul3A_42 = arith.constant 10000 : i32
    %mul3A_43 = arith.muli %add3A, %mul3A_42 : i32
    "tpu.region"() ({
      %run_scoped3A = tpu.sem_alloc : memref<!tpu.dma_semaphore, #tpu.memory_space<semaphore_mem>>
      %dma_start3A = tpu.memref_slice %arg2[%mul3A_43] : memref<80000xf32, #tpu.memory_space<hbm>> -> memref<10000xf32, #tpu.memory_space<hbm>>
      %dma_start3A_63 = tpu.memref_slice %arg2[%mul3A_43] : memref<80000xf32, #tpu.memory_space<hbm>> -> memref<10000xf32, #tpu.memory_space<hbm>>
      tpu.enqueue_dma source(%dma_start3A_63 : memref<10000xf32, #tpu.memory_space<hbm>>) target(%arg8 : memref<10000xf32, #tpu.memory_space<vmem>>) target_semaphore(%run_scoped3A : memref<!tpu.dma_semaphore, #tpu.memory_space<semaphore_mem>>)
      %dma_wait3A = tpu.memref_slice %arg2[%mul3A_43] : memref<80000xf32, #tpu.memory_space<hbm>> -> memref<10000xf32, #tpu.memory_space<hbm>>
      %dma_wait3A_64 = tpu.memref_slice %arg2[%mul3A_43] : memref<80000xf32, #tpu.memory_space<hbm>> -> memref<10000xf32, #tpu.memory_space<hbm>>
      tpu.wait_dma2 semaphore(%run_scoped3A : memref<!tpu.dma_semaphore, #tpu.memory_space<semaphore_mem>>) src(%dma_wait3A_64 : memref<10000xf32, #tpu.memory_space<hbm>>) dst(%arg8 : memref<10000xf32, #tpu.memory_space<vmem>>)
      tpu.yield
    }) : () -> ()
    %mul3A_44 = arith.constant 10000 : i32
    %mul3A_45 = arith.muli %add3A, %mul3A_44 : i32
    "tpu.region"() ({
      %run_scoped3A = tpu.sem_alloc : memref<!tpu.dma_semaphore, #tpu.memory_space<semaphore_mem>>
      %dma_start3A = tpu.memref_slice %arg3[%mul3A_45] : memref<80000xf32, #tpu.memory_space<hbm>> -> memref<10000xf32, #tpu.memory_space<hbm>>
      %dma_start3A_63 = tpu.memref_slice %arg3[%mul3A_45] : memref<80000xf32, #tpu.memory_space<hbm>> -> memref<10000xf32, #tpu.memory_space<hbm>>
      tpu.enqueue_dma source(%dma_start3A_63 : memref<10000xf32, #tpu.memory_space<hbm>>) target(%arg9 : memref<10000xf32, #tpu.memory_space<vmem>>) target_semaphore(%run_scoped3A : memref<!tpu.dma_semaphore, #tpu.memory_space<semaphore_mem>>)
      %dma_wait3A = tpu.memref_slice %arg3[%mul3A_45] : memref<80000xf32, #tpu.memory_space<hbm>> -> memref<10000xf32, #tpu.memory_space<hbm>>
      %dma_wait3A_64 = tpu.memref_slice %arg3[%mul3A_45] : memref<80000xf32, #tpu.memory_space<hbm>> -> memref<10000xf32, #tpu.memory_space<hbm>>
      tpu.wait_dma2 semaphore(%run_scoped3A : memref<!tpu.dma_semaphore, #tpu.memory_space<semaphore_mem>>) src(%dma_wait3A_64 : memref<10000xf32, #tpu.memory_space<hbm>>) dst(%arg9 : memref<10000xf32, #tpu.memory_space<vmem>>)
      tpu.yield
    }) : () -> ()
    "tpu.region"() ({
      %run_scoped3A = tpu.sem_alloc : memref<!tpu.dma_semaphore, #tpu.memory_space<semaphore_mem>>
      tpu.enqueue_dma source(%arg6 : memref<16xf32, #tpu.memory_space<hbm>>) target(%arg15 : memref<16xf32, #tpu.memory_space<vmem>>) target_semaphore(%run_scoped3A : memref<!tpu.dma_semaphore, #tpu.memory_space<semaphore_mem>>)
      tpu.wait_dma2 semaphore(%run_scoped3A : memref<!tpu.dma_semaphore, #tpu.memory_space<semaphore_mem>>) src(%arg6 : memref<16xf32, #tpu.memory_space<hbm>>) dst(%arg15 : memref<16xf32, #tpu.memory_space<vmem>>)
      tpu.yield
    }) : () -> ()
    %broadcast_in_dim3A = vector.broadcast %add3A : i32 to vector<16xi32>
    %gather3A = tpu.vector_load_idx %arg15[%broadcast_in_dim3A] : memref<16xf32, #tpu.memory_space<vmem>>[vector<16xi32>], vector<16xf32>,
    %mul3A_46 = arith.constant 10000 : i32
    %mul3A_47 = arith.muli %select_n3A, %mul3A_46 : i32
    %scan3A_48 = arith.constant 0 : i32
    %scan3A_49 = arith.constant 0 : i32
    %scan3A_50 = arith.constant 20 : i32
    %scan3A_51 = arith.addi %scan3A_49, %scan3A_50 : i32
    %scan3A_52 = arith.constant 1 : i32
    %scan3A_53 = scf.for %scan3A_63 = %scan3A_49 to %scan3A_51 step %scan3A_52 iter_args(%scan3A_64 = %scan3A_48) -> (i32)  : i32 {
      %mul3A_65 = arith.constant 2000 : i32
      %mul3A_66 = arith.muli %scan3A_63, %mul3A_65 : i32
      %add3A_67 = arith.addi %mul3A_32, %mul3A_66 : i32
      "tpu.region"() ({
        %run_scoped3A = tpu.sem_alloc : memref<!tpu.dma_semaphore, #tpu.memory_space<semaphore_mem>>
        %dma_start3A = tpu.memref_slice %arg4[%add3A_67] : memref<160000xi32, #tpu.memory_space<hbm>> -> memref<2000xi32, #tpu.memory_space<hbm>>
        %dma_start3A_76 = tpu.memref_slice %arg4[%add3A_67] : memref<160000xi32, #tpu.memory_space<hbm>> -> memref<2000xi32, #tpu.memory_space<hbm>>
        tpu.enqueue_dma source(%dma_start3A_76 : memref<2000xi32, #tpu.memory_space<hbm>>) target(%arg11 : memref<2000xi32, #tpu.memory_space<vmem>>) target_semaphore(%run_scoped3A : memref<!tpu.dma_semaphore, #tpu.memory_space<semaphore_mem>>)
        %dma_wait3A = tpu.memref_slice %arg4[%add3A_67] : memref<160000xi32, #tpu.memory_space<hbm>> -> memref<2000xi32, #tpu.memory_space<hbm>>
        %dma_wait3A_77 = tpu.memref_slice %arg4[%add3A_67] : memref<160000xi32, #tpu.memory_space<hbm>> -> memref<2000xi32, #tpu.memory_space<hbm>>
        tpu.wait_dma2 semaphore(%run_scoped3A : memref<!tpu.dma_semaphore, #tpu.memory_space<semaphore_mem>>) src(%dma_wait3A_77 : memref<2000xi32, #tpu.memory_space<hbm>>) dst(%arg11 : memref<2000xi32, #tpu.memory_space<vmem>>)
        tpu.yield
      }) : () -> ()
      "tpu.region"() ({
        %run_scoped3A = tpu.sem_alloc : memref<!tpu.dma_semaphore, #tpu.memory_space<semaphore_mem>>
        %dma_start3A = tpu.memref_slice %arg5[%add3A_67] : memref<160000xi32, #tpu.memory_space<hbm>> -> memref<2000xi32, #tpu.memory_space<hbm>>
        %dma_start3A_76 = tpu.memref_slice %arg5[%add3A_67] : memref<160000xi32, #tpu.memory_space<hbm>> -> memref<2000xi32, #tpu.memory_space<hbm>>
        tpu.enqueue_dma source(%dma_start3A_76 : memref<2000xi32, #tpu.memory_space<hbm>>) target(%arg12 : memref<2000xi32, #tpu.memory_space<vmem>>) target_semaphore(%run_scoped3A : memref<!tpu.dma_semaphore, #tpu.memory_space<semaphore_mem>>)
        %dma_wait3A = tpu.memref_slice %arg5[%add3A_67] : memref<160000xi32, #tpu.memory_space<hbm>> -> memref<2000xi32, #tpu.memory_space<hbm>>
        %dma_wait3A_77 = tpu.memref_slice %arg5[%add3A_67] : memref<160000xi32, #tpu.memory_space<hbm>> -> memref<2000xi32, #tpu.memory_space<hbm>>
        tpu.wait_dma2 semaphore(%run_scoped3A : memref<!tpu.dma_semaphore, #tpu.memory_space<semaphore_mem>>) src(%dma_wait3A_77 : memref<2000xi32, #tpu.memory_space<hbm>>) dst(%arg12 : memref<2000xi32, #tpu.memory_space<vmem>>)
        tpu.yield
      }) : () -> ()
      %scan3A_68 = arith.constant 0 : i32
      %scan3A_69 = arith.constant 0 : i32
      %scan3A_70 = arith.constant 125 : i32
      %scan3A_71 = arith.addi %scan3A_69, %scan3A_70 : i32
      %scan3A_72 = arith.constant 1 : i32
      %scan3A_73 = scf.for %scan3A_76 = %scan3A_69 to %scan3A_71 step %scan3A_72 iter_args(%scan3A_77 = %scan3A_68) -> (i32)  : i32 {
        %mul3A_78 = arith.constant 16 : i32
        %mul3A_79 = arith.muli %scan3A_76, %mul3A_78 : i32
        %get3A = arith.index_cast %mul3A_79 : i32 to index
        %get3A_80 = tpu.vector_load %arg11[%get3A] {strides = array<i32>} : memref<2000xi32, #tpu.memory_space<vmem>>, vector<16xi32>,
        %mul3A_81 = arith.constant 16 : i32
        %mul3A_82 = arith.muli %scan3A_76, %mul3A_81 : i32
        %get3A_83 = arith.index_cast %mul3A_82 : i32 to index
        %get3A_84 = tpu.vector_load %arg12[%get3A_83] {strides = array<i32>} : memref<2000xi32, #tpu.memory_space<vmem>>, vector<16xi32>,
        %gather3A_85 = tpu.vector_load_idx %arg8[%get3A_80] : memref<10000xf32, #tpu.memory_space<vmem>>[vector<16xi32>], vector<16xf32>,
        %gather3A_86 = tpu.vector_load_idx %arg9[%get3A_84] : memref<10000xf32, #tpu.memory_space<vmem>>[vector<16xi32>], vector<16xf32>,
        %add3A_87 = arith.addf %gather3A_85, %gather3A_86 : vector<16xf32>
        %gt3A = arith.constant 0.000000e+00 : f32
        %gt3A_88 = vector.broadcast %gt3A : f32 to vector<16xf32>
        %gt3A_89 = arith.cmpf ogt, %add3A_87, %gt3A_88 : vector<16xf32>
        %mul3A_90 = arith.constant 2.000000e-01 : f32
        %mul3A_91 = vector.broadcast %mul3A_90 : f32 to vector<16xf32>
        %mul3A_92 = arith.mulf %mul3A_91, %add3A_87 : vector<16xf32>
        %select_n3A_93 = arith.select %gt3A_89, %add3A_87, %mul3A_92 : vector<16xi1>, vector<16xf32>
        %sub3A_94 = arith.subf %select_n3A_93, %gather3A : vector<16xf32>
        %exp3A = math.exp %sub3A_94 : vector<16xf32>
        %mul3A_95 = arith.constant 16 : i32
        %mul3A_96 = arith.muli %scan3A_76, %mul3A_95 : i32
        %swap3A = arith.index_cast %mul3A_96 : i32 to index
        %swap3A_97 = tpu.vector_load %arg13[%swap3A] {strides = array<i32>} : memref<2000xf32, #tpu.memory_space<vmem>>, vector<16xf32>,
        tpu.vector_store %arg13[%swap3A], %exp3A {strides = array<i32>} : memref<2000xf32, #tpu.memory_space<vmem>>, vector<16xf32>,
        %add3A_98 = vector.broadcast %mul3A_47 : i32 to vector<16xi32>
        %add3A_99 = arith.addi %get3A_84, %add3A_98 : vector<16xi32>
        %mul3A_100 = arith.constant 16 : i32
        %mul3A_101 = arith.muli %scan3A_76, %mul3A_100 : i32
        %swap3A_102 = arith.index_cast %mul3A_101 : i32 to index
        %swap3A_103 = tpu.vector_load %arg14[%swap3A_102] {strides = array<i32>} : memref<2000xi32, #tpu.memory_space<vmem>>, vector<16xi32>,
        tpu.vector_store %arg14[%swap3A_102], %add3A_99 {strides = array<i32>} : memref<2000xi32, #tpu.memory_space<vmem>>, vector<16xi32>,
        %scan3A_104 = arith.constant 0 : i32
        scf.yield %scan3A_104 : i32
      }
      %scan3A_74 = arith.constant 125 : i32
      "tpu.region"() ({
        %run_scoped3A = tpu.sem_alloc : memref<!tpu.dma_semaphore, #tpu.memory_space<semaphore_mem>>
        %dma_start3A = arith.constant 0 : i32
        %dma_start3A_76 = tpu.memref_slice %arg16[%dma_start3A] : memref<40000xf32, #tpu.memory_space<vmem_shared>> -> memref<40000xf32, #tpu.memory_space<vmem_shared>>
        tpu.enqueue_indirect_dma source(%arg13 : memref<2000xf32, #tpu.memory_space<vmem>>) target(%dma_start3A_76 : memref<40000xf32, #tpu.memory_space<vmem_shared>>) offsets(%arg14 : memref<2000xi32, #tpu.memory_space<vmem>>) semaphore(%run_scoped3A : memref<!tpu.dma_semaphore, #tpu.memory_space<semaphore_mem>>) {add = true}
        %dma_wait3A = arith.constant 0 : i32
        %dma_wait3A_77 = tpu.memref_slice %arg16[%dma_wait3A] : memref<40000xf32, #tpu.memory_space<vmem_shared>> -> memref<40000xf32, #tpu.memory_space<vmem_shared>>
        tpu.wait_indirect_dma semaphore(%run_scoped3A : memref<!tpu.dma_semaphore, #tpu.memory_space<semaphore_mem>>) src(%arg13 : memref<2000xf32, #tpu.memory_space<vmem>>) dst(%dma_wait3A_77 : memref<40000xf32, #tpu.memory_space<vmem_shared>>)
        tpu.yield
      }) : () -> ()
      %scan3A_75 = arith.constant 0 : i32
      scf.yield %scan3A_75 : i32
    }
    %scan3A_54 = arith.constant 20 : i32
    %barrier3A_55 = arith.constant 0 : index
    tpu.barrier barrier_id(%barrier3A_55)
    "tpu.region"() ({
      %run_scoped3A = tpu.sem_alloc : memref<!tpu.dma_semaphore, #tpu.memory_space<semaphore_mem>>
      %dma_start3A = tpu.memref_slice %arg16[%mul3A_47] : memref<40000xf32, #tpu.memory_space<vmem_shared>> -> memref<10000xf32, #tpu.memory_space<vmem_shared>>
      %dma_start3A_63 = tpu.memref_slice %arg16[%mul3A_47] : memref<40000xf32, #tpu.memory_space<vmem_shared>> -> memref<10000xf32, #tpu.memory_space<vmem_shared>>
      tpu.enqueue_dma source(%dma_start3A_63 : memref<10000xf32, #tpu.memory_space<vmem_shared>>) target(%arg10 : memref<10000xf32, #tpu.memory_space<vmem>>) target_semaphore(%run_scoped3A : memref<!tpu.dma_semaphore, #tpu.memory_space<semaphore_mem>>)
      %dma_wait3A = tpu.memref_slice %arg16[%mul3A_47] : memref<40000xf32, #tpu.memory_space<vmem_shared>> -> memref<10000xf32, #tpu.memory_space<vmem_shared>>
      %dma_wait3A_64 = tpu.memref_slice %arg16[%mul3A_47] : memref<40000xf32, #tpu.memory_space<vmem_shared>> -> memref<10000xf32, #tpu.memory_space<vmem_shared>>
      tpu.wait_dma2 semaphore(%run_scoped3A : memref<!tpu.dma_semaphore, #tpu.memory_space<semaphore_mem>>) src(%dma_wait3A_64 : memref<10000xf32, #tpu.memory_space<vmem_shared>>) dst(%arg10 : memref<10000xf32, #tpu.memory_space<vmem>>)
      tpu.yield
    }) : () -> ()
    %scan3A_56 = arith.constant 0 : i32
    %scan3A_57 = arith.constant 0 : i32
    %scan3A_58 = arith.constant 20 : i32
    %scan3A_59 = arith.addi %scan3A_57, %scan3A_58 : i32
    %scan3A_60 = arith.constant 1 : i32
    %scan3A_61 = scf.for %scan3A_63 = %scan3A_57 to %scan3A_59 step %scan3A_60 iter_args(%scan3A_64 = %scan3A_56) -> (i32)  : i32 {
      %mul3A_65 = arith.constant 2000 : i32
      %mul3A_66 = arith.muli %scan3A_63, %mul3A_65 : i32
      %add3A_67 = arith.addi %mul3A_32, %mul3A_66 : i32
      "tpu.region"() ({
        %run_scoped3A = tpu.sem_alloc : memref<!tpu.dma_semaphore, #tpu.memory_space<semaphore_mem>>
        %dma_start3A = tpu.memref_slice %arg4[%add3A_67] : memref<160000xi32, #tpu.memory_space<hbm>> -> memref<2000xi32, #tpu.memory_space<hbm>>
        %dma_start3A_79 = tpu.memref_slice %arg4[%add3A_67] : memref<160000xi32, #tpu.memory_space<hbm>> -> memref<2000xi32, #tpu.memory_space<hbm>>
        tpu.enqueue_dma source(%dma_start3A_79 : memref<2000xi32, #tpu.memory_space<hbm>>) target(%arg11 : memref<2000xi32, #tpu.memory_space<vmem>>) target_semaphore(%run_scoped3A : memref<!tpu.dma_semaphore, #tpu.memory_space<semaphore_mem>>)
        %dma_wait3A = tpu.memref_slice %arg4[%add3A_67] : memref<160000xi32, #tpu.memory_space<hbm>> -> memref<2000xi32, #tpu.memory_space<hbm>>
        %dma_wait3A_80 = tpu.memref_slice %arg4[%add3A_67] : memref<160000xi32, #tpu.memory_space<hbm>> -> memref<2000xi32, #tpu.memory_space<hbm>>
        tpu.wait_dma2 semaphore(%run_scoped3A : memref<!tpu.dma_semaphore, #tpu.memory_space<semaphore_mem>>) src(%dma_wait3A_80 : memref<2000xi32, #tpu.memory_space<hbm>>) dst(%arg11 : memref<2000xi32, #tpu.memory_space<vmem>>)
        tpu.yield
      }) : () -> ()
      "tpu.region"() ({
        %run_scoped3A = tpu.sem_alloc : memref<!tpu.dma_semaphore, #tpu.memory_space<semaphore_mem>>
        %dma_start3A = tpu.memref_slice %arg5[%add3A_67] : memref<160000xi32, #tpu.memory_space<hbm>> -> memref<2000xi32, #tpu.memory_space<hbm>>
        %dma_start3A_79 = tpu.memref_slice %arg5[%add3A_67] : memref<160000xi32, #tpu.memory_space<hbm>> -> memref<2000xi32, #tpu.memory_space<hbm>>
        tpu.enqueue_dma source(%dma_start3A_79 : memref<2000xi32, #tpu.memory_space<hbm>>) target(%arg12 : memref<2000xi32, #tpu.memory_space<vmem>>) target_semaphore(%run_scoped3A : memref<!tpu.dma_semaphore, #tpu.memory_space<semaphore_mem>>)
        %dma_wait3A = tpu.memref_slice %arg5[%add3A_67] : memref<160000xi32, #tpu.memory_space<hbm>> -> memref<2000xi32, #tpu.memory_space<hbm>>
        %dma_wait3A_80 = tpu.memref_slice %arg5[%add3A_67] : memref<160000xi32, #tpu.memory_space<hbm>> -> memref<2000xi32, #tpu.memory_space<hbm>>
        tpu.wait_dma2 semaphore(%run_scoped3A : memref<!tpu.dma_semaphore, #tpu.memory_space<semaphore_mem>>) src(%dma_wait3A_80 : memref<2000xi32, #tpu.memory_space<hbm>>) dst(%arg12 : memref<2000xi32, #tpu.memory_space<vmem>>)
        tpu.yield
      }) : () -> ()
      %scan3A_68 = arith.constant 0 : i32
      %scan3A_69 = arith.constant 0 : i32
      %scan3A_70 = arith.constant 125 : i32
      %scan3A_71 = arith.addi %scan3A_69, %scan3A_70 : i32
      %scan3A_72 = arith.constant 1 : i32
      %scan3A_73 = scf.for %scan3A_79 = %scan3A_69 to %scan3A_71 step %scan3A_72 iter_args(%scan3A_80 = %scan3A_68) -> (i32)  : i32 {
        %mul3A_81 = arith.constant 16 : i32
        %mul3A_82 = arith.muli %scan3A_79, %mul3A_81 : i32
        %get3A = arith.index_cast %mul3A_82 : i32 to index
        %get3A_83 = tpu.vector_load %arg11[%get3A] {strides = array<i32>} : memref<2000xi32, #tpu.memory_space<vmem>>, vector<16xi32>,
        %mul3A_84 = arith.constant 16 : i32
        %mul3A_85 = arith.muli %scan3A_79, %mul3A_84 : i32
        %get3A_86 = arith.index_cast %mul3A_85 : i32 to index
        %get3A_87 = tpu.vector_load %arg12[%get3A_86] {strides = array<i32>} : memref<2000xi32, #tpu.memory_space<vmem>>, vector<16xi32>,
        %gather3A_88 = tpu.vector_load_idx %arg8[%get3A_83] : memref<10000xf32, #tpu.memory_space<vmem>>[vector<16xi32>], vector<16xf32>,
        %gather3A_89 = tpu.vector_load_idx %arg9[%get3A_87] : memref<10000xf32, #tpu.memory_space<vmem>>[vector<16xi32>], vector<16xf32>,
        %add3A_90 = arith.addf %gather3A_88, %gather3A_89 : vector<16xf32>
        %gt3A = arith.constant 0.000000e+00 : f32
        %gt3A_91 = vector.broadcast %gt3A : f32 to vector<16xf32>
        %gt3A_92 = arith.cmpf ogt, %add3A_90, %gt3A_91 : vector<16xf32>
        %mul3A_93 = arith.constant 2.000000e-01 : f32
        %mul3A_94 = vector.broadcast %mul3A_93 : f32 to vector<16xf32>
        %mul3A_95 = arith.mulf %mul3A_94, %add3A_90 : vector<16xf32>
        %select_n3A_96 = arith.select %gt3A_92, %add3A_90, %mul3A_95 : vector<16xi1>, vector<16xf32>
        %sub3A_97 = arith.subf %select_n3A_96, %gather3A : vector<16xf32>
        %exp3A = math.exp %sub3A_97 : vector<16xf32>
        %gather3A_98 = tpu.vector_load_idx %arg10[%get3A_87] : memref<10000xf32, #tpu.memory_space<vmem>>[vector<16xi32>], vector<16xf32>,
        %add3A_99 = arith.constant 9.99999971E-10 : f32
        %add3A_100 = vector.broadcast %add3A_99 : f32 to vector<16xf32>
        %add3A_101 = arith.addf %gather3A_98, %add3A_100 : vector<16xf32>
        %div3A_102 = arith.divf %exp3A, %add3A_101 : vector<16xf32>
        %mul3A_103 = arith.constant 16 : i32
        %mul3A_104 = arith.muli %scan3A_79, %mul3A_103 : i32
        %swap3A = arith.index_cast %mul3A_104 : i32 to index
        %swap3A_105 = tpu.vector_load %arg13[%swap3A] {strides = array<i32>} : memref<2000xf32, #tpu.memory_space<vmem>>, vector<16xf32>,
        tpu.vector_store %arg13[%swap3A], %div3A_102 {strides = array<i32>} : memref<2000xf32, #tpu.memory_space<vmem>>, vector<16xf32>,
        %scan3A_106 = arith.constant 0 : i32
        scf.yield %scan3A_106 : i32
      }
      %scan3A_74 = arith.constant 125 : i32
      %mul3A_75 = arith.constant 160000 : i32
      %mul3A_76 = arith.muli %add3A, %mul3A_75 : i32
      %add3A_77 = arith.addi %mul3A_76, %add3A_67 : i32
      "tpu.region"() ({
        %run_scoped3A = tpu.sem_alloc : memref<!tpu.dma_semaphore, #tpu.memory_space<semaphore_mem>>
        %dma_start3A = tpu.memref_slice %arg7[%add3A_77] : memref<1280000xf32, #tpu.memory_space<hbm>> -> memref<2000xf32, #tpu.memory_space<hbm>>
        %dma_start3A_79 = tpu.memref_slice %arg7[%add3A_77] : memref<1280000xf32, #tpu.memory_space<hbm>> -> memref<2000xf32, #tpu.memory_space<hbm>>
        tpu.enqueue_dma source(%arg13 : memref<2000xf32, #tpu.memory_space<vmem>>) target(%dma_start3A_79 : memref<2000xf32, #tpu.memory_space<hbm>>) target_semaphore(%run_scoped3A : memref<!tpu.dma_semaphore, #tpu.memory_space<semaphore_mem>>)
        %dma_wait3A = tpu.memref_slice %arg7[%add3A_77] : memref<1280000xf32, #tpu.memory_space<hbm>> -> memref<2000xf32, #tpu.memory_space<hbm>>
        %dma_wait3A_80 = tpu.memref_slice %arg7[%add3A_77] : memref<1280000xf32, #tpu.memory_space<hbm>> -> memref<2000xf32, #tpu.memory_space<hbm>>
        tpu.wait_dma2 semaphore(%run_scoped3A : memref<!tpu.dma_semaphore, #tpu.memory_space<semaphore_mem>>) src(%arg13 : memref<2000xf32, #tpu.memory_space<vmem>>) dst(%dma_wait3A_80 : memref<2000xf32, #tpu.memory_space<hbm>>)
        tpu.yield
      }) : () -> ()
      %scan3A_78 = arith.constant 0 : i32
      scf.yield %scan3A_78 : i32
    }
    %scan3A_62 = arith.constant 20 : i32
    return
  }
}

module attributes {stable_mosaic.version = 14 : i64} {
  func.func @_mm_kernel(%arg0: i32, %arg1: memref<1000x1433xf32, #tpu.memory_space<vmem>>, %arg2: memref<1433x64xf32, #tpu.memory_space<vmem>>, %arg3: memref<1000x64xf32, #tpu.memory_space<vmem>>) attributes {dimension_semantics = [#tpu.dimension_semantics<arbitrary>], iteration_bounds = array<i64: 10>, scalar_prefetch = 0 : i64, scratch_operands = 0 : i64, tpu.core_type = #tpu.core_type<tc>, window_params = [{transform_indices = @transform_0, window_bounds = array<i64: 1000, 1433>}, {pipeline_mode = #tpu.pipeline_mode<synchronous>, transform_indices = @transform_1, window_bounds = array<i64: 1433, 64>}, {transform_indices = @transform_2, window_bounds = array<i64: 1000, 64>}]} {
    %get3A = arith.constant 0 : index
    %get3A_0 = arith.constant 0 : index
    %get3A_1 = vector.load %arg1[%get3A, %get3A_0] : memref<1000x1433xf32, #tpu.memory_space<vmem>>, vector<1000x1433xf32>
    %get3A_2 = arith.constant 0 : index
    %get3A_3 = arith.constant 0 : index
    %get3A_4 = vector.load %arg2[%get3A_2, %get3A_3] : memref<1433x64xf32, #tpu.memory_space<vmem>>, vector<1433x64xf32>
    %dot_general3A = arith.constant dense<0.000000e+00> : vector<1000x64xf32>
    %dot_general3A_5 = tpu.matmul %get3A_1, %get3A_4, %dot_general3A {dimension_numbers = #tpu.dot_dimension_numbers<[1], [0], [0], [1], [0, 0, 1, 1], [], []>, transpose_lhs_hint = false} : vector<1000x1433xf32>, vector<1433x64xf32>, vector<1000x64xf32> -> vector<1000x64xf32>
    %swap3A = arith.constant 0 : index
    %swap3A_6 = arith.constant 0 : index
    %swap3A_7 = vector.load %arg3[%swap3A, %swap3A_6] : memref<1000x64xf32, #tpu.memory_space<vmem>>, vector<1000x64xf32>
    tpu.vector_store %arg3[%swap3A, %swap3A_6], %dot_general3A_5 {strides = array<i32>} : memref<1000x64xf32, #tpu.memory_space<vmem>>, vector<1000x64xf32>,
    return
  }
  func.func @transform_0(%arg0: i32) -> (i32, i32) {
    %c0_i32 = arith.constant 0 : i32
    %c0_i32_0 = arith.constant 0 : i32
    return %arg0, %c0_i32 : i32, i32
  }
  func.func @transform_1(%arg0: i32) -> (i32, i32) {
    %c0_i32 = arith.constant 0 : i32
    %c0_i32_0 = arith.constant 0 : i32
    %c0_i32_1 = arith.constant 0 : i32
    return %c0_i32, %c0_i32_0 : i32, i32
  }
  func.func @transform_2(%arg0: i32) -> (i32, i32) {
    %c0_i32 = arith.constant 0 : i32
    %c0_i32_0 = arith.constant 0 : i32
    return %arg0, %c0_i32 : i32, i32
  }
}

module attributes {stable_mosaic.version = 14 : i64} {
  func.func @_mm_kernel(%arg0: i32, %arg1: memref<1000x512xf32, #tpu.memory_space<vmem>>, %arg2: memref<512x56xf32, #tpu.memory_space<vmem>>, %arg3: memref<1000x56xf32, #tpu.memory_space<vmem>>) attributes {dimension_semantics = [#tpu.dimension_semantics<arbitrary>], iteration_bounds = array<i64: 10>, scalar_prefetch = 0 : i64, scratch_operands = 0 : i64, tpu.core_type = #tpu.core_type<tc>, window_params = [{transform_indices = @transform_0, window_bounds = array<i64: 1000, 512>}, {pipeline_mode = #tpu.pipeline_mode<synchronous>, transform_indices = @transform_1, window_bounds = array<i64: 512, 56>}, {transform_indices = @transform_2, window_bounds = array<i64: 1000, 56>}]} {
    %get3A = arith.constant 0 : index
    %get3A_0 = arith.constant 0 : index
    %get3A_1 = vector.load %arg1[%get3A, %get3A_0] : memref<1000x512xf32, #tpu.memory_space<vmem>>, vector<1000x512xf32>
    %get3A_2 = arith.constant 0 : index
    %get3A_3 = arith.constant 0 : index
    %get3A_4 = vector.load %arg2[%get3A_2, %get3A_3] : memref<512x56xf32, #tpu.memory_space<vmem>>, vector<512x56xf32>
    %dot_general3A = arith.constant dense<0.000000e+00> : vector<1000x56xf32>
    %dot_general3A_5 = tpu.matmul %get3A_1, %get3A_4, %dot_general3A {dimension_numbers = #tpu.dot_dimension_numbers<[1], [0], [0], [1], [0, 0, 1, 1], [], []>, transpose_lhs_hint = false} : vector<1000x512xf32>, vector<512x56xf32>, vector<1000x56xf32> -> vector<1000x56xf32>
    %swap3A = arith.constant 0 : index
    %swap3A_6 = arith.constant 0 : index
    %swap3A_7 = vector.load %arg3[%swap3A, %swap3A_6] : memref<1000x56xf32, #tpu.memory_space<vmem>>, vector<1000x56xf32>
    tpu.vector_store %arg3[%swap3A, %swap3A_6], %dot_general3A_5 {strides = array<i32>} : memref<1000x56xf32, #tpu.memory_space<vmem>>, vector<1000x56xf32>,
    return
  }
  func.func @transform_0(%arg0: i32) -> (i32, i32) {
    %c0_i32 = arith.constant 0 : i32
    %c0_i32_0 = arith.constant 0 : i32
    return %arg0, %c0_i32 : i32, i32
  }
  func.func @transform_1(%arg0: i32) -> (i32, i32) {
    %c0_i32 = arith.constant 0 : i32
    %c0_i32_0 = arith.constant 0 : i32
    %c0_i32_1 = arith.constant 0 : i32
    return %c0_i32, %c0_i32_0 : i32, i32
  }
  func.func @transform_2(%arg0: i32) -> (i32, i32) {
    %c0_i32 = arith.constant 0 : i32
    %c0_i32_0 = arith.constant 0 : i32
    return %arg0, %c0_i32 : i32, i32
  }
}

</mosaic_0001>

<sc_bundles>
// kernel: kernel.5.cloned.1.call-start
scs
__scs_entry_jumppad:
0x0: {  	(pc) =	sbr.rel $0x88, $3  }
0x1: {  	(tag) =	ssettag $0x0;
	lr =	simm.s32 $0x1  }
0x2: {  	[smem:$0x3F99] =	sst lr;
	_ =	strace $0xD0000000  }
0x3: {  	_ = 	snop  }
0x4: {  	_ = 	snop  }
0x5: {  	_ = 	snop  }
0x6: {  	_ = 	snop  }
0x7: {  	_ = 	snop  }
__scs_overlays_trampoline_lowered:
0x8: {  	[smem:$0x3FA8] =	sst s0  }
0x9: {  	[smem:$0x3FA9] =	sst s1  }
0xa: {  	[smem:$0x3FAA] =	sst s2  }
0xb: {  	[smem:$0x3FAB] =	sst s3  }
0xc: {  	[smem:$0x3FAC] =	sst s4  }
0xd: {  	[smem:$0x3FAD] =	sst s5  }
0xe: {  	[smem:$0x3FAE] =	sst s6  }
0xf: {  	[smem:$0x3FAF] =	sst s7  }
0x10: {  	[smem:$0x3FB0] =	sst s8  }
0x11: {  	[smem:$0x3FB1] =	sst s9;
	s0 =	simm.s32 @!p0 $0x0  }
0x12: {  	s1 =	sld [smem:$0x3F97];
	s0 =	simm.s32 @p0 $0x1  }
0x13: {  	[smem:$0x3FB2] =	sst s0;
	s0 =	simm.s32 @!p1 $0x0  }
0x14: {  	s2 =	sld [smem:$0x3F96];
	s0 =	simm.s32 @p1 $0x1  }
0x15: {  	[smem:$0x3FB3] =	sst s0;
	s0 =	simm.s32 @!p2 $0x0  }
0x16: {  	s3 =	sld [smem:$0x3FDB];
	s0 =	simm.s32 @p2 $0x1  }
0x17: {  	s4 =	simm.s32 $0x1BF5;
	[smem:$0x3FB5] =	sst s0  }
0x18: {  	s0 =	sld [smem:$0x3F98];
	_ =	swait.ge [sflag:s4], $0x0  }
0x19: {  	s7 =	sld [smem:$0x3F99]  }
0x1a: {  	s8 =	sadd.s32 $0xFFFFE003, lr  }
0x1b: {  	s9 =	sadd.s32 $0xFFFFFEF7, lr;
	s5 =	simm.s32 $0xFFFFFFFF;
	p2 =	slt.u32 s8, $0xFFFFF086  }
0x1c: {  	p1 =	slt.u32 s9, $0xF7A;
	s5 =	simm.s32 @!p2 $0x0  }
0x1d: {  	s5 =	simm.s32 @p1 $0x1;
	p0 =	seq.s32 s7, s2  }
0x1e: {  	s7 =	smul.u32 @!p0 $0xF7A, s2;
	p2 =	seq.s32 @!p0 s5, $0x0  }
0x1f: {  	s9 =	smul.u32 $0xF7A, s1;
	s8 =	simm.s32 @!p0 $0x1BF5;
	p2 =	por !p2, p0  }
0x20: {  	[sflag:s8] =	ssyncset.s32 @!p0 $0xFFFFF086;
	s6 =	sadd.s32 @!p0 s3, s7;
	s7 =	simm.s32 @!p0 $0x108  }
0x21: {  	s3 =	sadd.s32 s3, s9;
	s6 =	sadd.s32 @!p0 $0x88, s6;
	s7 =	simm.s32 @p2 $0x1082  }
0x22: {  	[simem:s7], [sflag:s8] =	dma.local @!p0 [hbm:s6], $0xF7A  }
0x23: {  	s9 =	sor.u32 $0xD0000000, s2;
	s6 =	simm.s32 $0x108;
	_ =	swait.ge @!p0 [sflag:s8], $0x0  }
0x24: {  	s3 =	sadd.s32 $0x88, s3;
	s6 =	simm.s32 @!p1 $0x1082;
	[sflag:s4] =	ssyncset.s32 $0xFFFFF086  }
0x25: {  	[simem:s6], [sflag:s4] =	dma.local [hbm:s3], $0xF7A  }
0x26: {  	[smem:$0x3F99] =	sst s1;
	(tag) =	ssettag s2;
	_ =	strace s9  }
0x27: {  	s1 =	sld [smem:$0x3FA9]  }
0x28: {  	s2 =	sld [smem:$0x3FAA]  }
0x29: {  	s4 =	sld [smem:$0x3FAC]  }
0x2a: {  	p0 =	seq.s32 s5, $0x0;
	s5 =	sld [smem:$0x3FAD]  }
0x2b: {  	s6 =	sld [smem:$0x3FAE]  }
0x2c: {  	s7 =	sld [smem:$0x3FAF]  }
0x2d: {  	s3 =	simm.s32 $0x108;
	s8 =	sld [smem:$0x3FB0]  }
0x2e: {  	s3 =	simm.s32 @!p0 $0x1082;
	s9 =	sld [smem:$0x3FB1]  }
0x2f: {  	lr =	sadd.s32 s0, s3;
	s0 =	sld [smem:$0x3FA8]  }
0x30: {  	s3 =	sld [smem:$0x3FAB]  }
0x31: {  	[smem:$0x3FB4] =	sst s10  }
0x32: {  	s10 =	sld [smem:$0x3FB2];
	_ =	sdelay $0x3  }
0x33: {  	p0 =	seq.s32 s10, $0x1;
	s10 =	sld [smem:$0x3FB4];
	_ =	sdelay $0x3  }
0x34: {  	[smem:$0x3FB4] =	sst s10  }
0x35: {  	s10 =	sld [smem:$0x3FB3];
	_ =	sdelay $0x3  }
0x36: {  	p1 =	seq.s32 s10, $0x1;
	s10 =	sld [smem:$0x3FB4];
	_ =	sdelay $0x3  }
0x37: {  	[smem:$0x3FB4] =	sst s10  }
0x38: {  	s10 =	sld [smem:$0x3FB5]  }
0x39: {  	_ = 	snop;
	(pc) =	sbr.ind lr, $3  }
0x3a: {  	_ = 	snop  }
0x3b: {  	_ = 	snop  }
0x3c: {  	p2 =	seq.s32 s10, $0x1;
	s10 =	sld [smem:$0x3FB4]  }
0x3d: {  	_ =	shalt  }
0x3e: {  	_ =	shalt  }
0x3f: {  	_ =	shalt  }
0x40: {  	_ =	shalt  }
0x41: {  	_ =	shalt  }
0x42: {  	_ =	shalt  }
0x43: {  	_ =	shalt  }
0x44: {  	_ =	shalt  }
0x45: {  	_ =	shalt  }
0x46: {  	_ =	shalt  }
0x47: {  	_ =	shalt  }
0x48: {  	_ =	shalt  }
0x49: {  	_ =	shalt  }
0x4a: {  	_ =	shalt  }
0x4b: {  	_ =	shalt  }
0x4c: {  	_ =	shalt  }
0x4d: {  	_ =	shalt  }
0x4e: {  	_ =	shalt  }
0x4f: {  	_ =	shalt  }
0x50: {  	_ =	shalt  }
0x51: {  	_ =	shalt  }
0x52: {  	_ =	shalt  }
0x53: {  	_ =	shalt  }
0x54: {  	_ =	shalt  }
0x55: {  	_ =	shalt  }
0x56: {  	_ =	shalt  }
0x57: {  	_ =	shalt  }
0x58: {  	_ =	shalt  }
0x59: {  	_ =	shalt  }
0x5a: {  	_ =	shalt  }
0x5b: {  	_ =	shalt  }
0x5c: {  	_ =	shalt  }
0x5d: {  	_ =	shalt  }
0x5e: {  	_ =	shalt  }
0x5f: {  	_ =	shalt  }
0x60: {  	_ =	shalt  }
0x61: {  	_ =	shalt  }
0x62: {  	_ =	shalt  }
0x63: {  	_ =	shalt  }
0x64: {  	_ =	shalt  }
0x65: {  	_ =	shalt  }
0x66: {  	_ =	shalt  }
0x67: {  	_ =	shalt  }
0x68: {  	_ =	shalt  }
0x69: {  	_ =	shalt  }
0x6a: {  	_ =	shalt  }
0x6b: {  	_ =	shalt  }
0x6c: {  	_ =	shalt  }
0x6d: {  	_ =	shalt  }
0x6e: {  	_ =	shalt  }
0x6f: {  	_ =	shalt  }
0x70: {  	_ =	shalt  }
0x71: {  	_ =	shalt  }
0x72: {  	_ =	shalt  }
0x73: {  	_ =	shalt  }
0x74: {  	_ =	shalt  }
0x75: {  	_ =	shalt  }
0x76: {  	_ =	shalt  }
0x77: {  	_ =	shalt  }
0x78: {  	_ =	shalt  }
0x79: {  	_ =	shalt  }
0x7a: {  	_ =	shalt  }
0x7b: {  	_ =	shalt  }
0x7c: {  	_ =	shalt  }
0x7d: {  	_ =	shalt  }
0x7e: {  	_ =	shalt  }
0x7f: {  	_ =	shalt  }
0x80: {  	_ =	shalt  }
0x81: {  	_ =	shalt  }
0x82: {  	_ =	shalt  }
0x83: {  	_ =	shalt  }
0x84: {  	_ =	shalt  }
0x85: {  	_ =	shalt  }
0x86: {  	_ =	shalt  }
0x87: {  	_ =	shalt  }
.Lfunc_end0:
.L_simem_size_0:
called_computation.6_lowered:
.L_overlay_start_0:
0x88: {  	s2 =	sld [smem:$0x3FD9]  }
0x89: {  	s3 =	sld [smem:$0x3FFE];
	_ =	sdelay $0x1  }
0x8a: {  	s1 =	srdreg.scid  }
0x8b: {  	s0 =	sand.u32 $0x1, s1  }
0x8c: {  	s17 =	sshll.u32 s0, $0xA;
	s2 =	sadd.s32 s3, s2  }
0x8d: {  	s2 =	sadd.s32 s2, s17  }
0x8e: {  	[smem:$0x3FC0] =	sst s2  }
0x8f: {  	_ = 	snop  }
0x90: {  	s2 =	sld [smem:$0x3FD0];
	(tm) =	ssettm $0x1  }
0x91: {  	s18 =	sld [smem:$0x3FFB];
	_ =	sdelay $0x3  }
0x92: {  	_ =	strace s18  }
0x93: {  	s3 =	sld [smem:$0x3FFC];
	_ =	sdelay $0x3  }
0x94: {  	_ =	strace s3  }
0x95: {  	s3 =	sld [smem:$0x3FFD];
	_ =	sdelay $0x3  }
0x96: {  	_ =	strace s3  }
0x97: {  	_ =	strace $0x8FFFFFFF  }
0x98: {  	s19 =	sld [smem:$0x3FDB];
	_ =	sdelay $0x1  }
0x99: {  	s4 =	simm.s32 $_scs_section_size  }
0x9a: {  	s5 =	simm.s32 $_size__tile_overlayer_lowered;
	s6 =	simm.s32 $_tile_overlayer_lowered  }
0x9b: {  	s22 =	simm.s32 $0x1BFF;
	s21 =	sshll.u32 s6, $0x1;
	s3 =	sadd.s32 s4, s19  }
0x9c: {  	s7 =	simm.s32 $0x0;
	s20 =	sshll.u32 s5, $0x1;
	s5 =	sadd.s32 s21, s3  }
0x9d: {  	[timem:s7], [sflag:s22] =	dma.local [hbm:s5], s20  }
0x9e: {  	_ =	swait.ge [sflag:s22], s20  }
0x9f: {  	s4 =	ssub.s32 $0x0, s20;
	[sflag:s22] =	ssyncset.done $0x0  }
0xa0: {  	[sflag:s22] =	ssyncadd.s32 s4;
	_ =	sdelay $0x1  }
0xa1: {  	s23 =	simm.s32 $0x1B8B  }
0xa2: {  	_ =	swait.ge [sflag:s23], $0x1  }
0xa3: {  	[sflag:s23] =	ssyncset.done $0x0  }
0xa4: {  	s25 =	simm.s32 $0x1B8E;
	s24 =	sld [smem:$0x3FFE];
	[sflag:s23] =	ssyncadd.s32 $0xFFFFFFFF  }
0xa5: {  	s26 =	simm.s32 $execute0_lowered;
	[smem:$0x3FD2] =	sst s25  }
0xa6: {  	s5 =	sshll.u32 s26, $0x1;
	_ =	strace $0x80000046;
	[dreg:$0x1] =	wrdreg $0xFFFFFFFF  }
0xa7: {  	s28 =	simm.s32 $_size_execute0_lowered;
	s3 =	sadd.s32 s3, s5;
	[dreg:$0x0] =	wrdreg $0x0  }
0xa8: {  	s5 =	sshll.u32 s28, $0x1;
	[dreg:$0x2] =	wrdreg s3  }
0xa9: {  	[dreg:$0x3] =	wrdreg s5  }
0xaa: {  	[dreg:$0x4] =	wrdreg $0xC0  }
0xab: {  	_ =	task [dreg:s7], $0x5FFFF  }
0xac: {  	[dreg:$0x1] =	wrdreg $0xFFFFFFFF  }
0xad: {  	[dreg:$0x0] =	wrdreg $0x60  }
0xae: {  	[dreg:$0x2] =	wrdreg s2  }
0xaf: {  	[dreg:$0x3] =	wrdreg s24  }
0xb0: {  	[dreg:$0x4] =	wrdreg $0x97000  }
0xb1: {  	[dreg:$0x5] =	wrdreg $0x9  }
0xb2: {  	_ =	task.clear_ibuf [dreg:s7], $0x6FFFF;
	_ =	strace $0x90000046  }
0xb3: {  	s29 =	simm.s32 $0x9;
	_ =	strace $0x80000048  }
0xb4: {  	_ =	swait.ge [sflag:s29], $0x1  }
0xb5: {  	[sflag:s29] =	ssyncadd.s32 $0xFFFFFFFF  }
0xb6: {  	_ =	strace $0x90000048  }
0xb7: {  	_ =	sfence  }
0xb8: {  	s30 =	sld [smem:$0x0];
	_ =	sdelay $0x2  }
0xb9: {  	s31 =	sshll.u32 s1, $0xD;
	s1 =	sshrl.u32 s1, $0x2  }
0xba: {  	s3 =	sand.u32 $0x4000, s31;
	s1 =	sadd.s32 s1, s30  }
0xbb: {  	s0 =	sor.u32 s3, s0;
	s1 =	sshll.u32 s1, $0x11  }
0xbc: {  	s0 =	sor.u32 s1, s0  }
0xbd: {  	s0 =	sadd.s32 $0x8F2B, s0  }
0xbe: {  	[sflag:s0] =	ssyncadd.remote.s32 $0x1  }
0xbf: {  	_ =	sfence.sel $0xFFFF  }
0xc0: {  	[dreg:$0x0] =	wrdreg $0xFFFFFFFF;
	(pc) =	sbr.abs _section_cstart, $3  }
0xc1: {  	[dreg:$0x1] =	wrdreg $0xFFFFFFFF  }
0xc2: {  	_ =	task.clear_ibuf [dreg:s7], $0x2FFFF;
	_ =	strace $0x9FFFFFFF  }
0xc3: {  	(tm) =	ssettm $0x7FFFFFFF  }
tec
execute0_lowered:
.L_overlay_start_1:
0x0: {  	(tag) =	ssettag $0x1  }
0x1: {  	s10 =	rddreg [dreg:$0x0]  }
0x2: {  	s1 =	srdreg.scid;
	s7 =	rddreg [dreg:$0x1]  }
0x3: {  	s0 =	stileid.u32;
	s2 =	rddreg [dreg:$0x2]  }
0x4: {  	s3 =	simm.s32 $0x0;
	s16 =	simm.s32 $0x2780;
	s17 =	simm.s32 $0x9680  }
0x5: {  	s18 =	simm.s32 $0x7680;
	s19 =	simm.s32 $0x7E80;
	s20 =	simm.s32 $0x7D0  }
0x6: {  	s21 =	simm.s32 $0x8E80;
	s5 =	sand.u32 $0x1, s1;
	s1 =	rddreg [dreg:$0x3]  }
0x7: {  	s24 =	simm.s32 $0x0;
	s8 =	sshrl.u32 s0, $0x2;
	[smem:$0x7FF] =	sst s3  }
0x8: {  	s14 =	smul.u32 $0x3E80, s0;
	s6 =	sadd.s32 $0x11600, s7;
	s30 =	sand.u32 $0x3, s0  }
0x9: {  	p0 =	sgt.u32 s0, $0x9;
	s4 =	sshll.u32 s5, $0x2;
	_ =	strace $0x80000047  }
0xa: {  	s9 =	ssub.s32 $0x2, s5;
	s5 =	sadd.s32 $0xC600, s7;
	s23 =	smul.u32 $0x2710, s8  }
0xb: {  	s22 =	sor.u32 s8, s4;
	s4 =	sadd.s32 $0x7600, s7;
	s8 =	smul.u32 $0x9C40, s30  }
0xc: {  	s13 =	sshrl.u32 s9, $0x1;
	s31 =	sshrl.u32 s14, $0x2;
	s11 =	smul.u32 $0x4E2, s22  }
0xd: {  	s15 =	ssub.s32 s9, s13;
	s9 =	sadd.s32 s31, s2;
	s13 =	smul.u32 $0x27100, s22  }
0xe: {  	v0 =	vmov s22;
	s22 =	simm.s32 $0x8680;
	s14 =	smax.u32 s15, $0x1;
	s15 =	simm.s32 $0x1  }
0xf: {  	s12 =	sadd.s32 s11, s7;
	s7 =	sadd.s32 $0x11800, s7;
	s10 =	sadd.s32 s10, s11  }
0x10: {  	v2 =	vimm.f32 $0.0e+00;
	v1 =	vmov s23;
	s11 =	sadd.s32 $0x4E00, s12;
	s12 =	sadd.s32 s23, s2;
	s23 =	simm.s32 $0x4F00  }
.LBB2_1:
0x11: {  	s25 =	simm.s32 $0x40;
	s26 =	simm.s32 $0x0  }
.LBB2_2:
0x12: {  	p1 =	sne.s32 s25, $0x3E40;
	[tilespmem:s26+$0x4F00] =	vst v2;
	s26 =	smov.u32 s25;
	s25 =	sadd.s32 $0x40, s25  }
.Ltmp0:
0x13: {  	(pc) =	sbr.rel @p1 .LBB2_2-.Ltmp0, $2  }
0x14: {  	_ =	sdelay $0x2  }
0x15: {  	s26 =	sshra.s32 s26, $0x2  }
0x16: {  	[tilespmem:s26+$0x4F00] =	vst v2;
	s25 =	simm.s32 @!p0 $0x4F00  }
0x17: {  	[spmem:s9] =	stream.linear.scatter @!p0 [tilespmem:s25], [sflag:$0x1], $0xFA0, $0x38;
	[tilespmem:$0xA0C8] =	vst v63  }
0x18: {  	s25 =	simm.s32 @!p0 $0x1  }
0x19: {  	_ =	swait.ge @!p0 [sflag:s25], $0xFA0  }
0x1a: {  	[sflag:s25] =	ssyncset.done @!p0 $0x0  }
0x1b: {  	[sflag:s25] =	ssyncadd.s32 @!p0 $0xFFFFF060  }
0x1c: {  	s25 =	simm.s32 $0x0;
	[bflag:$0x0] =	sbarrier.arrive $0xFFFF  }
0x1d: {  	[tilespmem:s25], [sflag:$0x1] =	stream.linear.gather [hbm4b:s10+s25], $0x2710, $0x38;
	[tilespmem:$0xA0C8] =	vst v63  }
0x1e: {  	_ =	swait.ge [sflag:s15], $0x2710  }
0x1f: {  	[sflag:s15] =	ssyncset.done $0x0  }
0x20: {  	[sflag:s15] =	ssyncadd.s32 $0xFFFFD8F0  }
0x21: {  	[tilespmem:s16], [sflag:$0x1] =	stream.linear.gather [hbm4b:s11+s25], $0x2710, $0x38;
	[tilespmem:$0xA0C8] =	vst v63  }
0x22: {  	_ =	swait.ge [sflag:s15], $0x2710  }
0x23: {  	[sflag:s15] =	ssyncset.done $0x0  }
0x24: {  	[sflag:s15] =	ssyncadd.s32 $0xFFFFD8F0  }
0x25: {  	[tilespmem:s17], [sflag:$0x1] =	stream.linear.gather [hbm4b:s6+s25], $0x80, $0x38;
	[tilespmem:$0xA0C8] =	vst v63  }
0x26: {  	_ =	swait.ge [sflag:s15], $0x80  }
0x27: {  	[sflag:s15] =	ssyncset.done $0x0  }
0x28: {  	[sflag:s15] =	ssyncadd.s32 $0xFFFFFF80  }
0x29: {  	s26 =	simm.s32 $0x0;
	v3 =	vld.idx.msk [tilespmem:v0+s17+$0x0], $0xffff  }
.LBB2_4:
0x2a: {  	s28 =	smul.u32 $0x7D0, s26;
	_ =	sdelay $0x1  }
0x2b: {  	s28 =	sadd.s32 s8, s28  }
0x2c: {  	s28 =	sshrl.u32 s28, $0x3  }
0x2d: {  	s29 =	sadd.s32 s4, s28  }
0x2e: {  	[tilespmem:s18], [sflag:$0x1] =	stream.linear.gather [hbm4b:s29+s25], $0x7D0, $0x38;
	[tilespmem:$0xA0C8] =	vst v63  }
0x2f: {  	_ =	swait.ge [sflag:s15], $0x7D0  }
0x30: {  	[sflag:s15] =	ssyncset.done $0x0  }
0x31: {  	s28 =	sadd.s32 s5, s28;
	[sflag:s15] =	ssyncadd.s32 $0xFFFFF830  }
0x32: {  	[tilespmem:s19], [sflag:$0x1] =	stream.linear.gather [hbm4b:s28+s25], $0x7D0, $0x38;
	[tilespmem:$0xA0C8] =	vst v63  }
0x33: {  	_ =	swait.ge [sflag:s15], $0x7D0  }
0x34: {  	[sflag:s15] =	ssyncset.done $0x0  }
0x35: {  	s28 =	simm.s32 $0x0;
	[sflag:s15] =	ssyncadd.s32 $0xFFFFF830  }
0x36: {  	v4 =	vld [tilespmem:s28+$0x7680]  }
0x37: {  	v5 =	vld [tilespmem:s28+$0x7E80];
	_ =	sdelay $0x6  }
0x38: {  	v4 =	vld.idx.msk [tilespmem:v4+s3+$0x0], $0xffff  }
0x39: {  	v6 =	vld.idx.msk [tilespmem:v5+s16+$0x0], $0xffff;
	_ =	sdelay $0x4  }
0x3a: {  	v4 =	vadd.f32 v6, v4;
	_ =	sdelay $0x1  }
0x3b: {  	v6 =	vmul.f32 $2.000000030e-01, v4  }
0x3c: {  	vm0 =	vgt.f32 v4, $0.0e+00  }
0x3d: {  	v4 =	vsel vm0, v4, v6  }
0x3e: {  	v4 =	vsub.f32 v4, v3;
	_ =	sdelay $0x1  }
0x3f: {  	v4 =	vmul.f32 $1.442695020e+00, v4;
	_ =	sdelay $0x1  }
0x40: {  	(erf) = vpow2.f32 v4  }
0x41: {  	v5 =	vadd.s32 v1, v5  }
0x42: {  	s30 =	simm.s32 $0x10;
	[tilespmem:s28+$0x8E80] =	vst v5  }
0x43: {  	s29 =	simm.s32 $0x80;
	v4 =	vld [tilespmem:s30+$0x7680]  }
.LBB2_5:
0x44: {  	p1 =	sne.s32 s29, $0x1F00;
	v5 =	vld [tilespmem:s30+$0x7E80];
	_ =	sdelay $0x4  }
0x45: {  	v6 =	vpop (erf)  }
0x46: {  	[tilespmem:s28+$0x8680] =	vst v6;
	s28 =	smov.u32 s30  }
0x47: {  	v6 =	vadd.s32 v1, v5;
	v4 =	vld.idx.msk [tilespmem:v4+s3+$0x0], $0xffff  }
0x48: {  	v5 =	vld.idx.msk [tilespmem:v5+s16+$0x0], $0xffff;
	[tilespmem:s28+$0x8E80] =	vst v6;
	_ =	sdelay $0x5  }
0x49: {  	v4 =	vadd.f32 v5, v4;
	_ =	sdelay $0x1  }
0x4a: {  	v5 =	vmul.f32 $2.000000030e-01, v4  }
0x4b: {  	vm0 =	vgt.f32 v4, $0.0e+00  }
0x4c: {  	v4 =	vsel vm0, v4, v5  }
0x4d: {  	v4 =	vsub.f32 v4, v3;
	_ =	sdelay $0x1  }
0x4e: {  	v4 =	vmul.f32 $1.442695020e+00, v4  }
.Ltmp1:
0x4f: {  	(pc) =	sbr.rel @p1 .LBB2_5-.Ltmp1, $3  }
0x50: {  	(erf) = vpow2.f32 v4;
	_ =	sdelay $0x1  }
0x51: {  	s30 =	sshra.s32 s29, $0x2  }
0x52: {  	s29 =	sadd.s32 $0x40, s29;
	v4 =	vld [tilespmem:s30+$0x7680]  }
0x53: {  	_ = 	snop  }
0x54: {  	v5 =	vld [tilespmem:s30+$0x7E80];
	_ =	sdelay $0x4  }
0x55: {  	v6 =	vpop (erf)  }
0x56: {  	[tilespmem:s28+$0x8680] =	vst v6  }
0x57: {  	v4 =	vld.idx.msk [tilespmem:v4+s3+$0x0], $0xffff  }
0x58: {  	v6 =	vld.idx.msk [tilespmem:v5+s16+$0x0], $0xffff;
	_ =	sdelay $0x4  }
0x59: {  	v4 =	vadd.f32 v6, v4;
	_ =	sdelay $0x1  }
0x5a: {  	v6 =	vmul.f32 $2.000000030e-01, v4  }
0x5b: {  	vm0 =	vgt.f32 v4, $0.0e+00  }
0x5c: {  	v4 =	vsel vm0, v4, v6  }
0x5d: {  	v4 =	vsub.f32 v4, v3;
	_ =	sdelay $0x1  }
0x5e: {  	v4 =	vmul.f32 $1.442695020e+00, v4;
	_ =	sdelay $0x1  }
0x5f: {  	(erf) = vpow2.f32 v4;
	_ =	sdelay $0x5  }
0x60: {  	v4 =	vadd.s32 v1, v5;
	_ =	sdelay $0x1  }
0x61: {  	s26 =	sadd.s32 $0x1, s26  }
0x62: {  	p1 =	sne.s32 s26, $0x14;
	[tilespmem:s30+$0x8E80] =	vst v4;
	v4 =	vpop (erf)  }
.Ltmp2:
0x63: {  	[tilespmem:s30+$0x8680] =	vst v4;
	(pc) =	sbr.rel @p1 .LBB2_4-.Ltmp2, $4  }
0x64: {  	[spmem:s2] =	stream.indirect.scatter.add.f32 [tilespmem:s22], [sflag:$0x1], $0x1, s21, s20, $0xb8;
	[tilespmem:$0xA0C8] =	vst v63  }
0x65: {  	_ =	swait.ge [sflag:s15], $0x7D0  }
0x66: {  	[sflag:s15] =	ssyncset.done $0x0  }
0x67: {  	[sflag:s15] =	ssyncadd.s32 $0xFFFFF830  }
0x68: {  	[bflag:$0x0] =	sbarrier.arrive $0xFFFF  }
0x69: {  	[tilespmem:s23], [sflag:$0x1] =	stream.linear.gather [spmem:s12], $0x2710, $0x38;
	[tilespmem:$0xA0C8] =	vst v63  }
0x6a: {  	_ =	swait.ge [sflag:s15], $0x2710  }
0x6b: {  	[sflag:s15] =	ssyncset.done $0x0  }
0x6c: {  	s25 =	simm.s32 $0x0;
	s26 =	simm.s32 $0x0;
	[sflag:s15] =	ssyncadd.s32 $0xFFFFD8F0  }
.LBB2_8:
0x6d: {  	s28 =	smul.u32 $0x7D0, s26;
	_ =	sdelay $0x1  }
0x6e: {  	s28 =	sadd.s32 s8, s28  }
0x6f: {  	s29 =	sshrl.u32 s28, $0x3  }
0x70: {  	s30 =	sadd.s32 s4, s29  }
0x71: {  	[tilespmem:s18], [sflag:$0x1] =	stream.linear.gather [hbm4b:s30+s25], $0x7D0, $0x38;
	[tilespmem:$0xA0C8] =	vst v63  }
0x72: {  	_ =	swait.ge [sflag:s15], $0x7D0  }
0x73: {  	[sflag:s15] =	ssyncset.done $0x0  }
0x74: {  	s29 =	sadd.s32 s5, s29;
	[sflag:s15] =	ssyncadd.s32 $0xFFFFF830  }
0x75: {  	[tilespmem:s19], [sflag:$0x1] =	stream.linear.gather [hbm4b:s29+s25], $0x7D0, $0x38;
	[tilespmem:$0xA0C8] =	vst v63  }
0x76: {  	_ =	swait.ge [sflag:s15], $0x7D0  }
0x77: {  	[sflag:s15] =	ssyncset.done $0x0  }
0x78: {  	s29 =	simm.s32 $0x0;
	[sflag:s15] =	ssyncadd.s32 $0xFFFFF830  }
0x79: {  	v4 =	vld [tilespmem:s29+$0x7E80]  }
0x7a: {  	v5 =	vld [tilespmem:s29+$0x7680];
	_ =	sdelay $0x6  }
0x7b: {  	v6 =	vld.idx.msk [tilespmem:v4+s16+$0x0], $0xffff  }
0x7c: {  	v5 =	vld.idx.msk [tilespmem:v5+s3+$0x0], $0xffff;
	_ =	sdelay $0x4  }
0x7d: {  	v5 =	vadd.f32 v6, v5  }
0x7e: {  	v4 =	vld.idx.msk [tilespmem:v4+s23+$0x0], $0xffff  }
0x7f: {  	v6 =	vmul.f32 $2.000000030e-01, v5  }
0x80: {  	vm0 =	vgt.f32 v5, $0.0e+00  }
0x81: {  	v5 =	vsel vm0, v5, v6  }
0x82: {  	v5 =	vsub.f32 v5, v3  }
0x83: {  	v4 =	vadd.f32 $9.999999710e-10, v4  }
0x84: {  	v5 =	vmul.f32 $1.442695020e+00, v5  }
0x85: {  	(erf) = vrcp.f32 v4  }
0x86: {  	(erf) = vpow2.f32 v5;
	_ =	sdelay $0x3  }
0x87: {  	s31 =	simm.s32 $0x10  }
0x88: {  	s30 =	simm.s32 $0x80;
	v4 =	vld [tilespmem:s31+$0x7E80]  }
.LBB2_9:
0x89: {  	p1 =	sne.s32 s30, $0x1F00;
	v5 =	vld [tilespmem:s31+$0x7680];
	_ =	sdelay $0x1  }
0x8a: {  	v6 =	vpop (erf)  }
0x8b: {  	v7 =	vpop (erf)  }
0x8c: {  	v6 =	vmul.f32 v7, v6;
	_ =	sdelay $0x1  }
0x8d: {  	[tilespmem:s29+$0x8680] =	vst v6;
	s29 =	smov.u32 s31  }
0x8e: {  	v6 =	vld.idx.msk [tilespmem:v4+s16+$0x0], $0xffff  }
0x8f: {  	v5 =	vld.idx.msk [tilespmem:v5+s3+$0x0], $0xffff;
	_ =	sdelay $0x5  }
0x90: {  	v5 =	vadd.f32 v6, v5;
	v4 =	vld.idx.msk [tilespmem:v4+s23+$0x0], $0xffff;
	_ =	sdelay $0x1  }
0x91: {  	v6 =	vmul.f32 $2.000000030e-01, v5  }
0x92: {  	vm0 =	vgt.f32 v5, $0.0e+00  }
0x93: {  	v5 =	vsel vm0, v5, v6  }
0x94: {  	v5 =	vsub.f32 v5, v3  }
0x95: {  	v4 =	vadd.f32 $9.999999710e-10, v4  }
0x96: {  	v5 =	vmul.f32 $1.442695020e+00, v5  }
0x97: {  	(erf) = vrcp.f32 v4  }
0x98: {  	(erf) = vpow2.f32 v5  }
.Ltmp3:
0x99: {  	(pc) =	sbr.rel @p1 .LBB2_9-.Ltmp3, $3  }
0x9a: {  	_ =	sdelay $0x1  }
0x9b: {  	s31 =	sshra.s32 s30, $0x2  }
0x9c: {  	s30 =	sadd.s32 $0x40, s30;
	v4 =	vld [tilespmem:s31+$0x7E80]  }
0x9d: {  	_ = 	snop  }
0x9e: {  	v5 =	vld [tilespmem:s31+$0x7680];
	_ =	sdelay $0x1  }
0x9f: {  	v6 =	vpop (erf)  }
0xa0: {  	v7 =	vpop (erf)  }
0xa1: {  	v6 =	vmul.f32 v7, v6;
	_ =	sdelay $0x1  }
0xa2: {  	[tilespmem:s29+$0x8680] =	vst v6  }
0xa3: {  	v6 =	vld.idx.msk [tilespmem:v4+s16+$0x0], $0xffff  }
0xa4: {  	v5 =	vld.idx.msk [tilespmem:v5+s3+$0x0], $0xffff;
	_ =	sdelay $0x4  }
0xa5: {  	v5 =	vadd.f32 v6, v5  }
0xa6: {  	v4 =	vld.idx.msk [tilespmem:v4+s23+$0x0], $0xffff  }
0xa7: {  	v6 =	vmul.f32 $2.000000030e-01, v5  }
0xa8: {  	vm0 =	vgt.f32 v5, $0.0e+00  }
0xa9: {  	v5 =	vsel vm0, v5, v6  }
0xaa: {  	v5 =	vsub.f32 v5, v3  }
0xab: {  	v4 =	vadd.f32 $9.999999710e-10, v4  }
0xac: {  	v5 =	vmul.f32 $1.442695020e+00, v5  }
0xad: {  	(erf) = vrcp.f32 v4  }
0xae: {  	(erf) = vpow2.f32 v5;
	_ =	sdelay $0x7  }
0xaf: {  	v4 =	vpop (erf)  }
0xb0: {  	v5 =	vpop (erf)  }
0xb1: {  	s28 =	sadd.s32 s13, s28;
	s26 =	sadd.s32 $0x1, s26;
	v4 =	vmul.f32 v5, v4  }
0xb2: {  	s28 =	sshrl.u32 s28, $0x3;
	p1 =	sne.s32 s26, $0x14  }
.Ltmp4:
0xb3: {  	s28 =	sadd.s32 s7, s28;
	[tilespmem:s31+$0x8680] =	vst v4;
	(pc) =	sbr.rel @p1 .LBB2_8-.Ltmp4, $4  }
0xb4: {  	[hbm4b:s28+s3] =	stream.linear.scatter [tilespmem:s22], [sflag:$0x1], $0x7D0, $0x38;
	[tilespmem:$0xA0C8] =	vst v63  }
0xb5: {  	_ =	swait.ge [sflag:s15], $0x7D0  }
0xb6: {  	[sflag:s15] =	ssyncset.done $0x0  }
0xb7: {  	[sflag:s15] =	ssyncadd.s32 $0xFFFFF830  }
0xb8: {  	s24 =	sadd.s32 $0x1, s24  }
0xb9: {  	p1 =	sne.s32 s24, s14  }
.Ltmp5:
0xba: {  	_ = 	snop;
	(pc) =	sbr.rel @p1 .LBB2_1-.Ltmp5, $1  }
0xbb: {  	_ =	sdelay $0x3  }
0xbc: {  	_ =	sfence.sel $0x180000  }
0xbd: {  	[bflag:$0x0] =	sbarrier.arrive $0xFFFF  }
0xbe: {  	p0 =	sne.s32 s0, $0x0;
	_ =	strace $0x90000047  }
0xbf: {  	s0 =	sadd.s32 @!p0 $0x100000, s1;
	[bflag:$0x2] =	sbarrier.arrive $0xFFFF  }
0xc0: {  	[sflag:s0] =	ssyncadd.tile.s32 @!p0 $0x1;
	_ =	shalt  }
.Lfunc_end2:
_tile_overlayer_lowered:
.L_overlay_start_2:
0xc1: {  	(tag) =	ssettag $0x2  }
0xc2: {  	s0 =	rddreg [dreg:$0x0];
	s2 =	stileid.u32  }
0xc3: {  	s1 =	rddreg [dreg:$0x1];
	p0 =	sne.s32 s2, $0x0  }
0xc4: {  	s3 =	rddreg [dreg:$0x2];
	[bflag:$0x3] =	sbarrier.arrive $0xFFFF;
	s2 =	simm.s32 @!p0 $0x1C01  }
0xc5: {  	[timem:s3], [sflag:s2] =	dma.local @!p0 [hbm:s0], s1  }
0xc6: {  	s0 =	simm.s32 @!p0 $0x1  }
0xc7: {  	_ =	swait.ge @!p0 [sflag:s0], s1  }
0xc8: {  	s1 =	ssub.s32 @!p0 $0x0, s1;
	[sflag:s0] =	ssyncset.done @!p0 $0x0  }
0xc9: {  	[sflag:s0] =	ssyncadd.s32 @!p0 s1  }
0xca: {  	[bflag:$0x3] =	sbarrier.arrive $0xFFFF  }
0xcb: {  	_ =	shalt  }

// kernel: scatter_offload_async_start.1
scs
__scs_entry_jumppad:
0x0: {  	(pc) =	sbr.rel $0x88, $3  }
0x1: {  	(tag) =	ssettag $0x0;
	lr =	simm.s32 $0x1  }
0x2: {  	[smem:$0x3F99] =	sst lr;
	_ =	strace $0xD0000000  }
0x3: {  	_ = 	snop  }
0x4: {  	_ = 	snop  }
0x5: {  	_ = 	snop  }
0x6: {  	_ = 	snop  }
0x7: {  	_ = 	snop  }
__scs_overlays_trampoline_lowered:
0x8: {  	[smem:$0x3FA8] =	sst s0  }
0x9: {  	[smem:$0x3FA9] =	sst s1  }
0xa: {  	[smem:$0x3FAA] =	sst s2  }
0xb: {  	[smem:$0x3FAB] =	sst s3  }
0xc: {  	[smem:$0x3FAC] =	sst s4  }
0xd: {  	[smem:$0x3FAD] =	sst s5  }
0xe: {  	[smem:$0x3FAE] =	sst s6  }
0xf: {  	[smem:$0x3FAF] =	sst s7  }
0x10: {  	[smem:$0x3FB0] =	sst s8  }
0x11: {  	[smem:$0x3FB1] =	sst s9;
	s0 =	simm.s32 @!p0 $0x0  }
0x12: {  	s1 =	sld [smem:$0x3F97];
	s0 =	simm.s32 @p0 $0x1  }
0x13: {  	[smem:$0x3FB2] =	sst s0;
	s0 =	simm.s32 @!p1 $0x0  }
0x14: {  	s2 =	sld [smem:$0x3F96];
	s0 =	simm.s32 @p1 $0x1  }
0x15: {  	[smem:$0x3FB3] =	sst s0;
	s0 =	simm.s32 @!p2 $0x0  }
0x16: {  	s3 =	sld [smem:$0x3FDB];
	s0 =	simm.s32 @p2 $0x1  }
0x17: {  	s4 =	simm.s32 $0x1BF5;
	[smem:$0x3FB5] =	sst s0  }
0x18: {  	s0 =	sld [smem:$0x3F98];
	_ =	swait.ge [sflag:s4], $0x0  }
0x19: {  	s7 =	sld [smem:$0x3F99]  }
0x1a: {  	s8 =	sadd.s32 $0xFFFFE003, lr  }
0x1b: {  	s9 =	sadd.s32 $0xFFFFFEF7, lr;
	s5 =	simm.s32 $0xFFFFFFFF;
	p2 =	slt.u32 s8, $0xFFFFF086  }
0x1c: {  	p1 =	slt.u32 s9, $0xF7A;
	s5 =	simm.s32 @!p2 $0x0  }
0x1d: {  	s5 =	simm.s32 @p1 $0x1;
	p0 =	seq.s32 s7, s2  }
0x1e: {  	s7 =	smul.u32 @!p0 $0xF7A, s2;
	p2 =	seq.s32 @!p0 s5, $0x0  }
0x1f: {  	s9 =	smul.u32 $0xF7A, s1;
	s8 =	simm.s32 @!p0 $0x1BF5;
	p2 =	por !p2, p0  }
0x20: {  	[sflag:s8] =	ssyncset.s32 @!p0 $0xFFFFF086;
	s6 =	sadd.s32 @!p0 s3, s7;
	s7 =	simm.s32 @!p0 $0x108  }
0x21: {  	s3 =	sadd.s32 s3, s9;
	s6 =	sadd.s32 @!p0 $0x88, s6;
	s7 =	simm.s32 @p2 $0x1082  }
0x22: {  	[simem:s7], [sflag:s8] =	dma.local @!p0 [hbm:s6], $0xF7A  }
0x23: {  	s9 =	sor.u32 $0xD0000000, s2;
	s6 =	simm.s32 $0x108;
	_ =	swait.ge @!p0 [sflag:s8], $0x0  }
0x24: {  	s3 =	sadd.s32 $0x88, s3;
	s6 =	simm.s32 @!p1 $0x1082;
	[sflag:s4] =	ssyncset.s32 $0xFFFFF086  }
0x25: {  	[simem:s6], [sflag:s4] =	dma.local [hbm:s3], $0xF7A  }
0x26: {  	[smem:$0x3F99] =	sst s1;
	(tag) =	ssettag s2;
	_ =	strace s9  }
0x27: {  	s1 =	sld [smem:$0x3FA9]  }
0x28: {  	s2 =	sld [smem:$0x3FAA]  }
0x29: {  	s4 =	sld [smem:$0x3FAC]  }
0x2a: {  	p0 =	seq.s32 s5, $0x0;
	s5 =	sld [smem:$0x3FAD]  }
0x2b: {  	s6 =	sld [smem:$0x3FAE]  }
0x2c: {  	s7 =	sld [smem:$0x3FAF]  }
0x2d: {  	s3 =	simm.s32 $0x108;
	s8 =	sld [smem:$0x3FB0]  }
0x2e: {  	s3 =	simm.s32 @!p0 $0x1082;
	s9 =	sld [smem:$0x3FB1]  }
0x2f: {  	lr =	sadd.s32 s0, s3;
	s0 =	sld [smem:$0x3FA8]  }
0x30: {  	s3 =	sld [smem:$0x3FAB]  }
0x31: {  	[smem:$0x3FB4] =	sst s10  }
0x32: {  	s10 =	sld [smem:$0x3FB2];
	_ =	sdelay $0x3  }
0x33: {  	p0 =	seq.s32 s10, $0x1;
	s10 =	sld [smem:$0x3FB4];
	_ =	sdelay $0x3  }
0x34: {  	[smem:$0x3FB4] =	sst s10  }
0x35: {  	s10 =	sld [smem:$0x3FB3];
	_ =	sdelay $0x3  }
0x36: {  	p1 =	seq.s32 s10, $0x1;
	s10 =	sld [smem:$0x3FB4];
	_ =	sdelay $0x3  }
0x37: {  	[smem:$0x3FB4] =	sst s10  }
0x38: {  	s10 =	sld [smem:$0x3FB5]  }
0x39: {  	_ = 	snop;
	(pc) =	sbr.ind lr, $3  }
0x3a: {  	_ = 	snop  }
0x3b: {  	_ = 	snop  }
0x3c: {  	p2 =	seq.s32 s10, $0x1;
	s10 =	sld [smem:$0x3FB4]  }
0x3d: {  	_ =	shalt  }
0x3e: {  	_ =	shalt  }
0x3f: {  	_ =	shalt  }
0x40: {  	_ =	shalt  }
0x41: {  	_ =	shalt  }
0x42: {  	_ =	shalt  }
0x43: {  	_ =	shalt  }
0x44: {  	_ =	shalt  }
0x45: {  	_ =	shalt  }
0x46: {  	_ =	shalt  }
0x47: {  	_ =	shalt  }
0x48: {  	_ =	shalt  }
0x49: {  	_ =	shalt  }
0x4a: {  	_ =	shalt  }
0x4b: {  	_ =	shalt  }
0x4c: {  	_ =	shalt  }
0x4d: {  	_ =	shalt  }
0x4e: {  	_ =	shalt  }
0x4f: {  	_ =	shalt  }
0x50: {  	_ =	shalt  }
0x51: {  	_ =	shalt  }
0x52: {  	_ =	shalt  }
0x53: {  	_ =	shalt  }
0x54: {  	_ =	shalt  }
0x55: {  	_ =	shalt  }
0x56: {  	_ =	shalt  }
0x57: {  	_ =	shalt  }
0x58: {  	_ =	shalt  }
0x59: {  	_ =	shalt  }
0x5a: {  	_ =	shalt  }
0x5b: {  	_ =	shalt  }
0x5c: {  	_ =	shalt  }
0x5d: {  	_ =	shalt  }
0x5e: {  	_ =	shalt  }
0x5f: {  	_ =	shalt  }
0x60: {  	_ =	shalt  }
0x61: {  	_ =	shalt  }
0x62: {  	_ =	shalt  }
0x63: {  	_ =	shalt  }
0x64: {  	_ =	shalt  }
0x65: {  	_ =	shalt  }
0x66: {  	_ =	shalt  }
0x67: {  	_ =	shalt  }
0x68: {  	_ =	shalt  }
0x69: {  	_ =	shalt  }
0x6a: {  	_ =	shalt  }
0x6b: {  	_ =	shalt  }
0x6c: {  	_ =	shalt  }
0x6d: {  	_ =	shalt  }
0x6e: {  	_ =	shalt  }
0x6f: {  	_ =	shalt  }
0x70: {  	_ =	shalt  }
0x71: {  	_ =	shalt  }
0x72: {  	_ =	shalt  }
0x73: {  	_ =	shalt  }
0x74: {  	_ =	shalt  }
0x75: {  	_ =	shalt  }
0x76: {  	_ =	shalt  }
0x77: {  	_ =	shalt  }
0x78: {  	_ =	shalt  }
0x79: {  	_ =	shalt  }
0x7a: {  	_ =	shalt  }
0x7b: {  	_ =	shalt  }
0x7c: {  	_ =	shalt  }
0x7d: {  	_ =	shalt  }
0x7e: {  	_ =	shalt  }
0x7f: {  	_ =	shalt  }
0x80: {  	_ =	shalt  }
0x81: {  	_ =	shalt  }
0x82: {  	_ =	shalt  }
0x83: {  	_ =	shalt  }
0x84: {  	_ =	shalt  }
0x85: {  	_ =	shalt  }
0x86: {  	_ =	shalt  }
0x87: {  	_ =	shalt  }
.Lfunc_end0:
.L_simem_size_0:
called_computation.1_lowered:
.L_overlay_start_0:
0x88: {  	s2 =	sld [smem:$0x3FD9]  }
0x89: {  	s3 =	sld [smem:$0x3FFE];
	_ =	sdelay $0x1  }
0x8a: {  	s1 =	srdreg.scid  }
0x8b: {  	s0 =	sand.u32 $0x1, s1  }
0x8c: {  	s15 =	sshll.u32 s0, $0xA;
	s2 =	sadd.s32 s3, s2  }
0x8d: {  	s2 =	sadd.s32 s2, s15  }
0x8e: {  	[smem:$0x3FC0] =	sst s2  }
0x8f: {  	_ = 	snop  }
0x90: {  	(tm) =	ssettm $0x1  }
0x91: {  	s16 =	sld [smem:$0x3FFB];
	_ =	sdelay $0x3  }
0x92: {  	_ =	strace s16  }
0x93: {  	s2 =	sld [smem:$0x3FFC];
	_ =	sdelay $0x3  }
0x94: {  	_ =	strace s2  }
0x95: {  	s2 =	sld [smem:$0x3FFD];
	_ =	sdelay $0x3  }
0x96: {  	_ =	strace s2  }
0x97: {  	_ =	strace $0x8FFFFFFF  }
0x98: {  	s17 =	sld [smem:$0x3FDB];
	_ =	sdelay $0x1  }
0x99: {  	s18 =	simm.s32 $_scs_section_size  }
0x9a: {  	s4 =	simm.s32 $_size__tile_overlayer_lowered;
	s5 =	simm.s32 $_tile_overlayer_lowered  }
0x9b: {  	s6 =	simm.s32 $0x1BFF;
	s19 =	sshll.u32 s5, $0x1;
	s3 =	sadd.s32 s18, s17  }
0x9c: {  	s20 =	simm.s32 $0x0;
	s4 =	sshll.u32 s4, $0x1;
	s5 =	sadd.s32 s19, s3  }
0x9d: {  	[timem:s20], [sflag:s6] =	dma.local [hbm:s5], s4  }
0x9e: {  	_ =	swait.ge [sflag:s6], s4  }
0x9f: {  	s4 =	ssub.s32 $0x0, s4;
	[sflag:s6] =	ssyncset.done $0x0  }
0xa0: {  	[sflag:s6] =	ssyncadd.s32 s4;
	_ =	sdelay $0x1  }
0xa1: {  	s21 =	simm.s32 $0x1B8B  }
0xa2: {  	_ =	swait.ge [sflag:s21], $0x1  }
0xa3: {  	[sflag:s21] =	ssyncset.done $0x0  }
0xa4: {  	s22 =	sld [smem:$0x3FFE];
	[sflag:s21] =	ssyncadd.s32 $0xFFFFFFFF  }
0xa5: {  	s24 =	simm.s32 $0x1B8E;
	s23 =	sld [smem:$0x0]  }
0xa6: {  	s25 =	simm.s32 $execute0_lowered;
	[smem:$0x3FD2] =	sst s24  }
0xa7: {  	s6 =	sshll.u32 s25, $0x1;
	_ =	strace $0x80000052;
	[dreg:$0x1] =	wrdreg $0xFFFFFFFF  }
0xa8: {  	s7 =	simm.s32 $_size_execute0_lowered;
	s6 =	sadd.s32 s3, s6;
	[dreg:$0x0] =	wrdreg $0x0  }
0xa9: {  	s7 =	sshll.u32 s7, $0x1;
	[dreg:$0x2] =	wrdreg s6  }
0xaa: {  	[dreg:$0x3] =	wrdreg s7  }
0xab: {  	[dreg:$0x4] =	wrdreg $0xC0  }
0xac: {  	s26 =	simm.s32 $execute1_lowered;
	_ =	task [dreg:s20], $0x5FFFF  }
0xad: {  	s6 =	sshll.u32 s26, $0x1;
	[dreg:$0x1] =	wrdreg $0xFFFFFFFF  }
0xae: {  	s3 =	sadd.s32 s3, s6;
	[dreg:$0x0] =	wrdreg $0x60  }
0xaf: {  	[dreg:$0x2] =	wrdreg s3  }
0xb0: {  	[dreg:$0x3] =	wrdreg s22  }
0xb1: {  	[dreg:$0x4] =	wrdreg $0x9  }
0xb2: {  	_ =	task.clear_ibuf [dreg:s20], $0x5FFFF;
	_ =	strace $0x90000052  }
0xb3: {  	s28 =	simm.s32 $0x9;
	_ =	strace $0x80000054  }
0xb4: {  	_ =	swait.ge [sflag:s28], $0x1  }
0xb5: {  	[sflag:s28] =	ssyncadd.s32 $0xFFFFFFFF  }
0xb6: {  	_ =	strace $0x90000054  }
0xb7: {  	s3 =	sld [smem:$0x0]  }
0xb8: {  	s6 =	sand.u32 $0xFFFFFFFE, s1  }
0xb9: {  	p0 =	sne.s32 s1, s6  }
0xba: {  	s6 =	sshll.u32 @p0 s6, $0xE  }
0xbb: {  	s6 =	sadd.s32 @p0 $0x11BF3, s6;
	s7 =	sshll.u32 @p0 s3, $0x11  }
0xbc: {  	s6 =	sor.u32 @p0 s7, s6  }
0xbd: {  	[sflag:s6] =	ssyncadd.remote.s32 @p0 $0x1;
	_ =	sdelay $0x1  }
0xbe: {  	s6 =	simm.s32 @p0 $0x1BF3  }
0xbf: {  	_ =	swait.eq @p0 [sflag:s6], $0x1  }
0xc0: {  	[sflag:s6] =	ssyncadd.s32 @p0 $0xFFFFFFFF  }
0xc1: {  	s7 =	sshll.u32 @!p0 s1, $0xE  }
0xc2: {  	s7 =	sor.u32 @!p0 $0x4000, s7;
	s6 =	simm.s32 @!p0 $0x1BF3  }
0xc3: {  	s3 =	sshll.u32 @!p0 s3, $0x11;
	s7 =	sadd.s32 @!p0 $0x11BF3, s7;
	_ =	swait.eq @!p0 [sflag:s6], $0x1  }
0xc4: {  	s3 =	sor.u32 @!p0 s3, s7;
	[sflag:s6] =	ssyncadd.s32 @!p0 $0xFFFFFFFF  }
0xc5: {  	[sflag:s3] =	ssyncadd.remote.s32 @!p0 $0x1  }
0xc6: {  	_ =	strace $0x80000055;
	[dreg:$0x1] =	wrdreg $0xFFFFFFFF  }
0xc7: {  	[dreg:$0x0] =	wrdreg $0x2030  }
0xc8: {  	[dreg:$0x2] =	wrdreg s22  }
0xc9: {  	[dreg:$0x3] =	wrdreg s1  }
0xca: {  	[dreg:$0x4] =	wrdreg s23  }
0xcb: {  	[dreg:$0x5] =	wrdreg $0xA  }
0xcc: {  	_ =	task.clear_ibuf [dreg:s20], $0x6FFFF;
	_ =	strace $0x90000055  }
0xcd: {  	s29 =	simm.s32 $0xA;
	_ =	strace $0x80000057  }
0xce: {  	_ =	swait.ge [sflag:s29], $0x1  }
0xcf: {  	[sflag:s29] =	ssyncadd.s32 $0xFFFFFFFF  }
0xd0: {  	_ =	strace $0x90000057  }
0xd1: {  	_ =	sfence  }
0xd2: {  	s30 =	sld [smem:$0x0];
	_ =	sdelay $0x2  }
0xd3: {  	s31 =	sshll.u32 s1, $0xD;
	s1 =	sshrl.u32 s1, $0x2  }
0xd4: {  	s4 =	sand.u32 $0x4000, s31;
	s1 =	sadd.s32 s1, s30  }
0xd5: {  	s0 =	sor.u32 s4, s0;
	s1 =	sshll.u32 s1, $0x11  }
0xd6: {  	s0 =	sor.u32 s1, s0  }
0xd7: {  	s0 =	sadd.s32 $0x8F2B, s0  }
0xd8: {  	[sflag:s0] =	ssyncadd.remote.s32 $0x1  }
0xd9: {  	_ =	sfence.sel $0xFFFF  }
0xda: {  	[dreg:$0x0] =	wrdreg $0xFFFFFFFF;
	(pc) =	sbr.abs _section_cstart, $3  }
0xdb: {  	[dreg:$0x1] =	wrdreg $0xFFFFFFFF  }
0xdc: {  	_ =	task.clear_ibuf [dreg:s20], $0x2FFFF;
	_ =	strace $0x9FFFFFFF  }
0xdd: {  	(tm) =	ssettm $0x7FFFFFFF  }
tec
execute0_lowered:
.L_overlay_start_1:
0x0: {  	(tag) =	ssettag $0x1  }
0x1: {  	s2 =	rddreg [dreg:$0x0]  }
0x2: {  	s5 =	rddreg [dreg:$0x1]  }
0x3: {  	s0 =	rddreg [dreg:$0x2];
	s3 =	stileid.u32;
	[bflag:$0x3] =	sbarrier.arrive $0xFFFF  }
0x4: {  	s1 =	simm.s32 $_size_execute1_lowered;
	s29 =	srdreg.scid;
	s31 =	simm.s32 $0x2  }
0x5: {  	s13 =	simm.s32 $0x0;
	s8 =	simm.s32 $0x40;
	p0 =	sne.s32 s3, $0x0  }
0x6: {  	s1 =	sshll.u32 s1, $0x1;
	s4 =	simm.s32 @!p0 $0x1C3F;
	s6 =	simm.s32 @!p0 $0x4060  }
0x7: {  	[timem:s6], [sflag:s4] =	dma.local @!p0 [hbm:s2], s1  }
0x8: {  	s9 =	simm.s32 $0x80;
	s11 =	simm.s32 $0x0;
	s2 =	sshll.u32 s29, $0x8  }
.Ltmp0:
0x9: {  	s3 =	sshll.u32 s3, $0x9;
	s30 =	sand.u32 $0x100, s2;
	(pc) =	sbr.rel .LBB2_1-.Ltmp0, $4  }
0xa: {  	s12 =	simm.s32 $0x0;
	s4 =	simm.s32 $0x1;
	s3 =	sor.u32 s3, s30  }
0xb: {  	_ =	strace $0x80000053;
	s2 =	sadd.s32 $0x36000, s5;
	s7 =	ssub.s32 $0x2700, s3  }
0xc: {  	s5 =	sadd.s32 $0x5D200, s5;
	[sflag:s4] =	ssyncpa.u1 $0x0;
	s6 =	sshrl.u32 s7, $0xD  }
0xd: {  	[sflag:s31] =	ssyncpa.u1 $0x0;
	s10 =	smov.u32 s3;
	s7 =	sor.u32 $0x2, s6  }
.LBB2_5:
0xe: {  	_ =	sdelay $0x3  }
0xf: {  	[tilespmem:v3+s18+$0x0 ss:$0x1] =	vst.idx.msk $0xffff, v1  }
0x10: {  	[tilespmem:v3+s17+$0x0 ss:$0x1] =	vst.idx.msk $0xffff, v2  }
0x11: {  	[tilespmem:v3+s16+$0x0 ss:$0x1] =	vst.idx.msk $0xffff, v4  }
0x12: {  	[tilespmem:v3+s19+$0x0 ss:$0x1] =	vst.idx.msk $0xffff, v5  }
.LBB2_6:
0x13: {  	s16 =	sand.u32 $0x1FFFFFF, s11  }
0x14: {  	s17 =	smulhi.u32 $0x1A36E2F, s16;
	_ =	sdelay $0x1  }
0x15: {  	s17 =	sshrl.u32 s17, $0x6  }
0x16: {  	s17 =	smul.u32 $0x2710, s17;
	_ =	sdelay $0x1  }
0x17: {  	s16 =	ssub.s32 s16, s17  }
0x18: {  	s16 =	sshll.u32 s16, $0x4  }
0x19: {  	s16 =	sadd.s32 s5, s16  }
0x1a: {  	[hbm4b:s16+s8] =	stream.strided.scatter [tilespmem:s15], [sflag:$0x2], s14, s9, s8, $0x38;
	[tilespmem:$0x10000] =	vst v63  }
.LBB2_7:
0x1b: {  	p1 =	slt.u32 s12, $0x2  }
0x1c: {  	p2 =	sgt.s32 @!p1 s13, $0x2610  }
0x1d: {  	s14 =	smov.u32 s13;
	s15 =	sshra.s32 @!p1 s13, $0x1F;
	p2 =	por !p2, p1  }
0x1e: {  	s13 =	sand.u32 @!p1 s15, s13;
	s14 =	simm.s32 @p2 $0x2610  }
0x1f: {  	s13 =	ssub.s32 @!p1 s14, s13  }
0x20: {  	s13 =	sadd.s32 @!p1 $0xFFFFD9F0, s13  }
0x21: {  	s14 =	sshll.u32 @!p1 s13, $0x8  }
0x22: {  	p2 =	sgt.s32 @!p1 s13, $0xFF;
	s13 =	ssub.s32 @!p1 $0x10000, s14  }
0x23: {  	s15 =	sadd.s32 $0x2000, s10;
	p2 =	por !p2, p1;
	s13 =	sshrl.u32 @!p1 s13, $0x2  }
0x24: {  	s13 =	simm.s32 @!p2 $0x0;
	p2 =	sgt.s32 s15, $0x270F  }
0x25: {  	s15 =	smov.u32 @p2 s3;
	p2 =	sne.s32 s12, s7  }
.Ltmp1:
0x26: {  	_ = 	snop;
	(pc) =	sbr.rel @!p2 .LBB2_8-.Ltmp1, $4  }
0x27: {  	s14 =	simm.s32 @!p1 $0x2  }
0x28: {  	_ =	swait.ge @!p1 [sflag:s14], s13;
	s16 =	ssub.s32 @!p1 $0x0, s13  }
0x29: {  	s13 =	smov.u32 s11;
	s12 =	sadd.s32 $0x1, s12;
	[sflag:s14] =	ssyncset.done @!p1 $0x0  }
0x2a: {  	s11 =	smov.u32 s10;
	s10 =	smov.u32 s15;
	[sflag:s14] =	ssyncadd.s32 @!p1 s16  }
.LBB2_1:
0x2b: {  	p1 =	sgt.u32 s12, s6  }
0x2c: {  	s15 =	smov.u32 s10;
	p2 =	sgt.s32 @!p1 s10, $0x2610  }
0x2d: {  	s14 =	sand.u32 @!p1 $0x1FFFFFF, s10;
	s16 =	sshra.s32 @!p1 s10, $0x1F;
	p2 =	por !p2, p1  }
0x2e: {  	s17 =	smulhi.u32 @!p1 $0x1A36E2F, s14;
	s16 =	sand.u32 @!p1 s16, s10;
	s15 =	simm.s32 @p2 $0x2610  }
0x2f: {  	s15 =	ssub.s32 @!p1 s15, s16  }
0x30: {  	s16 =	sshrl.u32 @!p1 s17, $0x6;
	s15 =	sadd.s32 @!p1 $0xFFFFD9F0, s15  }
0x31: {  	s17 =	sxor.u32 @!p1 $0xFFFFFFFF, s12;
	s16 =	smul.u32 @!p1 $0x2710, s16;
	s18 =	sshll.u32 @!p1 s15, $0x8  }
0x32: {  	s17 =	sshll.u32 @!p1 s17, $0xE;
	p2 =	sgt.s32 @!p1 s15, $0xFF;
	s15 =	ssub.s32 @!p1 $0x10000, s18  }
0x33: {  	s14 =	ssub.s32 @!p1 s14, s16;
	p2 =	por !p2, p1;
	s16 =	sand.u32 @!p1 $0x4000, s17  }
0x34: {  	s17 =	simm.s32 @!p1 $0x40;
	s15 =	sshrl.u32 @!p1 s15, $0x2;
	s14 =	sshll.u32 @!p1 s14, $0x4  }
0x35: {  	s18 =	simm.s32 @!p1 $0x80;
	s15 =	simm.s32 @!p2 $0x0;
	s14 =	sadd.s32 @!p1 s2, s14  }
0x36: {  	[tilespmem:s16], [sflag:$0x1] =	stream.strided.gather @!p1 [hbm4b:s14+s17], s15, s18, s17, $0x38;
	[tilespmem:$0x10000] =	vst v63  }
0x37: {  	p1 =	seq.s32 s12, $0x0  }
0x38: {  	p2 =	sge.u32 @!p1 s12, s7  }
0x39: {  	p1 =	por p1, p2  }
.Ltmp2:
0x3a: {  	_ = 	snop;
	(pc) =	sbr.rel @p1 .LBB2_7-.Ltmp2, $1  }
0x3b: {  	_ =	sdelay $0x3  }
0x3c: {  	p1 =	sgt.s32 s11, $0x2610;
	s14 =	smov.u32 s11;
	s15 =	sshra.s32 s11, $0x1F  }
0x3d: {  	s14 =	simm.s32 @!p1 $0x2610;
	s15 =	sand.u32 s15, s11  }
0x3e: {  	s14 =	ssub.s32 s14, s15  }
0x3f: {  	s14 =	sadd.s32 $0xFFFFD9F0, s14  }
0x40: {  	s31 =	sshll.u32 s14, $0x8  }
0x41: {  	s15 =	ssub.s32 $0x10000, s31  }
0x42: {  	p1 =	sgt.s32 s14, $0xFF;
	s14 =	sshrl.u32 s15, $0x2;
	s15 =	sadd.s32 $0x100, s11  }
0x43: {  	s14 =	simm.s32 @p1 $0x0;
	p1 =	slt.s32 s15, $0x2710  }
0x44: {  	s15 =	simm.s32 @!p1 $0x2710  }
0x45: {  	s20 =	ssub.s32 s15, s11  }
0x46: {  	p1 =	slt.s32 s20, $0x1  }
.Ltmp3:
0x47: {  	_ = 	snop;
	(pc) =	sbr.rel @p1 .LBB2_6-.Ltmp3, $4  }
0x48: {  	_ = 	snop  }
0x49: {  	s16 =	sshll.u32 s12, $0xE;
	_ =	swait.ge [sflag:s4], s14  }
0x4a: {  	s16 =	sand.u32 $0x4000, s16;
	s17 =	ssub.s32 $0x0, s14;
	[sflag:s4] =	ssyncset.done $0x0  }
0x4b: {  	s15 =	sor.u32 $0x8000, s16;
	[sflag:s4] =	ssyncadd.s32 s17  }
0x4c: {  	v0 =	vmov s16;
	_ =	sdelay $0x2  }
0x4d: {  	s31 =	simm.s32 $0x0;
	p1 =	sne.s32 s20, $0x1  }
.Ltmp4:
0x4e: {  	s18 =	sand.u32 $0x3FC0, s31;
	(pc) =	sbr.rel @!p1 .LBB2_5-.Ltmp4, $4  }
0x4f: {  	s17 =	sor.u32 $0x30, s18;
	v1 =	vld.idx.msk [tilespmem:v0+s18+$0x0 ss:$0x1], $0xffff  }
0x50: {  	v3 =	vmov s15;
	s16 =	sor.u32 $0x10, s18;
	v2 =	vld.idx.msk [tilespmem:v0+s17+$0x0 ss:$0x1], $0xffff  }
0x51: {  	s19 =	sor.u32 $0x20, s18;
	v4 =	vld.idx.msk [tilespmem:v0+s16+$0x0 ss:$0x1], $0xffff  }
0x52: {  	s20 =	sadd.s32 $0xFFFFFFFF, s20;
	s21 =	simm.s32 $0x40;
	v5 =	vld.idx.msk [tilespmem:v0+s19+$0x0 ss:$0x1], $0xffff  }
.LBB2_4:
0x53: {  	s22 =	sand.u32 $0x3FC0, s21  }
0x54: {  	p1 =	sne.s32 s20, $0x1;
	s20 =	sadd.s32 $0xFFFFFFFF, s20;
	s23 =	sor.u32 $0x10, s22  }
.Ltmp5:
0x55: {  	s24 =	sor.u32 $0x20, s22;
	s25 =	sor.u32 $0x30, s22;
	[tilespmem:v3+s18+$0x0 ss:$0x1] =	vst.idx.msk $0xffff, v1;
	v1 =	vld.idx.msk [tilespmem:v0+s22+$0x0 ss:$0x1], $0xffff;
	(pc) =	sbr.rel @p1 .LBB2_4-.Ltmp5, $4  }
0x56: {  	s18 =	smov.u32 s22;
	[tilespmem:v3+s17+$0x0 ss:$0x1] =	vst.idx.msk $0xffff, v2;
	v2 =	vld.idx.msk [tilespmem:v0+s25+$0x0 ss:$0x1], $0xffff;
	s17 =	smov.u32 s25  }
0x57: {  	[tilespmem:v3+s16+$0x0 ss:$0x1] =	vst.idx.msk $0xffff, v4;
	v4 =	vld.idx.msk [tilespmem:v0+s23+$0x0 ss:$0x1], $0xffff;
	s16 =	smov.u32 s23  }
0x58: {  	[tilespmem:v3+s19+$0x0 ss:$0x1] =	vst.idx.msk $0xffff, v5;
	v5 =	vld.idx.msk [tilespmem:v0+s24+$0x0 ss:$0x1], $0xffff;
	s19 =	smov.u32 s24  }
0x59: {  	s21 =	sadd.s32 $0x40, s21  }
.Ltmp6:
0x5a: {  	_ = 	snop;
	(pc) =	sbr.rel .LBB2_5-.Ltmp6, $1  }
0x5b: {  	_ =	sdelay $0x3  }
.LBB2_8:
0x5c: {  	_ =	sfence.sel $0x180000  }
0x5d: {  	s2 =	simm.s32 $0x1;
	[bflag:$0x0] =	sbarrier.arrive $0xFFFF  }
0x5e: {  	s31 =	simm.s32 $0x2;
	[sflag:s2] =	ssyncpa.u1 $0x1  }
0x5f: {  	[sflag:s31] =	ssyncpa.u1 $0x1  }
0x60: {  	_ =	strace $0x90000053  }
0x61: {  	s0 =	sadd.s32 @!p0 $0x100000, s0;
	[bflag:$0x2] =	sbarrier.arrive $0xFFFF  }
0x62: {  	[sflag:s0] =	ssyncadd.tile.s32 @!p0 $0x1;
	s0 =	simm.s32 @!p0 $0x3F  }
0x63: {  	_ =	swait.ge @!p0 [sflag:s0], s1  }
0x64: {  	s1 =	ssub.s32 @!p0 $0x0, s1;
	[sflag:s0] =	ssyncset.done @!p0 $0x0  }
0x65: {  	[sflag:s0] =	ssyncadd.s32 @!p0 s1  }
0x66: {  	[bflag:$0x3] =	sbarrier.arrive $0xFFFF  }
0x67: {  	_ =	shalt  }
.Lfunc_end2:
execute1_lowered:
.L_overlay_start_2:
0x68: {  	(tag) =	ssettag $0x2  }
0x69: {  	s2 =	rddreg [dreg:$0x0]  }
0x6a: {  	s4 =	rddreg [dreg:$0x1];
	_ =	strace $0x80000056;
	s0 =	simm.s32 $0x1  }
0x6b: {  	s3 =	simm.s32 $0x88;
	v0 =	vimm.s32 $0x0;
	[sflag:s0] =	ssyncpa.u1 $0x0  }
0x6c: {  	[tilespmem:s3+$0x30] =	vst v0  }
0x6d: {  	s1 =	sadd.s32 $0x5D200, s2;
	s0 =	sadd.s32 $0x4E00, s2;
	s6 =	sadd.s32 $0x17D200, s2;
	[tilespmem:s3+$0x20] =	vst v0  }
0x6e: {  	s2 =	sadd.s32 $0x9E00, s2;
	s7 =	sand.u32 $0x1, s4;
	s4 =	simm.s32 $0x40;
	[tilespmem:s3+$0x10] =	vst v0  }
.LBB3_1:
0x6f: {  	s4 =	sadd.s32 $0x40, s4  }
0x70: {  	[tilespmem:s3+$0x0] =	vst v0;
	s3 =	sadd.s32 $0x40, s3;
	p0 =	slt.u32 s4, $0x5040  }
.Ltmp7:
0x71: {  	(pc) =	sbr.rel @p0 .LBB3_1-.Ltmp7, $4  }
0x72: {  	_ = 	snop  }
0x73: {  	[tilespmem:s3+$0x30] =	vst v0  }
0x74: {  	[tilespmem:s3+$0x20] =	vst v0  }
0x75: {  	[tilespmem:s3+$0x10] =	vst v0  }
0x76: {  	s8 =	stileid.u32  }
0x77: {  	s4 =	smul.u32 $0xF, s8  }
0x78: {  	s5 =	smin.u32 s8, $0xA  }
0x79: {  	s4 =	sadd.s32 s5, s4  }
0x7a: {  	p0 =	slt.u32 s8, $0xA;
	s12 =	smul.u32 $0x140, s4;
	s4 =	simm.s32 $0x1400  }
0x7b: {  	s4 =	simm.s32 @!p0 $0x12C0  }
0x7c: {  	s25 =	simm.s32 $0x2;
	s4 =	sadd.s32 s4, s12  }
0x7d: {  	s28 =	simm.s32 $0x9;
	s9 =	simm.s32 $0xA;
	s14 =	smin.u32 s4, $0x13880  }
0x7e: {  	s30 =	simm.s32 $0xB;
	[dreg:$0x4] =	wrdreg s7;
	s4 =	ssub.s32 s14, s12  }
0x7f: {  	s31 =	smul.u32 $0x2710, s7;
	s13 =	simm.s32 $0x1;
	p0 =	sgt.s32 s4, $0x0  }
0x80: {  	s19 =	simm.s32 $0x0;
	s20 =	simm.s32 $0xA808;
	s4 =	simm.s32 @!p0 $0x0  }
0x81: {  	s21 =	simm.s32 $0xFFFFFFFF;
	p1 =	por $0x0, $0x0;
	s26 =	smulhi.u32 $0x66666667, s4  }
0x82: {  	[tilespmem:s3+$0x0] =	vst v0;
	s23 =	simm.s32 $0x0;
	[sflag:s25] =	ssyncpa.u1 $0x0;
	s18 =	sshll.u32 s8, $0x7  }
0x83: {  	s0 =	sadd.s32 s31, s0;
	[dreg:$0xa] =	wrdreg s18;
	s3 =	sshrl.u32 s26, $0x7  }
0x84: {  	v0 =	vimm.s32 $0xFFFFFFFF;
	s17 =	sadd.s32 s31, s2;
	[dreg:$0x9] =	wrdreg s0;
	s29 =	smul.u32 $0x140, s3  }
0x85: {  	s25 =	simm.s32 $0x0;
	[tilespmem:$0xA108] =	vst v0;
	[sflag:s28] =	ssyncpa.u1 $0x0;
	[dreg:$0x8] =	wrdreg s17  }
.Ltmp8:
0x86: {  	p0 =	sne.s32 s4, s29;
	s4 =	simm.s32 $0x1;
	(pc) =	sbr.rel .LBB3_3-.Ltmp8, $4  }
0x87: {  	[sflag:s9] =	ssyncpa.u1 $0x0;
	[dreg:$0x5] =	wrdreg s12;
	s4 =	simm.s32 @!p0 $0x0  }
0x88: {  	[sflag:s30] =	ssyncpa.u1 $0x0;
	[dreg:$0x6] =	wrdreg s14;
	s15 =	sadd.s32 s4, s3  }
0x89: {  	s24 =	smov.u32 s12;
	s22 =	sadd.s32 $0x1, s15;
	[dreg:$0x7] =	wrdreg s15  }
0x8a: {  	v0 =	vlaneseq.u32;
	s26 =	simm.s32 $0x0;
	p0 =	por $0x1, $0x1;
	[dreg:$0xb] =	wrdreg s22  }
.LBB3_22:
0x8b: {  	s0 =	sshrl.u32 s3, $0x2  }
.LBB3_24:
0x8c: {  	s3 =	simm.s32 $0xC  }
0x8d: {  	_ =	swait.ge [sflag:s3], s0  }
0x8e: {  	s31 =	ssub.s32 $0x0, s0;
	v1 =	vmov s4;
	vm0 =	veq.s32 v0, $0x0;
	[sflag:s3] =	ssyncset.done $0x0  }
0x8f: {  	vm15 =	veq.s32 v0, $0x2;
	v1 =	vsel vm0, s2, v1;
	[sflag:s3] =	ssyncadd.s32 s31  }
0x90: {  	v1 =	vsel vm15, s26, v1;
	[sflag:s3] =	ssyncpa.u1 $0x1  }
0x91: {  	[tilespmem:$0xA108] =	vst v1  }
.LBB3_25:
0x92: {  	s0 =	sadd.s32 $0x140, s24  }
0x93: {  	s2 =	smov.u32 s12;
	p2 =	slt.s32 s0, s14  }
0x94: {  	s2 =	smov.u32 @p2 s0;
	p2 =	sne.s32 s25, s22  }
.Ltmp9:
0x95: {  	_ = 	snop;
	(pc) =	sbr.rel @!p2 .LBB3_26-.Ltmp9, $4  }
0x96: {  	_ = 	snop  }
0x97: {  	s26 =	smov.u32 s23;
	s31 =	sadd.s32 $0x1, s25;
	p0 =	por !p0, !p0  }
0x98: {  	s23 =	smov.u32 s24;
	s20 =	sadd.s32 $0x140, s20;
	s21 =	sadd.s32 $0x1, s21  }
0x99: {  	p1 =	por !p1, !p1;
	s25 =	smov.u32 s31;
	s24 =	smov.u32 s2  }
.LBB3_3:
0x9a: {  	p2 =	sge.u32 s25, s15  }
0x9b: {  	s0 =	smulhi.u32 @!p2 $0xAAAAAAAB, s25  }
0x9c: {  	s2 =	smov.u32 s24;
	p3 =	sgt.s32 @!p2 s24, $0x13740  }
0x9d: {  	s3 =	sshra.s32 @!p2 s24, $0x1F;
	p3 =	por !p3, p2;
	s0 =	sshrl.u32 @!p2 s0, $0x1  }
0x9e: {  	s3 =	sand.u32 @!p2 s3, s24;
	s2 =	simm.s32 @p3 $0x13740;
	s0 =	smul.u32 @!p2 $0x3, s0  }
0x9f: {  	s2 =	ssub.s32 @!p2 s2, s3  }
0xa0: {  	s2 =	sadd.s32 @!p2 $0xFFFEC8C0, s2;
	s0 =	ssub.s32 @!p2 s25, s0  }
0xa1: {  	s3 =	sshll.u32 @!p2 s2, $0x2;
	p3 =	sgt.s32 @!p2 s2, $0x13F;
	s0 =	smul.u32 @!p2 $0x500, s0  }
0xa2: {  	s4 =	sand.u32 @!p2 $0x7, s24;
	s2 =	ssub.s32 @!p2 $0x500, s3;
	p3 =	por !p3, p2  }
0xa3: {  	s3 =	sshrl.u32 @!p2 s24, $0x3;
	s2 =	sshrl.u32 @!p2 s2, $0x2;
	s0 =	sshrl.u32 @!p2 s0, $0x2  }
0xa4: {  	s3 =	sadd.s32 @!p2 s3, s17;
	s2 =	simm.s32 @!p3 $0x0;
	s0 =	sadd.s32 @!p2 $0xA948, s0  }
0xa5: {  	[tilespmem:s0], [sflag:$0xA] =	stream.linear.gather @!p2 [hbm4b:s3+s4], s2, $0x38;
	[tilespmem:$0x1EF88] =	vst v63  }
0xa6: {  	s0 =	sadd.s32 $0xFFFFFFFF, s25  }
0xa7: {  	p2 =	sge.u32 s0, s15  }
.Ltmp10:
0xa8: {  	_ = 	snop;
	(pc) =	sbr.rel @p2 .LBB3_7-.Ltmp10, $1  }
0xa9: {  	_ =	sdelay $0x3  }
0xaa: {  	p2 =	sgt.s32 s23, $0x13740;
	s2 =	smov.u32 s23;
	s3 =	sshra.s32 s23, $0x1F  }
0xab: {  	s2 =	simm.s32 @!p2 $0x13740;
	s3 =	sand.u32 s3, s23  }
0xac: {  	s17 =	smulhi.u32 $0xAAAAAAAB, s21;
	s2 =	ssub.s32 s2, s3  }
0xad: {  	s0 =	sand.u32 $0x1, s0;
	s2 =	sadd.s32 $0xFFFEC8C0, s2  }
0xae: {  	s5 =	simm.s32 $0xA;
	s3 =	sshrl.u32 s17, $0x1;
	s4 =	sshll.u32 s2, $0x2  }
0xaf: {  	s7 =	sshrl.u32 s23, $0x3;
	s3 =	smul.u32 $0xFFFFF100, s3;
	s4 =	ssub.s32 $0x500, s4  }
0xb0: {  	s18 =	smul.u32 $0x500, s0;
	p2 =	sgt.s32 s2, $0x13F;
	s2 =	sshrl.u32 s4, $0x2  }
0xb1: {  	s9 =	sand.u32 $0x7, s23;
	s3 =	sshra.s32 s3, $0x2;
	s2 =	simm.s32 @p2 $0x0  }
0xb2: {  	s0 =	sadd.s32 s3, s20;
	s4 =	sshrl.u32 s18, $0x2;
	_ =	swait.ge [sflag:s5], s2  }
0xb3: {  	s22 =	ssub.s32 $0x0, s2;
	[sflag:s5] =	ssyncset.done $0x0;
	s8 =	rddreg [dreg:$0x9]  }
0xb4: {  	s4 =	sadd.s32 $0xAD08, s4;
	[sflag:s5] =	ssyncadd.s32 s22;
	s3 =	sadd.s32 s7, s8  }
0xb5: {  	[tilespmem:s4], [sflag:$0xB] =	stream.linear.gather [hbm4b:s3+s9], s2, $0x38;
	[tilespmem:$0x1EF88] =	vst v63  }
0xb6: {  	v1 =	vld.msk [tilespmem:s0+$0x0], $0xffff;
	_ =	sdelay $0x4  }
0xb7: {  	v1 =	vshll.u32 v1, $0x4  }
0xb8: {  	(v2sf) =	vpush v1, $0x0  }
0xb9: {  	(v2sf) =	vpush v1, $0x1  }
0xba: {  	(v2sf) =	vpush v1, $0x2;
	_ =	sdelay $0x3  }
0xbb: {  	(v2sf) =	vpush v1, $0x3;
	_ =	sdelay $0x1  }
0xbc: {  	(v2sf) =	vpush v1, $0x4  }
0xbd: {  	s2 =	simm.s32 $0x1;
	(v2sf) =	vpush v1, $0x5  }
0xbe: {  	s2 =	simm.s32 @!p0 $0x0  }
0xbf: {  	s2 =	smul.u32 $0x28000, s2;
	(v2sf) =	vpush v1, $0x6;
	_ =	sdelay $0x1  }
0xc0: {  	s2 =	sshrl.u32 s2, $0x2  }
0xc1: {  	s28 =	sadd.s32 $0xB708, s2  }
0xc2: {  	s12 =	sadd.s32 $0xFFFFF880, s28;
	s17 =	sadd.s32 $0xFFFFF900, s28;
	s10 =	spop (v2sf);
	(v2sf) =	vpush v1, $0x7  }
0xc3: {  	s18 =	sadd.s32 $0xFFFFF980, s28;
	s11 =	sand.u32 $0x1FFFFFF0, s10;
	s14 =	spop (v2sf)  }
0xc4: {  	(v2sf) =	vpush v1, $0x8;
	s2 =	sadd.s32 s6, s11;
	s15 =	sand.u32 $0x1FFFFFF0, s14;
	s16 =	spop (v2sf)  }
0xc5: {  	[tilespmem:s12], [sflag:$0x9] =	stream.linear.gather [hbm4b:s2+s19], $0x38, $0x38;
	[tilespmem:$0x1EF88] =	vst v63  }
0xc6: {  	s5 =	sadd.s32 $0xFFFFFA00, s28;
	s2 =	sadd.s32 s6, s15;
	s3 =	sand.u32 $0x1FFFFFF0, s16  }
0xc7: {  	(v2sf) =	vpush v1, $0x9;
	[tilespmem:s17], [sflag:$0x9] =	stream.linear.gather [hbm4b:s2+s19], $0x38, $0x38;
	[tilespmem:$0x1EF88] =	vst v63  }
0xc8: {  	s7 =	sadd.s32 $0xFFFFFA80, s28;
	s22 =	spop (v2sf);
	s3 =	sadd.s32 s6, s3  }
0xc9: {  	(v2sf) =	vpush v1, $0xA;
	[tilespmem:s18], [sflag:$0x9] =	stream.linear.gather [hbm4b:s3+s19], $0x38, $0x38;
	[tilespmem:$0x1EF88] =	vst v63  }
0xca: {  	s11 =	sadd.s32 $0xFFFFFB00, s28;
	s4 =	spop (v2sf);
	(v2sf) =	vpush v1, $0xB;
	s3 =	sand.u32 $0x1FFFFFF0, s22  }
0xcb: {  	s8 =	spop (v2sf);
	s2 =	sadd.s32 s6, s3;
	s3 =	sand.u32 $0x1FFFFFF0, s4  }
0xcc: {  	(v2sf) =	vpush v1, $0xC;
	[tilespmem:s5], [sflag:$0x9] =	stream.linear.gather [hbm4b:s2+s19], $0x38, $0x38;
	[tilespmem:$0x1EF88] =	vst v63  }
0xcd: {  	s9 =	sand.u32 $0x1FFFFFF0, s8;
	s10 =	spop (v2sf);
	s3 =	sadd.s32 s6, s3  }
0xce: {  	(v2sf) =	vpush v1, $0xD;
	[tilespmem:s7], [sflag:$0x9] =	stream.linear.gather [hbm4b:s3+s19], $0x38, $0x38;
	[tilespmem:$0x1EF88] =	vst v63  }
0xcf: {  	s12 =	sadd.s32 $0xFFFFFB80, s28;
	s2 =	sadd.s32 s6, s9;
	s3 =	sand.u32 $0x1FFFFFF0, s10  }
0xd0: {  	[tilespmem:s11], [sflag:$0x9] =	stream.linear.gather [hbm4b:s2+s19], $0x38, $0x38;
	[tilespmem:$0x1EF88] =	vst v63  }
0xd1: {  	s17 =	sadd.s32 $0xFFFFFC00, s28;
	s3 =	sadd.s32 s6, s3;
	s14 =	spop (v2sf)  }
0xd2: {  	[tilespmem:s12], [sflag:$0x9] =	stream.linear.gather [hbm4b:s3+s19], $0x38, $0x38;
	(v2sf) =	vpush v1, $0xE;
	[tilespmem:$0x1EF88] =	vst v63  }
0xd3: {  	s18 =	sadd.s32 $0xFFFFFC80, s28;
	s15 =	sand.u32 $0x1FFFFFF0, s14;
	s16 =	spop (v2sf)  }
0xd4: {  	s5 =	sadd.s32 $0xFFFFFD00, s28;
	(v2sf) =	vpush v1, $0xF;
	s2 =	sadd.s32 s6, s15;
	s3 =	sand.u32 $0x1FFFFFF0, s16  }
0xd5: {  	[tilespmem:s17], [sflag:$0x9] =	stream.linear.gather [hbm4b:s2+s19], $0x38, $0x38;
	[tilespmem:$0x1EF88] =	vst v63  }
0xd6: {  	s7 =	sadd.s32 $0xFFFFFD80, s28;
	s22 =	spop (v2sf);
	s3 =	sadd.s32 s6, s3  }
0xd7: {  	[tilespmem:s18], [sflag:$0x9] =	stream.linear.gather [hbm4b:s3+s19], $0x38, $0x38;
	[tilespmem:$0x1EF88] =	vst v63  }
0xd8: {  	s11 =	sadd.s32 $0xFFFFFE00, s28;
	s4 =	spop (v2sf);
	s3 =	sand.u32 $0x1FFFFFF0, s22  }
0xd9: {  	s8 =	spop (v2sf);
	s2 =	sadd.s32 s6, s3;
	s3 =	sand.u32 $0x1FFFFFF0, s4  }
0xda: {  	[tilespmem:s5], [sflag:$0x9] =	stream.linear.gather [hbm4b:s2+s19], $0x38, $0x38;
	[tilespmem:$0x1EF88] =	vst v63  }
0xdb: {  	s9 =	sand.u32 $0x1FFFFFF0, s8;
	s10 =	spop (v2sf);
	s3 =	sadd.s32 s6, s3  }
0xdc: {  	[tilespmem:s7], [sflag:$0x9] =	stream.linear.gather [hbm4b:s3+s19], $0x38, $0x38;
	[tilespmem:$0x1EF88] =	vst v63  }
0xdd: {  	s14 =	spop (v2sf);
	s2 =	sadd.s32 s6, s9;
	s3 =	sand.u32 $0x1FFFFFF0, s10  }
0xde: {  	[tilespmem:s11], [sflag:$0x9] =	stream.linear.gather [hbm4b:s2+s19], $0x38, $0x38;
	[tilespmem:$0x1EF88] =	vst v63  }
0xdf: {  	s12 =	sadd.s32 $0xFFFFFE80, s28;
	s15 =	sand.u32 $0x1FFFFFF0, s14;
	s3 =	sadd.s32 s6, s3  }
0xe0: {  	[tilespmem:s12], [sflag:$0x9] =	stream.linear.gather [hbm4b:s3+s19], $0x38, $0x38;
	[tilespmem:$0x1EF88] =	vst v63  }
0xe1: {  	s17 =	sadd.s32 $0xFFFFFF00, s28;
	s2 =	sadd.s32 s6, s15;
	s16 =	spop (v2sf)  }
0xe2: {  	[tilespmem:s17], [sflag:$0x9] =	stream.linear.gather [hbm4b:s2+s19], $0x38, $0x38;
	[tilespmem:$0x1EF88] =	vst v63  }
0xe3: {  	s29 =	simm.s32 $0x0;
	s3 =	sand.u32 $0x1FFFFFF0, s16;
	s18 =	spop (v2sf)  }
0xe4: {  	s22 =	sadd.s32 $0xFFFFFF80, s28;
	s3 =	sadd.s32 s6, s3;
	s2 =	sand.u32 $0x1FFFFFF0, s18  }
0xe5: {  	[tilespmem:s22], [sflag:$0x9] =	stream.linear.gather [hbm4b:s3+s19], $0x38, $0x38;
	[tilespmem:$0x1EF88] =	vst v63  }
0xe6: {  	s31 =	sadd.s32 $0x10, s0;
	s30 =	sadd.s32 $0x800, s28;
	s2 =	sadd.s32 s6, s2  }
.LBB3_5:
0xe7: {  	[tilespmem:s28], [sflag:$0x9] =	stream.linear.gather [hbm4b:s2+s19], $0x38, $0x38;
	[tilespmem:$0x1EF88] =	vst v63  }
0xe8: {  	s29 =	sadd.s32 $0x10, s29;
	s28 =	smov.u32 s30  }
0xe9: {  	p2 =	slt.u32 s29, $0x130;
	v1 =	vld.msk [tilespmem:s31+$0x0], $0xffff;
	_ =	sdelay $0x4  }
0xea: {  	v1 =	vshll.u32 v1, $0x4  }
0xeb: {  	(v2sf) =	vpush v1, $0x0  }
0xec: {  	(v2sf) =	vpush v1, $0x1  }
0xed: {  	(v2sf) =	vpush v1, $0x2;
	_ =	sdelay $0x1  }
0xee: {  	(v2sf) =	vpush v1, $0x3;
	_ =	sdelay $0x1  }
0xef: {  	(v2sf) =	vpush v1, $0x4;
	_ =	sdelay $0x1  }
0xf0: {  	(v2sf) =	vpush v1, $0x5;
	_ =	sdelay $0x1  }
0xf1: {  	(v2sf) =	vpush v1, $0x6  }
0xf2: {  	s4 =	sadd.s32 $0xFFFFFE80, s30;
	s0 =	sadd.s32 $0xFFFFFF00, s30  }
0xf3: {  	s3 =	sadd.s32 $0xFFFFFD00, s30;
	s2 =	sadd.s32 $0xFFFFFD80, s30;
	s5 =	sadd.s32 $0xFFFFFE00, s30;
	(v2sf) =	vpush v1, $0x7  }
0xf4: {  	s10 =	sadd.s32 $0xFFFFFB80, s30;
	s9 =	sadd.s32 $0xFFFFFC00, s30;
	s16 =	sadd.s32 $0xFFFFFC80, s30  }
0xf5: {  	s11 =	sadd.s32 $0xFFFFFA00, s30;
	s12 =	sadd.s32 $0xFFFFFA80, s30;
	s15 =	sadd.s32 $0xFFFFFB00, s30;
	(v2sf) =	vpush v1, $0x8  }
0xf6: {  	s18 =	sadd.s32 $0xFFFFF900, s30;
	s7 =	sadd.s32 $0xFFFFF980, s30;
	s22 =	spop (v2sf)  }
0xf7: {  	s8 =	sadd.s32 $0xFFFFF880, s30;
	s22 =	sand.u32 $0x1FFFFFF0, s22;
	s14 =	spop (v2sf);
	(v2sf) =	vpush v1, $0x9  }
0xf8: {  	s22 =	sadd.s32 s6, s22;
	s14 =	sand.u32 $0x1FFFFFF0, s14;
	s17 =	spop (v2sf)  }
0xf9: {  	[tilespmem:s8], [sflag:$0x9] =	stream.linear.gather [hbm4b:s22+s19], $0x38, $0x38;
	(v2sf) =	vpush v1, $0xA;
	[tilespmem:$0x1EF88] =	vst v63  }
0xfa: {  	s8 =	sadd.s32 s6, s14;
	s14 =	sand.u32 $0x1FFFFFF0, s17;
	s17 =	spop (v2sf)  }
0xfb: {  	[tilespmem:s18], [sflag:$0x9] =	stream.linear.gather [hbm4b:s8+s19], $0x38, $0x38;
	(v2sf) =	vpush v1, $0xB;
	[tilespmem:$0x1EF88] =	vst v63  }
0xfc: {  	s8 =	sadd.s32 s6, s14;
	s14 =	sand.u32 $0x1FFFFFF0, s17;
	s17 =	spop (v2sf)  }
0xfd: {  	[tilespmem:s7], [sflag:$0x9] =	stream.linear.gather [hbm4b:s8+s19], $0x38, $0x38;
	(v2sf) =	vpush v1, $0xC;
	[tilespmem:$0x1EF88] =	vst v63  }
0xfe: {  	s7 =	sadd.s32 s6, s14;
	s8 =	sand.u32 $0x1FFFFFF0, s17;
	s14 =	spop (v2sf)  }
0xff: {  	[tilespmem:s11], [sflag:$0x9] =	stream.linear.gather [hbm4b:s7+s19], $0x38, $0x38;
	(v2sf) =	vpush v1, $0xD;
	[tilespmem:$0x1EF88] =	vst v63  }
0x100: {  	s7 =	sadd.s32 s6, s8;
	s8 =	sand.u32 $0x1FFFFFF0, s14;
	s11 =	spop (v2sf)  }
0x101: {  	[tilespmem:s12], [sflag:$0x9] =	stream.linear.gather [hbm4b:s7+s19], $0x38, $0x38;
	(v2sf) =	vpush v1, $0xE;
	[tilespmem:$0x1EF88] =	vst v63  }
0x102: {  	s7 =	sadd.s32 s6, s8;
	s8 =	sand.u32 $0x1FFFFFF0, s11;
	s11 =	spop (v2sf)  }
0x103: {  	[tilespmem:s15], [sflag:$0x9] =	stream.linear.gather [hbm4b:s7+s19], $0x38, $0x38;
	(v2sf) =	vpush v1, $0xF;
	[tilespmem:$0x1EF88] =	vst v63  }
0x104: {  	s7 =	sadd.s32 s6, s8;
	s8 =	sand.u32 $0x1FFFFFF0, s11;
	s11 =	spop (v2sf)  }
0x105: {  	[tilespmem:s10], [sflag:$0x9] =	stream.linear.gather [hbm4b:s7+s19], $0x38, $0x38;
	[tilespmem:$0x1EF88] =	vst v63  }
0x106: {  	s7 =	sadd.s32 s6, s8;
	s8 =	sand.u32 $0x1FFFFFF0, s11;
	s10 =	spop (v2sf)  }
0x107: {  	[tilespmem:s9], [sflag:$0x9] =	stream.linear.gather [hbm4b:s7+s19], $0x38, $0x38;
	[tilespmem:$0x1EF88] =	vst v63  }
0x108: {  	s7 =	sadd.s32 s6, s8;
	s8 =	sand.u32 $0x1FFFFFF0, s10;
	s9 =	spop (v2sf)  }
0x109: {  	[tilespmem:s16], [sflag:$0x9] =	stream.linear.gather [hbm4b:s7+s19], $0x38, $0x38;
	[tilespmem:$0x1EF88] =	vst v63  }
0x10a: {  	s7 =	sadd.s32 s6, s8;
	s8 =	sand.u32 $0x1FFFFFF0, s9;
	s9 =	spop (v2sf)  }
0x10b: {  	[tilespmem:s3], [sflag:$0x9] =	stream.linear.gather [hbm4b:s7+s19], $0x38, $0x38;
	[tilespmem:$0x1EF88] =	vst v63  }
0x10c: {  	s3 =	sadd.s32 s6, s8;
	s7 =	sand.u32 $0x1FFFFFF0, s9;
	s8 =	spop (v2sf)  }
0x10d: {  	[tilespmem:s2], [sflag:$0x9] =	stream.linear.gather [hbm4b:s3+s19], $0x38, $0x38;
	[tilespmem:$0x1EF88] =	vst v63  }
0x10e: {  	s2 =	sadd.s32 s6, s7;
	s3 =	sand.u32 $0x1FFFFFF0, s8;
	s7 =	spop (v2sf)  }
0x10f: {  	[tilespmem:s5], [sflag:$0x9] =	stream.linear.gather [hbm4b:s2+s19], $0x38, $0x38;
	[tilespmem:$0x1EF88] =	vst v63  }
0x110: {  	s2 =	sadd.s32 s6, s3;
	s3 =	sand.u32 $0x1FFFFFF0, s7;
	s5 =	spop (v2sf)  }
0x111: {  	[tilespmem:s4], [sflag:$0x9] =	stream.linear.gather [hbm4b:s2+s19], $0x38, $0x38;
	[tilespmem:$0x1EF88] =	vst v63  }
0x112: {  	s2 =	sadd.s32 s6, s3  }
.Ltmp11:
0x113: {  	s3 =	sand.u32 $0x1FFFFFF0, s5;
	s4 =	spop (v2sf);
	(pc) =	sbr.rel @p2 .LBB3_5-.Ltmp11, $4  }
0x114: {  	[tilespmem:s0], [sflag:$0x9] =	stream.linear.gather [hbm4b:s2+s19], $0x38, $0x38;
	[tilespmem:$0x1EF88] =	vst v63  }
0x115: {  	s0 =	sadd.s32 s6, s3;
	s2 =	sadd.s32 $0xFFFFFF80, s30;
	s3 =	sand.u32 $0x1FFFFFF0, s4  }
0x116: {  	[tilespmem:s2], [sflag:$0x9] =	stream.linear.gather [hbm4b:s0+s19], $0x38, $0x38;
	[tilespmem:$0x1EF88] =	vst v63  }
0x117: {  	s31 =	sadd.s32 $0x10, s31;
	s30 =	sadd.s32 $0x800, s30;
	s2 =	sadd.s32 s6, s3  }
0x118: {  	[tilespmem:s28], [sflag:$0x9] =	stream.linear.gather [hbm4b:s2+s19], $0x38, $0x38;
	[tilespmem:$0x1EF88] =	vst v63  }
0x119: {  	s12 =	rddreg [dreg:$0x5]  }
0x11a: {  	s14 =	rddreg [dreg:$0x6]  }
0x11b: {  	s15 =	rddreg [dreg:$0x7]  }
0x11c: {  	s17 =	rddreg [dreg:$0x8]  }
0x11d: {  	s18 =	rddreg [dreg:$0xa]  }
0x11e: {  	s22 =	rddreg [dreg:$0xb]  }
.LBB3_7:
0x11f: {  	p2 =	slt.u32 s25, $0x2  }
.Ltmp12:
0x120: {  	_ = 	snop;
	(pc) =	sbr.rel @p2 .LBB3_25-.Ltmp12, $1  }
0x121: {  	_ =	sdelay $0x3  }
0x122: {  	p2 =	sgt.s32 s26, $0x13740;
	s0 =	smov.u32 s26;
	s2 =	sshra.s32 s26, $0x1F  }
0x123: {  	s0 =	simm.s32 @!p2 $0x13740;
	s2 =	sand.u32 s2, s26  }
0x124: {  	s0 =	ssub.s32 s0, s2  }
0x125: {  	s0 =	sadd.s32 $0xFFFEC8C0, s0  }
0x126: {  	s3 =	simm.s32 $0x9;
	s29 =	sshll.u32 s0, $0x2  }
0x127: {  	_ =	swait.ge [sflag:s3], $0x4600;
	s2 =	ssub.s32 $0x500, s29  }
0x128: {  	[sflag:s3] =	ssyncset.done $0x0;
	p2 =	sgt.s32 s0, $0x13F;
	s0 =	sshrl.u32 s2, $0x2  }
0x129: {  	s30 =	simm.s32 $0xB;
	[sflag:s3] =	ssyncadd.s32 $0xFFFFBA00;
	s0 =	simm.s32 @p2 $0x0  }
0x12a: {  	_ =	swait.ge [sflag:s30], s0  }
0x12b: {  	s0 =	ssub.s32 $0x0, s0;
	[sflag:s30] =	ssyncset.done $0x0  }
0x12c: {  	[sflag:s30] =	ssyncadd.s32 s0  }
0x12d: {  	v1 =	vld [tilespmem:$0xA108];
	_ =	sdelay $0x4  }
0x12e: {  	(v2sf) =	vpush v1, $0x0  }
0x12f: {  	(v2sf) =	vpush v1, $0x1  }
0x130: {  	(v2sf) =	vpush v1, $0x2;
	_ =	sdelay $0x3  }
0x131: {  	s0 =	sadd.s32 $0x140, s26  }
0x132: {  	s4 =	ssub.s32 $0x27100, s26;
	p2 =	slt.s32 s14, s0  }
0x133: {  	s0 =	smov.u32 @p2 s14;
	p2 =	sgt.s32 s4, $0x0  }
0x134: {  	s0 =	ssub.s32 s0, s26;
	s4 =	simm.s32 @!p2 $0x0  }
0x135: {  	p2 =	slt.s32 s4, s0  }
0x136: {  	s0 =	smov.u32 @p2 s4  }
0x137: {  	s2 =	simm.s32 $0x1;
	p2 =	slt.s32 s0, $0x1  }
.Ltmp13:
0x138: {  	s2 =	simm.s32 @!p1 $0x0;
	(pc) =	sbr.rel @p2 .LBB3_12-.Ltmp13, $4  }
0x139: {  	s7 =	smul.u32 $0x500, s2  }
0x13a: {  	s3 =	spop (v2sf)  }
0x13b: {  	s31 =	sshrl.u32 s7, $0x2;
	s5 =	spop (v2sf)  }
0x13c: {  	s28 =	sadd.s32 $0xAD08, s31;
	s26 =	spop (v2sf)  }
0x13d: {  	s4 =	smin.u32 s0, $0x10  }
0x13e: {  	v1 =	vmov s4  }
0x13f: {  	p3 =	sgt.s32 s0, $0x10;
	vm1 =	vgt.u32 v1, v0  }
.Ltmp14:
0x140: {  	_ = 	snop;
	(pc) =	sbr.rel @!p3 .LBB3_11-.Ltmp14, $2  }
0x141: {  	_ =	sdelay $0x2  }
0x142: {  	s9 =	simm.s32 $0x10;
	s10 =	sadd.s32 $0xFFFFFFF0, s0;
	s4 =	smov.u32 s28;
	vm0 =	vmmov vm1  }
.LBB3_10:
0x143: {  	s7 =	smin.u32 s10, $0x10;
	s9 =	sadd.s32 $0x10, s9;
	v1 =	vld.msk [tilespmem:s4+$0x0 ss:$0x1], vm1  }
0x144: {  	v2 =	vmov s7;
	p3 =	slt.s32 s9, s0  }
0x145: {  	vm1 =	vgt.u32 v2, v0  }
.Ltmp15:
0x146: {  	(pc) =	sbr.rel @p3 .LBB3_10-.Ltmp15, $3  }
0x147: {  	_ =	sdelay $0x1  }
0x148: {  	v1 =	vshll.u32 v1, $0x4  }
0x149: {  	s10 =	sadd.s32 $0xFFFFFFF0, s10;
	[tilespmem:s4+$0x0] =	vst.msk vm0, v1;
	s4 =	sadd.s32 $0x10, s4;
	vm0 =	vmmov vm1  }
.LBB3_11:
0x14a: {  	_ =	sdelay $0x4  }
0x14b: {  	v1 =	vld.msk [tilespmem:s4+$0x0 ss:$0x1], vm1;
	_ =	sdelay $0x4  }
0x14c: {  	v1 =	vshll.u32 v1, $0x4  }
0x14d: {  	[tilespmem:s4+$0x0] =	vst.msk vm0, v1  }
.LBB3_12:
0x14e: {  	s4 =	sand.u32 $0x1, s25  }
0x14f: {  	s4 =	smul.u32 $0x140, s4  }
0x150: {  	p3 =	sne.s32 s5, $0xFFFFFFFF  }
0x151: {  	v1 =	vld.msk @!p3 [tilespmem:s4+$0xAD08], $0x1;
	_ =	sdelay $0x4  }
0x152: {  	(v2sf) =	vpush @!p3 v1, $0x0;
	_ =	sdelay $0xc  }
.Ltmp16:
0x153: {  	_ = 	snop;
	(pc) =	sbr.rel @p2 .LBB3_23-.Ltmp16, $4  }
0x154: {  	_ = 	snop  }
0x155: {  	s29 =	spop @!p3 (v2sf)  }
0x156: {  	s31 =	simm.s32 $0xC;
	s26 =	simm.s32 @!p3 $0x0;
	s4 =	smov.u32 s29  }
0x157: {  	[sflag:s31] =	ssyncpa.u1 $0x0;
	s29 =	smov.u32 @p3 s3;
	s4 =	smov.u32 @p3 s5  }
0x158: {  	v1 =	vld.msk [tilespmem:s28+$0x0], $0x1;
	_ =	sdelay $0x4  }
0x159: {  	(v2sf) =	vpush v1, $0x0;
	_ =	sdelay $0xe  }
0x15a: {  	s2 =	smul.u32 $0x28000, s2;
	s5 =	spop (v2sf)  }
0x15b: {  	s31 =	ssub.s32 $0x0, s0;
	p2 =	seq.s32 s29, s5  }
0x15c: {  	s3 =	smov.u32 s29;
	s2 =	sshrl.u32 s2, $0x2;
	p3 =	sgt.s32 @!p2 s29, $0x0  }
0x15d: {  	s30 =	sadd.s32 $0xAFA8, s2;
	s2 =	sadd.s32 $0x1, s31;
	p3 =	por !p3, p2  }
0x15e: {  	s3 =	simm.s32 @p3 $0x0;
	p3 =	seq.s32 s2, $0x0  }
.Ltmp17:
0x15f: {  	_ = 	snop;
	(pc) =	sbr.rel @p3 .LBB3_15-.Ltmp17, $4  }
0x160: {  	_ = 	snop  }
0x161: {  	s0 =	simm.s32 $0x0;
	s9 =	simm.s32 @!p2 $0x1;
	s3 =	smin.u32 @!p2 s3, $0x270F9  }
0x162: {  	s10 =	simm.s32 @!p2 $0x50C8;
	s9 =	smov.u32 @p2 s0;
	s7 =	sand.u32 @!p2 $0x3FFF8, s3  }
0x163: {  	s16 =	sand.u32 @!p2 $0x7, s3;
	s3 =	sadd.s32 $0x1, s28;
	s11 =	sadd.s32 @!p2 s1, s7  }
.LBB3_14:
0x164: {  	s7 =	smov.u32 s9  }
0x165: {  	[tilespmem:s10], [sflag:$0x2] =	stream.linear.gather @!p2 [hbm4b:s11+s16], $0x38, $0x38;
	[tilespmem:$0x1EF88] =	vst v63  }
0x166: {  	s2 =	sadd.s32 $0x1, s2;
	s8 =	smov.u32 s5;
	v1 =	vld.msk [tilespmem:s3+$0x0], $0x1  }
0x167: {  	p3 =	seq.s32 s2, $0x0;
	_ =	sdelay $0x3  }
0x168: {  	(v2sf) =	vpush v1, $0x0;
	_ =	sdelay $0xe  }
0x169: {  	s5 =	spop (v2sf)  }
0x16a: {  	p2 =	seq.s32 s8, s5  }
0x16b: {  	p4 =	sgt.s32 @!p2 s8, $0x0;
	s10 =	sshll.u32 @!p2 s9, $0x8;
	s9 =	sadd.s32 @!p2 $0x1, s9  }
.Ltmp18:
0x16c: {  	p4 =	por !p4, p2;
	s10 =	sshra.s32 @!p2 s10, $0x2;
	(pc) =	sbr.rel @!p3 .LBB3_14-.Ltmp18, $4  }
0x16d: {  	s9 =	smov.u32 @p2 s7;
	s8 =	simm.s32 @p4 $0x0;
	s10 =	sadd.s32 @!p2 $0x50C8, s10  }
0x16e: {  	s7 =	smin.u32 @!p2 s8, $0x270F9  }
0x16f: {  	s8 =	sand.u32 @!p2 $0x3FFF8, s7;
	s16 =	sand.u32 @!p2 $0x7, s7  }
0x170: {  	s3 =	sadd.s32 $0x1, s3;
	s11 =	sadd.s32 @!p2 s1, s8  }
.LBB3_15:
0x171: {  	s2 =	smul.u32 $0xE0, s9  }
0x172: {  	[tilespmem:s10], [sflag:$0x2] =	stream.linear.gather @!p2 [hbm4b:s11+s16], $0x38, $0x38;
	[tilespmem:$0x1EF88] =	vst v63  }
.Ltmp19:
0x173: {  	_ = 	snop;
	(pc) =	sbr.rel .LBB3_16-.Ltmp19, $4  }
0x174: {  	s3 =	simm.s32 $0x2;
	s2 =	sshrl.u32 s2, $0x2  }
0x175: {  	_ =	swait.ge [sflag:s3], s2  }
0x176: {  	s2 =	ssub.s32 $0x0, s2;
	[sflag:s3] =	ssyncset.done $0x0  }
0x177: {  	[sflag:s3] =	ssyncadd.s32 s2;
	s3 =	simm.s32 $0x0  }
.LBB3_17:
0x178: {  	v1 =	vld [tilespmem:s30+$0xFFFFFFE0];
	_ =	sdelay $0x4  }
0x179: {  	[tilespmem:s5+$0x88] =	vst.add.f32.msk $0xffff, v1  }
0x17a: {  	v1 =	vld [tilespmem:s30+$0xFFFFFFF0];
	_ =	sdelay $0x4  }
0x17b: {  	[tilespmem:s5+$0x98] =	vst.add.f32.msk $0xffff, v1  }
0x17c: {  	v1 =	vld [tilespmem:s30+$0x0];
	_ =	sdelay $0x4  }
0x17d: {  	[tilespmem:s5+$0xA8] =	vst.add.f32.msk $0xffff, v1  }
0x17e: {  	v1 =	vld.msk [tilespmem:s30+$0x10], $0xff;
	_ =	sdelay $0x4  }
0x17f: {  	[tilespmem:s5+$0xB8] =	vst.add.f32.msk $0xff, v1  }
.LBB3_21:
0x180: {  	s31 =	sadd.s32 $0x1, s31  }
0x181: {  	p2 =	seq.s32 s31, $0x0  }
.Ltmp20:
0x182: {  	_ = 	snop;
	(pc) =	sbr.rel @p2 .LBB3_22-.Ltmp20, $2  }
0x183: {  	_ =	sdelay $0x2  }
0x184: {  	s30 =	sadd.s32 $0x80, s30;
	s28 =	sadd.s32 $0x1, s28;
	s29 =	smov.u32 s2  }
.LBB3_16:
0x185: {  	v1 =	vld.msk [tilespmem:s28+$0x0], $0x1;
	_ =	sdelay $0x4  }
0x186: {  	(v2sf) =	vpush v1, $0x0;
	_ =	sdelay $0xe  }
0x187: {  	s2 =	spop (v2sf)  }
0x188: {  	p2 =	sne.s32 s29, s2  }
.Ltmp21:
0x189: {  	_ = 	snop;
	(pc) =	sbr.rel @!p2 .LBB3_17-.Ltmp21, $3  }
0x18a: {  	_ =	sdelay $0x1  }
0x18b: {  	s5 =	sshll.u32 s26, $0x8  }
0x18c: {  	s5 =	sshra.s32 s5, $0x2  }
0x18d: {  	p2 =	seq.s32 s29, s4  }
.Ltmp22:
0x18e: {  	_ = 	snop;
	(pc) =	sbr.rel @!p2 .LBB3_19-.Ltmp22, $1  }
0x18f: {  	_ =	sdelay $0x3  }
.Ltmp23:
0x190: {  	s5 =	sadd.s32 $0x88, s5;
	(pc) =	sbr.rel .LBB3_20-.Ltmp23, $4  }
0x191: {  	[spmem:s18] =	stream.linear.scatter [tilespmem:s5], [sflag:$0x1], $0x38, $0x38;
	[tilespmem:$0x1EF88] =	vst v63  }
0x192: {  	_ =	swait.ge [sflag:s13], $0x38  }
0x193: {  	[sflag:s13] =	ssyncset.done $0x0  }
0x194: {  	[sflag:s13] =	ssyncadd.s32 $0xFFFFFFC8  }
.LBB3_19:
0x195: {  	s7 =	sshll.u32 s0, $0x8  }
0x196: {  	s7 =	sshra.s32 s7, $0x2  }
0x197: {  	v1 =	vld [tilespmem:s7+$0x50C8];
	_ =	sdelay $0x4  }
0x198: {  	[tilespmem:s5+$0x88] =	vst.add.f32.msk $0xffff, v1  }
0x199: {  	v1 =	vld [tilespmem:s7+$0x50D8];
	_ =	sdelay $0x4  }
0x19a: {  	[tilespmem:s5+$0x98] =	vst.add.f32.msk $0xffff, v1  }
0x19b: {  	v1 =	vld [tilespmem:s7+$0x50E8];
	_ =	sdelay $0x4  }
0x19c: {  	[tilespmem:s5+$0xA8] =	vst.add.f32.msk $0xffff, v1  }
0x19d: {  	v1 =	vld.msk [tilespmem:s7+$0x50F8], $0xff;
	_ =	sdelay $0x2  }
0x19e: {  	p2 =	sgt.u32 s29, $0x270F9  }
0x19f: {  	s7 =	sand.u32 @!p2 $0x3FFF8, s29  }
0x1a0: {  	s8 =	sadd.s32 $0x88, s5;
	[tilespmem:s5+$0xB8] =	vst.add.f32.msk $0xff, v1;
	s5 =	sadd.s32 @!p2 s1, s7;
	s7 =	sand.u32 @!p2 $0x7, s29  }
0x1a1: {  	[hbm4b:s5+s7] =	stream.linear.scatter @!p2 [tilespmem:s8], [sflag:$0xC], $0x38, $0x38;
	[tilespmem:$0x1EF88] =	vst v63  }
0x1a2: {  	s5 =	simm.s32 $0x0  }
0x1a3: {  	s5 =	simm.s32 @!p2 $0xE0  }
0x1a4: {  	s3 =	sadd.s32 s5, s3  }
.LBB3_20:
0x1a5: {  	s5 =	sadd.s32 $0x1, s26  }
0x1a6: {  	s7 =	smulhi.u32 $0xCCCCCCCD, s5;
	_ =	sdelay $0x1  }
0x1a7: {  	v1 =	vld [tilespmem:s30+$0xFFFFFFE0];
	s7 =	sshrl.u32 s7, $0x8  }
0x1a8: {  	s7 =	smul.u32 $0x140, s7;
	_ =	sdelay $0x1  }
0x1a9: {  	s26 =	ssub.s32 s5, s7  }
0x1aa: {  	s5 =	sshll.u32 s26, $0x6  }
0x1ab: {  	[tilespmem:s5+$0x88] =	vst v1  }
0x1ac: {  	v1 =	vld [tilespmem:s30+$0xFFFFFFF0];
	_ =	sdelay $0x4  }
0x1ad: {  	[tilespmem:s5+$0x98] =	vst v1  }
0x1ae: {  	v1 =	vld [tilespmem:s30+$0x0];
	_ =	sdelay $0x4  }
0x1af: {  	[tilespmem:s5+$0xA8] =	vst v1  }
0x1b0: {  	v1 =	vld.msk [tilespmem:s30+$0x10], $0xff  }
.Ltmp24:
0x1b1: {  	_ = 	snop;
	(pc) =	sbr.rel .LBB3_21-.Ltmp24, $2  }
0x1b2: {  	_ =	sdelay $0x2  }
0x1b3: {  	s0 =	sadd.s32 $0x1, s0;
	[tilespmem:s5+$0xB8] =	vst.msk $0xff, v1  }
.LBB3_23:
.Ltmp25:
0x1b4: {  	(pc) =	sbr.rel .LBB3_24-.Ltmp25, $4  }
0x1b5: {  	_ = 	snop  }
0x1b6: {  	s0 =	simm.s32 $0x2  }
0x1b7: {  	_ =	swait.ge [sflag:s0], $0x0  }
0x1b8: {  	s2 =	smov.u32 s29;
	[sflag:s0] =	ssyncset.done $0x0;
	s0 =	simm.s32 $0x0  }
.LBB3_26:
0x1b9: {  	_ =	sfence.sel $0x180000  }
0x1ba: {  	s0 =	simm.s32 $0x9;
	[bflag:$0x0] =	sbarrier.arrive $0xFFFF  }
0x1bb: {  	s24 =	simm.s32 $0xA;
	[sflag:s0] =	ssyncpa.u1 $0x1  }
0x1bc: {  	s25 =	simm.s32 $0xB;
	[sflag:s24] =	ssyncpa.u1 $0x1  }
0x1bd: {  	s26 =	simm.s32 $0x2;
	[sflag:s25] =	ssyncpa.u1 $0x1  }
0x1be: {  	[sflag:s26] =	ssyncpa.u1 $0x1  }
0x1bf: {  	v0 =	vld [tilespmem:$0xA108];
	_ =	sdelay $0x4  }
0x1c0: {  	(v2sf) =	vpush v0, $0x0  }
0x1c1: {  	(v2sf) =	vpush v0, $0x1;
	_ =	sdelay $0x1  }
0x1c2: {  	(v2sf) =	vpush v0, $0x2;
	_ =	sdelay $0xb  }
0x1c3: {  	s0 =	spop (v2sf)  }
0x1c4: {  	s2 =	spop (v2sf)  }
0x1c5: {  	s3 =	smov.u32 s0;
	p0 =	sne.s32 s0, s2  }
0x1c6: {  	s4 =	spop (v2sf);
	s3 =	simm.s32 @!p0 $0xFFFFFFFF  }
0x1c7: {  	v2 =	vimm.s32 $0x1;
	v3 =	vlaneseq.u32;
	p0 =	seq.s32 s4, $0xFFFFFFFF;
	v1 =	vmov s3  }
0x1c8: {  	s14 =	stileid.u32;
	v0 =	vperm.xlane v0, v2;
	p1 =	sne.s32 @!p0 s0, s2;
	v1 =	vperm.xlane v1, v3  }
0x1c9: {  	vm0 =	vcmask $0x3F04;
	s6 =	simm.s32 $0xA108;
	s0 =	simm.s32 @!p0 $0x1;
	p1 =	por !p1, p0  }
0x1ca: {  	s3 =	sshll.u32 s14, $0x1;
	s2 =	sshll.u32 @!p0 s4, $0x8;
	s0 =	simm.s32 @p1 $0x0;
	v0 =	vsel vm0, v1, v0  }
0x1cb: {  	s5 =	sor.u32 $0x800, s3;
	s2 =	sshra.s32 @!p0 s2, $0x2;
	s0 =	sor.u32 @!p0 s0, s3;
	[tilespmem:$0xA108] =	vst v0  }
0x1cc: {  	[spmem:s5] =	stream.linear.scatter [tilespmem:s6], [sflag:$0x1], $0x2, $0x38;
	[tilespmem:$0x1EF88] =	vst v63  }
0x1cd: {  	s2 =	sadd.s32 @!p0 $0x88, s2;
	s0 =	sshll.u32 @!p0 s0, $0x6  }
0x1ce: {  	[spmem:s0] =	stream.linear.scatter @!p0 [tilespmem:s2], [sflag:$0x1], $0x40, $0x38;
	[tilespmem:$0x1EF88] =	vst v63  }
0x1cf: {  	s0 =	simm.s32 @!p0 $0x42  }
0x1d0: {  	s28 =	simm.s32 $0x1;
	s0 =	simm.s32 @p0 $0x2  }
0x1d1: {  	_ =	swait.ge [sflag:s28], s0  }
0x1d2: {  	s0 =	ssub.s32 $0x0, s0;
	[sflag:s28] =	ssyncset.done $0x0  }
0x1d3: {  	p0 =	sne.s32 s14, $0x0;
	[sflag:s28] =	ssyncadd.s32 s0  }
.Ltmp26:
0x1d4: {  	_ =	sfence.stream.spmem;
	(pc) =	sbr.rel @p0 .LBB3_43-.Ltmp26, $4  }
0x1d5: {  	s29 =	simm.s32 $0x3;
	[bflag:$0x0] =	sbarrier.arrive $0xFFFF  }
0x1d6: {  	s30 =	simm.s32 $0x4;
	[sflag:s29] =	ssyncpa.u1 $0x1  }
0x1d7: {  	s31 =	simm.s32 $0x3C;
	[sflag:s30] =	ssyncpa.u1 $0x1  }
0x1d8: {  	s13 =	rddreg [dreg:$0x4];
	[sflag:s31] =	ssyncpa.u1 $0x1  }
0x1d9: {  	_ =	sfence.stream.spmem;
	s0 =	simm.s32 $0x5  }
0x1da: {  	s2 =	simm.s32 $0x800;
	s3 =	simm.s32 $0xA118;
	[sflag:s0] =	ssyncpa.u1 $0x0  }
0x1db: {  	[tilespmem:s3], [sflag:$0x5] =	stream.linear.gather [spmem:s2], $0x20, $0x38;
	[tilespmem:$0x1EF88] =	vst v63  }
0x1dc: {  	s26 =	simm.s32 $0x0;
	s28 =	simm.s32 $0xA138  }
0x1dd: {  	[tilespmem:s28], [sflag:$0x5] =	stream.linear.gather [spmem:s26], $0x800, $0x38;
	[tilespmem:$0x1EF88] =	vst v63  }
0x1de: {  	_ =	swait.ge [sflag:s0], $0x820  }
0x1df: {  	[sflag:s0] =	ssyncset.done $0x0  }
0x1e0: {  	s29 =	simm.s32 $0x0;
	[sflag:s0] =	ssyncadd.s32 $0xFFFFF7E0  }
0x1e1: {  	v0 =	vld.msk [tilespmem:s29+$0xA118], $0x1;
	_ =	sdelay $0x1  }
0x1e2: {  	s30 =	simm.s32 $0x1  }
0x1e3: {  	v1 =	vld.msk [tilespmem:s30+$0xA118], $0x1;
	_ =	sdelay $0x1  }
0x1e4: {  	(v2sf) =	vpush v0, $0x0;
	_ =	sdelay $0x2  }
0x1e5: {  	(v2sf) =	vpush v1, $0x0;
	_ =	sdelay $0x2  }
0x1e6: {  	s31 =	simm.s32 $0x2  }
0x1e7: {  	v0 =	vld.msk [tilespmem:s31+$0xA118], $0x1;
	_ =	sdelay $0x2  }
0x1e8: {  	s2 =	simm.s32 $0xFFFFFFFF;
	s3 =	simm.s32 $0xFFFFFFFF;
	s0 =	simm.s32 $0xC  }
.LBB3_28:
0x1e9: {  	s4 =	smov.u32 s3;
	s5 =	smov.u32 s2  }
0x1ea: {  	s2 =	sshra.s32 s0, $0x2;
	p1 =	sne.s32 s0, $0x7C;
	s0 =	sadd.s32 $0x4, s0;
	(v2sf) =	vpush v0, $0x0  }
0x1eb: {  	v0 =	vld.msk [tilespmem:s2+$0xA118], $0x1  }
.Ltmp27:
0x1ec: {  	(pc) =	sbr.rel @p1 .LBB3_28-.Ltmp27, $4  }
0x1ed: {  	s3 =	spop (v2sf)  }
0x1ee: {  	p2 =	sne.s32 s5, $0xFFFFFFFF;
	s2 =	smov.u32 s3  }
0x1ef: {  	p3 =	seq.s32 s3, $0xFFFFFFFF;
	s2 =	smov.u32 @p2 s5  }
0x1f0: {  	s3 =	smov.u32 @p3 s4;
	s2 =	smov.u32 @p3 s5  }
0x1f1: {  	(v2sf) =	vpush v0, $0x0;
	_ =	sdelay $0x8  }
0x1f2: {  	s0 =	spop (v2sf)  }
0x1f3: {  	p1 =	sne.s32 s2, $0xFFFFFFFF;
	s4 =	smov.u32 s0  }
0x1f4: {  	s6 =	simm.s32 $0x0;
	p2 =	seq.s32 s0, $0xFFFFFFFF;
	s4 =	smov.u32 @p1 s2  }
0x1f5: {  	s9 =	simm.s32 $0xA0C8;
	s4 =	smov.u32 @p2 s2;
	s2 =	spop (v2sf)  }
0x1f6: {  	s0 =	smov.u32 @p2 s3;
	p1 =	sne.s32 s4, $0xFFFFFFFF;
	s5 =	smov.u32 s2  }
.Ltmp28:
0x1f7: {  	p2 =	seq.s32 s2, $0xFFFFFFFF;
	s5 =	smov.u32 @p1 s4;
	(pc) =	sbr.rel .LBB3_30-.Ltmp28, $4  }
0x1f8: {  	s10 =	simm.s32 $0x0;
	s5 =	smov.u32 @p2 s4;
	s7 =	spop (v2sf)  }
0x1f9: {  	s2 =	smov.u32 @p2 s0;
	p1 =	sne.s32 s5, $0xFFFFFFFF;
	s8 =	smov.u32 s7  }
0x1fa: {  	s0 =	simm.s32 $0x6;
	p2 =	seq.s32 s7, $0xFFFFFFFF;
	s8 =	smov.u32 @p1 s5  }
0x1fb: {  	[sflag:s0] =	ssyncpa.u1 $0x0;
	s7 =	smov.u32 @p2 s2;
	s8 =	smov.u32 @p2 s5  }
.LBB3_36:
0x1fc: {  	p1 =	sgt.u32 s2, $0x270F9  }
0x1fd: {  	p2 =	seq.s32 @!p1 s2, s8  }
0x1fe: {  	p1 =	por p1, p2  }
0x1ff: {  	p2 =	sne.s32 @!p1 s2, s7  }
0x200: {  	p1 =	por p1, !p2  }
0x201: {  	s2 =	sshll.u32 @p1 s10, $0x8  }
0x202: {  	s3 =	sand.u32 @!p1 $0x3FFF8, s2  }
0x203: {  	s2 =	sand.u32 @!p1 $0x7, s2;
	s3 =	sadd.s32 @!p1 s1, s3  }
0x204: {  	[tilespmem:s9], [sflag:$0x6] =	stream.linear.gather @!p1 [hbm4b:s3+s2], $0x38, $0x38;
	[tilespmem:$0x1EF88] =	vst v63  }
0x205: {  	_ =	swait.ge @!p1 [sflag:s0], $0x38  }
0x206: {  	[sflag:s0] =	ssyncset.done @!p1 $0x0  }
0x207: {  	[sflag:s0] =	ssyncadd.s32 @!p1 $0xFFFFFFC8  }
0x208: {  	v1 =	vld @!p1 [tilespmem:$0xA0C8];
	_ =	sdelay $0x2  }
0x209: {  	s2 =	sshll.u32 @!p1 s10, $0x8  }
0x20a: {  	s3 =	sshrl.u32 @!p1 s2, $0x2  }
0x20b: {  	[tilespmem:s3+$0xA138] =	vst.add.f32.msk @!p1 $0xffff, v1  }
0x20c: {  	v1 =	vld @!p1 [tilespmem:$0xA0D8];
	_ =	sdelay $0x4  }
0x20d: {  	[tilespmem:s3+$0xA148] =	vst.add.f32.msk @!p1 $0xffff, v1  }
0x20e: {  	v1 =	vld @!p1 [tilespmem:$0xA0E8];
	_ =	sdelay $0x4  }
0x20f: {  	[tilespmem:s3+$0xA158] =	vst.add.f32.msk @!p1 $0xffff, v1  }
0x210: {  	v1 =	vld @!p1 [tilespmem:$0xA0F8];
	_ =	sdelay $0x4  }
0x211: {  	[tilespmem:s3+$0xA168] =	vst.add.f32.msk @!p1 $0xffff, v1  }
0x212: {  	s2 =	sshrl.u32 s2, $0x2;
	[tilespmem:s6+$0xA118] =	vst.msk $0x1, v0  }
0x213: {  	v0 =	vld [tilespmem:s2+$0xA138];
	_ =	sdelay $0x2  }
0x214: {  	s31 =	sshll.u32 s6, $0x8  }
0x215: {  	s3 =	sshra.s32 s31, $0x2  }
0x216: {  	[tilespmem:s3+$0xA138] =	vst v0  }
0x217: {  	v0 =	vld [tilespmem:s2+$0xA148];
	_ =	sdelay $0x4  }
0x218: {  	[tilespmem:s3+$0xA148] =	vst v0  }
0x219: {  	v0 =	vld [tilespmem:s2+$0xA158];
	_ =	sdelay $0x4  }
0x21a: {  	[tilespmem:s3+$0xA158] =	vst v0  }
0x21b: {  	v0 =	vld [tilespmem:s2+$0xA168];
	_ =	sdelay $0x4  }
0x21c: {  	s6 =	sadd.s32 $0x1, s6;
	[tilespmem:s3+$0xA168] =	vst v0  }
.LBB3_37:
0x21d: {  	s10 =	sadd.s32 $0x1, s10  }
0x21e: {  	p1 =	sne.s32 s10, $0x20  }
.Ltmp29:
0x21f: {  	_ = 	snop;
	(pc) =	sbr.rel @!p1 .LBB3_38-.Ltmp29, $1  }
0x220: {  	_ =	sdelay $0x3  }
.LBB3_30:
0x221: {  	v0 =	vld.msk [tilespmem:s10+$0xA118], $0x1;
	_ =	sdelay $0x4  }
0x222: {  	(v2sf) =	vpush v0, $0x0;
	_ =	sdelay $0xe  }
0x223: {  	s2 =	spop (v2sf)  }
0x224: {  	p1 =	seq.s32 s2, $0xFFFFFFFF  }
.Ltmp30:
0x225: {  	_ = 	snop;
	(pc) =	sbr.rel @p1 .LBB3_37-.Ltmp30, $1  }
0x226: {  	_ =	sdelay $0x3  }
0x227: {  	p1 =	slt.s32 s6, $0x1  }
.Ltmp31:
0x228: {  	_ = 	snop;
	(pc) =	sbr.rel @p1 .LBB3_36-.Ltmp31, $1  }
0x229: {  	_ =	sdelay $0x3  }
0x22a: {  	s3 =	simm.s32 $0xA118;
	p1 =	por $0x0, $0x0  }
0x22b: {  	v1 =	vld.msk @!p1 [tilespmem:s3+$0x0], $0x1;
	_ =	sdelay $0x4  }
0x22c: {  	(v2sf) =	vpush @!p1 v1, $0x0;
	_ =	sdelay $0xd  }
0x22d: {  	p3 =	sne.s32 s6, $0x1  }
.Ltmp32:
0x22e: {  	s4 =	spop @!p1 (v2sf);
	(pc) =	sbr.rel @!p3 .LBB3_34-.Ltmp32, $4  }
0x22f: {  	p2 =	seq.s32 @!p1 s2, s4  }
0x230: {  	s4 =	simm.s32 $0x0;
	p2 =	por !p2, p1  }
0x231: {  	s11 =	simm.s32 $0xFFFFFFFF;
	s4 =	simm.s32 @p2 $0xFFFFFFFF  }
0x232: {  	s5 =	simm.s32 $0x1;
	s4 =	smov.u32 @p1 s11  }
.LBB3_33:
0x233: {  	s11 =	smov.u32 s4;
	p1 =	sne.s32 s4, $0xFFFFFFFF  }
0x234: {  	s3 =	sadd.s32 $0x1, s3;
	s4 =	smov.u32 s5;
	s5 =	sadd.s32 $0x1, s5  }
0x235: {  	p2 =	sne.s32 s6, s5;
	v1 =	vld.msk @!p1 [tilespmem:s3+$0x0], $0x1;
	_ =	sdelay $0x4  }
0x236: {  	(v2sf) =	vpush @!p1 v1, $0x0;
	_ =	sdelay $0xe  }
.Ltmp33:
0x237: {  	s12 =	spop @!p1 (v2sf);
	(pc) =	sbr.rel @p2 .LBB3_33-.Ltmp33, $4  }
0x238: {  	p3 =	seq.s32 @!p1 s2, s12  }
0x239: {  	p3 =	por !p3, p1  }
0x23a: {  	s4 =	simm.s32 @p3 $0xFFFFFFFF  }
0x23b: {  	s4 =	smov.u32 @p1 s11  }
.LBB3_34:
0x23c: {  	p1 =	seq.s32 s4, $0xFFFFFFFF  }
.Ltmp34:
0x23d: {  	_ = 	snop;
	(pc) =	sbr.rel @p1 .LBB3_36-.Ltmp34, $1  }
0x23e: {  	_ =	sdelay $0x3  }
0x23f: {  	s2 =	sshll.u32 s10, $0x6  }
0x240: {  	s2 =	sand.u32 $0x3FFFFFC0, s2  }
0x241: {  	v0 =	vld [tilespmem:s2+$0xA138];
	_ =	sdelay $0x2  }
0x242: {  	s3 =	sshll.u32 s4, $0x8  }
0x243: {  	s3 =	sshra.s32 s3, $0x2  }
0x244: {  	[tilespmem:s3+$0xA138] =	vst.add.f32.msk $0xffff, v0  }
0x245: {  	v0 =	vld [tilespmem:s2+$0xA148];
	_ =	sdelay $0x4  }
0x246: {  	[tilespmem:s3+$0xA148] =	vst.add.f32.msk $0xffff, v0  }
0x247: {  	v0 =	vld [tilespmem:s2+$0xA158];
	_ =	sdelay $0x4  }
0x248: {  	[tilespmem:s3+$0xA158] =	vst.add.f32.msk $0xffff, v0  }
0x249: {  	v0 =	vld [tilespmem:s2+$0xA168]  }
.Ltmp35:
0x24a: {  	_ = 	snop;
	(pc) =	sbr.rel .LBB3_37-.Ltmp35, $2  }
0x24b: {  	_ =	sdelay $0x2  }
0x24c: {  	[tilespmem:s3+$0xA168] =	vst.add.f32.msk $0xffff, v0  }
.LBB3_38:
0x24d: {  	s0 =	simm.s32 $0x6;
	p1 =	seq.s32 s6, $0x0  }
0x24e: {  	[sflag:s0] =	ssyncpa.u1 $0x1;
	v0 =	vimm.s32 @p1 $0xFFFFFFFF  }
0x24f: {  	s0 =	sadd.s32 $0xFFFFFFFF, s6;
	[tilespmem:$0xA938] =	vst @p1 v0  }
0x250: {  	v0 =	vld.msk @!p1 [tilespmem:s0+$0xA118], $0x1;
	_ =	sdelay $0x1  }
0x251: {  	v1 =	vld.msk @!p1 [tilespmem:$0xA118], $0x1;
	_ =	sdelay $0x2  }
0x252: {  	p2 =	seq.s32 @!p1 s0, $0x0;
	v0 =	vbroadcast @!p1 v0, $0x0  }
0x253: {  	vm0 =	vmmov @!p1 $0x1;
	p2 =	por !p2, p1  }
0x254: {  	v1 =	vnsel @!p1 vm0, $0xFFFFFFFF, v1;
	vm0 =	vcmask @!p1 $0x308;
	v0 =	vpsel !p2, $0xFFFFFFFF, v0  }
0x255: {  	p2 =	sne.s32 @!p1 s8, s7;
	v0 =	vsel @!p1 vm0, v1, v0  }
0x256: {  	s2 =	simm.s32 @!p1 $0xA138;
	s3 =	simm.s32 @!p1 $0x0;
	p3 =	por !p2, p1;
	[tilespmem:$0xA938] =	vst @!p1 v0  }
0x257: {  	[spmem:s3] =	stream.linear.scatter @!p1 [tilespmem:s2], [sflag:$0x1], $0x40, $0x38;
	[tilespmem:$0x1EF88] =	vst v63  }
0x258: {  	s2 =	sshll.u32 @!p3 s0, $0x8  }
0x259: {  	s2 =	sshra.s32 @!p3 s2, $0x2  }
0x25a: {  	s3 =	simm.s32 @!p3 $0x40;
	s2 =	sadd.s32 @!p3 $0xA138, s2  }
0x25b: {  	[spmem:s3] =	stream.linear.scatter @!p3 [tilespmem:s2], [sflag:$0x1], $0x40, $0x38;
	[tilespmem:$0x1EF88] =	vst v63  }
0x25c: {  	s2 =	simm.s32 @!p3 $0x1  }
0x25d: {  	_ =	swait.ge @!p3 [sflag:s2], $0x80  }
0x25e: {  	p1 =	por p2, p1;
	[sflag:s2] =	ssyncset.done @!p3 $0x0  }
0x25f: {  	[sflag:s2] =	ssyncadd.s32 @!p3 $0xFFFFFF80;
	s2 =	simm.s32 @!p1 $0x1  }
0x260: {  	_ =	swait.ge @!p1 [sflag:s2], $0x40  }
0x261: {  	s29 =	simm.s32 $0xA938;
	[sflag:s2] =	ssyncset.done @!p1 $0x0  }
0x262: {  	s30 =	simm.s32 $0x800;
	s31 =	simm.s32 $0x1;
	[sflag:s2] =	ssyncadd.s32 @!p1 $0xFFFFFFC0  }
0x263: {  	[spmem:s30] =	stream.linear.scatter [tilespmem:s29], [sflag:$0x1], $0x10, $0x38;
	[tilespmem:$0x1EF88] =	vst v63  }
0x264: {  	_ =	swait.ge [sflag:s31], $0x10  }
0x265: {  	[sflag:s31] =	ssyncset.done $0x0  }
0x266: {  	p1 =	seq.s32 s13, $0x0;
	s9 =	rddreg [dreg:$0x1];
	[sflag:s31] =	ssyncadd.s32 $0xFFFFFFF0  }
0x267: {  	s3 =	sshll.u32 @p1 s9, $0xE;
	s8 =	rddreg [dreg:$0x2]  }
0x268: {  	s2 =	sadd.s32 @p1 $0x15C3C, s3;
	s3 =	sshll.u32 @p1 s8, $0x11  }
0x269: {  	_ =	sfence.stream.spmem;
	s2 =	sor.u32 @p1 s3, s2  }
0x26a: {  	[sflag:s2] =	ssyncadd.remote.s32 @p1 $0x1;
	s2 =	simm.s32 @p1 $0x4  }
0x26b: {  	s4 =	simm.s32 @!p1 $0x3C;
	s3 =	sand.u32 $0xFFFFFFFE, s9;
	_ =	swait.ge @p1 [sflag:s2], $0x12  }
0x26c: {  	s5 =	simm.s32 @!p1 $0x0;
	s3 =	sadd.s32 @!p1 $0x4, s3;
	[sflag:s2] =	ssyncset.done @p1 $0x0  }
0x26d: {  	s7 =	simm.s32 @!p1 $0x80;
	[sflag:s2] =	ssyncadd.s32 @p1 $0xFFFFFFEE;
	s2 =	sshll.u32 @!p1 s3, $0x1A  }
0x26e: {  	s3 =	sshll.u32 @!p1 s3, $0xD;
	s2 =	sor.u32 @!p1 s2, s8;
	_ =	swait.eq @!p1 [sflag:s4], $0x1  }
0x26f: {  	s3 =	sor.u32 @!p1 $0x1C04, s3;
	s4 =	simm.s32 @!p1 $0x1C03;
	s2 =	sor.u32 @!p1 $0x80004000, s2  }
0x270: {  	[spmem:s7], [sflag:s3] =	dma.general @!p1 [spmem:s5], [sflag:s4], length:$0x10, [dreg:$0x0], stride_count:$0x0, ici_dest:s2, dma_misc:DstOpCode:WRITE  }
0x271: {  	p2 =	slt.s32 s0, $0x2;
	s5 =	simm.s32 @!p1 $0x100;
	s7 =	simm.s32 @!p1 $0x102  }
0x272: {  	[spmem:s7], [sflag:s3] =	dma.general @!p1 [spmem:s5], [sflag:s4], length:$0x2, [dreg:$0x0], stride_count:$0x0, ici_dest:s2, dma_misc:DstOpCode:WRITE  }
.Ltmp36:
0x273: {  	s2 =	simm.s32 @!p1 $0x3;
	(pc) =	sbr.rel @p2 .LBB3_42-.Ltmp36, $4  }
0x274: {  	s3 =	sshll.u32 @!p1 s9, $0xE;
	_ =	swait.ge @!p1 [sflag:s2], $0x12  }
0x275: {  	s4 =	sshll.u32 @!p1 s8, $0x11;
	s3 =	sadd.s32 @!p1 $0x11C3C, s3;
	[sflag:s2] =	ssyncset.done @!p1 $0x0  }
0x276: {  	[sflag:s2] =	ssyncadd.s32 @!p1 $0xFFFFFFEE;
	s2 =	sor.u32 @!p1 s4, s3  }
0x277: {  	s0 =	simm.s32 $0x0;
	[sflag:s2] =	ssyncadd.remote.s32 @!p1 $0xFFFFFFFF  }
0x278: {  	s0 =	simm.s32 $0xA119  }
0x279: {  	v0 =	vld.msk [tilespmem:s0+$0x0], $0x1;
	_ =	sdelay $0x4  }
0x27a: {  	(v2sf) =	vpush v0, $0x0;
	_ =	sdelay $0xc  }
0x27b: {  	s2 =	sadd.s32 $0xFFFFFFFE, s6  }
0x27c: {  	s2 =	sadd.s32 $0xFFFFFFFF, s2  }
0x27d: {  	p2 =	sne.s32 s2, $0x0;
	s3 =	spop (v2sf)  }
.Ltmp37:
0x27e: {  	p1 =	sgt.u32 s3, $0x270F9;
	(pc) =	sbr.rel @!p2 .LBB3_41-.Ltmp37, $4  }
0x27f: {  	s5 =	simm.s32 $0x0;
	s4 =	sand.u32 @!p1 $0x3FFF8, s3  }
0x280: {  	s0 =	simm.s32 $0xA178;
	s3 =	sand.u32 @!p1 $0x7, s3;
	s4 =	sadd.s32 @!p1 s1, s4  }
0x281: {  	[hbm4b:s4+s3] =	stream.linear.scatter @!p1 [tilespmem:s0], [sflag:$0x5], $0x38, $0x38;
	[tilespmem:$0x1EF88] =	vst v63  }
0x282: {  	s5 =	simm.s32 @!p1 $0xE0;
	s3 =	simm.s32 $0x0;
	s4 =	simm.s32 $0xA11A  }
.LBB3_40:
0x283: {  	v0 =	vld.msk [tilespmem:s4+$0x0], $0x1;
	s2 =	sadd.s32 $0xFFFFFFFF, s2;
	s3 =	sadd.s32 s3, s5  }
0x284: {  	p1 =	sne.s32 s2, $0x0;
	_ =	sdelay $0x3  }
0x285: {  	(v2sf) =	vpush v0, $0x0;
	_ =	sdelay $0xe  }
.Ltmp38:
0x286: {  	s6 =	spop (v2sf);
	(pc) =	sbr.rel @p1 .LBB3_40-.Ltmp38, $4  }
0x287: {  	s5 =	simm.s32 $0x0;
	p2 =	sgt.u32 s6, $0x270F9  }
0x288: {  	s0 =	sadd.s32 $0x40, s0;
	s5 =	simm.s32 @!p2 $0xE0;
	s7 =	sand.u32 @!p2 $0x3FFF8, s6  }
0x289: {  	s4 =	sadd.s32 $0x1, s4;
	s6 =	sand.u32 @!p2 $0x7, s6;
	s7 =	sadd.s32 @!p2 s1, s7  }
0x28a: {  	[hbm4b:s7+s6] =	stream.linear.scatter @!p2 [tilespmem:s0], [sflag:$0x5], $0x38, $0x38;
	[tilespmem:$0x1EF88] =	vst v63  }
.LBB3_41:
0x28b: {  	s0 =	sadd.s32 s3, s5  }
0x28c: {  	s0 =	sshrl.u32 s0, $0x2  }
.LBB3_42:
0x28d: {  	s2 =	simm.s32 $0x5  }
0x28e: {  	_ =	swait.ge [sflag:s2], s0  }
0x28f: {  	s31 =	ssub.s32 $0x0, s0;
	[sflag:s2] =	ssyncset.done $0x0  }
0x290: {  	[sflag:s2] =	ssyncadd.s32 s31  }
0x291: {  	[sflag:s2] =	ssyncpa.u1 $0x1  }
.LBB3_43:
0x292: {  	s0 =	sor.u32 s13, s14  }
0x293: {  	p1 =	sne.s32 s0, $0x0  }
.Ltmp39:
0x294: {  	_ = 	snop;
	(pc) =	sbr.rel @p1 .LBB3_58-.Ltmp39, $3  }
0x295: {  	_ =	sdelay $0x1  }
0x296: {  	[bflag:$0x0] =	sbarrier.arrive $0xFFFF  }
0x297: {  	_ =	sfence  }
0x298: {  	s2 =	simm.s32 $0x7  }
0x299: {  	s0 =	simm.s32 $0x800;
	s3 =	simm.s32 $0xA118;
	[sflag:s2] =	ssyncpa.u1 $0x0  }
0x29a: {  	[tilespmem:s3], [sflag:$0x7] =	stream.linear.gather [spmem:s0], $0x20, $0x38;
	[tilespmem:$0x1EF88] =	vst v63  }
0x29b: {  	s30 =	simm.s32 $0xA138;
	s0 =	simm.s32 $0x0  }
0x29c: {  	[tilespmem:s30], [sflag:$0x7] =	stream.linear.gather [spmem:s0], $0x800, $0x38;
	[tilespmem:$0x1EF88] =	vst v63  }
.Ltmp40:
0x29d: {  	_ = 	snop;
	(pc) =	sbr.rel .LBB3_45-.Ltmp40, $4  }
0x29e: {  	_ =	swait.ge [sflag:s2], $0x820  }
0x29f: {  	[sflag:s2] =	ssyncset.done $0x0  }
0x2a0: {  	s31 =	simm.s32 $0x8;
	[sflag:s2] =	ssyncadd.s32 $0xFFFFF7E0  }
0x2a1: {  	s2 =	simm.s32 $0x0;
	[sflag:s31] =	ssyncpa.u1 $0x0  }
.LBB3_51:
0x2a2: {  	p1 =	slt.u32 s3, $0x270FA  }
0x2a3: {  	s4 =	sand.u32 @p1 $0x3FFF8, s3  }
0x2a4: {  	s3 =	sand.u32 @p1 $0x7, s3;
	s5 =	simm.s32 @p1 $0xA0C8;
	s4 =	sadd.s32 @p1 s1, s4  }
0x2a5: {  	[tilespmem:s5], [sflag:$0x8] =	stream.linear.gather @p1 [hbm4b:s4+s3], $0x38, $0x38;
	[tilespmem:$0x1EF88] =	vst v63  }
0x2a6: {  	s3 =	simm.s32 @p1 $0x8  }
0x2a7: {  	_ =	swait.ge @p1 [sflag:s3], $0x38  }
0x2a8: {  	[sflag:s3] =	ssyncset.done @p1 $0x0  }
0x2a9: {  	[sflag:s3] =	ssyncadd.s32 @p1 $0xFFFFFFC8  }
0x2aa: {  	v1 =	vld @p1 [tilespmem:$0xA0C8];
	_ =	sdelay $0x2  }
0x2ab: {  	s3 =	sshll.u32 @p1 s2, $0x8  }
0x2ac: {  	s4 =	sshrl.u32 @p1 s3, $0x2  }
0x2ad: {  	[tilespmem:s4+$0xA138] =	vst.add.f32.msk @p1 $0xffff, v1  }
0x2ae: {  	v1 =	vld @p1 [tilespmem:$0xA0D8];
	_ =	sdelay $0x4  }
0x2af: {  	[tilespmem:s4+$0xA148] =	vst.add.f32.msk @p1 $0xffff, v1  }
0x2b0: {  	v1 =	vld @p1 [tilespmem:$0xA0E8];
	_ =	sdelay $0x4  }
0x2b1: {  	[tilespmem:s4+$0xA158] =	vst.add.f32.msk @p1 $0xffff, v1  }
0x2b2: {  	v1 =	vld @p1 [tilespmem:$0xA0F8];
	_ =	sdelay $0x3  }
0x2b3: {  	s5 =	sshll.u32 @!p1 s2, $0x8  }
0x2b4: {  	s5 =	smov.u32 @p1 s3;
	[tilespmem:s4+$0xA168] =	vst.add.f32.msk @p1 $0xffff, v1  }
0x2b5: {  	s3 =	sshrl.u32 s5, $0x2;
	[tilespmem:s0+$0xA118] =	vst.msk $0x1, v0  }
0x2b6: {  	v0 =	vld [tilespmem:s3+$0xA138];
	_ =	sdelay $0x2  }
0x2b7: {  	s31 =	sshll.u32 s0, $0x8  }
0x2b8: {  	s4 =	sshra.s32 s31, $0x2  }
0x2b9: {  	[tilespmem:s4+$0xA138] =	vst v0  }
0x2ba: {  	v0 =	vld [tilespmem:s3+$0xA148];
	_ =	sdelay $0x4  }
0x2bb: {  	[tilespmem:s4+$0xA148] =	vst v0  }
0x2bc: {  	v0 =	vld [tilespmem:s3+$0xA158];
	_ =	sdelay $0x4  }
0x2bd: {  	[tilespmem:s4+$0xA158] =	vst v0  }
0x2be: {  	v0 =	vld [tilespmem:s3+$0xA168];
	_ =	sdelay $0x4  }
0x2bf: {  	s0 =	sadd.s32 $0x1, s0;
	[tilespmem:s4+$0xA168] =	vst v0  }
.LBB3_52:
0x2c0: {  	s2 =	sadd.s32 $0x1, s2  }
0x2c1: {  	p1 =	sne.s32 s2, $0x20  }
.Ltmp41:
0x2c2: {  	_ = 	snop;
	(pc) =	sbr.rel @!p1 .LBB3_53-.Ltmp41, $1  }
0x2c3: {  	_ =	sdelay $0x3  }
.LBB3_45:
0x2c4: {  	v0 =	vld.msk [tilespmem:s2+$0xA118], $0x1;
	_ =	sdelay $0x4  }
0x2c5: {  	(v2sf) =	vpush v0, $0x0;
	_ =	sdelay $0xe  }
0x2c6: {  	s3 =	spop (v2sf)  }
0x2c7: {  	p1 =	seq.s32 s3, $0xFFFFFFFF  }
.Ltmp42:
0x2c8: {  	_ = 	snop;
	(pc) =	sbr.rel @p1 .LBB3_52-.Ltmp42, $1  }
0x2c9: {  	_ =	sdelay $0x3  }
0x2ca: {  	p1 =	slt.s32 s0, $0x1  }
.Ltmp43:
0x2cb: {  	_ = 	snop;
	(pc) =	sbr.rel @p1 .LBB3_51-.Ltmp43, $1  }
0x2cc: {  	_ =	sdelay $0x3  }
0x2cd: {  	s4 =	simm.s32 $0xA118;
	p1 =	por $0x0, $0x0  }
0x2ce: {  	v1 =	vld.msk @!p1 [tilespmem:s4+$0x0], $0x1;
	_ =	sdelay $0x4  }
0x2cf: {  	(v2sf) =	vpush @!p1 v1, $0x0;
	_ =	sdelay $0xd  }
0x2d0: {  	p3 =	sne.s32 s0, $0x1  }
.Ltmp44:
0x2d1: {  	s5 =	spop @!p1 (v2sf);
	(pc) =	sbr.rel @!p3 .LBB3_49-.Ltmp44, $4  }
0x2d2: {  	p2 =	seq.s32 @!p1 s3, s5  }
0x2d3: {  	s5 =	simm.s32 $0x0;
	p2 =	por !p2, p1  }
0x2d4: {  	s7 =	simm.s32 $0xFFFFFFFF;
	s5 =	simm.s32 @p2 $0xFFFFFFFF  }
0x2d5: {  	s6 =	simm.s32 $0x1;
	s5 =	smov.u32 @p1 s7  }
.LBB3_48:
0x2d6: {  	s7 =	smov.u32 s5;
	p1 =	sne.s32 s5, $0xFFFFFFFF  }
0x2d7: {  	s4 =	sadd.s32 $0x1, s4;
	s5 =	smov.u32 s6;
	s6 =	sadd.s32 $0x1, s6  }
0x2d8: {  	p2 =	sne.s32 s0, s6;
	v1 =	vld.msk @!p1 [tilespmem:s4+$0x0], $0x1;
	_ =	sdelay $0x4  }
0x2d9: {  	(v2sf) =	vpush @!p1 v1, $0x0;
	_ =	sdelay $0xe  }
.Ltmp45:
0x2da: {  	s8 =	spop @!p1 (v2sf);
	(pc) =	sbr.rel @p2 .LBB3_48-.Ltmp45, $4  }
0x2db: {  	p3 =	seq.s32 @!p1 s3, s8  }
0x2dc: {  	p3 =	por !p3, p1  }
0x2dd: {  	s5 =	simm.s32 @p3 $0xFFFFFFFF  }
0x2de: {  	s5 =	smov.u32 @p1 s7  }
.LBB3_49:
0x2df: {  	p1 =	seq.s32 s5, $0xFFFFFFFF  }
.Ltmp46:
0x2e0: {  	_ = 	snop;
	(pc) =	sbr.rel @p1 .LBB3_51-.Ltmp46, $1  }
0x2e1: {  	_ =	sdelay $0x3  }
0x2e2: {  	s3 =	sshll.u32 s2, $0x6  }
0x2e3: {  	s3 =	sand.u32 $0x3FFFFFC0, s3  }
0x2e4: {  	v0 =	vld [tilespmem:s3+$0xA138];
	_ =	sdelay $0x2  }
0x2e5: {  	s4 =	sshll.u32 s5, $0x8  }
0x2e6: {  	s4 =	sshra.s32 s4, $0x2  }
0x2e7: {  	[tilespmem:s4+$0xA138] =	vst.add.f32.msk $0xffff, v0  }
0x2e8: {  	v0 =	vld [tilespmem:s3+$0xA148];
	_ =	sdelay $0x4  }
0x2e9: {  	[tilespmem:s4+$0xA148] =	vst.add.f32.msk $0xffff, v0  }
0x2ea: {  	v0 =	vld [tilespmem:s3+$0xA158];
	_ =	sdelay $0x4  }
0x2eb: {  	[tilespmem:s4+$0xA158] =	vst.add.f32.msk $0xffff, v0  }
0x2ec: {  	v0 =	vld [tilespmem:s3+$0xA168]  }
.Ltmp47:
0x2ed: {  	_ = 	snop;
	(pc) =	sbr.rel .LBB3_52-.Ltmp47, $2  }
0x2ee: {  	_ =	sdelay $0x2  }
0x2ef: {  	[tilespmem:s4+$0xA168] =	vst.add.f32.msk $0xffff, v0  }
.LBB3_53:
0x2f0: {  	p1 =	slt.s32 s0, $0x1  }
.Ltmp48:
0x2f1: {  	_ = 	snop;
	(pc) =	sbr.rel @p1 .LBB3_57-.Ltmp48, $3  }
0x2f2: {  	_ =	sdelay $0x1  }
0x2f3: {  	s2 =	simm.s32 $0x8  }
0x2f4: {  	[sflag:s2] =	ssyncpa.u1 $0x1;
	s2 =	simm.s32 $0x0  }
0x2f5: {  	s3 =	simm.s32 $0xA118  }
0x2f6: {  	v0 =	vld.msk [tilespmem:s3+$0x0], $0x1;
	_ =	sdelay $0x4  }
0x2f7: {  	(v2sf) =	vpush v0, $0x0;
	_ =	sdelay $0xe  }
0x2f8: {  	s0 =	sadd.s32 $0xFFFFFFFF, s0;
	s4 =	spop (v2sf)  }
0x2f9: {  	p2 =	sne.s32 s0, $0x0;
	p1 =	sgt.u32 s4, $0x270F9  }
.Ltmp49:
0x2fa: {  	s5 =	sand.u32 @!p1 $0x3FFF8, s4;
	(pc) =	sbr.rel @!p2 .LBB3_56-.Ltmp49, $4  }
0x2fb: {  	s3 =	simm.s32 $0xA138;
	s4 =	sand.u32 @!p1 $0x7, s4;
	s5 =	sadd.s32 @!p1 s1, s5  }
0x2fc: {  	[hbm4b:s5+s4] =	stream.linear.scatter @!p1 [tilespmem:s3], [sflag:$0x7], $0x38, $0x38;
	[tilespmem:$0x1EF88] =	vst v63  }
0x2fd: {  	s5 =	simm.s32 $0x0  }
0x2fe: {  	s4 =	simm.s32 $0xA119;
	s5 =	simm.s32 @!p1 $0xE0  }
.LBB3_55:
0x2ff: {  	v0 =	vld.msk [tilespmem:s4+$0x0], $0x1;
	s0 =	sadd.s32 $0xFFFFFFFF, s0;
	s2 =	sadd.s32 s2, s5  }
0x300: {  	p1 =	sne.s32 s0, $0x0;
	_ =	sdelay $0x3  }
0x301: {  	(v2sf) =	vpush v0, $0x0;
	_ =	sdelay $0xe  }
.Ltmp50:
0x302: {  	s6 =	spop (v2sf);
	(pc) =	sbr.rel @p1 .LBB3_55-.Ltmp50, $4  }
0x303: {  	s5 =	simm.s32 $0x0;
	p2 =	sgt.u32 s6, $0x270F9  }
0x304: {  	s3 =	sadd.s32 $0x40, s3;
	s5 =	simm.s32 @!p2 $0xE0;
	s7 =	sand.u32 @!p2 $0x3FFF8, s6  }
0x305: {  	s4 =	sadd.s32 $0x1, s4;
	s6 =	sand.u32 @!p2 $0x7, s6;
	s7 =	sadd.s32 @!p2 s1, s7  }
0x306: {  	[hbm4b:s7+s6] =	stream.linear.scatter @!p2 [tilespmem:s3], [sflag:$0x7], $0x38, $0x38;
	[tilespmem:$0x1EF88] =	vst v63  }
.LBB3_56:
0x307: {  	s0 =	sadd.s32 s2, s5  }
0x308: {  	s2 =	sshrl.u32 s0, $0x2  }
.LBB3_57:
0x309: {  	s0 =	simm.s32 $0x7  }
0x30a: {  	_ =	swait.ge [sflag:s0], s2  }
0x30b: {  	s1 =	ssub.s32 $0x0, s2;
	[sflag:s0] =	ssyncset.done $0x0  }
0x30c: {  	[sflag:s0] =	ssyncadd.s32 s1  }
0x30d: {  	[sflag:s0] =	ssyncpa.u1 $0x1  }
.LBB3_58:
0x30e: {  	_ =	sfence;
	s0 =	simm.s32 $0x1  }
0x30f: {  	[sflag:s0] =	ssyncpa.u1 $0x1  }
0x310: {  	_ =	strace $0x90000056  }
0x311: {  	[bflag:$0x2] =	sbarrier.arrive $0xFFFF  }
0x312: {  	s0 =	rddreg [dreg:$0x3]  }
0x313: {  	s0 =	sadd.s32 @!p0 $0x100000, s0  }
0x314: {  	[sflag:s0] =	ssyncadd.tile.s32 @!p0 $0x1;
	_ =	shalt  }
.Lfunc_end3:
_tile_overlayer_lowered:
.L_overlay_start_3:
0x315: {  	(tag) =	ssettag $0x3  }
0x316: {  	s0 =	rddreg [dreg:$0x0];
	s2 =	stileid.u32  }
0x317: {  	s1 =	rddreg [dreg:$0x1];
	p0 =	sne.s32 s2, $0x0  }
0x318: {  	s3 =	rddreg [dreg:$0x2];
	[bflag:$0x3] =	sbarrier.arrive $0xFFFF;
	s2 =	simm.s32 @!p0 $0x1C01  }
0x319: {  	[timem:s3], [sflag:s2] =	dma.local @!p0 [hbm:s0], s1  }
0x31a: {  	s0 =	simm.s32 @!p0 $0x1  }
0x31b: {  	_ =	swait.ge @!p0 [sflag:s0], s1  }
0x31c: {  	s1 =	ssub.s32 @!p0 $0x0, s1;
	[sflag:s0] =	ssyncset.done @!p0 $0x0  }
0x31d: {  	[sflag:s0] =	ssyncadd.s32 @!p0 s1  }
0x31e: {  	[bflag:$0x3] =	sbarrier.arrive $0xFFFF  }
0x31f: {  	_ =	shalt  }

// kernel: scatter_offload_async_start.2
scs
__scs_entry_jumppad:
0x0: {  	(pc) =	sbr.rel $0x88, $3  }
0x1: {  	(tag) =	ssettag $0x0;
	lr =	simm.s32 $0x1  }
0x2: {  	[smem:$0x3F99] =	sst lr;
	_ =	strace $0xD0000000  }
0x3: {  	_ = 	snop  }
0x4: {  	_ = 	snop  }
0x5: {  	_ = 	snop  }
0x6: {  	_ = 	snop  }
0x7: {  	_ = 	snop  }
__scs_overlays_trampoline_lowered:
0x8: {  	[smem:$0x3FA8] =	sst s0  }
0x9: {  	[smem:$0x3FA9] =	sst s1  }
0xa: {  	[smem:$0x3FAA] =	sst s2  }
0xb: {  	[smem:$0x3FAB] =	sst s3  }
0xc: {  	[smem:$0x3FAC] =	sst s4  }
0xd: {  	[smem:$0x3FAD] =	sst s5  }
0xe: {  	[smem:$0x3FAE] =	sst s6  }
0xf: {  	[smem:$0x3FAF] =	sst s7  }
0x10: {  	[smem:$0x3FB0] =	sst s8  }
0x11: {  	[smem:$0x3FB1] =	sst s9;
	s0 =	simm.s32 @!p0 $0x0  }
0x12: {  	s1 =	sld [smem:$0x3F97];
	s0 =	simm.s32 @p0 $0x1  }
0x13: {  	[smem:$0x3FB2] =	sst s0;
	s0 =	simm.s32 @!p1 $0x0  }
0x14: {  	s2 =	sld [smem:$0x3F96];
	s0 =	simm.s32 @p1 $0x1  }
0x15: {  	[smem:$0x3FB3] =	sst s0;
	s0 =	simm.s32 @!p2 $0x0  }
0x16: {  	s3 =	sld [smem:$0x3FDB];
	s0 =	simm.s32 @p2 $0x1  }
0x17: {  	s4 =	simm.s32 $0x1BF5;
	[smem:$0x3FB5] =	sst s0  }
0x18: {  	s0 =	sld [smem:$0x3F98];
	_ =	swait.ge [sflag:s4], $0x0  }
0x19: {  	s7 =	sld [smem:$0x3F99]  }
0x1a: {  	s8 =	sadd.s32 $0xFFFFE003, lr  }
0x1b: {  	s9 =	sadd.s32 $0xFFFFFEF7, lr;
	s5 =	simm.s32 $0xFFFFFFFF;
	p2 =	slt.u32 s8, $0xFFFFF086  }
0x1c: {  	p1 =	slt.u32 s9, $0xF7A;
	s5 =	simm.s32 @!p2 $0x0  }
0x1d: {  	s5 =	simm.s32 @p1 $0x1;
	p0 =	seq.s32 s7, s2  }
0x1e: {  	s7 =	smul.u32 @!p0 $0xF7A, s2;
	p2 =	seq.s32 @!p0 s5, $0x0  }
0x1f: {  	s9 =	smul.u32 $0xF7A, s1;
	s8 =	simm.s32 @!p0 $0x1BF5;
	p2 =	por !p2, p0  }
0x20: {  	[sflag:s8] =	ssyncset.s32 @!p0 $0xFFFFF086;
	s6 =	sadd.s32 @!p0 s3, s7;
	s7 =	simm.s32 @!p0 $0x108  }
0x21: {  	s3 =	sadd.s32 s3, s9;
	s6 =	sadd.s32 @!p0 $0x88, s6;
	s7 =	simm.s32 @p2 $0x1082  }
0x22: {  	[simem:s7], [sflag:s8] =	dma.local @!p0 [hbm:s6], $0xF7A  }
0x23: {  	s9 =	sor.u32 $0xD0000000, s2;
	s6 =	simm.s32 $0x108;
	_ =	swait.ge @!p0 [sflag:s8], $0x0  }
0x24: {  	s3 =	sadd.s32 $0x88, s3;
	s6 =	simm.s32 @!p1 $0x1082;
	[sflag:s4] =	ssyncset.s32 $0xFFFFF086  }
0x25: {  	[simem:s6], [sflag:s4] =	dma.local [hbm:s3], $0xF7A  }
0x26: {  	[smem:$0x3F99] =	sst s1;
	(tag) =	ssettag s2;
	_ =	strace s9  }
0x27: {  	s1 =	sld [smem:$0x3FA9]  }
0x28: {  	s2 =	sld [smem:$0x3FAA]  }
0x29: {  	s4 =	sld [smem:$0x3FAC]  }
0x2a: {  	p0 =	seq.s32 s5, $0x0;
	s5 =	sld [smem:$0x3FAD]  }
0x2b: {  	s6 =	sld [smem:$0x3FAE]  }
0x2c: {  	s7 =	sld [smem:$0x3FAF]  }
0x2d: {  	s3 =	simm.s32 $0x108;
	s8 =	sld [smem:$0x3FB0]  }
0x2e: {  	s3 =	simm.s32 @!p0 $0x1082;
	s9 =	sld [smem:$0x3FB1]  }
0x2f: {  	lr =	sadd.s32 s0, s3;
	s0 =	sld [smem:$0x3FA8]  }
0x30: {  	s3 =	sld [smem:$0x3FAB]  }
0x31: {  	[smem:$0x3FB4] =	sst s10  }
0x32: {  	s10 =	sld [smem:$0x3FB2];
	_ =	sdelay $0x3  }
0x33: {  	p0 =	seq.s32 s10, $0x1;
	s10 =	sld [smem:$0x3FB4];
	_ =	sdelay $0x3  }
0x34: {  	[smem:$0x3FB4] =	sst s10  }
0x35: {  	s10 =	sld [smem:$0x3FB3];
	_ =	sdelay $0x3  }
0x36: {  	p1 =	seq.s32 s10, $0x1;
	s10 =	sld [smem:$0x3FB4];
	_ =	sdelay $0x3  }
0x37: {  	[smem:$0x3FB4] =	sst s10  }
0x38: {  	s10 =	sld [smem:$0x3FB5]  }
0x39: {  	_ = 	snop;
	(pc) =	sbr.ind lr, $3  }
0x3a: {  	_ = 	snop  }
0x3b: {  	_ = 	snop  }
0x3c: {  	p2 =	seq.s32 s10, $0x1;
	s10 =	sld [smem:$0x3FB4]  }
0x3d: {  	_ =	shalt  }
0x3e: {  	_ =	shalt  }
0x3f: {  	_ =	shalt  }
0x40: {  	_ =	shalt  }
0x41: {  	_ =	shalt  }
0x42: {  	_ =	shalt  }
0x43: {  	_ =	shalt  }
0x44: {  	_ =	shalt  }
0x45: {  	_ =	shalt  }
0x46: {  	_ =	shalt  }
0x47: {  	_ =	shalt  }
0x48: {  	_ =	shalt  }
0x49: {  	_ =	shalt  }
0x4a: {  	_ =	shalt  }
0x4b: {  	_ =	shalt  }
0x4c: {  	_ =	shalt  }
0x4d: {  	_ =	shalt  }
0x4e: {  	_ =	shalt  }
0x4f: {  	_ =	shalt  }
0x50: {  	_ =	shalt  }
0x51: {  	_ =	shalt  }
0x52: {  	_ =	shalt  }
0x53: {  	_ =	shalt  }
0x54: {  	_ =	shalt  }
0x55: {  	_ =	shalt  }
0x56: {  	_ =	shalt  }
0x57: {  	_ =	shalt  }
0x58: {  	_ =	shalt  }
0x59: {  	_ =	shalt  }
0x5a: {  	_ =	shalt  }
0x5b: {  	_ =	shalt  }
0x5c: {  	_ =	shalt  }
0x5d: {  	_ =	shalt  }
0x5e: {  	_ =	shalt  }
0x5f: {  	_ =	shalt  }
0x60: {  	_ =	shalt  }
0x61: {  	_ =	shalt  }
0x62: {  	_ =	shalt  }
0x63: {  	_ =	shalt  }
0x64: {  	_ =	shalt  }
0x65: {  	_ =	shalt  }
0x66: {  	_ =	shalt  }
0x67: {  	_ =	shalt  }
0x68: {  	_ =	shalt  }
0x69: {  	_ =	shalt  }
0x6a: {  	_ =	shalt  }
0x6b: {  	_ =	shalt  }
0x6c: {  	_ =	shalt  }
0x6d: {  	_ =	shalt  }
0x6e: {  	_ =	shalt  }
0x6f: {  	_ =	shalt  }
0x70: {  	_ =	shalt  }
0x71: {  	_ =	shalt  }
0x72: {  	_ =	shalt  }
0x73: {  	_ =	shalt  }
0x74: {  	_ =	shalt  }
0x75: {  	_ =	shalt  }
0x76: {  	_ =	shalt  }
0x77: {  	_ =	shalt  }
0x78: {  	_ =	shalt  }
0x79: {  	_ =	shalt  }
0x7a: {  	_ =	shalt  }
0x7b: {  	_ =	shalt  }
0x7c: {  	_ =	shalt  }
0x7d: {  	_ =	shalt  }
0x7e: {  	_ =	shalt  }
0x7f: {  	_ =	shalt  }
0x80: {  	_ =	shalt  }
0x81: {  	_ =	shalt  }
0x82: {  	_ =	shalt  }
0x83: {  	_ =	shalt  }
0x84: {  	_ =	shalt  }
0x85: {  	_ =	shalt  }
0x86: {  	_ =	shalt  }
0x87: {  	_ =	shalt  }
.Lfunc_end0:
.L_simem_size_0:
called_computation.2_lowered:
.L_overlay_start_0:
0x88: {  	s2 =	sld [smem:$0x3FD9]  }
0x89: {  	s3 =	sld [smem:$0x3FFE];
	_ =	sdelay $0x1  }
0x8a: {  	s1 =	srdreg.scid  }
0x8b: {  	s0 =	sand.u32 $0x1, s1  }
0x8c: {  	s15 =	sshll.u32 s0, $0xA;
	s2 =	sadd.s32 s3, s2  }
0x8d: {  	s2 =	sadd.s32 s2, s15  }
0x8e: {  	[smem:$0x3FC0] =	sst s2  }
0x8f: {  	_ = 	snop  }
0x90: {  	(tm) =	ssettm $0x1  }
0x91: {  	s16 =	sld [smem:$0x3FFB];
	_ =	sdelay $0x3  }
0x92: {  	_ =	strace s16  }
0x93: {  	s2 =	sld [smem:$0x3FFC];
	_ =	sdelay $0x3  }
0x94: {  	_ =	strace s2  }
0x95: {  	s2 =	sld [smem:$0x3FFD];
	_ =	sdelay $0x3  }
0x96: {  	_ =	strace s2  }
0x97: {  	_ =	strace $0x8FFFFFFF  }
0x98: {  	s17 =	sld [smem:$0x3FDB];
	_ =	sdelay $0x1  }
0x99: {  	s18 =	simm.s32 $_scs_section_size  }
0x9a: {  	s4 =	simm.s32 $_size__tile_overlayer_lowered;
	s5 =	simm.s32 $_tile_overlayer_lowered  }
0x9b: {  	s21 =	simm.s32 $0x1BFF;
	s20 =	sshll.u32 s5, $0x1;
	s2 =	sadd.s32 s18, s17  }
0x9c: {  	s6 =	simm.s32 $0x0;
	s19 =	sshll.u32 s4, $0x1;
	s4 =	sadd.s32 s20, s2  }
0x9d: {  	[timem:s6], [sflag:s21] =	dma.local [hbm:s4], s19  }
0x9e: {  	_ =	swait.ge [sflag:s21], s19  }
0x9f: {  	s3 =	ssub.s32 $0x0, s19;
	[sflag:s21] =	ssyncset.done $0x0  }
0xa0: {  	[sflag:s21] =	ssyncadd.s32 s3;
	_ =	sdelay $0x1  }
0xa1: {  	s22 =	simm.s32 $0x1B8B  }
0xa2: {  	_ =	swait.ge [sflag:s22], $0x1  }
0xa3: {  	[sflag:s22] =	ssyncset.done $0x0  }
0xa4: {  	s23 =	sld [smem:$0x3FFE];
	[sflag:s22] =	ssyncadd.s32 $0xFFFFFFFF  }
0xa5: {  	s25 =	simm.s32 $0x1B8E;
	s24 =	sld [smem:$0x0]  }
0xa6: {  	s26 =	simm.s32 $execute0_lowered;
	[smem:$0x3FD2] =	sst s25  }
0xa7: {  	s5 =	sshll.u32 s26, $0x1;
	_ =	strace $0x8000005B;
	[dreg:$0x1] =	wrdreg $0xFFFFFFFF  }
0xa8: {  	s28 =	simm.s32 $_size_execute0_lowered;
	s2 =	sadd.s32 s2, s5;
	[dreg:$0x0] =	wrdreg $0x0  }
0xa9: {  	s5 =	sshll.u32 s28, $0x1;
	[dreg:$0x2] =	wrdreg s2  }
0xaa: {  	[dreg:$0x3] =	wrdreg s5  }
0xab: {  	[dreg:$0x4] =	wrdreg $0xC0  }
0xac: {  	_ =	task [dreg:s6], $0x5FFFF  }
0xad: {  	[dreg:$0x1] =	wrdreg $0xFFFFFFFF  }
0xae: {  	[dreg:$0x0] =	wrdreg $0x60  }
0xaf: {  	[dreg:$0x2] =	wrdreg s23  }
0xb0: {  	[dreg:$0x3] =	wrdreg s1  }
0xb1: {  	[dreg:$0x4] =	wrdreg s24  }
0xb2: {  	[dreg:$0x5] =	wrdreg $0x9  }
0xb3: {  	_ =	task.clear_ibuf [dreg:s6], $0x6FFFF;
	_ =	strace $0x9000005B  }
0xb4: {  	s29 =	simm.s32 $0x9;
	_ =	strace $0x8000005D  }
0xb5: {  	_ =	swait.ge [sflag:s29], $0x1  }
0xb6: {  	[sflag:s29] =	ssyncadd.s32 $0xFFFFFFFF  }
0xb7: {  	_ =	strace $0x9000005D  }
0xb8: {  	_ =	sfence  }
0xb9: {  	s30 =	sld [smem:$0x0];
	_ =	sdelay $0x2  }
0xba: {  	s31 =	sshll.u32 s1, $0xD;
	s1 =	sshrl.u32 s1, $0x2  }
0xbb: {  	s3 =	sand.u32 $0x4000, s31;
	s1 =	sadd.s32 s1, s30  }
0xbc: {  	s0 =	sor.u32 s3, s0;
	s1 =	sshll.u32 s1, $0x11  }
0xbd: {  	s0 =	sor.u32 s1, s0  }
0xbe: {  	s0 =	sadd.s32 $0x8F2B, s0  }
0xbf: {  	[sflag:s0] =	ssyncadd.remote.s32 $0x1  }
0xc0: {  	_ =	sfence.sel $0xFFFF  }
0xc1: {  	[dreg:$0x0] =	wrdreg $0xFFFFFFFF;
	(pc) =	sbr.abs _section_cstart, $3  }
0xc2: {  	[dreg:$0x1] =	wrdreg $0xFFFFFFFF  }
0xc3: {  	_ =	task.clear_ibuf [dreg:s6], $0x2FFFF;
	_ =	strace $0x9FFFFFFF  }
0xc4: {  	(tm) =	ssettm $0x7FFFFFFF  }
0xc5: {  	_ =	shalt  }
tec
execute0_lowered:
.L_overlay_start_1:
0x0: {  	(tag) =	ssettag $0x1  }
0x1: {  	s2 =	rddreg [dreg:$0x0]  }
0x2: {  	s4 =	rddreg [dreg:$0x1];
	_ =	strace $0x8000005C;
	s0 =	simm.s32 $0x1  }
0x3: {  	s3 =	simm.s32 $0x88;
	v0 =	vimm.s32 $0x0;
	[sflag:s0] =	ssyncpa.u1 $0x0  }
0x4: {  	[tilespmem:s3+$0x30] =	vst v0  }
0x5: {  	s1 =	sadd.s32 $0x36000, s2;
	s0 =	sadd.s32 $0x4E00, s2;
	s6 =	sadd.s32 $0x8A9200, s2;
	[tilespmem:s3+$0x20] =	vst v0  }
0x6: {  	s2 =	sadd.s32 $0x9E00, s2;
	s7 =	sand.u32 $0x1, s4;
	s4 =	simm.s32 $0x40;
	[tilespmem:s3+$0x10] =	vst v0  }
.LBB2_1:
0x7: {  	s4 =	sadd.s32 $0x40, s4  }
0x8: {  	[tilespmem:s3+$0x0] =	vst v0;
	s3 =	sadd.s32 $0x40, s3;
	p0 =	slt.u32 s4, $0x5040  }
.Ltmp0:
0x9: {  	(pc) =	sbr.rel @p0 .LBB2_1-.Ltmp0, $4  }
0xa: {  	_ = 	snop  }
0xb: {  	[tilespmem:s3+$0x30] =	vst v0  }
0xc: {  	[tilespmem:s3+$0x20] =	vst v0  }
0xd: {  	[tilespmem:s3+$0x10] =	vst v0  }
0xe: {  	s8 =	stileid.u32  }
0xf: {  	s4 =	smul.u32 $0xF, s8  }
0x10: {  	s5 =	smin.u32 s8, $0xA  }
0x11: {  	s4 =	sadd.s32 s5, s4  }
0x12: {  	p0 =	slt.u32 s8, $0xA;
	s12 =	smul.u32 $0x140, s4;
	s4 =	simm.s32 $0x1400  }
0x13: {  	s4 =	simm.s32 @!p0 $0x12C0  }
0x14: {  	s25 =	simm.s32 $0x2;
	s4 =	sadd.s32 s4, s12  }
0x15: {  	s28 =	simm.s32 $0x9;
	s9 =	simm.s32 $0xA;
	s14 =	smin.u32 s4, $0x13880  }
0x16: {  	s30 =	simm.s32 $0xB;
	[dreg:$0x4] =	wrdreg s7;
	s4 =	ssub.s32 s14, s12  }
0x17: {  	s31 =	smul.u32 $0x2710, s7;
	s13 =	simm.s32 $0x1;
	p0 =	sgt.s32 s4, $0x0  }
0x18: {  	s19 =	simm.s32 $0x0;
	s20 =	simm.s32 $0xA808;
	s4 =	simm.s32 @!p0 $0x0  }
0x19: {  	s21 =	simm.s32 $0xFFFFFFFF;
	p1 =	por $0x0, $0x0;
	s26 =	smulhi.u32 $0x66666667, s4  }
0x1a: {  	[tilespmem:s3+$0x0] =	vst v0;
	s23 =	simm.s32 $0x0;
	[sflag:s25] =	ssyncpa.u1 $0x0;
	s18 =	sshll.u32 s8, $0x7  }
0x1b: {  	s0 =	sadd.s32 s31, s0;
	[dreg:$0xa] =	wrdreg s18;
	s3 =	sshrl.u32 s26, $0x7  }
0x1c: {  	v0 =	vimm.s32 $0xFFFFFFFF;
	s17 =	sadd.s32 s31, s2;
	[dreg:$0x9] =	wrdreg s0;
	s29 =	smul.u32 $0x140, s3  }
0x1d: {  	s25 =	simm.s32 $0x0;
	[tilespmem:$0xA108] =	vst v0;
	[sflag:s28] =	ssyncpa.u1 $0x0;
	[dreg:$0x8] =	wrdreg s17  }
.Ltmp1:
0x1e: {  	p0 =	sne.s32 s4, s29;
	s4 =	simm.s32 $0x1;
	(pc) =	sbr.rel .LBB2_3-.Ltmp1, $4  }
0x1f: {  	[sflag:s9] =	ssyncpa.u1 $0x0;
	[dreg:$0x5] =	wrdreg s12;
	s4 =	simm.s32 @!p0 $0x0  }
0x20: {  	[sflag:s30] =	ssyncpa.u1 $0x0;
	[dreg:$0x6] =	wrdreg s14;
	s15 =	sadd.s32 s4, s3  }
0x21: {  	s24 =	smov.u32 s12;
	s22 =	sadd.s32 $0x1, s15;
	[dreg:$0x7] =	wrdreg s15  }
0x22: {  	v0 =	vlaneseq.u32;
	s26 =	simm.s32 $0x0;
	p0 =	por $0x1, $0x1;
	[dreg:$0xb] =	wrdreg s22  }
.LBB2_22:
0x23: {  	s0 =	sshrl.u32 s3, $0x2  }
.LBB2_24:
0x24: {  	s3 =	simm.s32 $0xC  }
0x25: {  	_ =	swait.ge [sflag:s3], s0  }
0x26: {  	s31 =	ssub.s32 $0x0, s0;
	v1 =	vmov s4;
	vm0 =	veq.s32 v0, $0x0;
	[sflag:s3] =	ssyncset.done $0x0  }
0x27: {  	vm15 =	veq.s32 v0, $0x2;
	v1 =	vsel vm0, s2, v1;
	[sflag:s3] =	ssyncadd.s32 s31  }
0x28: {  	v1 =	vsel vm15, s26, v1;
	[sflag:s3] =	ssyncpa.u1 $0x1  }
0x29: {  	[tilespmem:$0xA108] =	vst v1  }
.LBB2_25:
0x2a: {  	s0 =	sadd.s32 $0x140, s24  }
0x2b: {  	s2 =	smov.u32 s12;
	p2 =	slt.s32 s0, s14  }
0x2c: {  	s2 =	smov.u32 @p2 s0;
	p2 =	sne.s32 s25, s22  }
.Ltmp2:
0x2d: {  	_ = 	snop;
	(pc) =	sbr.rel @!p2 .LBB2_26-.Ltmp2, $4  }
0x2e: {  	_ = 	snop  }
0x2f: {  	s26 =	smov.u32 s23;
	s31 =	sadd.s32 $0x1, s25;
	p0 =	por !p0, !p0  }
0x30: {  	s23 =	smov.u32 s24;
	s20 =	sadd.s32 $0x140, s20;
	s21 =	sadd.s32 $0x1, s21  }
0x31: {  	p1 =	por !p1, !p1;
	s25 =	smov.u32 s31;
	s24 =	smov.u32 s2  }
.LBB2_3:
0x32: {  	p2 =	sge.u32 s25, s15  }
0x33: {  	s0 =	smulhi.u32 @!p2 $0xAAAAAAAB, s25  }
0x34: {  	s2 =	smov.u32 s24;
	p3 =	sgt.s32 @!p2 s24, $0x13740  }
0x35: {  	s3 =	sshra.s32 @!p2 s24, $0x1F;
	p3 =	por !p3, p2;
	s0 =	sshrl.u32 @!p2 s0, $0x1  }
0x36: {  	s3 =	sand.u32 @!p2 s3, s24;
	s2 =	simm.s32 @p3 $0x13740;
	s0 =	smul.u32 @!p2 $0x3, s0  }
0x37: {  	s2 =	ssub.s32 @!p2 s2, s3  }
0x38: {  	s2 =	sadd.s32 @!p2 $0xFFFEC8C0, s2;
	s0 =	ssub.s32 @!p2 s25, s0  }
0x39: {  	s3 =	sshll.u32 @!p2 s2, $0x2;
	p3 =	sgt.s32 @!p2 s2, $0x13F;
	s0 =	smul.u32 @!p2 $0x500, s0  }
0x3a: {  	s4 =	sand.u32 @!p2 $0x7, s24;
	s2 =	ssub.s32 @!p2 $0x500, s3;
	p3 =	por !p3, p2  }
0x3b: {  	s3 =	sshrl.u32 @!p2 s24, $0x3;
	s2 =	sshrl.u32 @!p2 s2, $0x2;
	s0 =	sshrl.u32 @!p2 s0, $0x2  }
0x3c: {  	s3 =	sadd.s32 @!p2 s3, s17;
	s2 =	simm.s32 @!p3 $0x0;
	s0 =	sadd.s32 @!p2 $0xA948, s0  }
0x3d: {  	[tilespmem:s0], [sflag:$0xA] =	stream.linear.gather @!p2 [hbm4b:s3+s4], s2, $0x38;
	[tilespmem:$0x1EF88] =	vst v63  }
0x3e: {  	s0 =	sadd.s32 $0xFFFFFFFF, s25  }
0x3f: {  	p2 =	sge.u32 s0, s15  }
.Ltmp3:
0x40: {  	_ = 	snop;
	(pc) =	sbr.rel @p2 .LBB2_7-.Ltmp3, $1  }
0x41: {  	_ =	sdelay $0x3  }
0x42: {  	p2 =	sgt.s32 s23, $0x13740;
	s2 =	smov.u32 s23;
	s3 =	sshra.s32 s23, $0x1F  }
0x43: {  	s2 =	simm.s32 @!p2 $0x13740;
	s3 =	sand.u32 s3, s23  }
0x44: {  	s17 =	smulhi.u32 $0xAAAAAAAB, s21;
	s2 =	ssub.s32 s2, s3  }
0x45: {  	s0 =	sand.u32 $0x1, s0;
	s2 =	sadd.s32 $0xFFFEC8C0, s2  }
0x46: {  	s5 =	simm.s32 $0xA;
	s3 =	sshrl.u32 s17, $0x1;
	s4 =	sshll.u32 s2, $0x2  }
0x47: {  	s7 =	sshrl.u32 s23, $0x3;
	s3 =	smul.u32 $0xFFFFF100, s3;
	s4 =	ssub.s32 $0x500, s4  }
0x48: {  	s18 =	smul.u32 $0x500, s0;
	p2 =	sgt.s32 s2, $0x13F;
	s2 =	sshrl.u32 s4, $0x2  }
0x49: {  	s9 =	sand.u32 $0x7, s23;
	s3 =	sshra.s32 s3, $0x2;
	s2 =	simm.s32 @p2 $0x0  }
0x4a: {  	s0 =	sadd.s32 s3, s20;
	s4 =	sshrl.u32 s18, $0x2;
	_ =	swait.ge [sflag:s5], s2  }
0x4b: {  	s22 =	ssub.s32 $0x0, s2;
	[sflag:s5] =	ssyncset.done $0x0;
	s8 =	rddreg [dreg:$0x9]  }
0x4c: {  	s4 =	sadd.s32 $0xAD08, s4;
	[sflag:s5] =	ssyncadd.s32 s22;
	s3 =	sadd.s32 s7, s8  }
0x4d: {  	[tilespmem:s4], [sflag:$0xB] =	stream.linear.gather [hbm4b:s3+s9], s2, $0x38;
	[tilespmem:$0x1EF88] =	vst v63  }
0x4e: {  	v1 =	vld.msk [tilespmem:s0+$0x0], $0xffff;
	_ =	sdelay $0x4  }
0x4f: {  	v1 =	vshll.u32 v1, $0x4  }
0x50: {  	(v2sf) =	vpush v1, $0x0  }
0x51: {  	(v2sf) =	vpush v1, $0x1  }
0x52: {  	(v2sf) =	vpush v1, $0x2;
	_ =	sdelay $0x3  }
0x53: {  	(v2sf) =	vpush v1, $0x3;
	_ =	sdelay $0x1  }
0x54: {  	(v2sf) =	vpush v1, $0x4  }
0x55: {  	s2 =	simm.s32 $0x1;
	(v2sf) =	vpush v1, $0x5  }
0x56: {  	s2 =	simm.s32 @!p0 $0x0  }
0x57: {  	s2 =	smul.u32 $0x28000, s2;
	(v2sf) =	vpush v1, $0x6;
	_ =	sdelay $0x1  }
0x58: {  	s2 =	sshrl.u32 s2, $0x2  }
0x59: {  	s28 =	sadd.s32 $0xB708, s2  }
0x5a: {  	s12 =	sadd.s32 $0xFFFFF880, s28;
	s17 =	sadd.s32 $0xFFFFF900, s28;
	s10 =	spop (v2sf);
	(v2sf) =	vpush v1, $0x7  }
0x5b: {  	s18 =	sadd.s32 $0xFFFFF980, s28;
	s11 =	sand.u32 $0x1FFFFFF0, s10;
	s14 =	spop (v2sf)  }
0x5c: {  	(v2sf) =	vpush v1, $0x8;
	s2 =	sadd.s32 s6, s11;
	s15 =	sand.u32 $0x1FFFFFF0, s14;
	s16 =	spop (v2sf)  }
0x5d: {  	[tilespmem:s12], [sflag:$0x9] =	stream.linear.gather [hbm4b:s2+s19], $0x38, $0x38;
	[tilespmem:$0x1EF88] =	vst v63  }
0x5e: {  	s5 =	sadd.s32 $0xFFFFFA00, s28;
	s2 =	sadd.s32 s6, s15;
	s3 =	sand.u32 $0x1FFFFFF0, s16  }
0x5f: {  	(v2sf) =	vpush v1, $0x9;
	[tilespmem:s17], [sflag:$0x9] =	stream.linear.gather [hbm4b:s2+s19], $0x38, $0x38;
	[tilespmem:$0x1EF88] =	vst v63  }
0x60: {  	s7 =	sadd.s32 $0xFFFFFA80, s28;
	s22 =	spop (v2sf);
	s3 =	sadd.s32 s6, s3  }
0x61: {  	(v2sf) =	vpush v1, $0xA;
	[tilespmem:s18], [sflag:$0x9] =	stream.linear.gather [hbm4b:s3+s19], $0x38, $0x38;
	[tilespmem:$0x1EF88] =	vst v63  }
0x62: {  	s11 =	sadd.s32 $0xFFFFFB00, s28;
	s4 =	spop (v2sf);
	(v2sf) =	vpush v1, $0xB;
	s3 =	sand.u32 $0x1FFFFFF0, s22  }
0x63: {  	s8 =	spop (v2sf);
	s2 =	sadd.s32 s6, s3;
	s3 =	sand.u32 $0x1FFFFFF0, s4  }
0x64: {  	(v2sf) =	vpush v1, $0xC;
	[tilespmem:s5], [sflag:$0x9] =	stream.linear.gather [hbm4b:s2+s19], $0x38, $0x38;
	[tilespmem:$0x1EF88] =	vst v63  }
0x65: {  	s9 =	sand.u32 $0x1FFFFFF0, s8;
	s10 =	spop (v2sf);
	s3 =	sadd.s32 s6, s3  }
0x66: {  	(v2sf) =	vpush v1, $0xD;
	[tilespmem:s7], [sflag:$0x9] =	stream.linear.gather [hbm4b:s3+s19], $0x38, $0x38;
	[tilespmem:$0x1EF88] =	vst v63  }
0x67: {  	s12 =	sadd.s32 $0xFFFFFB80, s28;
	s2 =	sadd.s32 s6, s9;
	s3 =	sand.u32 $0x1FFFFFF0, s10  }
0x68: {  	[tilespmem:s11], [sflag:$0x9] =	stream.linear.gather [hbm4b:s2+s19], $0x38, $0x38;
	[tilespmem:$0x1EF88] =	vst v63  }
0x69: {  	s17 =	sadd.s32 $0xFFFFFC00, s28;
	s3 =	sadd.s32 s6, s3;
	s14 =	spop (v2sf)  }
0x6a: {  	[tilespmem:s12], [sflag:$0x9] =	stream.linear.gather [hbm4b:s3+s19], $0x38, $0x38;
	(v2sf) =	vpush v1, $0xE;
	[tilespmem:$0x1EF88] =	vst v63  }
0x6b: {  	s18 =	sadd.s32 $0xFFFFFC80, s28;
	s15 =	sand.u32 $0x1FFFFFF0, s14;
	s16 =	spop (v2sf)  }
0x6c: {  	s5 =	sadd.s32 $0xFFFFFD00, s28;
	(v2sf) =	vpush v1, $0xF;
	s2 =	sadd.s32 s6, s15;
	s3 =	sand.u32 $0x1FFFFFF0, s16  }
0x6d: {  	[tilespmem:s17], [sflag:$0x9] =	stream.linear.gather [hbm4b:s2+s19], $0x38, $0x38;
	[tilespmem:$0x1EF88] =	vst v63  }
0x6e: {  	s7 =	sadd.s32 $0xFFFFFD80, s28;
	s22 =	spop (v2sf);
	s3 =	sadd.s32 s6, s3  }
0x6f: {  	[tilespmem:s18], [sflag:$0x9] =	stream.linear.gather [hbm4b:s3+s19], $0x38, $0x38;
	[tilespmem:$0x1EF88] =	vst v63  }
0x70: {  	s11 =	sadd.s32 $0xFFFFFE00, s28;
	s4 =	spop (v2sf);
	s3 =	sand.u32 $0x1FFFFFF0, s22  }
0x71: {  	s8 =	spop (v2sf);
	s2 =	sadd.s32 s6, s3;
	s3 =	sand.u32 $0x1FFFFFF0, s4  }
0x72: {  	[tilespmem:s5], [sflag:$0x9] =	stream.linear.gather [hbm4b:s2+s19], $0x38, $0x38;
	[tilespmem:$0x1EF88] =	vst v63  }
0x73: {  	s9 =	sand.u32 $0x1FFFFFF0, s8;
	s10 =	spop (v2sf);
	s3 =	sadd.s32 s6, s3  }
0x74: {  	[tilespmem:s7], [sflag:$0x9] =	stream.linear.gather [hbm4b:s3+s19], $0x38, $0x38;
	[tilespmem:$0x1EF88] =	vst v63  }
0x75: {  	s14 =	spop (v2sf);
	s2 =	sadd.s32 s6, s9;
	s3 =	sand.u32 $0x1FFFFFF0, s10  }
0x76: {  	[tilespmem:s11], [sflag:$0x9] =	stream.linear.gather [hbm4b:s2+s19], $0x38, $0x38;
	[tilespmem:$0x1EF88] =	vst v63  }
0x77: {  	s12 =	sadd.s32 $0xFFFFFE80, s28;
	s15 =	sand.u32 $0x1FFFFFF0, s14;
	s3 =	sadd.s32 s6, s3  }
0x78: {  	[tilespmem:s12], [sflag:$0x9] =	stream.linear.gather [hbm4b:s3+s19], $0x38, $0x38;
	[tilespmem:$0x1EF88] =	vst v63  }
0x79: {  	s17 =	sadd.s32 $0xFFFFFF00, s28;
	s2 =	sadd.s32 s6, s15;
	s16 =	spop (v2sf)  }
0x7a: {  	[tilespmem:s17], [sflag:$0x9] =	stream.linear.gather [hbm4b:s2+s19], $0x38, $0x38;
	[tilespmem:$0x1EF88] =	vst v63  }
0x7b: {  	s29 =	simm.s32 $0x0;
	s3 =	sand.u32 $0x1FFFFFF0, s16;
	s18 =	spop (v2sf)  }
0x7c: {  	s22 =	sadd.s32 $0xFFFFFF80, s28;
	s3 =	sadd.s32 s6, s3;
	s2 =	sand.u32 $0x1FFFFFF0, s18  }
0x7d: {  	[tilespmem:s22], [sflag:$0x9] =	stream.linear.gather [hbm4b:s3+s19], $0x38, $0x38;
	[tilespmem:$0x1EF88] =	vst v63  }
0x7e: {  	s31 =	sadd.s32 $0x10, s0;
	s30 =	sadd.s32 $0x800, s28;
	s2 =	sadd.s32 s6, s2  }
.LBB2_5:
0x7f: {  	[tilespmem:s28], [sflag:$0x9] =	stream.linear.gather [hbm4b:s2+s19], $0x38, $0x38;
	[tilespmem:$0x1EF88] =	vst v63  }
0x80: {  	s29 =	sadd.s32 $0x10, s29;
	s28 =	smov.u32 s30  }
0x81: {  	p2 =	slt.u32 s29, $0x130;
	v1 =	vld.msk [tilespmem:s31+$0x0], $0xffff;
	_ =	sdelay $0x4  }
0x82: {  	v1 =	vshll.u32 v1, $0x4  }
0x83: {  	(v2sf) =	vpush v1, $0x0  }
0x84: {  	(v2sf) =	vpush v1, $0x1  }
0x85: {  	(v2sf) =	vpush v1, $0x2;
	_ =	sdelay $0x1  }
0x86: {  	(v2sf) =	vpush v1, $0x3;
	_ =	sdelay $0x1  }
0x87: {  	(v2sf) =	vpush v1, $0x4;
	_ =	sdelay $0x1  }
0x88: {  	(v2sf) =	vpush v1, $0x5;
	_ =	sdelay $0x1  }
0x89: {  	(v2sf) =	vpush v1, $0x6  }
0x8a: {  	s4 =	sadd.s32 $0xFFFFFE80, s30;
	s0 =	sadd.s32 $0xFFFFFF00, s30  }
0x8b: {  	s3 =	sadd.s32 $0xFFFFFD00, s30;
	s2 =	sadd.s32 $0xFFFFFD80, s30;
	s5 =	sadd.s32 $0xFFFFFE00, s30;
	(v2sf) =	vpush v1, $0x7  }
0x8c: {  	s10 =	sadd.s32 $0xFFFFFB80, s30;
	s9 =	sadd.s32 $0xFFFFFC00, s30;
	s16 =	sadd.s32 $0xFFFFFC80, s30  }
0x8d: {  	s11 =	sadd.s32 $0xFFFFFA00, s30;
	s12 =	sadd.s32 $0xFFFFFA80, s30;
	s15 =	sadd.s32 $0xFFFFFB00, s30;
	(v2sf) =	vpush v1, $0x8  }
0x8e: {  	s18 =	sadd.s32 $0xFFFFF900, s30;
	s7 =	sadd.s32 $0xFFFFF980, s30;
	s22 =	spop (v2sf)  }
0x8f: {  	s8 =	sadd.s32 $0xFFFFF880, s30;
	s22 =	sand.u32 $0x1FFFFFF0, s22;
	s14 =	spop (v2sf);
	(v2sf) =	vpush v1, $0x9  }
0x90: {  	s22 =	sadd.s32 s6, s22;
	s14 =	sand.u32 $0x1FFFFFF0, s14;
	s17 =	spop (v2sf)  }
0x91: {  	[tilespmem:s8], [sflag:$0x9] =	stream.linear.gather [hbm4b:s22+s19], $0x38, $0x38;
	(v2sf) =	vpush v1, $0xA;
	[tilespmem:$0x1EF88] =	vst v63  }
0x92: {  	s8 =	sadd.s32 s6, s14;
	s14 =	sand.u32 $0x1FFFFFF0, s17;
	s17 =	spop (v2sf)  }
0x93: {  	[tilespmem:s18], [sflag:$0x9] =	stream.linear.gather [hbm4b:s8+s19], $0x38, $0x38;
	(v2sf) =	vpush v1, $0xB;
	[tilespmem:$0x1EF88] =	vst v63  }
0x94: {  	s8 =	sadd.s32 s6, s14;
	s14 =	sand.u32 $0x1FFFFFF0, s17;
	s17 =	spop (v2sf)  }
0x95: {  	[tilespmem:s7], [sflag:$0x9] =	stream.linear.gather [hbm4b:s8+s19], $0x38, $0x38;
	(v2sf) =	vpush v1, $0xC;
	[tilespmem:$0x1EF88] =	vst v63  }
0x96: {  	s7 =	sadd.s32 s6, s14;
	s8 =	sand.u32 $0x1FFFFFF0, s17;
	s14 =	spop (v2sf)  }
0x97: {  	[tilespmem:s11], [sflag:$0x9] =	stream.linear.gather [hbm4b:s7+s19], $0x38, $0x38;
	(v2sf) =	vpush v1, $0xD;
	[tilespmem:$0x1EF88] =	vst v63  }
0x98: {  	s7 =	sadd.s32 s6, s8;
	s8 =	sand.u32 $0x1FFFFFF0, s14;
	s11 =	spop (v2sf)  }
0x99: {  	[tilespmem:s12], [sflag:$0x9] =	stream.linear.gather [hbm4b:s7+s19], $0x38, $0x38;
	(v2sf) =	vpush v1, $0xE;
	[tilespmem:$0x1EF88] =	vst v63  }
0x9a: {  	s7 =	sadd.s32 s6, s8;
	s8 =	sand.u32 $0x1FFFFFF0, s11;
	s11 =	spop (v2sf)  }
0x9b: {  	[tilespmem:s15], [sflag:$0x9] =	stream.linear.gather [hbm4b:s7+s19], $0x38, $0x38;
	(v2sf) =	vpush v1, $0xF;
	[tilespmem:$0x1EF88] =	vst v63  }
0x9c: {  	s7 =	sadd.s32 s6, s8;
	s8 =	sand.u32 $0x1FFFFFF0, s11;
	s11 =	spop (v2sf)  }
0x9d: {  	[tilespmem:s10], [sflag:$0x9] =	stream.linear.gather [hbm4b:s7+s19], $0x38, $0x38;
	[tilespmem:$0x1EF88] =	vst v63  }
0x9e: {  	s7 =	sadd.s32 s6, s8;
	s8 =	sand.u32 $0x1FFFFFF0, s11;
	s10 =	spop (v2sf)  }
0x9f: {  	[tilespmem:s9], [sflag:$0x9] =	stream.linear.gather [hbm4b:s7+s19], $0x38, $0x38;
	[tilespmem:$0x1EF88] =	vst v63  }
0xa0: {  	s7 =	sadd.s32 s6, s8;
	s8 =	sand.u32 $0x1FFFFFF0, s10;
	s9 =	spop (v2sf)  }
0xa1: {  	[tilespmem:s16], [sflag:$0x9] =	stream.linear.gather [hbm4b:s7+s19], $0x38, $0x38;
	[tilespmem:$0x1EF88] =	vst v63  }
0xa2: {  	s7 =	sadd.s32 s6, s8;
	s8 =	sand.u32 $0x1FFFFFF0, s9;
	s9 =	spop (v2sf)  }
0xa3: {  	[tilespmem:s3], [sflag:$0x9] =	stream.linear.gather [hbm4b:s7+s19], $0x38, $0x38;
	[tilespmem:$0x1EF88] =	vst v63  }
0xa4: {  	s3 =	sadd.s32 s6, s8;
	s7 =	sand.u32 $0x1FFFFFF0, s9;
	s8 =	spop (v2sf)  }
0xa5: {  	[tilespmem:s2], [sflag:$0x9] =	stream.linear.gather [hbm4b:s3+s19], $0x38, $0x38;
	[tilespmem:$0x1EF88] =	vst v63  }
0xa6: {  	s2 =	sadd.s32 s6, s7;
	s3 =	sand.u32 $0x1FFFFFF0, s8;
	s7 =	spop (v2sf)  }
0xa7: {  	[tilespmem:s5], [sflag:$0x9] =	stream.linear.gather [hbm4b:s2+s19], $0x38, $0x38;
	[tilespmem:$0x1EF88] =	vst v63  }
0xa8: {  	s2 =	sadd.s32 s6, s3;
	s3 =	sand.u32 $0x1FFFFFF0, s7;
	s5 =	spop (v2sf)  }
0xa9: {  	[tilespmem:s4], [sflag:$0x9] =	stream.linear.gather [hbm4b:s2+s19], $0x38, $0x38;
	[tilespmem:$0x1EF88] =	vst v63  }
0xaa: {  	s2 =	sadd.s32 s6, s3  }
.Ltmp4:
0xab: {  	s3 =	sand.u32 $0x1FFFFFF0, s5;
	s4 =	spop (v2sf);
	(pc) =	sbr.rel @p2 .LBB2_5-.Ltmp4, $4  }
0xac: {  	[tilespmem:s0], [sflag:$0x9] =	stream.linear.gather [hbm4b:s2+s19], $0x38, $0x38;
	[tilespmem:$0x1EF88] =	vst v63  }
0xad: {  	s0 =	sadd.s32 s6, s3;
	s2 =	sadd.s32 $0xFFFFFF80, s30;
	s3 =	sand.u32 $0x1FFFFFF0, s4  }
0xae: {  	[tilespmem:s2], [sflag:$0x9] =	stream.linear.gather [hbm4b:s0+s19], $0x38, $0x38;
	[tilespmem:$0x1EF88] =	vst v63  }
0xaf: {  	s31 =	sadd.s32 $0x10, s31;
	s30 =	sadd.s32 $0x800, s30;
	s2 =	sadd.s32 s6, s3  }
0xb0: {  	[tilespmem:s28], [sflag:$0x9] =	stream.linear.gather [hbm4b:s2+s19], $0x38, $0x38;
	[tilespmem:$0x1EF88] =	vst v63  }
0xb1: {  	s12 =	rddreg [dreg:$0x5]  }
0xb2: {  	s14 =	rddreg [dreg:$0x6]  }
0xb3: {  	s15 =	rddreg [dreg:$0x7]  }
0xb4: {  	s17 =	rddreg [dreg:$0x8]  }
0xb5: {  	s18 =	rddreg [dreg:$0xa]  }
0xb6: {  	s22 =	rddreg [dreg:$0xb]  }
.LBB2_7:
0xb7: {  	p2 =	slt.u32 s25, $0x2  }
.Ltmp5:
0xb8: {  	_ = 	snop;
	(pc) =	sbr.rel @p2 .LBB2_25-.Ltmp5, $1  }
0xb9: {  	_ =	sdelay $0x3  }
0xba: {  	p2 =	sgt.s32 s26, $0x13740;
	s0 =	smov.u32 s26;
	s2 =	sshra.s32 s26, $0x1F  }
0xbb: {  	s0 =	simm.s32 @!p2 $0x13740;
	s2 =	sand.u32 s2, s26  }
0xbc: {  	s0 =	ssub.s32 s0, s2  }
0xbd: {  	s0 =	sadd.s32 $0xFFFEC8C0, s0  }
0xbe: {  	s3 =	simm.s32 $0x9;
	s29 =	sshll.u32 s0, $0x2  }
0xbf: {  	_ =	swait.ge [sflag:s3], $0x4600;
	s2 =	ssub.s32 $0x500, s29  }
0xc0: {  	[sflag:s3] =	ssyncset.done $0x0;
	p2 =	sgt.s32 s0, $0x13F;
	s0 =	sshrl.u32 s2, $0x2  }
0xc1: {  	s30 =	simm.s32 $0xB;
	[sflag:s3] =	ssyncadd.s32 $0xFFFFBA00;
	s0 =	simm.s32 @p2 $0x0  }
0xc2: {  	_ =	swait.ge [sflag:s30], s0  }
0xc3: {  	s0 =	ssub.s32 $0x0, s0;
	[sflag:s30] =	ssyncset.done $0x0  }
0xc4: {  	[sflag:s30] =	ssyncadd.s32 s0  }
0xc5: {  	v1 =	vld [tilespmem:$0xA108];
	_ =	sdelay $0x4  }
0xc6: {  	(v2sf) =	vpush v1, $0x0  }
0xc7: {  	(v2sf) =	vpush v1, $0x1  }
0xc8: {  	(v2sf) =	vpush v1, $0x2;
	_ =	sdelay $0x3  }
0xc9: {  	s0 =	sadd.s32 $0x140, s26  }
0xca: {  	s4 =	ssub.s32 $0x27100, s26;
	p2 =	slt.s32 s14, s0  }
0xcb: {  	s0 =	smov.u32 @p2 s14;
	p2 =	sgt.s32 s4, $0x0  }
0xcc: {  	s0 =	ssub.s32 s0, s26;
	s4 =	simm.s32 @!p2 $0x0  }
0xcd: {  	p2 =	slt.s32 s4, s0  }
0xce: {  	s0 =	smov.u32 @p2 s4  }
0xcf: {  	s2 =	simm.s32 $0x1;
	p2 =	slt.s32 s0, $0x1  }
.Ltmp6:
0xd0: {  	s2 =	simm.s32 @!p1 $0x0;
	(pc) =	sbr.rel @p2 .LBB2_12-.Ltmp6, $4  }
0xd1: {  	s7 =	smul.u32 $0x500, s2  }
0xd2: {  	s3 =	spop (v2sf)  }
0xd3: {  	s31 =	sshrl.u32 s7, $0x2;
	s5 =	spop (v2sf)  }
0xd4: {  	s28 =	sadd.s32 $0xAD08, s31;
	s26 =	spop (v2sf)  }
0xd5: {  	s4 =	smin.u32 s0, $0x10  }
0xd6: {  	v1 =	vmov s4  }
0xd7: {  	p3 =	sgt.s32 s0, $0x10;
	vm1 =	vgt.u32 v1, v0  }
.Ltmp7:
0xd8: {  	_ = 	snop;
	(pc) =	sbr.rel @!p3 .LBB2_11-.Ltmp7, $2  }
0xd9: {  	_ =	sdelay $0x2  }
0xda: {  	s9 =	simm.s32 $0x10;
	s10 =	sadd.s32 $0xFFFFFFF0, s0;
	s4 =	smov.u32 s28;
	vm0 =	vmmov vm1  }
.LBB2_10:
0xdb: {  	s7 =	smin.u32 s10, $0x10;
	s9 =	sadd.s32 $0x10, s9;
	v1 =	vld.msk [tilespmem:s4+$0x0 ss:$0x1], vm1  }
0xdc: {  	v2 =	vmov s7;
	p3 =	slt.s32 s9, s0  }
0xdd: {  	vm1 =	vgt.u32 v2, v0  }
.Ltmp8:
0xde: {  	(pc) =	sbr.rel @p3 .LBB2_10-.Ltmp8, $3  }
0xdf: {  	_ =	sdelay $0x1  }
0xe0: {  	v1 =	vshll.u32 v1, $0x4  }
0xe1: {  	s10 =	sadd.s32 $0xFFFFFFF0, s10;
	[tilespmem:s4+$0x0] =	vst.msk vm0, v1;
	s4 =	sadd.s32 $0x10, s4;
	vm0 =	vmmov vm1  }
.LBB2_11:
0xe2: {  	_ =	sdelay $0x4  }
0xe3: {  	v1 =	vld.msk [tilespmem:s4+$0x0 ss:$0x1], vm1;
	_ =	sdelay $0x4  }
0xe4: {  	v1 =	vshll.u32 v1, $0x4  }
0xe5: {  	[tilespmem:s4+$0x0] =	vst.msk vm0, v1  }
.LBB2_12:
0xe6: {  	s4 =	sand.u32 $0x1, s25  }
0xe7: {  	s4 =	smul.u32 $0x140, s4  }
0xe8: {  	p3 =	sne.s32 s5, $0xFFFFFFFF  }
0xe9: {  	v1 =	vld.msk @!p3 [tilespmem:s4+$0xAD08], $0x1;
	_ =	sdelay $0x4  }
0xea: {  	(v2sf) =	vpush @!p3 v1, $0x0;
	_ =	sdelay $0xc  }
.Ltmp9:
0xeb: {  	_ = 	snop;
	(pc) =	sbr.rel @p2 .LBB2_23-.Ltmp9, $4  }
0xec: {  	_ = 	snop  }
0xed: {  	s29 =	spop @!p3 (v2sf)  }
0xee: {  	s31 =	simm.s32 $0xC;
	s26 =	simm.s32 @!p3 $0x0;
	s4 =	smov.u32 s29  }
0xef: {  	[sflag:s31] =	ssyncpa.u1 $0x0;
	s29 =	smov.u32 @p3 s3;
	s4 =	smov.u32 @p3 s5  }
0xf0: {  	v1 =	vld.msk [tilespmem:s28+$0x0], $0x1;
	_ =	sdelay $0x4  }
0xf1: {  	(v2sf) =	vpush v1, $0x0;
	_ =	sdelay $0xe  }
0xf2: {  	s2 =	smul.u32 $0x28000, s2;
	s5 =	spop (v2sf)  }
0xf3: {  	s31 =	ssub.s32 $0x0, s0;
	p2 =	seq.s32 s29, s5  }
0xf4: {  	s3 =	smov.u32 s29;
	s2 =	sshrl.u32 s2, $0x2;
	p3 =	sgt.s32 @!p2 s29, $0x0  }
0xf5: {  	s30 =	sadd.s32 $0xAFA8, s2;
	s2 =	sadd.s32 $0x1, s31;
	p3 =	por !p3, p2  }
0xf6: {  	s3 =	simm.s32 @p3 $0x0;
	p3 =	seq.s32 s2, $0x0  }
.Ltmp10:
0xf7: {  	_ = 	snop;
	(pc) =	sbr.rel @p3 .LBB2_15-.Ltmp10, $4  }
0xf8: {  	_ = 	snop  }
0xf9: {  	s0 =	simm.s32 $0x0;
	s9 =	simm.s32 @!p2 $0x1;
	s3 =	smin.u32 @!p2 s3, $0x270F9  }
0xfa: {  	s10 =	simm.s32 @!p2 $0x50C8;
	s9 =	smov.u32 @p2 s0;
	s7 =	sand.u32 @!p2 $0x3FFF8, s3  }
0xfb: {  	s16 =	sand.u32 @!p2 $0x7, s3;
	s3 =	sadd.s32 $0x1, s28;
	s11 =	sadd.s32 @!p2 s1, s7  }
.LBB2_14:
0xfc: {  	s7 =	smov.u32 s9  }
0xfd: {  	[tilespmem:s10], [sflag:$0x2] =	stream.linear.gather @!p2 [hbm4b:s11+s16], $0x38, $0x38;
	[tilespmem:$0x1EF88] =	vst v63  }
0xfe: {  	s2 =	sadd.s32 $0x1, s2;
	s8 =	smov.u32 s5;
	v1 =	vld.msk [tilespmem:s3+$0x0], $0x1  }
0xff: {  	p3 =	seq.s32 s2, $0x0;
	_ =	sdelay $0x3  }
0x100: {  	(v2sf) =	vpush v1, $0x0;
	_ =	sdelay $0xe  }
0x101: {  	s5 =	spop (v2sf)  }
0x102: {  	p2 =	seq.s32 s8, s5  }
0x103: {  	p4 =	sgt.s32 @!p2 s8, $0x0;
	s10 =	sshll.u32 @!p2 s9, $0x8;
	s9 =	sadd.s32 @!p2 $0x1, s9  }
.Ltmp11:
0x104: {  	p4 =	por !p4, p2;
	s10 =	sshra.s32 @!p2 s10, $0x2;
	(pc) =	sbr.rel @!p3 .LBB2_14-.Ltmp11, $4  }
0x105: {  	s9 =	smov.u32 @p2 s7;
	s8 =	simm.s32 @p4 $0x0;
	s10 =	sadd.s32 @!p2 $0x50C8, s10  }
0x106: {  	s7 =	smin.u32 @!p2 s8, $0x270F9  }
0x107: {  	s8 =	sand.u32 @!p2 $0x3FFF8, s7;
	s16 =	sand.u32 @!p2 $0x7, s7  }
0x108: {  	s3 =	sadd.s32 $0x1, s3;
	s11 =	sadd.s32 @!p2 s1, s8  }
.LBB2_15:
0x109: {  	s2 =	smul.u32 $0xE0, s9  }
0x10a: {  	[tilespmem:s10], [sflag:$0x2] =	stream.linear.gather @!p2 [hbm4b:s11+s16], $0x38, $0x38;
	[tilespmem:$0x1EF88] =	vst v63  }
.Ltmp12:
0x10b: {  	_ = 	snop;
	(pc) =	sbr.rel .LBB2_16-.Ltmp12, $4  }
0x10c: {  	s3 =	simm.s32 $0x2;
	s2 =	sshrl.u32 s2, $0x2  }
0x10d: {  	_ =	swait.ge [sflag:s3], s2  }
0x10e: {  	s2 =	ssub.s32 $0x0, s2;
	[sflag:s3] =	ssyncset.done $0x0  }
0x10f: {  	[sflag:s3] =	ssyncadd.s32 s2;
	s3 =	simm.s32 $0x0  }
.LBB2_17:
0x110: {  	v1 =	vld [tilespmem:s30+$0xFFFFFFE0];
	_ =	sdelay $0x4  }
0x111: {  	[tilespmem:s5+$0x88] =	vst.add.f32.msk $0xffff, v1  }
0x112: {  	v1 =	vld [tilespmem:s30+$0xFFFFFFF0];
	_ =	sdelay $0x4  }
0x113: {  	[tilespmem:s5+$0x98] =	vst.add.f32.msk $0xffff, v1  }
0x114: {  	v1 =	vld [tilespmem:s30+$0x0];
	_ =	sdelay $0x4  }
0x115: {  	[tilespmem:s5+$0xA8] =	vst.add.f32.msk $0xffff, v1  }
0x116: {  	v1 =	vld.msk [tilespmem:s30+$0x10], $0xff;
	_ =	sdelay $0x4  }
0x117: {  	[tilespmem:s5+$0xB8] =	vst.add.f32.msk $0xff, v1  }
.LBB2_21:
0x118: {  	s31 =	sadd.s32 $0x1, s31  }
0x119: {  	p2 =	seq.s32 s31, $0x0  }
.Ltmp13:
0x11a: {  	_ = 	snop;
	(pc) =	sbr.rel @p2 .LBB2_22-.Ltmp13, $2  }
0x11b: {  	_ =	sdelay $0x2  }
0x11c: {  	s30 =	sadd.s32 $0x80, s30;
	s28 =	sadd.s32 $0x1, s28;
	s29 =	smov.u32 s2  }
.LBB2_16:
0x11d: {  	v1 =	vld.msk [tilespmem:s28+$0x0], $0x1;
	_ =	sdelay $0x4  }
0x11e: {  	(v2sf) =	vpush v1, $0x0;
	_ =	sdelay $0xe  }
0x11f: {  	s2 =	spop (v2sf)  }
0x120: {  	p2 =	sne.s32 s29, s2  }
.Ltmp14:
0x121: {  	_ = 	snop;
	(pc) =	sbr.rel @!p2 .LBB2_17-.Ltmp14, $3  }
0x122: {  	_ =	sdelay $0x1  }
0x123: {  	s5 =	sshll.u32 s26, $0x8  }
0x124: {  	s5 =	sshra.s32 s5, $0x2  }
0x125: {  	p2 =	seq.s32 s29, s4  }
.Ltmp15:
0x126: {  	_ = 	snop;
	(pc) =	sbr.rel @!p2 .LBB2_19-.Ltmp15, $1  }
0x127: {  	_ =	sdelay $0x3  }
.Ltmp16:
0x128: {  	s5 =	sadd.s32 $0x88, s5;
	(pc) =	sbr.rel .LBB2_20-.Ltmp16, $4  }
0x129: {  	[spmem:s18] =	stream.linear.scatter [tilespmem:s5], [sflag:$0x1], $0x38, $0x38;
	[tilespmem:$0x1EF88] =	vst v63  }
0x12a: {  	_ =	swait.ge [sflag:s13], $0x38  }
0x12b: {  	[sflag:s13] =	ssyncset.done $0x0  }
0x12c: {  	[sflag:s13] =	ssyncadd.s32 $0xFFFFFFC8  }
.LBB2_19:
0x12d: {  	s7 =	sshll.u32 s0, $0x8  }
0x12e: {  	s7 =	sshra.s32 s7, $0x2  }
0x12f: {  	v1 =	vld [tilespmem:s7+$0x50C8];
	_ =	sdelay $0x4  }
0x130: {  	[tilespmem:s5+$0x88] =	vst.add.f32.msk $0xffff, v1  }
0x131: {  	v1 =	vld [tilespmem:s7+$0x50D8];
	_ =	sdelay $0x4  }
0x132: {  	[tilespmem:s5+$0x98] =	vst.add.f32.msk $0xffff, v1  }
0x133: {  	v1 =	vld [tilespmem:s7+$0x50E8];
	_ =	sdelay $0x4  }
0x134: {  	[tilespmem:s5+$0xA8] =	vst.add.f32.msk $0xffff, v1  }
0x135: {  	v1 =	vld.msk [tilespmem:s7+$0x50F8], $0xff;
	_ =	sdelay $0x2  }
0x136: {  	p2 =	sgt.u32 s29, $0x270F9  }
0x137: {  	s7 =	sand.u32 @!p2 $0x3FFF8, s29  }
0x138: {  	s8 =	sadd.s32 $0x88, s5;
	[tilespmem:s5+$0xB8] =	vst.add.f32.msk $0xff, v1;
	s5 =	sadd.s32 @!p2 s1, s7;
	s7 =	sand.u32 @!p2 $0x7, s29  }
0x139: {  	[hbm4b:s5+s7] =	stream.linear.scatter @!p2 [tilespmem:s8], [sflag:$0xC], $0x38, $0x38;
	[tilespmem:$0x1EF88] =	vst v63  }
0x13a: {  	s5 =	simm.s32 $0x0  }
0x13b: {  	s5 =	simm.s32 @!p2 $0xE0  }
0x13c: {  	s3 =	sadd.s32 s5, s3  }
.LBB2_20:
0x13d: {  	s5 =	sadd.s32 $0x1, s26  }
0x13e: {  	s7 =	smulhi.u32 $0xCCCCCCCD, s5;
	_ =	sdelay $0x1  }
0x13f: {  	v1 =	vld [tilespmem:s30+$0xFFFFFFE0];
	s7 =	sshrl.u32 s7, $0x8  }
0x140: {  	s7 =	smul.u32 $0x140, s7;
	_ =	sdelay $0x1  }
0x141: {  	s26 =	ssub.s32 s5, s7  }
0x142: {  	s5 =	sshll.u32 s26, $0x6  }
0x143: {  	[tilespmem:s5+$0x88] =	vst v1  }
0x144: {  	v1 =	vld [tilespmem:s30+$0xFFFFFFF0];
	_ =	sdelay $0x4  }
0x145: {  	[tilespmem:s5+$0x98] =	vst v1  }
0x146: {  	v1 =	vld [tilespmem:s30+$0x0];
	_ =	sdelay $0x4  }
0x147: {  	[tilespmem:s5+$0xA8] =	vst v1  }
0x148: {  	v1 =	vld.msk [tilespmem:s30+$0x10], $0xff  }
.Ltmp17:
0x149: {  	_ = 	snop;
	(pc) =	sbr.rel .LBB2_21-.Ltmp17, $2  }
0x14a: {  	_ =	sdelay $0x2  }
0x14b: {  	s0 =	sadd.s32 $0x1, s0;
	[tilespmem:s5+$0xB8] =	vst.msk $0xff, v1  }
.LBB2_23:
.Ltmp18:
0x14c: {  	(pc) =	sbr.rel .LBB2_24-.Ltmp18, $4  }
0x14d: {  	_ = 	snop  }
0x14e: {  	s0 =	simm.s32 $0x2  }
0x14f: {  	_ =	swait.ge [sflag:s0], $0x0  }
0x150: {  	s2 =	smov.u32 s29;
	[sflag:s0] =	ssyncset.done $0x0;
	s0 =	simm.s32 $0x0  }
.LBB2_26:
0x151: {  	_ =	sfence.sel $0x180000  }
0x152: {  	s0 =	simm.s32 $0x9;
	[bflag:$0x0] =	sbarrier.arrive $0xFFFF  }
0x153: {  	s24 =	simm.s32 $0xA;
	[sflag:s0] =	ssyncpa.u1 $0x1  }
0x154: {  	s25 =	simm.s32 $0xB;
	[sflag:s24] =	ssyncpa.u1 $0x1  }
0x155: {  	s26 =	simm.s32 $0x2;
	[sflag:s25] =	ssyncpa.u1 $0x1  }
0x156: {  	[sflag:s26] =	ssyncpa.u1 $0x1  }
0x157: {  	v0 =	vld [tilespmem:$0xA108];
	_ =	sdelay $0x4  }
0x158: {  	(v2sf) =	vpush v0, $0x0  }
0x159: {  	(v2sf) =	vpush v0, $0x1;
	_ =	sdelay $0x1  }
0x15a: {  	(v2sf) =	vpush v0, $0x2;
	_ =	sdelay $0xb  }
0x15b: {  	s0 =	spop (v2sf)  }
0x15c: {  	s2 =	spop (v2sf)  }
0x15d: {  	s3 =	smov.u32 s0;
	p0 =	sne.s32 s0, s2  }
0x15e: {  	s4 =	spop (v2sf);
	s3 =	simm.s32 @!p0 $0xFFFFFFFF  }
0x15f: {  	v2 =	vimm.s32 $0x1;
	v3 =	vlaneseq.u32;
	p0 =	seq.s32 s4, $0xFFFFFFFF;
	v1 =	vmov s3  }
0x160: {  	s14 =	stileid.u32;
	v0 =	vperm.xlane v0, v2;
	p1 =	sne.s32 @!p0 s0, s2;
	v1 =	vperm.xlane v1, v3  }
0x161: {  	vm0 =	vcmask $0x3F04;
	s6 =	simm.s32 $0xA108;
	s0 =	simm.s32 @!p0 $0x1;
	p1 =	por !p1, p0  }
0x162: {  	s3 =	sshll.u32 s14, $0x1;
	s2 =	sshll.u32 @!p0 s4, $0x8;
	s0 =	simm.s32 @p1 $0x0;
	v0 =	vsel vm0, v1, v0  }
0x163: {  	s5 =	sor.u32 $0x800, s3;
	s2 =	sshra.s32 @!p0 s2, $0x2;
	s0 =	sor.u32 @!p0 s0, s3;
	[tilespmem:$0xA108] =	vst v0  }
0x164: {  	[spmem:s5] =	stream.linear.scatter [tilespmem:s6], [sflag:$0x1], $0x2, $0x38;
	[tilespmem:$0x1EF88] =	vst v63  }
0x165: {  	s2 =	sadd.s32 @!p0 $0x88, s2;
	s0 =	sshll.u32 @!p0 s0, $0x6  }
0x166: {  	[spmem:s0] =	stream.linear.scatter @!p0 [tilespmem:s2], [sflag:$0x1], $0x40, $0x38;
	[tilespmem:$0x1EF88] =	vst v63  }
0x167: {  	s0 =	simm.s32 @!p0 $0x42  }
0x168: {  	s28 =	simm.s32 $0x1;
	s0 =	simm.s32 @p0 $0x2  }
0x169: {  	_ =	swait.ge [sflag:s28], s0  }
0x16a: {  	s0 =	ssub.s32 $0x0, s0;
	[sflag:s28] =	ssyncset.done $0x0  }
0x16b: {  	p0 =	sne.s32 s14, $0x0;
	[sflag:s28] =	ssyncadd.s32 s0  }
.Ltmp19:
0x16c: {  	_ =	sfence.stream.spmem;
	(pc) =	sbr.rel @p0 .LBB2_43-.Ltmp19, $4  }
0x16d: {  	s29 =	simm.s32 $0x3;
	[bflag:$0x0] =	sbarrier.arrive $0xFFFF  }
0x16e: {  	s30 =	simm.s32 $0x4;
	[sflag:s29] =	ssyncpa.u1 $0x1  }
0x16f: {  	s31 =	simm.s32 $0x3C;
	[sflag:s30] =	ssyncpa.u1 $0x1  }
0x170: {  	s13 =	rddreg [dreg:$0x4];
	[sflag:s31] =	ssyncpa.u1 $0x1  }
0x171: {  	_ =	sfence.stream.spmem;
	s0 =	simm.s32 $0x5  }
0x172: {  	s2 =	simm.s32 $0x800;
	s3 =	simm.s32 $0xA118;
	[sflag:s0] =	ssyncpa.u1 $0x0  }
0x173: {  	[tilespmem:s3], [sflag:$0x5] =	stream.linear.gather [spmem:s2], $0x20, $0x38;
	[tilespmem:$0x1EF88] =	vst v63  }
0x174: {  	s26 =	simm.s32 $0x0;
	s28 =	simm.s32 $0xA138  }
0x175: {  	[tilespmem:s28], [sflag:$0x5] =	stream.linear.gather [spmem:s26], $0x800, $0x38;
	[tilespmem:$0x1EF88] =	vst v63  }
0x176: {  	_ =	swait.ge [sflag:s0], $0x820  }
0x177: {  	[sflag:s0] =	ssyncset.done $0x0  }
0x178: {  	s29 =	simm.s32 $0x0;
	[sflag:s0] =	ssyncadd.s32 $0xFFFFF7E0  }
0x179: {  	v0 =	vld.msk [tilespmem:s29+$0xA118], $0x1;
	_ =	sdelay $0x1  }
0x17a: {  	s30 =	simm.s32 $0x1  }
0x17b: {  	v1 =	vld.msk [tilespmem:s30+$0xA118], $0x1;
	_ =	sdelay $0x1  }
0x17c: {  	(v2sf) =	vpush v0, $0x0;
	_ =	sdelay $0x2  }
0x17d: {  	(v2sf) =	vpush v1, $0x0;
	_ =	sdelay $0x2  }
0x17e: {  	s31 =	simm.s32 $0x2  }
0x17f: {  	v0 =	vld.msk [tilespmem:s31+$0xA118], $0x1;
	_ =	sdelay $0x2  }
0x180: {  	s2 =	simm.s32 $0xFFFFFFFF;
	s3 =	simm.s32 $0xFFFFFFFF;
	s0 =	simm.s32 $0xC  }
.LBB2_28:
0x181: {  	s4 =	smov.u32 s3;
	s5 =	smov.u32 s2  }
0x182: {  	s2 =	sshra.s32 s0, $0x2;
	p1 =	sne.s32 s0, $0x7C;
	s0 =	sadd.s32 $0x4, s0;
	(v2sf) =	vpush v0, $0x0  }
0x183: {  	v0 =	vld.msk [tilespmem:s2+$0xA118], $0x1  }
.Ltmp20:
0x184: {  	(pc) =	sbr.rel @p1 .LBB2_28-.Ltmp20, $4  }
0x185: {  	s3 =	spop (v2sf)  }
0x186: {  	p2 =	sne.s32 s5, $0xFFFFFFFF;
	s2 =	smov.u32 s3  }
0x187: {  	p3 =	seq.s32 s3, $0xFFFFFFFF;
	s2 =	smov.u32 @p2 s5  }
0x188: {  	s3 =	smov.u32 @p3 s4;
	s2 =	smov.u32 @p3 s5  }
0x189: {  	(v2sf) =	vpush v0, $0x0;
	_ =	sdelay $0x8  }
0x18a: {  	s0 =	spop (v2sf)  }
0x18b: {  	p1 =	sne.s32 s2, $0xFFFFFFFF;
	s4 =	smov.u32 s0  }
0x18c: {  	s6 =	simm.s32 $0x0;
	p2 =	seq.s32 s0, $0xFFFFFFFF;
	s4 =	smov.u32 @p1 s2  }
0x18d: {  	s9 =	simm.s32 $0xA0C8;
	s4 =	smov.u32 @p2 s2;
	s2 =	spop (v2sf)  }
0x18e: {  	s0 =	smov.u32 @p2 s3;
	p1 =	sne.s32 s4, $0xFFFFFFFF;
	s5 =	smov.u32 s2  }
.Ltmp21:
0x18f: {  	p2 =	seq.s32 s2, $0xFFFFFFFF;
	s5 =	smov.u32 @p1 s4;
	(pc) =	sbr.rel .LBB2_30-.Ltmp21, $4  }
0x190: {  	s10 =	simm.s32 $0x0;
	s5 =	smov.u32 @p2 s4;
	s7 =	spop (v2sf)  }
0x191: {  	s2 =	smov.u32 @p2 s0;
	p1 =	sne.s32 s5, $0xFFFFFFFF;
	s8 =	smov.u32 s7  }
0x192: {  	s0 =	simm.s32 $0x6;
	p2 =	seq.s32 s7, $0xFFFFFFFF;
	s8 =	smov.u32 @p1 s5  }
0x193: {  	[sflag:s0] =	ssyncpa.u1 $0x0;
	s7 =	smov.u32 @p2 s2;
	s8 =	smov.u32 @p2 s5  }
.LBB2_36:
0x194: {  	p1 =	sgt.u32 s2, $0x270F9  }
0x195: {  	p2 =	seq.s32 @!p1 s2, s8  }
0x196: {  	p1 =	por p1, p2  }
0x197: {  	p2 =	sne.s32 @!p1 s2, s7  }
0x198: {  	p1 =	por p1, !p2  }
0x199: {  	s2 =	sshll.u32 @p1 s10, $0x8  }
0x19a: {  	s3 =	sand.u32 @!p1 $0x3FFF8, s2  }
0x19b: {  	s2 =	sand.u32 @!p1 $0x7, s2;
	s3 =	sadd.s32 @!p1 s1, s3  }
0x19c: {  	[tilespmem:s9], [sflag:$0x6] =	stream.linear.gather @!p1 [hbm4b:s3+s2], $0x38, $0x38;
	[tilespmem:$0x1EF88] =	vst v63  }
0x19d: {  	_ =	swait.ge @!p1 [sflag:s0], $0x38  }
0x19e: {  	[sflag:s0] =	ssyncset.done @!p1 $0x0  }
0x19f: {  	[sflag:s0] =	ssyncadd.s32 @!p1 $0xFFFFFFC8  }
0x1a0: {  	v1 =	vld @!p1 [tilespmem:$0xA0C8];
	_ =	sdelay $0x2  }
0x1a1: {  	s2 =	sshll.u32 @!p1 s10, $0x8  }
0x1a2: {  	s3 =	sshrl.u32 @!p1 s2, $0x2  }
0x1a3: {  	[tilespmem:s3+$0xA138] =	vst.add.f32.msk @!p1 $0xffff, v1  }
0x1a4: {  	v1 =	vld @!p1 [tilespmem:$0xA0D8];
	_ =	sdelay $0x4  }
0x1a5: {  	[tilespmem:s3+$0xA148] =	vst.add.f32.msk @!p1 $0xffff, v1  }
0x1a6: {  	v1 =	vld @!p1 [tilespmem:$0xA0E8];
	_ =	sdelay $0x4  }
0x1a7: {  	[tilespmem:s3+$0xA158] =	vst.add.f32.msk @!p1 $0xffff, v1  }
0x1a8: {  	v1 =	vld @!p1 [tilespmem:$0xA0F8];
	_ =	sdelay $0x4  }
0x1a9: {  	[tilespmem:s3+$0xA168] =	vst.add.f32.msk @!p1 $0xffff, v1  }
0x1aa: {  	s2 =	sshrl.u32 s2, $0x2;
	[tilespmem:s6+$0xA118] =	vst.msk $0x1, v0  }
0x1ab: {  	v0 =	vld [tilespmem:s2+$0xA138];
	_ =	sdelay $0x2  }
0x1ac: {  	s31 =	sshll.u32 s6, $0x8  }
0x1ad: {  	s3 =	sshra.s32 s31, $0x2  }
0x1ae: {  	[tilespmem:s3+$0xA138] =	vst v0  }
0x1af: {  	v0 =	vld [tilespmem:s2+$0xA148];
	_ =	sdelay $0x4  }
0x1b0: {  	[tilespmem:s3+$0xA148] =	vst v0  }
0x1b1: {  	v0 =	vld [tilespmem:s2+$0xA158];
	_ =	sdelay $0x4  }
0x1b2: {  	[tilespmem:s3+$0xA158] =	vst v0  }
0x1b3: {  	v0 =	vld [tilespmem:s2+$0xA168];
	_ =	sdelay $0x4  }
0x1b4: {  	s6 =	sadd.s32 $0x1, s6;
	[tilespmem:s3+$0xA168] =	vst v0  }
.LBB2_37:
0x1b5: {  	s10 =	sadd.s32 $0x1, s10  }
0x1b6: {  	p1 =	sne.s32 s10, $0x20  }
.Ltmp22:
0x1b7: {  	_ = 	snop;
	(pc) =	sbr.rel @!p1 .LBB2_38-.Ltmp22, $1  }
0x1b8: {  	_ =	sdelay $0x3  }
.LBB2_30:
0x1b9: {  	v0 =	vld.msk [tilespmem:s10+$0xA118], $0x1;
	_ =	sdelay $0x4  }
0x1ba: {  	(v2sf) =	vpush v0, $0x0;
	_ =	sdelay $0xe  }
0x1bb: {  	s2 =	spop (v2sf)  }
0x1bc: {  	p1 =	seq.s32 s2, $0xFFFFFFFF  }
.Ltmp23:
0x1bd: {  	_ = 	snop;
	(pc) =	sbr.rel @p1 .LBB2_37-.Ltmp23, $1  }
0x1be: {  	_ =	sdelay $0x3  }
0x1bf: {  	p1 =	slt.s32 s6, $0x1  }
.Ltmp24:
0x1c0: {  	_ = 	snop;
	(pc) =	sbr.rel @p1 .LBB2_36-.Ltmp24, $1  }
0x1c1: {  	_ =	sdelay $0x3  }
0x1c2: {  	s3 =	simm.s32 $0xA118;
	p1 =	por $0x0, $0x0  }
0x1c3: {  	v1 =	vld.msk @!p1 [tilespmem:s3+$0x0], $0x1;
	_ =	sdelay $0x4  }
0x1c4: {  	(v2sf) =	vpush @!p1 v1, $0x0;
	_ =	sdelay $0xd  }
0x1c5: {  	p3 =	sne.s32 s6, $0x1  }
.Ltmp25:
0x1c6: {  	s4 =	spop @!p1 (v2sf);
	(pc) =	sbr.rel @!p3 .LBB2_34-.Ltmp25, $4  }
0x1c7: {  	p2 =	seq.s32 @!p1 s2, s4  }
0x1c8: {  	s4 =	simm.s32 $0x0;
	p2 =	por !p2, p1  }
0x1c9: {  	s11 =	simm.s32 $0xFFFFFFFF;
	s4 =	simm.s32 @p2 $0xFFFFFFFF  }
0x1ca: {  	s5 =	simm.s32 $0x1;
	s4 =	smov.u32 @p1 s11  }
.LBB2_33:
0x1cb: {  	s11 =	smov.u32 s4;
	p1 =	sne.s32 s4, $0xFFFFFFFF  }
0x1cc: {  	s3 =	sadd.s32 $0x1, s3;
	s4 =	smov.u32 s5;
	s5 =	sadd.s32 $0x1, s5  }
0x1cd: {  	p2 =	sne.s32 s6, s5;
	v1 =	vld.msk @!p1 [tilespmem:s3+$0x0], $0x1;
	_ =	sdelay $0x4  }
0x1ce: {  	(v2sf) =	vpush @!p1 v1, $0x0;
	_ =	sdelay $0xe  }
.Ltmp26:
0x1cf: {  	s12 =	spop @!p1 (v2sf);
	(pc) =	sbr.rel @p2 .LBB2_33-.Ltmp26, $4  }
0x1d0: {  	p3 =	seq.s32 @!p1 s2, s12  }
0x1d1: {  	p3 =	por !p3, p1  }
0x1d2: {  	s4 =	simm.s32 @p3 $0xFFFFFFFF  }
0x1d3: {  	s4 =	smov.u32 @p1 s11  }
.LBB2_34:
0x1d4: {  	p1 =	seq.s32 s4, $0xFFFFFFFF  }
.Ltmp27:
0x1d5: {  	_ = 	snop;
	(pc) =	sbr.rel @p1 .LBB2_36-.Ltmp27, $1  }
0x1d6: {  	_ =	sdelay $0x3  }
0x1d7: {  	s2 =	sshll.u32 s10, $0x6  }
0x1d8: {  	s2 =	sand.u32 $0x3FFFFFC0, s2  }
0x1d9: {  	v0 =	vld [tilespmem:s2+$0xA138];
	_ =	sdelay $0x2  }
0x1da: {  	s3 =	sshll.u32 s4, $0x8  }
0x1db: {  	s3 =	sshra.s32 s3, $0x2  }
0x1dc: {  	[tilespmem:s3+$0xA138] =	vst.add.f32.msk $0xffff, v0  }
0x1dd: {  	v0 =	vld [tilespmem:s2+$0xA148];
	_ =	sdelay $0x4  }
0x1de: {  	[tilespmem:s3+$0xA148] =	vst.add.f32.msk $0xffff, v0  }
0x1df: {  	v0 =	vld [tilespmem:s2+$0xA158];
	_ =	sdelay $0x4  }
0x1e0: {  	[tilespmem:s3+$0xA158] =	vst.add.f32.msk $0xffff, v0  }
0x1e1: {  	v0 =	vld [tilespmem:s2+$0xA168]  }
.Ltmp28:
0x1e2: {  	_ = 	snop;
	(pc) =	sbr.rel .LBB2_37-.Ltmp28, $2  }
0x1e3: {  	_ =	sdelay $0x2  }
0x1e4: {  	[tilespmem:s3+$0xA168] =	vst.add.f32.msk $0xffff, v0  }
.LBB2_38:
0x1e5: {  	s0 =	simm.s32 $0x6;
	p1 =	seq.s32 s6, $0x0  }
0x1e6: {  	[sflag:s0] =	ssyncpa.u1 $0x1;
	v0 =	vimm.s32 @p1 $0xFFFFFFFF  }
0x1e7: {  	s0 =	sadd.s32 $0xFFFFFFFF, s6;
	[tilespmem:$0xA938] =	vst @p1 v0  }
0x1e8: {  	v0 =	vld.msk @!p1 [tilespmem:s0+$0xA118], $0x1;
	_ =	sdelay $0x1  }
0x1e9: {  	v1 =	vld.msk @!p1 [tilespmem:$0xA118], $0x1;
	_ =	sdelay $0x2  }
0x1ea: {  	p2 =	seq.s32 @!p1 s0, $0x0;
	v0 =	vbroadcast @!p1 v0, $0x0  }
0x1eb: {  	vm0 =	vmmov @!p1 $0x1;
	p2 =	por !p2, p1  }
0x1ec: {  	v1 =	vnsel @!p1 vm0, $0xFFFFFFFF, v1;
	vm0 =	vcmask @!p1 $0x308;
	v0 =	vpsel !p2, $0xFFFFFFFF, v0  }
0x1ed: {  	p2 =	sne.s32 @!p1 s8, s7;
	v0 =	vsel @!p1 vm0, v1, v0  }
0x1ee: {  	s2 =	simm.s32 @!p1 $0xA138;
	s3 =	simm.s32 @!p1 $0x0;
	p3 =	por !p2, p1;
	[tilespmem:$0xA938] =	vst @!p1 v0  }
0x1ef: {  	[spmem:s3] =	stream.linear.scatter @!p1 [tilespmem:s2], [sflag:$0x1], $0x40, $0x38;
	[tilespmem:$0x1EF88] =	vst v63  }
0x1f0: {  	s2 =	sshll.u32 @!p3 s0, $0x8  }
0x1f1: {  	s2 =	sshra.s32 @!p3 s2, $0x2  }
0x1f2: {  	s3 =	simm.s32 @!p3 $0x40;
	s2 =	sadd.s32 @!p3 $0xA138, s2  }
0x1f3: {  	[spmem:s3] =	stream.linear.scatter @!p3 [tilespmem:s2], [sflag:$0x1], $0x40, $0x38;
	[tilespmem:$0x1EF88] =	vst v63  }
0x1f4: {  	s2 =	simm.s32 @!p3 $0x1  }
0x1f5: {  	_ =	swait.ge @!p3 [sflag:s2], $0x80  }
0x1f6: {  	p1 =	por p2, p1;
	[sflag:s2] =	ssyncset.done @!p3 $0x0  }
0x1f7: {  	[sflag:s2] =	ssyncadd.s32 @!p3 $0xFFFFFF80;
	s2 =	simm.s32 @!p1 $0x1  }
0x1f8: {  	_ =	swait.ge @!p1 [sflag:s2], $0x40  }
0x1f9: {  	s29 =	simm.s32 $0xA938;
	[sflag:s2] =	ssyncset.done @!p1 $0x0  }
0x1fa: {  	s30 =	simm.s32 $0x800;
	s31 =	simm.s32 $0x1;
	[sflag:s2] =	ssyncadd.s32 @!p1 $0xFFFFFFC0  }
0x1fb: {  	[spmem:s30] =	stream.linear.scatter [tilespmem:s29], [sflag:$0x1], $0x10, $0x38;
	[tilespmem:$0x1EF88] =	vst v63  }
0x1fc: {  	_ =	swait.ge [sflag:s31], $0x10  }
0x1fd: {  	[sflag:s31] =	ssyncset.done $0x0  }
0x1fe: {  	p1 =	seq.s32 s13, $0x0;
	s9 =	rddreg [dreg:$0x1];
	[sflag:s31] =	ssyncadd.s32 $0xFFFFFFF0  }
0x1ff: {  	s3 =	sshll.u32 @p1 s9, $0xE;
	s8 =	rddreg [dreg:$0x2]  }
0x200: {  	s2 =	sadd.s32 @p1 $0x15C3C, s3;
	s3 =	sshll.u32 @p1 s8, $0x11  }
0x201: {  	_ =	sfence.stream.spmem;
	s2 =	sor.u32 @p1 s3, s2  }
0x202: {  	[sflag:s2] =	ssyncadd.remote.s32 @p1 $0x1;
	s2 =	simm.s32 @p1 $0x4  }
0x203: {  	s4 =	simm.s32 @!p1 $0x3C;
	s3 =	sand.u32 $0xFFFFFFFE, s9;
	_ =	swait.ge @p1 [sflag:s2], $0x12  }
0x204: {  	s5 =	simm.s32 @!p1 $0x0;
	s3 =	sadd.s32 @!p1 $0x4, s3;
	[sflag:s2] =	ssyncset.done @p1 $0x0  }
0x205: {  	s7 =	simm.s32 @!p1 $0x80;
	[sflag:s2] =	ssyncadd.s32 @p1 $0xFFFFFFEE;
	s2 =	sshll.u32 @!p1 s3, $0x1A  }
0x206: {  	s3 =	sshll.u32 @!p1 s3, $0xD;
	s2 =	sor.u32 @!p1 s2, s8;
	_ =	swait.eq @!p1 [sflag:s4], $0x1  }
0x207: {  	s3 =	sor.u32 @!p1 $0x1C04, s3;
	s4 =	simm.s32 @!p1 $0x1C03;
	s2 =	sor.u32 @!p1 $0x80004000, s2  }
0x208: {  	[spmem:s7], [sflag:s3] =	dma.general @!p1 [spmem:s5], [sflag:s4], length:$0x10, [dreg:$0x0], stride_count:$0x0, ici_dest:s2, dma_misc:DstOpCode:WRITE  }
0x209: {  	p2 =	slt.s32 s0, $0x2;
	s5 =	simm.s32 @!p1 $0x100;
	s7 =	simm.s32 @!p1 $0x102  }
0x20a: {  	[spmem:s7], [sflag:s3] =	dma.general @!p1 [spmem:s5], [sflag:s4], length:$0x2, [dreg:$0x0], stride_count:$0x0, ici_dest:s2, dma_misc:DstOpCode:WRITE  }
.Ltmp29:
0x20b: {  	s2 =	simm.s32 @!p1 $0x3;
	(pc) =	sbr.rel @p2 .LBB2_42-.Ltmp29, $4  }
0x20c: {  	s3 =	sshll.u32 @!p1 s9, $0xE;
	_ =	swait.ge @!p1 [sflag:s2], $0x12  }
0x20d: {  	s4 =	sshll.u32 @!p1 s8, $0x11;
	s3 =	sadd.s32 @!p1 $0x11C3C, s3;
	[sflag:s2] =	ssyncset.done @!p1 $0x0  }
0x20e: {  	[sflag:s2] =	ssyncadd.s32 @!p1 $0xFFFFFFEE;
	s2 =	sor.u32 @!p1 s4, s3  }
0x20f: {  	s0 =	simm.s32 $0x0;
	[sflag:s2] =	ssyncadd.remote.s32 @!p1 $0xFFFFFFFF  }
0x210: {  	s0 =	simm.s32 $0xA119  }
0x211: {  	v0 =	vld.msk [tilespmem:s0+$0x0], $0x1;
	_ =	sdelay $0x4  }
0x212: {  	(v2sf) =	vpush v0, $0x0;
	_ =	sdelay $0xc  }
0x213: {  	s2 =	sadd.s32 $0xFFFFFFFE, s6  }
0x214: {  	s2 =	sadd.s32 $0xFFFFFFFF, s2  }
0x215: {  	p2 =	sne.s32 s2, $0x0;
	s3 =	spop (v2sf)  }
.Ltmp30:
0x216: {  	p1 =	sgt.u32 s3, $0x270F9;
	(pc) =	sbr.rel @!p2 .LBB2_41-.Ltmp30, $4  }
0x217: {  	s5 =	simm.s32 $0x0;
	s4 =	sand.u32 @!p1 $0x3FFF8, s3  }
0x218: {  	s0 =	simm.s32 $0xA178;
	s3 =	sand.u32 @!p1 $0x7, s3;
	s4 =	sadd.s32 @!p1 s1, s4  }
0x219: {  	[hbm4b:s4+s3] =	stream.linear.scatter @!p1 [tilespmem:s0], [sflag:$0x5], $0x38, $0x38;
	[tilespmem:$0x1EF88] =	vst v63  }
0x21a: {  	s5 =	simm.s32 @!p1 $0xE0;
	s3 =	simm.s32 $0x0;
	s4 =	simm.s32 $0xA11A  }
.LBB2_40:
0x21b: {  	v0 =	vld.msk [tilespmem:s4+$0x0], $0x1;
	s2 =	sadd.s32 $0xFFFFFFFF, s2;
	s3 =	sadd.s32 s3, s5  }
0x21c: {  	p1 =	sne.s32 s2, $0x0;
	_ =	sdelay $0x3  }
0x21d: {  	(v2sf) =	vpush v0, $0x0;
	_ =	sdelay $0xe  }
.Ltmp31:
0x21e: {  	s6 =	spop (v2sf);
	(pc) =	sbr.rel @p1 .LBB2_40-.Ltmp31, $4  }
0x21f: {  	s5 =	simm.s32 $0x0;
	p2 =	sgt.u32 s6, $0x270F9  }
0x220: {  	s0 =	sadd.s32 $0x40, s0;
	s5 =	simm.s32 @!p2 $0xE0;
	s7 =	sand.u32 @!p2 $0x3FFF8, s6  }
0x221: {  	s4 =	sadd.s32 $0x1, s4;
	s6 =	sand.u32 @!p2 $0x7, s6;
	s7 =	sadd.s32 @!p2 s1, s7  }
0x222: {  	[hbm4b:s7+s6] =	stream.linear.scatter @!p2 [tilespmem:s0], [sflag:$0x5], $0x38, $0x38;
	[tilespmem:$0x1EF88] =	vst v63  }
.LBB2_41:
0x223: {  	s0 =	sadd.s32 s3, s5  }
0x224: {  	s0 =	sshrl.u32 s0, $0x2  }
.LBB2_42:
0x225: {  	s2 =	simm.s32 $0x5  }
0x226: {  	_ =	swait.ge [sflag:s2], s0  }
0x227: {  	s31 =	ssub.s32 $0x0, s0;
	[sflag:s2] =	ssyncset.done $0x0  }
0x228: {  	[sflag:s2] =	ssyncadd.s32 s31  }
0x229: {  	[sflag:s2] =	ssyncpa.u1 $0x1  }
.LBB2_43:
0x22a: {  	s0 =	sor.u32 s13, s14  }
0x22b: {  	p1 =	sne.s32 s0, $0x0  }
.Ltmp32:
0x22c: {  	_ = 	snop;
	(pc) =	sbr.rel @p1 .LBB2_58-.Ltmp32, $3  }
0x22d: {  	_ =	sdelay $0x1  }
0x22e: {  	[bflag:$0x0] =	sbarrier.arrive $0xFFFF  }
0x22f: {  	_ =	sfence  }
0x230: {  	s2 =	simm.s32 $0x7  }
0x231: {  	s0 =	simm.s32 $0x800;
	s3 =	simm.s32 $0xA118;
	[sflag:s2] =	ssyncpa.u1 $0x0  }
0x232: {  	[tilespmem:s3], [sflag:$0x7] =	stream.linear.gather [spmem:s0], $0x20, $0x38;
	[tilespmem:$0x1EF88] =	vst v63  }
0x233: {  	s30 =	simm.s32 $0xA138;
	s0 =	simm.s32 $0x0  }
0x234: {  	[tilespmem:s30], [sflag:$0x7] =	stream.linear.gather [spmem:s0], $0x800, $0x38;
	[tilespmem:$0x1EF88] =	vst v63  }
.Ltmp33:
0x235: {  	_ = 	snop;
	(pc) =	sbr.rel .LBB2_45-.Ltmp33, $4  }
0x236: {  	_ =	swait.ge [sflag:s2], $0x820  }
0x237: {  	[sflag:s2] =	ssyncset.done $0x0  }
0x238: {  	s31 =	simm.s32 $0x8;
	[sflag:s2] =	ssyncadd.s32 $0xFFFFF7E0  }
0x239: {  	s2 =	simm.s32 $0x0;
	[sflag:s31] =	ssyncpa.u1 $0x0  }
.LBB2_51:
0x23a: {  	p1 =	slt.u32 s3, $0x270FA  }
0x23b: {  	s4 =	sand.u32 @p1 $0x3FFF8, s3  }
0x23c: {  	s3 =	sand.u32 @p1 $0x7, s3;
	s5 =	simm.s32 @p1 $0xA0C8;
	s4 =	sadd.s32 @p1 s1, s4  }
0x23d: {  	[tilespmem:s5], [sflag:$0x8] =	stream.linear.gather @p1 [hbm4b:s4+s3], $0x38, $0x38;
	[tilespmem:$0x1EF88] =	vst v63  }
0x23e: {  	s3 =	simm.s32 @p1 $0x8  }
0x23f: {  	_ =	swait.ge @p1 [sflag:s3], $0x38  }
0x240: {  	[sflag:s3] =	ssyncset.done @p1 $0x0  }
0x241: {  	[sflag:s3] =	ssyncadd.s32 @p1 $0xFFFFFFC8  }
0x242: {  	v1 =	vld @p1 [tilespmem:$0xA0C8];
	_ =	sdelay $0x2  }
0x243: {  	s3 =	sshll.u32 @p1 s2, $0x8  }
0x244: {  	s4 =	sshrl.u32 @p1 s3, $0x2  }
0x245: {  	[tilespmem:s4+$0xA138] =	vst.add.f32.msk @p1 $0xffff, v1  }
0x246: {  	v1 =	vld @p1 [tilespmem:$0xA0D8];
	_ =	sdelay $0x4  }
0x247: {  	[tilespmem:s4+$0xA148] =	vst.add.f32.msk @p1 $0xffff, v1  }
0x248: {  	v1 =	vld @p1 [tilespmem:$0xA0E8];
	_ =	sdelay $0x4  }
0x249: {  	[tilespmem:s4+$0xA158] =	vst.add.f32.msk @p1 $0xffff, v1  }
0x24a: {  	v1 =	vld @p1 [tilespmem:$0xA0F8];
	_ =	sdelay $0x3  }
0x24b: {  	s5 =	sshll.u32 @!p1 s2, $0x8  }
0x24c: {  	s5 =	smov.u32 @p1 s3;
	[tilespmem:s4+$0xA168] =	vst.add.f32.msk @p1 $0xffff, v1  }
0x24d: {  	s3 =	sshrl.u32 s5, $0x2;
	[tilespmem:s0+$0xA118] =	vst.msk $0x1, v0  }
0x24e: {  	v0 =	vld [tilespmem:s3+$0xA138];
	_ =	sdelay $0x2  }
0x24f: {  	s31 =	sshll.u32 s0, $0x8  }
0x250: {  	s4 =	sshra.s32 s31, $0x2  }
0x251: {  	[tilespmem:s4+$0xA138] =	vst v0  }
0x252: {  	v0 =	vld [tilespmem:s3+$0xA148];
	_ =	sdelay $0x4  }
0x253: {  	[tilespmem:s4+$0xA148] =	vst v0  }
0x254: {  	v0 =	vld [tilespmem:s3+$0xA158];
	_ =	sdelay $0x4  }
0x255: {  	[tilespmem:s4+$0xA158] =	vst v0  }
0x256: {  	v0 =	vld [tilespmem:s3+$0xA168];
	_ =	sdelay $0x4  }
0x257: {  	s0 =	sadd.s32 $0x1, s0;
	[tilespmem:s4+$0xA168] =	vst v0  }
.LBB2_52:
0x258: {  	s2 =	sadd.s32 $0x1, s2  }
0x259: {  	p1 =	sne.s32 s2, $0x20  }
.Ltmp34:
0x25a: {  	_ = 	snop;
	(pc) =	sbr.rel @!p1 .LBB2_53-.Ltmp34, $1  }
0x25b: {  	_ =	sdelay $0x3  }
.LBB2_45:
0x25c: {  	v0 =	vld.msk [tilespmem:s2+$0xA118], $0x1;
	_ =	sdelay $0x4  }
0x25d: {  	(v2sf) =	vpush v0, $0x0;
	_ =	sdelay $0xe  }
0x25e: {  	s3 =	spop (v2sf)  }
0x25f: {  	p1 =	seq.s32 s3, $0xFFFFFFFF  }
.Ltmp35:
0x260: {  	_ = 	snop;
	(pc) =	sbr.rel @p1 .LBB2_52-.Ltmp35, $1  }
0x261: {  	_ =	sdelay $0x3  }
0x262: {  	p1 =	slt.s32 s0, $0x1  }
.Ltmp36:
0x263: {  	_ = 	snop;
	(pc) =	sbr.rel @p1 .LBB2_51-.Ltmp36, $1  }
0x264: {  	_ =	sdelay $0x3  }
0x265: {  	s4 =	simm.s32 $0xA118;
	p1 =	por $0x0, $0x0  }
0x266: {  	v1 =	vld.msk @!p1 [tilespmem:s4+$0x0], $0x1;
	_ =	sdelay $0x4  }
0x267: {  	(v2sf) =	vpush @!p1 v1, $0x0;
	_ =	sdelay $0xd  }
0x268: {  	p3 =	sne.s32 s0, $0x1  }
.Ltmp37:
0x269: {  	s5 =	spop @!p1 (v2sf);
	(pc) =	sbr.rel @!p3 .LBB2_49-.Ltmp37, $4  }
0x26a: {  	p2 =	seq.s32 @!p1 s3, s5  }
0x26b: {  	s5 =	simm.s32 $0x0;
	p2 =	por !p2, p1  }
0x26c: {  	s7 =	simm.s32 $0xFFFFFFFF;
	s5 =	simm.s32 @p2 $0xFFFFFFFF  }
0x26d: {  	s6 =	simm.s32 $0x1;
	s5 =	smov.u32 @p1 s7  }
.LBB2_48:
0x26e: {  	s7 =	smov.u32 s5;
	p1 =	sne.s32 s5, $0xFFFFFFFF  }
0x26f: {  	s4 =	sadd.s32 $0x1, s4;
	s5 =	smov.u32 s6;
	s6 =	sadd.s32 $0x1, s6  }
0x270: {  	p2 =	sne.s32 s0, s6;
	v1 =	vld.msk @!p1 [tilespmem:s4+$0x0], $0x1;
	_ =	sdelay $0x4  }
0x271: {  	(v2sf) =	vpush @!p1 v1, $0x0;
	_ =	sdelay $0xe  }
.Ltmp38:
0x272: {  	s8 =	spop @!p1 (v2sf);
	(pc) =	sbr.rel @p2 .LBB2_48-.Ltmp38, $4  }
0x273: {  	p3 =	seq.s32 @!p1 s3, s8  }
0x274: {  	p3 =	por !p3, p1  }
0x275: {  	s5 =	simm.s32 @p3 $0xFFFFFFFF  }
0x276: {  	s5 =	smov.u32 @p1 s7  }
.LBB2_49:
0x277: {  	p1 =	seq.s32 s5, $0xFFFFFFFF  }
.Ltmp39:
0x278: {  	_ = 	snop;
	(pc) =	sbr.rel @p1 .LBB2_51-.Ltmp39, $1  }
0x279: {  	_ =	sdelay $0x3  }
0x27a: {  	s3 =	sshll.u32 s2, $0x6  }
0x27b: {  	s3 =	sand.u32 $0x3FFFFFC0, s3  }
0x27c: {  	v0 =	vld [tilespmem:s3+$0xA138];
	_ =	sdelay $0x2  }
0x27d: {  	s4 =	sshll.u32 s5, $0x8  }
0x27e: {  	s4 =	sshra.s32 s4, $0x2  }
0x27f: {  	[tilespmem:s4+$0xA138] =	vst.add.f32.msk $0xffff, v0  }
0x280: {  	v0 =	vld [tilespmem:s3+$0xA148];
	_ =	sdelay $0x4  }
0x281: {  	[tilespmem:s4+$0xA148] =	vst.add.f32.msk $0xffff, v0  }
0x282: {  	v0 =	vld [tilespmem:s3+$0xA158];
	_ =	sdelay $0x4  }
0x283: {  	[tilespmem:s4+$0xA158] =	vst.add.f32.msk $0xffff, v0  }
0x284: {  	v0 =	vld [tilespmem:s3+$0xA168]  }
.Ltmp40:
0x285: {  	_ = 	snop;
	(pc) =	sbr.rel .LBB2_52-.Ltmp40, $2  }
0x286: {  	_ =	sdelay $0x2  }
0x287: {  	[tilespmem:s4+$0xA168] =	vst.add.f32.msk $0xffff, v0  }
.LBB2_53:
0x288: {  	p1 =	slt.s32 s0, $0x1  }
.Ltmp41:
0x289: {  	_ = 	snop;
	(pc) =	sbr.rel @p1 .LBB2_57-.Ltmp41, $3  }
0x28a: {  	_ =	sdelay $0x1  }
0x28b: {  	s2 =	simm.s32 $0x8  }
0x28c: {  	[sflag:s2] =	ssyncpa.u1 $0x1;
	s2 =	simm.s32 $0x0  }
0x28d: {  	s3 =	simm.s32 $0xA118  }
0x28e: {  	v0 =	vld.msk [tilespmem:s3+$0x0], $0x1;
	_ =	sdelay $0x4  }
0x28f: {  	(v2sf) =	vpush v0, $0x0;
	_ =	sdelay $0xe  }
0x290: {  	s0 =	sadd.s32 $0xFFFFFFFF, s0;
	s4 =	spop (v2sf)  }
0x291: {  	p2 =	sne.s32 s0, $0x0;
	p1 =	sgt.u32 s4, $0x270F9  }
.Ltmp42:
0x292: {  	s5 =	sand.u32 @!p1 $0x3FFF8, s4;
	(pc) =	sbr.rel @!p2 .LBB2_56-.Ltmp42, $4  }
0x293: {  	s3 =	simm.s32 $0xA138;
	s4 =	sand.u32 @!p1 $0x7, s4;
	s5 =	sadd.s32 @!p1 s1, s5  }
0x294: {  	[hbm4b:s5+s4] =	stream.linear.scatter @!p1 [tilespmem:s3], [sflag:$0x7], $0x38, $0x38;
	[tilespmem:$0x1EF88] =	vst v63  }
0x295: {  	s5 =	simm.s32 $0x0  }
0x296: {  	s4 =	simm.s32 $0xA119;
	s5 =	simm.s32 @!p1 $0xE0  }
.LBB2_55:
0x297: {  	v0 =	vld.msk [tilespmem:s4+$0x0], $0x1;
	s0 =	sadd.s32 $0xFFFFFFFF, s0;
	s2 =	sadd.s32 s2, s5  }
0x298: {  	p1 =	sne.s32 s0, $0x0;
	_ =	sdelay $0x3  }
0x299: {  	(v2sf) =	vpush v0, $0x0;
	_ =	sdelay $0xe  }
.Ltmp43:
0x29a: {  	s6 =	spop (v2sf);
	(pc) =	sbr.rel @p1 .LBB2_55-.Ltmp43, $4  }
0x29b: {  	s5 =	simm.s32 $0x0;
	p2 =	sgt.u32 s6, $0x270F9  }
0x29c: {  	s3 =	sadd.s32 $0x40, s3;
	s5 =	simm.s32 @!p2 $0xE0;
	s7 =	sand.u32 @!p2 $0x3FFF8, s6  }
0x29d: {  	s4 =	sadd.s32 $0x1, s4;
	s6 =	sand.u32 @!p2 $0x7, s6;
	s7 =	sadd.s32 @!p2 s1, s7  }
0x29e: {  	[hbm4b:s7+s6] =	stream.linear.scatter @!p2 [tilespmem:s3], [sflag:$0x7], $0x38, $0x38;
	[tilespmem:$0x1EF88] =	vst v63  }
.LBB2_56:
0x29f: {  	s0 =	sadd.s32 s2, s5  }
0x2a0: {  	s2 =	sshrl.u32 s0, $0x2  }
.LBB2_57:
0x2a1: {  	s0 =	simm.s32 $0x7  }
0x2a2: {  	_ =	swait.ge [sflag:s0], s2  }
0x2a3: {  	s1 =	ssub.s32 $0x0, s2;
	[sflag:s0] =	ssyncset.done $0x0  }
0x2a4: {  	[sflag:s0] =	ssyncadd.s32 s1  }
0x2a5: {  	[sflag:s0] =	ssyncpa.u1 $0x1  }
.LBB2_58:
0x2a6: {  	_ =	sfence;
	s0 =	simm.s32 $0x1  }
0x2a7: {  	[sflag:s0] =	ssyncpa.u1 $0x1  }
0x2a8: {  	_ =	strace $0x9000005C  }
0x2a9: {  	[bflag:$0x2] =	sbarrier.arrive $0xFFFF  }
0x2aa: {  	s0 =	rddreg [dreg:$0x3]  }
0x2ab: {  	s0 =	sadd.s32 @!p0 $0x100000, s0  }
0x2ac: {  	[sflag:s0] =	ssyncadd.tile.s32 @!p0 $0x1;
	_ =	shalt  }
.Lfunc_end2:
_tile_overlayer_lowered:
.L_overlay_start_2:
0x2ad: {  	(tag) =	ssettag $0x2  }
0x2ae: {  	s0 =	rddreg [dreg:$0x0];
	s2 =	stileid.u32  }
0x2af: {  	s1 =	rddreg [dreg:$0x1];
	p0 =	sne.s32 s2, $0x0  }
0x2b0: {  	s3 =	rddreg [dreg:$0x2];
	[bflag:$0x3] =	sbarrier.arrive $0xFFFF;
	s2 =	simm.s32 @!p0 $0x1C01  }
0x2b1: {  	[timem:s3], [sflag:s2] =	dma.local @!p0 [hbm:s0], s1  }
0x2b2: {  	s0 =	simm.s32 @!p0 $0x1  }
0x2b3: {  	_ =	swait.ge @!p0 [sflag:s0], s1  }
0x2b4: {  	s1 =	ssub.s32 @!p0 $0x0, s1;
	[sflag:s0] =	ssyncset.done @!p0 $0x0  }
0x2b5: {  	[sflag:s0] =	ssyncadd.s32 @!p0 s1  }
0x2b6: {  	[bflag:$0x3] =	sbarrier.arrive $0xFFFF  }
0x2b7: {  	_ =	shalt  }

// kernel: scatter_offload_async_start
scs
__scs_entry_jumppad:
0x0: {  	(pc) =	sbr.rel $0x88, $3  }
0x1: {  	(tag) =	ssettag $0x0;
	lr =	simm.s32 $0x1  }
0x2: {  	[smem:$0x3F99] =	sst lr;
	_ =	strace $0xD0000000  }
0x3: {  	_ = 	snop  }
0x4: {  	_ = 	snop  }
0x5: {  	_ = 	snop  }
0x6: {  	_ = 	snop  }
0x7: {  	_ = 	snop  }
__scs_overlays_trampoline_lowered:
0x8: {  	[smem:$0x3FA8] =	sst s0  }
0x9: {  	[smem:$0x3FA9] =	sst s1  }
0xa: {  	[smem:$0x3FAA] =	sst s2  }
0xb: {  	[smem:$0x3FAB] =	sst s3  }
0xc: {  	[smem:$0x3FAC] =	sst s4  }
0xd: {  	[smem:$0x3FAD] =	sst s5  }
0xe: {  	[smem:$0x3FAE] =	sst s6  }
0xf: {  	[smem:$0x3FAF] =	sst s7  }
0x10: {  	[smem:$0x3FB0] =	sst s8  }
0x11: {  	[smem:$0x3FB1] =	sst s9;
	s0 =	simm.s32 @!p0 $0x0  }
0x12: {  	s1 =	sld [smem:$0x3F97];
	s0 =	simm.s32 @p0 $0x1  }
0x13: {  	[smem:$0x3FB2] =	sst s0;
	s0 =	simm.s32 @!p1 $0x0  }
0x14: {  	s2 =	sld [smem:$0x3F96];
	s0 =	simm.s32 @p1 $0x1  }
0x15: {  	[smem:$0x3FB3] =	sst s0;
	s0 =	simm.s32 @!p2 $0x0  }
0x16: {  	s3 =	sld [smem:$0x3FDB];
	s0 =	simm.s32 @p2 $0x1  }
0x17: {  	s4 =	simm.s32 $0x1BF5;
	[smem:$0x3FB5] =	sst s0  }
0x18: {  	s0 =	sld [smem:$0x3F98];
	_ =	swait.ge [sflag:s4], $0x0  }
0x19: {  	s7 =	sld [smem:$0x3F99]  }
0x1a: {  	s8 =	sadd.s32 $0xFFFFE003, lr  }
0x1b: {  	s9 =	sadd.s32 $0xFFFFFEF7, lr;
	s5 =	simm.s32 $0xFFFFFFFF;
	p2 =	slt.u32 s8, $0xFFFFF086  }
0x1c: {  	p1 =	slt.u32 s9, $0xF7A;
	s5 =	simm.s32 @!p2 $0x0  }
0x1d: {  	s5 =	simm.s32 @p1 $0x1;
	p0 =	seq.s32 s7, s2  }
0x1e: {  	s7 =	smul.u32 @!p0 $0xF7A, s2;
	p2 =	seq.s32 @!p0 s5, $0x0  }
0x1f: {  	s9 =	smul.u32 $0xF7A, s1;
	s8 =	simm.s32 @!p0 $0x1BF5;
	p2 =	por !p2, p0  }
0x20: {  	[sflag:s8] =	ssyncset.s32 @!p0 $0xFFFFF086;
	s6 =	sadd.s32 @!p0 s3, s7;
	s7 =	simm.s32 @!p0 $0x108  }
0x21: {  	s3 =	sadd.s32 s3, s9;
	s6 =	sadd.s32 @!p0 $0x88, s6;
	s7 =	simm.s32 @p2 $0x1082  }
0x22: {  	[simem:s7], [sflag:s8] =	dma.local @!p0 [hbm:s6], $0xF7A  }
0x23: {  	s9 =	sor.u32 $0xD0000000, s2;
	s6 =	simm.s32 $0x108;
	_ =	swait.ge @!p0 [sflag:s8], $0x0  }
0x24: {  	s3 =	sadd.s32 $0x88, s3;
	s6 =	simm.s32 @!p1 $0x1082;
	[sflag:s4] =	ssyncset.s32 $0xFFFFF086  }
0x25: {  	[simem:s6], [sflag:s4] =	dma.local [hbm:s3], $0xF7A  }
0x26: {  	[smem:$0x3F99] =	sst s1;
	(tag) =	ssettag s2;
	_ =	strace s9  }
0x27: {  	s1 =	sld [smem:$0x3FA9]  }
0x28: {  	s2 =	sld [smem:$0x3FAA]  }
0x29: {  	s4 =	sld [smem:$0x3FAC]  }
0x2a: {  	p0 =	seq.s32 s5, $0x0;
	s5 =	sld [smem:$0x3FAD]  }
0x2b: {  	s6 =	sld [smem:$0x3FAE]  }
0x2c: {  	s7 =	sld [smem:$0x3FAF]  }
0x2d: {  	s3 =	simm.s32 $0x108;
	s8 =	sld [smem:$0x3FB0]  }
0x2e: {  	s3 =	simm.s32 @!p0 $0x1082;
	s9 =	sld [smem:$0x3FB1]  }
0x2f: {  	lr =	sadd.s32 s0, s3;
	s0 =	sld [smem:$0x3FA8]  }
0x30: {  	s3 =	sld [smem:$0x3FAB]  }
0x31: {  	[smem:$0x3FB4] =	sst s10  }
0x32: {  	s10 =	sld [smem:$0x3FB2];
	_ =	sdelay $0x3  }
0x33: {  	p0 =	seq.s32 s10, $0x1;
	s10 =	sld [smem:$0x3FB4];
	_ =	sdelay $0x3  }
0x34: {  	[smem:$0x3FB4] =	sst s10  }
0x35: {  	s10 =	sld [smem:$0x3FB3];
	_ =	sdelay $0x3  }
0x36: {  	p1 =	seq.s32 s10, $0x1;
	s10 =	sld [smem:$0x3FB4];
	_ =	sdelay $0x3  }
0x37: {  	[smem:$0x3FB4] =	sst s10  }
0x38: {  	s10 =	sld [smem:$0x3FB5]  }
0x39: {  	_ = 	snop;
	(pc) =	sbr.ind lr, $3  }
0x3a: {  	_ = 	snop  }
0x3b: {  	_ = 	snop  }
0x3c: {  	p2 =	seq.s32 s10, $0x1;
	s10 =	sld [smem:$0x3FB4]  }
0x3d: {  	_ =	shalt  }
0x3e: {  	_ =	shalt  }
0x3f: {  	_ =	shalt  }
0x40: {  	_ =	shalt  }
0x41: {  	_ =	shalt  }
0x42: {  	_ =	shalt  }
0x43: {  	_ =	shalt  }
0x44: {  	_ =	shalt  }
0x45: {  	_ =	shalt  }
0x46: {  	_ =	shalt  }
0x47: {  	_ =	shalt  }
0x48: {  	_ =	shalt  }
0x49: {  	_ =	shalt  }
0x4a: {  	_ =	shalt  }
0x4b: {  	_ =	shalt  }
0x4c: {  	_ =	shalt  }
0x4d: {  	_ =	shalt  }
0x4e: {  	_ =	shalt  }
0x4f: {  	_ =	shalt  }
0x50: {  	_ =	shalt  }
0x51: {  	_ =	shalt  }
0x52: {  	_ =	shalt  }
0x53: {  	_ =	shalt  }
0x54: {  	_ =	shalt  }
0x55: {  	_ =	shalt  }
0x56: {  	_ =	shalt  }
0x57: {  	_ =	shalt  }
0x58: {  	_ =	shalt  }
0x59: {  	_ =	shalt  }
0x5a: {  	_ =	shalt  }
0x5b: {  	_ =	shalt  }
0x5c: {  	_ =	shalt  }
0x5d: {  	_ =	shalt  }
0x5e: {  	_ =	shalt  }
0x5f: {  	_ =	shalt  }
0x60: {  	_ =	shalt  }
0x61: {  	_ =	shalt  }
0x62: {  	_ =	shalt  }
0x63: {  	_ =	shalt  }
0x64: {  	_ =	shalt  }
0x65: {  	_ =	shalt  }
0x66: {  	_ =	shalt  }
0x67: {  	_ =	shalt  }
0x68: {  	_ =	shalt  }
0x69: {  	_ =	shalt  }
0x6a: {  	_ =	shalt  }
0x6b: {  	_ =	shalt  }
0x6c: {  	_ =	shalt  }
0x6d: {  	_ =	shalt  }
0x6e: {  	_ =	shalt  }
0x6f: {  	_ =	shalt  }
0x70: {  	_ =	shalt  }
0x71: {  	_ =	shalt  }
0x72: {  	_ =	shalt  }
0x73: {  	_ =	shalt  }
0x74: {  	_ =	shalt  }
0x75: {  	_ =	shalt  }
0x76: {  	_ =	shalt  }
0x77: {  	_ =	shalt  }
0x78: {  	_ =	shalt  }
0x79: {  	_ =	shalt  }
0x7a: {  	_ =	shalt  }
0x7b: {  	_ =	shalt  }
0x7c: {  	_ =	shalt  }
0x7d: {  	_ =	shalt  }
0x7e: {  	_ =	shalt  }
0x7f: {  	_ =	shalt  }
0x80: {  	_ =	shalt  }
0x81: {  	_ =	shalt  }
0x82: {  	_ =	shalt  }
0x83: {  	_ =	shalt  }
0x84: {  	_ =	shalt  }
0x85: {  	_ =	shalt  }
0x86: {  	_ =	shalt  }
0x87: {  	_ =	shalt  }
.Lfunc_end0:
.L_simem_size_0:
called_computation_lowered:
.L_overlay_start_0:
0x88: {  	s2 =	sld [smem:$0x3FD9]  }
0x89: {  	s3 =	sld [smem:$0x3FFE];
	_ =	sdelay $0x1  }
0x8a: {  	s1 =	srdreg.scid  }
0x8b: {  	s0 =	sand.u32 $0x1, s1  }
0x8c: {  	s15 =	sshll.u32 s0, $0xA;
	s2 =	sadd.s32 s3, s2  }
0x8d: {  	s2 =	sadd.s32 s2, s15  }
0x8e: {  	[smem:$0x3FC0] =	sst s2  }
0x8f: {  	_ = 	snop  }
0x90: {  	(tm) =	ssettm $0x1  }
0x91: {  	s16 =	sld [smem:$0x3FFB];
	_ =	sdelay $0x3  }
0x92: {  	_ =	strace s16  }
0x93: {  	s2 =	sld [smem:$0x3FFC];
	_ =	sdelay $0x3  }
0x94: {  	_ =	strace s2  }
0x95: {  	s2 =	sld [smem:$0x3FFD];
	_ =	sdelay $0x3  }
0x96: {  	_ =	strace s2  }
0x97: {  	_ =	strace $0x8FFFFFFF  }
0x98: {  	s17 =	sld [smem:$0x3FDB];
	_ =	sdelay $0x1  }
0x99: {  	s18 =	simm.s32 $_scs_section_size  }
0x9a: {  	s4 =	simm.s32 $_size__tile_overlayer_lowered;
	s5 =	simm.s32 $_tile_overlayer_lowered  }
0x9b: {  	s21 =	simm.s32 $0x1BFF;
	s20 =	sshll.u32 s5, $0x1;
	s2 =	sadd.s32 s18, s17  }
0x9c: {  	s6 =	simm.s32 $0x0;
	s19 =	sshll.u32 s4, $0x1;
	s4 =	sadd.s32 s20, s2  }
0x9d: {  	[timem:s6], [sflag:s21] =	dma.local [hbm:s4], s19  }
0x9e: {  	_ =	swait.ge [sflag:s21], s19  }
0x9f: {  	s3 =	ssub.s32 $0x0, s19;
	[sflag:s21] =	ssyncset.done $0x0  }
0xa0: {  	[sflag:s21] =	ssyncadd.s32 s3;
	_ =	sdelay $0x1  }
0xa1: {  	s22 =	simm.s32 $0x1B8B  }
0xa2: {  	_ =	swait.ge [sflag:s22], $0x1  }
0xa3: {  	[sflag:s22] =	ssyncset.done $0x0  }
0xa4: {  	s23 =	sld [smem:$0x3FFE];
	[sflag:s22] =	ssyncadd.s32 $0xFFFFFFFF  }
0xa5: {  	s25 =	simm.s32 $0x1B8E;
	s24 =	sld [smem:$0x0]  }
0xa6: {  	s26 =	simm.s32 $execute0_lowered;
	[smem:$0x3FD2] =	sst s25  }
0xa7: {  	s5 =	sshll.u32 s26, $0x1;
	_ =	strace $0x8000004F;
	[dreg:$0x1] =	wrdreg $0xFFFFFFFF  }
0xa8: {  	s28 =	simm.s32 $_size_execute0_lowered;
	s2 =	sadd.s32 s2, s5;
	[dreg:$0x0] =	wrdreg $0x0  }
0xa9: {  	s5 =	sshll.u32 s28, $0x1;
	[dreg:$0x2] =	wrdreg s2  }
0xaa: {  	[dreg:$0x3] =	wrdreg s5  }
0xab: {  	[dreg:$0x4] =	wrdreg $0xC0  }
0xac: {  	_ =	task [dreg:s6], $0x5FFFF  }
0xad: {  	[dreg:$0x1] =	wrdreg $0xFFFFFFFF  }
0xae: {  	[dreg:$0x0] =	wrdreg $0x60  }
0xaf: {  	[dreg:$0x2] =	wrdreg s23  }
0xb0: {  	[dreg:$0x3] =	wrdreg s1  }
0xb1: {  	[dreg:$0x4] =	wrdreg s24  }
0xb2: {  	[dreg:$0x5] =	wrdreg $0x9  }
0xb3: {  	_ =	task.clear_ibuf [dreg:s6], $0x6FFFF;
	_ =	strace $0x9000004F  }
0xb4: {  	s29 =	simm.s32 $0x9;
	_ =	strace $0x80000051  }
0xb5: {  	_ =	swait.ge [sflag:s29], $0x1  }
0xb6: {  	[sflag:s29] =	ssyncadd.s32 $0xFFFFFFFF  }
0xb7: {  	_ =	strace $0x90000051  }
0xb8: {  	_ =	sfence  }
0xb9: {  	s30 =	sld [smem:$0x0];
	_ =	sdelay $0x2  }
0xba: {  	s31 =	sshll.u32 s1, $0xD;
	s1 =	sshrl.u32 s1, $0x2  }
0xbb: {  	s3 =	sand.u32 $0x4000, s31;
	s1 =	sadd.s32 s1, s30  }
0xbc: {  	s0 =	sor.u32 s3, s0;
	s1 =	sshll.u32 s1, $0x11  }
0xbd: {  	s0 =	sor.u32 s1, s0  }
0xbe: {  	s0 =	sadd.s32 $0x8F2B, s0  }
0xbf: {  	[sflag:s0] =	ssyncadd.remote.s32 $0x1  }
0xc0: {  	_ =	sfence.sel $0xFFFF  }
0xc1: {  	[dreg:$0x0] =	wrdreg $0xFFFFFFFF;
	(pc) =	sbr.abs _section_cstart, $3  }
0xc2: {  	[dreg:$0x1] =	wrdreg $0xFFFFFFFF  }
0xc3: {  	_ =	task.clear_ibuf [dreg:s6], $0x2FFFF;
	_ =	strace $0x9FFFFFFF  }
0xc4: {  	(tm) =	ssettm $0x7FFFFFFF  }
0xc5: {  	_ =	shalt  }
tec
execute0_lowered:
.L_overlay_start_1:
0x0: {  	(tag) =	ssettag $0x1  }
0x1: {  	s2 =	rddreg [dreg:$0x0]  }
0x2: {  	s3 =	rddreg [dreg:$0x1];
	_ =	strace $0x80000050;
	s0 =	simm.s32 $0x1  }
0x3: {  	s4 =	simm.s32 $0x408;
	v0 =	vimm.s32 $0x0;
	[sflag:s0] =	ssyncpa.u1 $0x0  }
0x4: {  	[tilespmem:s4+$0x70] =	vst v0  }
0x5: {  	[tilespmem:s4+$0x60] =	vst v0  }
0x6: {  	[tilespmem:s4+$0x50] =	vst v0  }
0x7: {  	[tilespmem:s4+$0x40] =	vst v0  }
0x8: {  	[tilespmem:s4+$0x30] =	vst v0  }
0x9: {  	s1 =	sadd.s32 $0xEE00, s2;
	s0 =	sadd.s32 $0x4E00, s2;
	s6 =	sadd.s32 $0xB41200, s2;
	[tilespmem:s4+$0x20] =	vst v0  }
0xa: {  	s2 =	sadd.s32 $0x9E00, s2;
	s7 =	sand.u32 $0x1, s3;
	s3 =	simm.s32 $0x40;
	[tilespmem:s4+$0x10] =	vst v0  }
.LBB2_1:
0xb: {  	s3 =	sadd.s32 $0x40, s3;
	[tilespmem:s4+$0x0] =	vst v0;
	s4 =	sadd.s32 $0x80, s4  }
0xc: {  	p0 =	slt.u32 s3, $0x3100;
	[tilespmem:s4+$0x70] =	vst v0  }
0xd: {  	[tilespmem:s4+$0x60] =	vst v0  }
.Ltmp0:
0xe: {  	[tilespmem:s4+$0x50] =	vst v0;
	(pc) =	sbr.rel @p0 .LBB2_1-.Ltmp0, $4  }
0xf: {  	[tilespmem:s4+$0x40] =	vst v0  }
0x10: {  	[tilespmem:s4+$0x30] =	vst v0  }
0x11: {  	[tilespmem:s4+$0x20] =	vst v0  }
0x12: {  	[tilespmem:s4+$0x10] =	vst v0  }
0x13: {  	s10 =	stileid.u32  }
0x14: {  	s3 =	smul.u32 $0x68, s10  }
0x15: {  	s5 =	smin.u32 s10, $0x3  }
0x16: {  	s3 =	sor.u32 s5, s3  }
0x17: {  	p0 =	slt.u32 s10, $0x3;
	s11 =	smul.u32 $0x30, s3;
	s3 =	simm.s32 $0x13B0  }
0x18: {  	s3 =	simm.s32 @!p0 $0x1380  }
0x19: {  	s3 =	sadd.s32 s3, s11  }
0x1a: {  	s8 =	smin.u32 s3, $0x13880  }
0x1b: {  	s26 =	simm.s32 $0x2;
	s9 =	simm.s32 $0x9;
	s3 =	ssub.s32 s8, s11  }
0x1c: {  	s29 =	simm.s32 $0xA;
	s30 =	simm.s32 $0xB;
	p0 =	sgt.s32 s3, $0x0  }
0x1d: {  	[dreg:$0x4] =	wrdreg s7;
	s31 =	smul.u32 $0x2710, s7;
	s3 =	simm.s32 @!p0 $0x0  }
0x1e: {  	s12 =	simm.s32 $0x1;
	s24 =	simm.s32 $0x0;
	s25 =	smulhi.u32 $0x2AAAAAAB, s3  }
0x1f: {  	p1 =	por $0x0, $0x0;
	s18 =	simm.s32 $0x80;
	s19 =	simm.s32 $0x400  }
0x20: {  	s20 =	simm.s32 $0xC;
	s21 =	simm.s32 $0x0;
	s28 =	sshrl.u32 s25, $0x3  }
0x21: {  	[tilespmem:s4+$0x0] =	vst v0;
	v0 =	vimm.s32 $0xFFFFFFFF;
	s23 =	simm.s32 $0x0;
	[sflag:s26] =	ssyncpa.u1 $0x0;
	s5 =	smul.u32 $0x30, s28  }
0x22: {  	s16 =	sshll.u32 s10, $0xA;
	[tilespmem:$0xC808] =	vst v0;
	[sflag:s9] =	ssyncpa.u1 $0x0;
	s14 =	sadd.s32 s31, s2  }
.Ltmp1:
0x23: {  	p0 =	sne.s32 s3, s5;
	s3 =	simm.s32 $0x1;
	(pc) =	sbr.rel .LBB2_3-.Ltmp1, $4  }
0x24: {  	s15 =	sadd.s32 s31, s0;
	[dreg:$0x6] =	wrdreg s14;
	s3 =	simm.s32 @!p0 $0x0  }
0x25: {  	[sflag:s29] =	ssyncpa.u1 $0x0;
	[dreg:$0x7] =	wrdreg s15;
	s13 =	sadd.s32 s3, s28  }
0x26: {  	[sflag:s30] =	ssyncpa.u1 $0x0;
	s17 =	sadd.s32 $0x1, s13;
	[dreg:$0x5] =	wrdreg s13  }
0x27: {  	v0 =	vlaneseq.u32;
	s22 =	smov.u32 s11;
	p0 =	por $0x1, $0x1;
	[dreg:$0x8] =	wrdreg s17  }
.LBB2_30:
0x28: {  	s0 =	sshrl.u32 s0, $0x2  }
.LBB2_32:
0x29: {  	_ =	swait.ge [sflag:s20], s0  }
0x2a: {  	s30 =	ssub.s32 $0x0, s0;
	v1 =	vmov s26;
	vm0 =	veq.s32 v0, $0x0;
	[sflag:s20] =	ssyncset.done $0x0  }
0x2b: {  	vm15 =	veq.s32 v0, $0x2;
	v1 =	vsel vm0, s31, v1;
	[sflag:s20] =	ssyncadd.s32 s30  }
0x2c: {  	v1 =	vsel vm15, s24, v1;
	[sflag:s20] =	ssyncpa.u1 $0x1  }
0x2d: {  	[tilespmem:$0xC808] =	vst v1  }
.LBB2_33:
0x2e: {  	s0 =	sadd.s32 $0x30, s22  }
0x2f: {  	s2 =	smov.u32 s11;
	p2 =	slt.s32 s0, s8  }
0x30: {  	s2 =	smov.u32 @p2 s0;
	p2 =	sne.s32 s23, s17  }
.Ltmp2:
0x31: {  	_ = 	snop;
	(pc) =	sbr.rel @!p2 .LBB2_34-.Ltmp2, $4  }
0x32: {  	_ = 	snop  }
0x33: {  	s24 =	smov.u32 s21  }
0x34: {  	s31 =	sadd.s32 $0x1, s23;
	s21 =	smov.u32 s22;
	p0 =	por !p0, !p0  }
0x35: {  	p1 =	por !p1, !p1;
	s23 =	smov.u32 s31;
	s22 =	smov.u32 s2  }
.LBB2_3:
0x36: {  	p2 =	sge.u32 s23, s13  }
0x37: {  	s0 =	smulhi.u32 @!p2 $0xAAAAAAAB, s23  }
0x38: {  	s2 =	smov.u32 s22;
	p3 =	sgt.s32 @!p2 s22, $0x13850  }
0x39: {  	s3 =	sshra.s32 @!p2 s22, $0x1F;
	p3 =	por !p3, p2;
	s0 =	sshrl.u32 @!p2 s0, $0x1  }
0x3a: {  	s3 =	sand.u32 @!p2 s3, s22;
	s2 =	simm.s32 @p3 $0x13850;
	s0 =	smul.u32 @!p2 $0x3, s0  }
0x3b: {  	s2 =	ssub.s32 @!p2 s2, s3  }
0x3c: {  	s2 =	sadd.s32 @!p2 $0xFFFEC7B0, s2;
	s0 =	ssub.s32 @!p2 s23, s0  }
0x3d: {  	s3 =	sshll.u32 @!p2 s2, $0x2;
	p3 =	sgt.s32 @!p2 s2, $0x2F;
	s0 =	smul.u32 @!p2 $0xC0, s0  }
0x3e: {  	s4 =	sand.u32 @!p2 $0x7, s22;
	s2 =	ssub.s32 @!p2 $0xC0, s3;
	p3 =	por !p3, p2  }
0x3f: {  	s3 =	sshrl.u32 @!p2 s22, $0x3;
	s2 =	sshrl.u32 @!p2 s2, $0x2;
	s0 =	sshrl.u32 @!p2 s0, $0x2  }
0x40: {  	s3 =	sadd.s32 @!p2 s3, s14;
	s2 =	simm.s32 @!p3 $0x0;
	s0 =	sadd.s32 @!p2 $0x10848, s0  }
0x41: {  	[tilespmem:s0], [sflag:$0xA] =	stream.linear.gather @!p2 [hbm4b:s3+s4], s2, $0x38;
	[tilespmem:$0x1C938] =	vst v63  }
0x42: {  	s2 =	sadd.s32 $0xFFFFFFFF, s23  }
0x43: {  	p2 =	sge.u32 s2, s13  }
0x44: {  	p3 =	sgt.s32 @!p2 s21, $0x13850  }
0x45: {  	s0 =	smov.u32 s21;
	s3 =	sshra.s32 @!p2 s21, $0x1F;
	p3 =	por !p3, p2  }
0x46: {  	s3 =	sand.u32 @!p2 s3, s21;
	s0 =	simm.s32 @p3 $0x13850  }
0x47: {  	s0 =	ssub.s32 @!p2 s0, s3  }
0x48: {  	s0 =	sadd.s32 @!p2 $0xFFFEC7B0, s0  }
0x49: {  	s3 =	sshll.u32 @!p2 s0, $0x2  }
0x4a: {  	p3 =	sgt.s32 @!p2 s0, $0x2F;
	s0 =	ssub.s32 @!p2 $0xC0, s3  }
0x4b: {  	p3 =	por !p3, p2;
	s0 =	sshrl.u32 @!p2 s0, $0x2  }
0x4c: {  	s4 =	simm.s32 @!p2 $0xA;
	s3 =	sand.u32 @!p2 $0x1, s2;
	s0 =	simm.s32 @!p3 $0x0  }
0x4d: {  	s3 =	smul.u32 @!p2 $0xC0, s3;
	_ =	swait.ge @!p2 [sflag:s4], s0  }
0x4e: {  	s5 =	ssub.s32 @!p2 $0x0, s0;
	[sflag:s4] =	ssyncset.done @!p2 $0x0  }
0x4f: {  	s3 =	sshrl.u32 @!p2 s3, $0x2;
	[sflag:s4] =	ssyncadd.s32 @!p2 s5;
	s4 =	sshrl.u32 @!p2 s21, $0x3  }
0x50: {  	s3 =	sadd.s32 @!p2 $0x108D8, s3;
	s5 =	sand.u32 @!p2 $0x7, s21;
	s4 =	sadd.s32 @!p2 s4, s15  }
0x51: {  	[tilespmem:s3], [sflag:$0xB] =	stream.linear.gather @!p2 [hbm4b:s4+s5], s0, $0x38;
	[tilespmem:$0x1C938] =	vst v63  }
0x52: {  	s0 =	ssub.s32 @!p2 $0x13880, s21  }
0x53: {  	p3 =	slt.s32 @!p2 s0, $0x1  }
0x54: {  	p3 =	por p2, p3  }
.Ltmp3:
0x55: {  	_ = 	snop;
	(pc) =	sbr.rel @p3 .LBB2_9-.Ltmp3, $1  }
0x56: {  	_ =	sdelay $0x3  }
0x57: {  	s3 =	smulhi.u32 $0xAAAAAAAB, s2;
	_ =	sdelay $0x1  }
0x58: {  	s3 =	sshrl.u32 s3, $0x1  }
0x59: {  	s3 =	smul.u32 $0x3, s3;
	_ =	sdelay $0x1  }
0x5a: {  	s29 =	ssub.s32 s2, s3  }
0x5b: {  	s4 =	simm.s32 $0x1;
	s2 =	smul.u32 $0xC0, s29  }
.Ltmp4:
0x5c: {  	s4 =	simm.s32 @!p0 $0x0;
	(pc) =	sbr.rel .LBB2_6-.Ltmp4, $4  }
0x5d: {  	s30 =	smul.u32 $0x18000, s4  }
0x5e: {  	p3 =	slt.s32 @!p2 s0, $0x30;
	s2 =	sshrl.u32 s2, $0x2  }
0x5f: {  	p2 =	por !p3, p2;
	s3 =	sshrl.u32 s30, $0x2;
	s31 =	sadd.s32 $0x10848, s2  }
0x60: {  	s0 =	simm.s32 @p2 $0x30;
	s2 =	sor.u32 $0x10938, s3;
	s3 =	simm.s32 $0x0;
	v1 =	vmov s31  }
.LBB2_5:
0x61: {  	p2 =	sge.s32 s3, s0  }
.Ltmp5:
0x62: {  	_ = 	snop;
	(pc) =	sbr.rel @p2 .LBB2_9-.Ltmp5, $2  }
0x63: {  	_ =	sdelay $0x2  }
0x64: {  	s2 =	sadd.s32 $0x2000, s2  }
.LBB2_6:
0x65: {  	p2 =	sle.s32 s0, s3  }
.Ltmp6:
0x66: {  	_ = 	snop;
	(pc) =	sbr.rel @p2 .LBB2_5-.Ltmp6, $2  }
0x67: {  	_ =	sdelay $0x2  }
0x68: {  	s4 =	smov.u32 s3;
	s3 =	sadd.s32 $0x10, s3  }
0x69: {  	s5 =	ssub.s32 s0, s4  }
0x6a: {  	p2 =	slt.s32 s5, $0x10  }
0x6b: {  	s5 =	simm.s32 @!p2 $0x10  }
0x6c: {  	v2 =	vmov s5  }
0x6d: {  	vm0 =	vgt.s32 v2, v0;
	_ =	sdelay $0x5  }
0x6e: {  	v2 =	vld.idx.msk [tilespmem:v1+s4+$0x0 ss:$0x1], vm0;
	_ =	sdelay $0x2  }
0x6f: {  	p2 =	slt.s32 s3, s0;
	s5 =	smov.u32 s0  }
0x70: {  	s9 =	smov.u32 s2;
	s25 =	simm.s32 $0x0;
	s5 =	smov.u32 @p2 s3  }
.LBB2_8:
0x71: {  	(v2sf) =	vpush v2, s25;
	_ =	sdelay $0xe  }
0x72: {  	s25 =	sadd.s32 $0x1, s25;
	s10 =	spop (v2sf)  }
0x73: {  	s31 =	sadd.s32 s25, s4;
	s26 =	sshll.u32 s10, $0x9;
	s10 =	sshll.u32 s10, $0x7  }
0x74: {  	p2 =	slt.s32 s31, s5;
	s26 =	sand.u32 $0xFFFFF000, s26;
	s10 =	sand.u32 $0x380, s10  }
.Ltmp7:
0x75: {  	s10 =	sor.u32 s10, s26;
	(pc) =	sbr.rel @p2 .LBB2_8-.Ltmp7, $4  }
0x76: {  	s10 =	sshrl.u32 s10, $0x3  }
0x77: {  	s10 =	sadd.s32 s6, s10  }
0x78: {  	[tilespmem:s9], [sflag:$0x9] =	stream.strided.gather [hbm4b:s10+s18], $0x200, s19, s18, $0x38;
	[tilespmem:$0x1C938] =	vst v63  }
0x79: {  	s9 =	sadd.s32 $0x200, s9  }
.Ltmp8:
0x7a: {  	_ = 	snop;
	(pc) =	sbr.rel .LBB2_5-.Ltmp8, $1  }
0x7b: {  	_ =	sdelay $0x3  }
.LBB2_9:
0x7c: {  	p2 =	slt.u32 s23, $0x2  }
.Ltmp9:
0x7d: {  	_ = 	snop;
	(pc) =	sbr.rel @p2 .LBB2_33-.Ltmp9, $1  }
0x7e: {  	_ =	sdelay $0x3  }
0x7f: {  	p2 =	sgt.s32 s24, $0x13850  }
0x80: {  	s0 =	smov.u32 s24;
	s2 =	sshra.s32 s24, $0x1F;
	s3 =	ssub.s32 $0x13880, s24  }
0x81: {  	s0 =	simm.s32 @!p2 $0x13850;
	s2 =	sand.u32 s2, s24;
	p2 =	slt.s32 s3, $0x30  }
0x82: {  	s0 =	ssub.s32 s0, s2;
	s3 =	simm.s32 @!p2 $0x30  }
0x83: {  	s0 =	sadd.s32 $0xFFFEC7B0, s0;
	s25 =	sshll.u32 s3, $0x9  }
0x84: {  	s29 =	simm.s32 $0x9;
	s26 =	sshll.u32 s0, $0x2;
	s2 =	sand.u32 $0x3FFFFE00, s25  }
0x85: {  	p2 =	sgt.s32 s0, $0x2F;
	s28 =	ssub.s32 $0xC0, s26;
	_ =	swait.ge [sflag:s29], s2  }
0x86: {  	s2 =	ssub.s32 $0x0, s2;
	[sflag:s29] =	ssyncset.done $0x0;
	s0 =	sshrl.u32 s28, $0x2  }
0x87: {  	s30 =	simm.s32 $0xB;
	[sflag:s29] =	ssyncadd.s32 s2;
	s0 =	simm.s32 @p2 $0x0  }
0x88: {  	_ =	swait.ge [sflag:s30], s0  }
0x89: {  	s0 =	ssub.s32 $0x0, s0;
	[sflag:s30] =	ssyncset.done $0x0  }
0x8a: {  	[sflag:s30] =	ssyncadd.s32 s0  }
0x8b: {  	v1 =	vld [tilespmem:$0xC808];
	_ =	sdelay $0x4  }
0x8c: {  	(v2sf) =	vpush v1, $0x0  }
0x8d: {  	(v2sf) =	vpush v1, $0x1  }
0x8e: {  	(v2sf) =	vpush v1, $0x2;
	_ =	sdelay $0x3  }
0x8f: {  	s2 =	sadd.s32 $0x30, s24  }
0x90: {  	s3 =	ssub.s32 $0x27100, s24;
	p2 =	slt.s32 s8, s2  }
0x91: {  	s2 =	smov.u32 @p2 s8;
	p2 =	sgt.s32 s3, $0x0  }
0x92: {  	s25 =	ssub.s32 s2, s24;
	s3 =	simm.s32 @!p2 $0x0  }
0x93: {  	p2 =	slt.s32 s3, s25  }
0x94: {  	s25 =	smov.u32 @p2 s3  }
0x95: {  	s0 =	simm.s32 $0x1;
	p2 =	slt.s32 s25, $0x1  }
.Ltmp10:
0x96: {  	s0 =	simm.s32 @!p1 $0x0;
	(pc) =	sbr.rel @p2 .LBB2_14-.Ltmp10, $4  }
0x97: {  	s4 =	smul.u32 $0xC0, s0  }
0x98: {  	s2 =	spop (v2sf)  }
0x99: {  	s31 =	sshrl.u32 s4, $0x2;
	s5 =	spop (v2sf)  }
0x9a: {  	s4 =	sadd.s32 $0x108D8, s31;
	s24 =	spop (v2sf)  }
0x9b: {  	s3 =	smin.u32 s25, $0x10  }
0x9c: {  	v1 =	vmov s3  }
0x9d: {  	vm1 =	vgt.u32 v1, v0  }
0x9e: {  	p3 =	sgt.s32 s25, $0x10  }
.Ltmp11:
0x9f: {  	_ = 	snop;
	(pc) =	sbr.rel @!p3 .LBB2_13-.Ltmp11, $2  }
0xa0: {  	_ =	sdelay $0x2  }
0xa1: {  	s9 =	simm.s32 $0x10;
	s26 =	sadd.s32 $0xFFFFFFF0, s25;
	s3 =	smov.u32 s4;
	vm0 =	vmmov vm1;
	v1 =	vld.msk [tilespmem:s4+$0x0 ss:$0x1], vm1  }
.LBB2_12:
0xa2: {  	s10 =	smin.u32 s26, $0x10;
	s9 =	sadd.s32 $0x10, s9  }
0xa3: {  	v2 =	vmov s10;
	p3 =	slt.s32 s9, s25  }
0xa4: {  	vm1 =	vgt.u32 v2, v0;
	_ =	sdelay $0x1  }
0xa5: {  	v2 =	vshll.u32 v1, $0x6;
	v1 =	vshll.u32 v1, $0x4  }
.Ltmp12:
0xa6: {  	v2 =	vand.u32 $0xFFFFFE00, v2;
	v1 =	vand.u32 $0x70, v1;
	(pc) =	sbr.rel @p3 .LBB2_12-.Ltmp12, $4  }
0xa7: {  	v1 =	vor.u32 v1, v2  }
0xa8: {  	[tilespmem:s3+$0x0] =	vst.msk vm0, v1;
	s3 =	sadd.s32 $0x10, s3;
	vm0 =	vmmov vm1  }
0xa9: {  	v1 =	vld.msk [tilespmem:s3+$0x0 ss:$0x1], vm1  }
0xaa: {  	s26 =	sadd.s32 $0xFFFFFFF0, s26  }
.LBB2_13:
0xab: {  	_ =	sdelay $0x3  }
0xac: {  	v2 =	vshll.u32 v1, $0x6;
	v1 =	vshll.u32 v1, $0x4  }
0xad: {  	v2 =	vand.u32 $0xFFFFFE00, v2;
	v1 =	vand.u32 $0x70, v1  }
0xae: {  	v1 =	vor.u32 v1, v2  }
0xaf: {  	[tilespmem:s3+$0x0] =	vst.msk vm0, v1  }
.LBB2_14:
0xb0: {  	s3 =	sand.u32 $0x1, s23  }
0xb1: {  	s3 =	smul.u32 $0x30, s3  }
0xb2: {  	p3 =	sne.s32 s5, $0xFFFFFFFF  }
0xb3: {  	v1 =	vld.msk @!p3 [tilespmem:s3+$0x108D8], $0x1;
	_ =	sdelay $0x4  }
0xb4: {  	(v2sf) =	vpush @!p3 v1, $0x0;
	_ =	sdelay $0xc  }
.Ltmp13:
0xb5: {  	_ = 	snop;
	(pc) =	sbr.rel @p2 .LBB2_31-.Ltmp13, $4  }
0xb6: {  	_ = 	snop  }
0xb7: {  	s30 =	spop @!p3 (v2sf)  }
0xb8: {  	s24 =	simm.s32 @!p3 $0x0;
	s26 =	smov.u32 s30  }
0xb9: {  	[sflag:s20] =	ssyncpa.u1 $0x0;
	s30 =	smov.u32 @p3 s2;
	s26 =	smov.u32 @p3 s5  }
0xba: {  	v1 =	vld.msk [tilespmem:s4+$0x0], $0x1;
	_ =	sdelay $0x4  }
0xbb: {  	(v2sf) =	vpush v1, $0x0;
	_ =	sdelay $0xd  }
0xbc: {  	s0 =	smul.u32 $0x18000, s0  }
0xbd: {  	s13 =	smov.u32 s8;
	s8 =	smov.u32 s11;
	s5 =	spop (v2sf)  }
0xbe: {  	s2 =	ssub.s32 $0x0, s25;
	s0 =	sshrl.u32 s0, $0x2;
	p2 =	seq.s32 s30, s5  }
0xbf: {  	s29 =	simm.s32 $0x0;
	s28 =	sor.u32 $0x10938, s0;
	p3 =	sgt.s32 @!p2 s30, $0x0  }
0xc0: {  	s0 =	sadd.s32 $0x108D8, s3;
	s3 =	smov.u32 s30;
	p3 =	por !p3, p2  }
0xc1: {  	s4 =	sadd.s32 $0x1, s4;
	s31 =	sadd.s32 $0x1, s2;
	s3 =	simm.s32 @p3 $0x0  }
0xc2: {  	s2 =	simm.s32 @!p2 $0x1;
	s9 =	simm.s32 @!p2 $0x6608;
	s10 =	smin.u32 @!p2 s3, $0x9C270  }
0xc3: {  	p3 =	seq.s32 s31, $0x0;
	s3 =	sand.u32 @!p2 $0xFFFF8, s10;
	s11 =	sadd.s32 @!p2 $0x80, s10  }
0xc4: {  	s14 =	sadd.s32 @!p2 $0x100, s10;
	s15 =	sadd.s32 @!p2 s1, s3;
	s3 =	sand.u32 @!p2 $0x7, s10  }
0xc5: {  	s11 =	sand.u32 @!p2 $0x1FFFF8, s11;
	s14 =	sand.u32 @!p2 $0x1FFFF8, s14;
	s10 =	sadd.s32 @!p2 $0x180, s10  }
0xc6: {  	[tilespmem:s9], [sflag:$0x2] =	stream.linear.gather @!p2 [hbm4b:s15+s3], $0x80, $0x38;
	[tilespmem:$0x1C938] =	vst v63  }
.Ltmp14:
0xc7: {  	s9 =	simm.s32 @!p2 $0x6688;
	s11 =	sadd.s32 @!p2 s1, s11;
	(pc) =	sbr.rel @p3 .LBB2_17-.Ltmp14, $4  }
0xc8: {  	[tilespmem:s9], [sflag:$0x2] =	stream.linear.gather @!p2 [hbm4b:s11+s3], $0x80, $0x38;
	[tilespmem:$0x1C938] =	vst v63  }
0xc9: {  	s10 =	sand.u32 @!p2 $0x1FFFF8, s10;
	s9 =	simm.s32 @!p2 $0x6708;
	s11 =	sadd.s32 @!p2 s1, s14  }
0xca: {  	[tilespmem:s9], [sflag:$0x2] =	stream.linear.gather @!p2 [hbm4b:s11+s3], $0x80, $0x38;
	[tilespmem:$0x1C938] =	vst v63  }
0xcb: {  	s2 =	smov.u32 @p2 s29;
	s10 =	sadd.s32 @!p2 s1, s10;
	s9 =	simm.s32 @!p2 $0x6788  }
.LBB2_16:
0xcc: {  	s11 =	smov.u32 s2  }
0xcd: {  	[tilespmem:s9], [sflag:$0x2] =	stream.linear.gather @!p2 [hbm4b:s10+s3], $0x80, $0x38;
	[tilespmem:$0x1C938] =	vst v63  }
0xce: {  	s31 =	sadd.s32 $0x1, s31;
	s3 =	smov.u32 s5  }
0xcf: {  	p3 =	seq.s32 s31, $0x0;
	v1 =	vld.msk [tilespmem:s4+$0x0], $0x1;
	_ =	sdelay $0x4  }
0xd0: {  	(v2sf) =	vpush v1, $0x0;
	_ =	sdelay $0xe  }
0xd1: {  	s5 =	spop (v2sf)  }
0xd2: {  	p2 =	seq.s32 s3, s5  }
0xd3: {  	p4 =	sgt.s32 @!p2 s3, $0x0  }
0xd4: {  	s9 =	sshll.u32 @!p2 s2, $0xB;
	s2 =	sadd.s32 @!p2 $0x1, s2;
	p4 =	por !p4, p2  }
0xd5: {  	s9 =	sshra.s32 @!p2 s9, $0x2;
	s2 =	smov.u32 @p2 s11;
	s3 =	simm.s32 @p4 $0x0  }
0xd6: {  	s10 =	sadd.s32 @!p2 $0x6608, s9;
	s11 =	sadd.s32 @!p2 $0x6688, s9;
	s14 =	smin.u32 @!p2 s3, $0x9C270  }
0xd7: {  	s15 =	sadd.s32 @!p2 $0x6708, s9;
	s9 =	sadd.s32 @!p2 $0x6788, s9;
	s3 =	sand.u32 @!p2 $0xFFFF8, s14  }
0xd8: {  	s17 =	sadd.s32 @!p2 $0x80, s14;
	s7 =	sadd.s32 @!p2 $0x100, s14;
	s20 =	sadd.s32 @!p2 s1, s3  }
0xd9: {  	s3 =	sand.u32 @!p2 $0x7, s14;
	s17 =	sand.u32 @!p2 $0x1FFFF8, s17;
	s7 =	sand.u32 @!p2 $0x1FFFF8, s7  }
0xda: {  	[tilespmem:s10], [sflag:$0x2] =	stream.linear.gather @!p2 [hbm4b:s20+s3], $0x80, $0x38;
	[tilespmem:$0x1C938] =	vst v63  }
.Ltmp15:
0xdb: {  	s14 =	sadd.s32 @!p2 $0x180, s14;
	s10 =	sadd.s32 @!p2 s1, s17;
	(pc) =	sbr.rel @!p3 .LBB2_16-.Ltmp15, $4  }
0xdc: {  	[tilespmem:s11], [sflag:$0x2] =	stream.linear.gather @!p2 [hbm4b:s10+s3], $0x80, $0x38;
	[tilespmem:$0x1C938] =	vst v63  }
0xdd: {  	s7 =	sadd.s32 @!p2 s1, s7;
	s10 =	sand.u32 @!p2 $0x1FFFF8, s14  }
0xde: {  	[tilespmem:s15], [sflag:$0x2] =	stream.linear.gather @!p2 [hbm4b:s7+s3], $0x80, $0x38;
	[tilespmem:$0x1C938] =	vst v63  }
0xdf: {  	s4 =	sadd.s32 $0x1, s4;
	s10 =	sadd.s32 @!p2 s1, s10  }
.LBB2_17:
0xe0: {  	[tilespmem:s9], [sflag:$0x2] =	stream.linear.gather @!p2 [hbm4b:s10+s3], $0x80, $0x38;
	[tilespmem:$0x1C938] =	vst v63  }
0xe1: {  	s2 =	sshll.u32 s2, $0x9  }
0xe2: {  	s31 =	simm.s32 $0x2;
	s2 =	sand.u32 $0x3FFFFE00, s2  }
.Ltmp16:
0xe3: {  	_ =	swait.ge [sflag:s31], s2;
	(pc) =	sbr.rel .LBB2_18-.Ltmp16, $4  }
0xe4: {  	s11 =	smov.u32 s8;
	s8 =	smov.u32 s13;
	s13 =	rddreg [dreg:$0x5]  }
0xe5: {  	v1 =	vmov s0;
	s0 =	simm.s32 $0x0;
	s4 =	simm.s32 $0x0;
	s14 =	rddreg [dreg:$0x6]  }
0xe6: {  	s2 =	ssub.s32 $0x0, s2;
	[sflag:s31] =	ssyncset.done $0x0;
	s15 =	rddreg [dreg:$0x7]  }
0xe7: {  	s20 =	simm.s32 $0xC;
	s17 =	rddreg [dreg:$0x8];
	[sflag:s31] =	ssyncadd.s32 s2  }
.LBB2_28:
0xe8: {  	[tilespmem:s2+$0x0] =	vst v2;
	s29 =	sadd.s32 $0x1, s29  }
.LBB2_29:
0xe9: {  	s4 =	sadd.s32 $0x1, s4  }
0xea: {  	p2 =	sne.s32 s4, s25  }
.Ltmp17:
0xeb: {  	_ = 	snop;
	(pc) =	sbr.rel @!p2 .LBB2_30-.Ltmp17, $2  }
0xec: {  	_ =	sdelay $0x2  }
0xed: {  	s28 =	sadd.s32 $0x200, s28;
	s30 =	smov.u32 s31  }
.LBB2_18:
0xee: {  	_ =	sdelay $0x3  }
0xef: {  	v2 =	vld.idx.msk [tilespmem:v1+s4+$0x0 ss:$0x1], $0x1;
	_ =	sdelay $0x4  }
0xf0: {  	(v2sf) =	vpush v2, $0x0;
	_ =	sdelay $0xe  }
0xf1: {  	s31 =	spop (v2sf)  }
0xf2: {  	p2 =	sne.s32 s30, s31  }
.Ltmp18:
0xf3: {  	_ = 	snop;
	(pc) =	sbr.rel @p2 .LBB2_22-.Ltmp18, $3  }
0xf4: {  	_ =	sdelay $0x1  }
0xf5: {  	s2 =	sshll.u32 s24, $0xB  }
0xf6: {  	s2 =	sshra.s32 s2, $0x2  }
0xf7: {  	s2 =	sadd.s32 $0x408, s2;
	s3 =	simm.s32 $0x0;
	v2 =	vld [tilespmem:s28+$0x0];
	s5 =	smov.u32 s28  }
.LBB2_20:
0xf8: {  	s3 =	sadd.s32 $0x10, s3  }
0xf9: {  	p2 =	slt.u32 s3, $0x1F0  }
.Ltmp19:
0xfa: {  	_ = 	snop;
	(pc) =	sbr.rel @p2 .LBB2_20-.Ltmp19, $3  }
0xfb: {  	_ =	sdelay $0x1  }
0xfc: {  	s5 =	sadd.s32 $0x10, s5;
	[tilespmem:s2+$0x0] =	vst.add.f32.msk $0xffff, v2;
	s2 =	sadd.s32 $0x10, s2  }
0xfd: {  	v2 =	vld [tilespmem:s5+$0x0]  }
.Ltmp20:
0xfe: {  	_ = 	snop;
	(pc) =	sbr.rel .LBB2_29-.Ltmp20, $2  }
0xff: {  	_ =	sdelay $0x2  }
0x100: {  	[tilespmem:s2+$0x0] =	vst.add.f32.msk $0xffff, v2  }
.LBB2_22:
0x101: {  	p2 =	seq.s32 s30, s26  }
.Ltmp21:
0x102: {  	_ = 	snop;
	(pc) =	sbr.rel @!p2 .LBB2_23-.Ltmp21, $1  }
0x103: {  	_ =	sdelay $0x3  }
.Ltmp22:
0x104: {  	s2 =	sadd.s32 $0x408, s2;
	(pc) =	sbr.rel .LBB2_26-.Ltmp22, $4  }
0x105: {  	[spmem:s16] =	stream.linear.scatter [tilespmem:s2], [sflag:$0x1], $0x200, $0x38;
	[tilespmem:$0x1C938] =	vst v63  }
0x106: {  	_ =	swait.ge [sflag:s12], $0x200  }
0x107: {  	[sflag:s12] =	ssyncset.done $0x0  }
0x108: {  	[sflag:s12] =	ssyncadd.s32 $0xFFFFFE00  }
.LBB2_23:
0x109: {  	s3 =	sshll.u32 s29, $0xB  }
0x10a: {  	s3 =	sshra.s32 s3, $0x2  }
0x10b: {  	s5 =	sadd.s32 $0x6608, s3;
	s3 =	sadd.s32 $0x408, s2  }
0x10c: {  	s10 =	simm.s32 $0x0;
	v2 =	vld [tilespmem:s5+$0x0];
	s9 =	smov.u32 s3  }
.LBB2_24:
0x10d: {  	s10 =	sadd.s32 $0x10, s10  }
0x10e: {  	p2 =	slt.u32 s10, $0x1F0  }
.Ltmp23:
0x10f: {  	_ = 	snop;
	(pc) =	sbr.rel @p2 .LBB2_24-.Ltmp23, $3  }
0x110: {  	_ =	sdelay $0x1  }
0x111: {  	s5 =	sadd.s32 $0x10, s5;
	[tilespmem:s9+$0x0] =	vst.add.f32.msk $0xffff, v2;
	s9 =	sadd.s32 $0x10, s9  }
0x112: {  	v2 =	vld [tilespmem:s5+$0x0]  }
0x113: {  	_ =	sdelay $0x1  }
0x114: {  	p2 =	sgt.u32 s30, $0x9C270  }
0x115: {  	s5 =	sand.u32 @!p2 $0xFFFF8, s30  }
0x116: {  	s7 =	sand.u32 @!p2 $0x7, s30;
	s5 =	sadd.s32 @!p2 s1, s5;
	[tilespmem:s9+$0x0] =	vst.add.f32.msk $0xffff, v2  }
0x117: {  	[hbm4b:s5+s7] =	stream.linear.scatter @!p2 [tilespmem:s3], [sflag:$0xC], $0x80, $0x38;
	[tilespmem:$0x1C938] =	vst v63  }
0x118: {  	s3 =	sadd.s32 @!p2 $0x80, s30  }
0x119: {  	s3 =	sand.u32 @!p2 $0x1FFFF8, s3  }
0x11a: {  	s5 =	sadd.s32 @!p2 $0x488, s2;
	s3 =	sadd.s32 @!p2 s1, s3  }
0x11b: {  	[hbm4b:s3+s7] =	stream.linear.scatter @!p2 [tilespmem:s5], [sflag:$0xC], $0x80, $0x38;
	[tilespmem:$0x1C938] =	vst v63  }
0x11c: {  	s3 =	sadd.s32 @!p2 $0x100, s30  }
0x11d: {  	s3 =	sand.u32 @!p2 $0x1FFFF8, s3  }
0x11e: {  	s5 =	sadd.s32 @!p2 $0x508, s2;
	s3 =	sadd.s32 @!p2 s1, s3  }
0x11f: {  	[hbm4b:s3+s7] =	stream.linear.scatter @!p2 [tilespmem:s5], [sflag:$0xC], $0x80, $0x38;
	[tilespmem:$0x1C938] =	vst v63  }
0x120: {  	s3 =	sadd.s32 @!p2 $0x180, s30;
	s5 =	simm.s32 $0x0  }
0x121: {  	s3 =	sand.u32 @!p2 $0x1FFFF8, s3;
	s5 =	simm.s32 @!p2 $0x800  }
0x122: {  	s2 =	sadd.s32 @!p2 $0x588, s2;
	s3 =	sadd.s32 @!p2 s1, s3;
	s0 =	sadd.s32 s5, s0  }
0x123: {  	[hbm4b:s3+s7] =	stream.linear.scatter @!p2 [tilespmem:s2], [sflag:$0xC], $0x80, $0x38;
	[tilespmem:$0x1C938] =	vst v63  }
.LBB2_26:
0x124: {  	s2 =	sadd.s32 $0x1, s24  }
0x125: {  	s3 =	smulhi.u32 $0xAAAAAAAB, s2;
	_ =	sdelay $0x1  }
0x126: {  	s3 =	sshrl.u32 s3, $0x5  }
0x127: {  	s3 =	smul.u32 $0x30, s3;
	_ =	sdelay $0x1  }
0x128: {  	s24 =	ssub.s32 s2, s3  }
0x129: {  	s2 =	sshll.u32 s24, $0x9  }
0x12a: {  	v2 =	vld [tilespmem:s28+$0x0];
	s5 =	smov.u32 s28;
	s3 =	simm.s32 $0x0;
	s2 =	sadd.s32 $0x408, s2  }
.LBB2_27:
0x12b: {  	s3 =	sadd.s32 $0x10, s3  }
0x12c: {  	p2 =	slt.u32 s3, $0x1F0  }
.Ltmp24:
0x12d: {  	_ = 	snop;
	(pc) =	sbr.rel @p2 .LBB2_27-.Ltmp24, $3  }
0x12e: {  	_ =	sdelay $0x1  }
0x12f: {  	[tilespmem:s2+$0x0] =	vst v2;
	s2 =	sadd.s32 $0x10, s2;
	s5 =	sadd.s32 $0x10, s5  }
0x130: {  	v2 =	vld [tilespmem:s5+$0x0]  }
.Ltmp25:
0x131: {  	_ = 	snop;
	(pc) =	sbr.rel .LBB2_28-.Ltmp25, $1  }
0x132: {  	_ =	sdelay $0x3  }
.LBB2_31:
.Ltmp26:
0x133: {  	(pc) =	sbr.rel .LBB2_32-.Ltmp26, $4  }
0x134: {  	_ = 	snop  }
0x135: {  	s0 =	simm.s32 $0x2  }
0x136: {  	_ =	swait.ge [sflag:s0], $0x0  }
0x137: {  	s31 =	smov.u32 s30;
	[sflag:s0] =	ssyncset.done $0x0;
	s0 =	simm.s32 $0x0  }
.LBB2_34:
0x138: {  	_ =	sfence.sel $0x180000  }
0x139: {  	s0 =	simm.s32 $0x9;
	[bflag:$0x0] =	sbarrier.arrive $0xFFFF  }
0x13a: {  	s24 =	simm.s32 $0xA;
	[sflag:s0] =	ssyncpa.u1 $0x1  }
0x13b: {  	s25 =	simm.s32 $0xB;
	[sflag:s24] =	ssyncpa.u1 $0x1  }
0x13c: {  	s26 =	simm.s32 $0x2;
	[sflag:s25] =	ssyncpa.u1 $0x1  }
0x13d: {  	[sflag:s26] =	ssyncpa.u1 $0x1  }
0x13e: {  	v0 =	vld [tilespmem:$0xC808];
	_ =	sdelay $0x4  }
0x13f: {  	(v2sf) =	vpush v0, $0x0  }
0x140: {  	(v2sf) =	vpush v0, $0x1;
	_ =	sdelay $0x1  }
0x141: {  	(v2sf) =	vpush v0, $0x2;
	_ =	sdelay $0xb  }
0x142: {  	s0 =	spop (v2sf)  }
0x143: {  	s2 =	spop (v2sf)  }
0x144: {  	s3 =	smov.u32 s0;
	p0 =	sne.s32 s0, s2  }
0x145: {  	s4 =	spop (v2sf);
	s3 =	simm.s32 @!p0 $0xFFFFFFFF  }
0x146: {  	v2 =	vimm.s32 $0x1;
	v3 =	vlaneseq.u32;
	p0 =	seq.s32 s4, $0xFFFFFFFF;
	v1 =	vmov s3  }
0x147: {  	s17 =	stileid.u32;
	v0 =	vperm.xlane v0, v2;
	p1 =	sne.s32 @!p0 s0, s2;
	v1 =	vperm.xlane v1, v3  }
0x148: {  	vm0 =	vcmask $0x3F04;
	s6 =	simm.s32 $0xC808;
	s0 =	simm.s32 @!p0 $0x1;
	p1 =	por !p1, p0  }
0x149: {  	s3 =	sshll.u32 s17, $0x1;
	s2 =	sshll.u32 @!p0 s4, $0xB;
	s0 =	simm.s32 @p1 $0x0;
	v0 =	vsel vm0, v1, v0  }
0x14a: {  	s5 =	sor.u32 $0x4000, s3;
	s2 =	sshra.s32 @!p0 s2, $0x2;
	s0 =	sor.u32 @!p0 s0, s3;
	[tilespmem:$0xC808] =	vst v0  }
0x14b: {  	[spmem:s5] =	stream.linear.scatter [tilespmem:s6], [sflag:$0x1], $0x2, $0x38;
	[tilespmem:$0x1C938] =	vst v63  }
0x14c: {  	s2 =	sadd.s32 @!p0 $0x408, s2;
	s0 =	sshll.u32 @!p0 s0, $0x9  }
0x14d: {  	[spmem:s0] =	stream.linear.scatter @!p0 [tilespmem:s2], [sflag:$0x1], $0x200, $0x38;
	[tilespmem:$0x1C938] =	vst v63  }
0x14e: {  	s0 =	simm.s32 @!p0 $0x202  }
0x14f: {  	s28 =	simm.s32 $0x1;
	s0 =	simm.s32 @p0 $0x2  }
0x150: {  	_ =	swait.ge [sflag:s28], s0  }
0x151: {  	s0 =	ssub.s32 $0x0, s0;
	[sflag:s28] =	ssyncset.done $0x0  }
0x152: {  	p0 =	sne.s32 s17, $0x0;
	[sflag:s28] =	ssyncadd.s32 s0  }
.Ltmp27:
0x153: {  	_ =	sfence.stream.spmem;
	(pc) =	sbr.rel @p0 .LBB2_59-.Ltmp27, $4  }
0x154: {  	s29 =	simm.s32 $0x3;
	[bflag:$0x0] =	sbarrier.arrive $0xFFFF  }
0x155: {  	s30 =	simm.s32 $0x4;
	[sflag:s29] =	ssyncpa.u1 $0x1  }
0x156: {  	s31 =	simm.s32 $0x3C;
	[sflag:s30] =	ssyncpa.u1 $0x1  }
0x157: {  	s16 =	rddreg [dreg:$0x4];
	[sflag:s31] =	ssyncpa.u1 $0x1  }
0x158: {  	_ =	sfence.stream.spmem;
	s0 =	simm.s32 $0x5  }
0x159: {  	s2 =	simm.s32 $0x4000;
	s3 =	simm.s32 $0xC818;
	[sflag:s0] =	ssyncpa.u1 $0x0  }
0x15a: {  	[tilespmem:s3], [sflag:$0x5] =	stream.linear.gather [spmem:s2], $0x20, $0x38;
	[tilespmem:$0x1C938] =	vst v63  }
0x15b: {  	s26 =	simm.s32 $0x0;
	s28 =	simm.s32 $0xC838  }
0x15c: {  	[tilespmem:s28], [sflag:$0x5] =	stream.linear.gather [spmem:s26], $0x4000, $0x38;
	[tilespmem:$0x1C938] =	vst v63  }
0x15d: {  	_ =	swait.ge [sflag:s0], $0x4020  }
0x15e: {  	[sflag:s0] =	ssyncset.done $0x0  }
0x15f: {  	s29 =	simm.s32 $0x0;
	[sflag:s0] =	ssyncadd.s32 $0xFFFFBFE0  }
0x160: {  	v0 =	vld.msk [tilespmem:s29+$0xC818], $0x1;
	_ =	sdelay $0x1  }
0x161: {  	s30 =	simm.s32 $0x1  }
0x162: {  	v1 =	vld.msk [tilespmem:s30+$0xC818], $0x1;
	_ =	sdelay $0x1  }
0x163: {  	(v2sf) =	vpush v0, $0x0;
	_ =	sdelay $0x2  }
0x164: {  	(v2sf) =	vpush v1, $0x0;
	_ =	sdelay $0x2  }
0x165: {  	s31 =	simm.s32 $0x2  }
0x166: {  	v0 =	vld.msk [tilespmem:s31+$0xC818], $0x1;
	_ =	sdelay $0x2  }
0x167: {  	s2 =	simm.s32 $0xFFFFFFFF;
	s3 =	simm.s32 $0xFFFFFFFF;
	s0 =	simm.s32 $0xC  }
.LBB2_36:
0x168: {  	s4 =	smov.u32 s3;
	s5 =	smov.u32 s2  }
0x169: {  	s2 =	sshra.s32 s0, $0x2;
	p1 =	sne.s32 s0, $0x7C;
	s0 =	sadd.s32 $0x4, s0;
	(v2sf) =	vpush v0, $0x0  }
0x16a: {  	v0 =	vld.msk [tilespmem:s2+$0xC818], $0x1  }
.Ltmp28:
0x16b: {  	(pc) =	sbr.rel @p1 .LBB2_36-.Ltmp28, $4  }
0x16c: {  	s3 =	spop (v2sf)  }
0x16d: {  	p2 =	sne.s32 s5, $0xFFFFFFFF;
	s2 =	smov.u32 s3  }
0x16e: {  	p3 =	seq.s32 s3, $0xFFFFFFFF;
	s2 =	smov.u32 @p2 s5  }
0x16f: {  	s3 =	smov.u32 @p3 s4;
	s2 =	smov.u32 @p3 s5  }
0x170: {  	(v2sf) =	vpush v0, $0x0;
	_ =	sdelay $0x8  }
0x171: {  	s0 =	spop (v2sf);
	p1 =	sne.s32 s2, $0xFFFFFFFF;
	s9 =	simm.s32 $0x6  }
0x172: {  	s6 =	simm.s32 $0x0;
	s10 =	simm.s32 $0xC838;
	s4 =	smov.u32 s0  }
0x173: {  	s11 =	simm.s32 $0xC688;
	p2 =	seq.s32 s0, $0xFFFFFFFF;
	s4 =	smov.u32 @p1 s2  }
0x174: {  	s12 =	simm.s32 $0xC708;
	s4 =	smov.u32 @p2 s2;
	s2 =	spop (v2sf)  }
0x175: {  	s0 =	smov.u32 @p2 s3;
	p1 =	sne.s32 s4, $0xFFFFFFFF;
	s5 =	smov.u32 s2  }
.Ltmp29:
0x176: {  	p2 =	seq.s32 s2, $0xFFFFFFFF;
	s5 =	smov.u32 @p1 s4;
	(pc) =	sbr.rel .LBB2_38-.Ltmp29, $4  }
0x177: {  	s13 =	simm.s32 $0xC788;
	s5 =	smov.u32 @p2 s4;
	s7 =	spop (v2sf)  }
0x178: {  	s14 =	simm.s32 $0x0;
	p1 =	sne.s32 s5, $0xFFFFFFFF;
	s8 =	smov.u32 s7  }
0x179: {  	s2 =	smov.u32 @p2 s0;
	p2 =	seq.s32 s7, $0xFFFFFFFF;
	s8 =	smov.u32 @p1 s5  }
0x17a: {  	[sflag:s9] =	ssyncpa.u1 $0x0;
	s7 =	smov.u32 @p2 s2;
	s8 =	smov.u32 @p2 s5  }
.LBB2_53:
0x17b: {  	s14 =	sadd.s32 $0x1, s14  }
0x17c: {  	p1 =	sne.s32 s14, $0x20  }
.Ltmp30:
0x17d: {  	_ = 	snop;
	(pc) =	sbr.rel @!p1 .LBB2_54-.Ltmp30, $2  }
0x17e: {  	_ =	sdelay $0x2  }
0x17f: {  	s10 =	sadd.s32 $0x200, s10  }
.LBB2_38:
0x180: {  	v0 =	vld.msk [tilespmem:s14+$0xC818], $0x1;
	_ =	sdelay $0x4  }
0x181: {  	(v2sf) =	vpush v0, $0x0;
	_ =	sdelay $0xe  }
0x182: {  	s0 =	spop (v2sf)  }
0x183: {  	p1 =	seq.s32 s0, $0xFFFFFFFF  }
.Ltmp31:
0x184: {  	_ = 	snop;
	(pc) =	sbr.rel @p1 .LBB2_53-.Ltmp31, $1  }
0x185: {  	_ =	sdelay $0x3  }
0x186: {  	p1 =	slt.s32 s6, $0x1  }
.Ltmp32:
0x187: {  	_ = 	snop;
	(pc) =	sbr.rel @p1 .LBB2_46-.Ltmp32, $1  }
0x188: {  	_ =	sdelay $0x3  }
0x189: {  	s2 =	simm.s32 $0xC818;
	p1 =	por $0x0, $0x0  }
0x18a: {  	v1 =	vld.msk @!p1 [tilespmem:s2+$0x0], $0x1;
	_ =	sdelay $0x4  }
0x18b: {  	(v2sf) =	vpush @!p1 v1, $0x0;
	_ =	sdelay $0xd  }
0x18c: {  	p3 =	sne.s32 s6, $0x1  }
.Ltmp33:
0x18d: {  	s3 =	spop @!p1 (v2sf);
	(pc) =	sbr.rel @!p3 .LBB2_42-.Ltmp33, $4  }
0x18e: {  	p2 =	seq.s32 @!p1 s0, s3  }
0x18f: {  	s4 =	simm.s32 $0x0;
	p2 =	por !p2, p1  }
0x190: {  	s3 =	simm.s32 $0xFFFFFFFF;
	s4 =	simm.s32 @p2 $0xFFFFFFFF  }
0x191: {  	s5 =	simm.s32 $0x1;
	s4 =	smov.u32 @p1 s3  }
.LBB2_41:
0x192: {  	s3 =	smov.u32 s4;
	p1 =	sne.s32 s4, $0xFFFFFFFF  }
0x193: {  	s2 =	sadd.s32 $0x1, s2;
	s4 =	smov.u32 s5;
	s5 =	sadd.s32 $0x1, s5  }
0x194: {  	p2 =	sne.s32 s6, s5;
	v1 =	vld.msk @!p1 [tilespmem:s2+$0x0], $0x1;
	_ =	sdelay $0x4  }
0x195: {  	(v2sf) =	vpush @!p1 v1, $0x0;
	_ =	sdelay $0xe  }
.Ltmp34:
0x196: {  	s15 =	spop @!p1 (v2sf);
	(pc) =	sbr.rel @p2 .LBB2_41-.Ltmp34, $4  }
0x197: {  	p3 =	seq.s32 @!p1 s0, s15  }
0x198: {  	p3 =	por !p3, p1  }
0x199: {  	s4 =	simm.s32 @p3 $0xFFFFFFFF  }
0x19a: {  	s4 =	smov.u32 @p1 s3  }
.LBB2_42:
0x19b: {  	p1 =	seq.s32 s4, $0xFFFFFFFF  }
.Ltmp35:
0x19c: {  	_ = 	snop;
	(pc) =	sbr.rel @p1 .LBB2_46-.Ltmp35, $1  }
0x19d: {  	_ =	sdelay $0x3  }
0x19e: {  	s0 =	sshll.u32 s4, $0xB  }
0x19f: {  	s0 =	sshra.s32 s0, $0x2  }
0x1a0: {  	s2 =	simm.s32 $0x0;
	v0 =	vld [tilespmem:s10+$0x0];
	s3 =	smov.u32 s10;
	s0 =	sadd.s32 $0xC838, s0  }
.LBB2_44:
0x1a1: {  	s2 =	sadd.s32 $0x10, s2  }
0x1a2: {  	p1 =	slt.u32 s2, $0x1F0  }
.Ltmp36:
0x1a3: {  	_ = 	snop;
	(pc) =	sbr.rel @p1 .LBB2_44-.Ltmp36, $3  }
0x1a4: {  	_ =	sdelay $0x1  }
0x1a5: {  	s3 =	sadd.s32 $0x10, s3;
	[tilespmem:s0+$0x0] =	vst.add.f32.msk $0xffff, v0;
	s0 =	sadd.s32 $0x10, s0  }
0x1a6: {  	v0 =	vld [tilespmem:s3+$0x0]  }
.Ltmp37:
0x1a7: {  	_ = 	snop;
	(pc) =	sbr.rel .LBB2_53-.Ltmp37, $2  }
0x1a8: {  	_ =	sdelay $0x2  }
0x1a9: {  	[tilespmem:s0+$0x0] =	vst.add.f32.msk $0xffff, v0  }
.LBB2_46:
0x1aa: {  	p1 =	sgt.u32 s0, $0x9C270  }
0x1ab: {  	p2 =	seq.s32 @!p1 s0, s8  }
0x1ac: {  	p1 =	por p1, p2  }
0x1ad: {  	p2 =	seq.s32 @!p1 s0, s7  }
0x1ae: {  	p1 =	por p1, p2  }
.Ltmp38:
0x1af: {  	_ = 	snop;
	(pc) =	sbr.rel @p1 .LBB2_50-.Ltmp38, $1  }
0x1b0: {  	_ =	sdelay $0x3  }
0x1b1: {  	s2 =	sand.u32 $0xFFFF8, s0;
	s4 =	sand.u32 $0x7, s0  }
0x1b2: {  	s29 =	sadd.s32 $0x80, s0;
	s3 =	sadd.s32 s1, s2;
	s2 =	simm.s32 $0xC608  }
0x1b3: {  	[tilespmem:s2], [sflag:$0x6] =	stream.linear.gather [hbm4b:s3+s4], $0x80, $0x38;
	[tilespmem:$0x1C938] =	vst v63  }
0x1b4: {  	s3 =	sand.u32 $0x1FFFF8, s29  }
0x1b5: {  	s30 =	sadd.s32 $0x100, s0;
	s3 =	sadd.s32 s1, s3  }
0x1b6: {  	[tilespmem:s11], [sflag:$0x6] =	stream.linear.gather [hbm4b:s3+s4], $0x80, $0x38;
	[tilespmem:$0x1C938] =	vst v63  }
0x1b7: {  	s31 =	sadd.s32 $0x180, s0;
	s3 =	sand.u32 $0x1FFFF8, s30  }
0x1b8: {  	s0 =	sand.u32 $0x1FFFF8, s31;
	s3 =	sadd.s32 s1, s3  }
0x1b9: {  	[tilespmem:s12], [sflag:$0x6] =	stream.linear.gather [hbm4b:s3+s4], $0x80, $0x38;
	[tilespmem:$0x1C938] =	vst v63  }
0x1ba: {  	s0 =	sadd.s32 s1, s0  }
0x1bb: {  	[tilespmem:s13], [sflag:$0x6] =	stream.linear.gather [hbm4b:s0+s4], $0x80, $0x38;
	[tilespmem:$0x1C938] =	vst v63  }
0x1bc: {  	_ =	swait.ge [sflag:s9], $0x200  }
0x1bd: {  	[sflag:s9] =	ssyncset.done $0x0  }
0x1be: {  	[sflag:s9] =	ssyncadd.s32 $0xFFFFFE00  }
0x1bf: {  	s3 =	smov.u32 s10;
	s0 =	simm.s32 $0x0;
	v1 =	vld [tilespmem:s2+$0x0]  }
.LBB2_48:
0x1c0: {  	s0 =	sadd.s32 $0x10, s0  }
0x1c1: {  	p1 =	slt.u32 s0, $0x1F0  }
.Ltmp39:
0x1c2: {  	_ = 	snop;
	(pc) =	sbr.rel @p1 .LBB2_48-.Ltmp39, $3  }
0x1c3: {  	_ =	sdelay $0x1  }
0x1c4: {  	s2 =	sadd.s32 $0x10, s2;
	[tilespmem:s3+$0x0] =	vst.add.f32.msk $0xffff, v1;
	s3 =	sadd.s32 $0x10, s3  }
0x1c5: {  	v1 =	vld [tilespmem:s2+$0x0]  }
0x1c6: {  	_ =	sdelay $0x3  }
0x1c7: {  	[tilespmem:s3+$0x0] =	vst.add.f32.msk $0xffff, v1  }
.LBB2_50:
0x1c8: {  	s0 =	sshll.u32 s6, $0xB  }
0x1c9: {  	[tilespmem:s6+$0xC818] =	vst.msk $0x1, v0;
	s0 =	sshra.s32 s0, $0x2  }
0x1ca: {  	s2 =	simm.s32 $0x0;
	s3 =	smov.u32 s10;
	v0 =	vld [tilespmem:s10+$0x0];
	s0 =	sadd.s32 $0xC838, s0  }
.LBB2_51:
0x1cb: {  	s2 =	sadd.s32 $0x10, s2  }
0x1cc: {  	p1 =	slt.u32 s2, $0x1F0  }
.Ltmp40:
0x1cd: {  	_ = 	snop;
	(pc) =	sbr.rel @p1 .LBB2_51-.Ltmp40, $3  }
0x1ce: {  	_ =	sdelay $0x1  }
0x1cf: {  	s3 =	sadd.s32 $0x10, s3;
	[tilespmem:s0+$0x0] =	vst v0;
	s0 =	sadd.s32 $0x10, s0  }
0x1d0: {  	v0 =	vld [tilespmem:s3+$0x0]  }
.Ltmp41:
0x1d1: {  	_ = 	snop;
	(pc) =	sbr.rel .LBB2_53-.Ltmp41, $2  }
0x1d2: {  	_ =	sdelay $0x2  }
0x1d3: {  	s6 =	sadd.s32 $0x1, s6;
	[tilespmem:s0+$0x0] =	vst v0  }
.LBB2_54:
0x1d4: {  	s0 =	simm.s32 $0x6;
	p1 =	seq.s32 s6, $0x0  }
0x1d5: {  	[sflag:s0] =	ssyncpa.u1 $0x1;
	v0 =	vimm.s32 @p1 $0xFFFFFFFF  }
0x1d6: {  	s0 =	sadd.s32 $0xFFFFFFFF, s6;
	[tilespmem:$0x10838] =	vst @p1 v0  }
0x1d7: {  	v0 =	vld.msk @!p1 [tilespmem:s0+$0xC818], $0x1;
	_ =	sdelay $0x1  }
0x1d8: {  	v1 =	vld.msk @!p1 [tilespmem:$0xC818], $0x1;
	_ =	sdelay $0x2  }
0x1d9: {  	p2 =	seq.s32 @!p1 s0, $0x0;
	v0 =	vbroadcast @!p1 v0, $0x0  }
0x1da: {  	vm0 =	vmmov @!p1 $0x1;
	p2 =	por !p2, p1  }
0x1db: {  	v1 =	vnsel @!p1 vm0, $0xFFFFFFFF, v1;
	vm0 =	vcmask @!p1 $0x308;
	v0 =	vpsel !p2, $0xFFFFFFFF, v0  }
0x1dc: {  	p2 =	sne.s32 @!p1 s8, s7;
	v0 =	vsel @!p1 vm0, v1, v0  }
0x1dd: {  	s2 =	simm.s32 @!p1 $0xC838;
	s3 =	simm.s32 @!p1 $0x0;
	p3 =	por !p2, p1;
	[tilespmem:$0x10838] =	vst @!p1 v0  }
0x1de: {  	[spmem:s3] =	stream.linear.scatter @!p1 [tilespmem:s2], [sflag:$0x1], $0x200, $0x38;
	[tilespmem:$0x1C938] =	vst v63  }
0x1df: {  	s2 =	sshll.u32 @!p3 s0, $0xB  }
0x1e0: {  	s2 =	sshra.s32 @!p3 s2, $0x2  }
0x1e1: {  	s3 =	simm.s32 @!p3 $0x200;
	s2 =	sadd.s32 @!p3 $0xC838, s2  }
0x1e2: {  	[spmem:s3] =	stream.linear.scatter @!p3 [tilespmem:s2], [sflag:$0x1], $0x200, $0x38;
	[tilespmem:$0x1C938] =	vst v63  }
0x1e3: {  	s2 =	simm.s32 @!p3 $0x1  }
0x1e4: {  	_ =	swait.ge @!p3 [sflag:s2], $0x400  }
0x1e5: {  	p1 =	por p2, p1;
	[sflag:s2] =	ssyncset.done @!p3 $0x0  }
0x1e6: {  	[sflag:s2] =	ssyncadd.s32 @!p3 $0xFFFFFC00;
	s2 =	simm.s32 @!p1 $0x1  }
0x1e7: {  	_ =	swait.ge @!p1 [sflag:s2], $0x200  }
0x1e8: {  	s29 =	simm.s32 $0x10838;
	[sflag:s2] =	ssyncset.done @!p1 $0x0  }
0x1e9: {  	s30 =	simm.s32 $0x4000;
	s31 =	simm.s32 $0x1;
	[sflag:s2] =	ssyncadd.s32 @!p1 $0xFFFFFE00  }
0x1ea: {  	[spmem:s30] =	stream.linear.scatter [tilespmem:s29], [sflag:$0x1], $0x10, $0x38;
	[tilespmem:$0x1C938] =	vst v63  }
0x1eb: {  	_ =	swait.ge [sflag:s31], $0x10  }
0x1ec: {  	[sflag:s31] =	ssyncset.done $0x0  }
0x1ed: {  	p1 =	seq.s32 s16, $0x0;
	s9 =	rddreg [dreg:$0x1];
	[sflag:s31] =	ssyncadd.s32 $0xFFFFFFF0  }
0x1ee: {  	s3 =	sshll.u32 @p1 s9, $0xE;
	s8 =	rddreg [dreg:$0x2]  }
0x1ef: {  	s2 =	sadd.s32 @p1 $0x15C3C, s3;
	s3 =	sshll.u32 @p1 s8, $0x11  }
0x1f0: {  	_ =	sfence.stream.spmem;
	s2 =	sor.u32 @p1 s3, s2  }
0x1f1: {  	[sflag:s2] =	ssyncadd.remote.s32 @p1 $0x1;
	s2 =	simm.s32 @p1 $0x4  }
0x1f2: {  	s4 =	simm.s32 @!p1 $0x3C;
	s3 =	sand.u32 $0xFFFFFFFE, s9;
	_ =	swait.ge @p1 [sflag:s2], $0x82  }
0x1f3: {  	s5 =	simm.s32 @!p1 $0x0;
	s3 =	sadd.s32 @!p1 $0x4, s3;
	[sflag:s2] =	ssyncset.done @p1 $0x0  }
0x1f4: {  	s7 =	simm.s32 @!p1 $0x400;
	[sflag:s2] =	ssyncadd.s32 @p1 $0xFFFFFF7E;
	s2 =	sshll.u32 @!p1 s3, $0x1A  }
0x1f5: {  	s3 =	sshll.u32 @!p1 s3, $0xD;
	s2 =	sor.u32 @!p1 s2, s8;
	_ =	swait.eq @!p1 [sflag:s4], $0x1  }
0x1f6: {  	s3 =	sor.u32 @!p1 $0x1C04, s3;
	s4 =	simm.s32 @!p1 $0x1C03;
	s2 =	sor.u32 @!p1 $0x80004000, s2  }
0x1f7: {  	[spmem:s7], [sflag:s3] =	dma.general @!p1 [spmem:s5], [sflag:s4], length:$0x80, [dreg:$0x0], stride_count:$0x0, ici_dest:s2, dma_misc:DstOpCode:WRITE  }
0x1f8: {  	p2 =	slt.s32 s0, $0x2;
	s5 =	simm.s32 @!p1 $0x800;
	s7 =	simm.s32 @!p1 $0x802  }
0x1f9: {  	[spmem:s7], [sflag:s3] =	dma.general @!p1 [spmem:s5], [sflag:s4], length:$0x2, [dreg:$0x0], stride_count:$0x0, ici_dest:s2, dma_misc:DstOpCode:WRITE  }
.Ltmp42:
0x1fa: {  	s2 =	simm.s32 @!p1 $0x3;
	(pc) =	sbr.rel @p2 .LBB2_58-.Ltmp42, $4  }
0x1fb: {  	s3 =	sshll.u32 @!p1 s9, $0xE;
	_ =	swait.ge @!p1 [sflag:s2], $0x82  }
0x1fc: {  	s4 =	sshll.u32 @!p1 s8, $0x11;
	s3 =	sadd.s32 @!p1 $0x11C3C, s3;
	[sflag:s2] =	ssyncset.done @!p1 $0x0  }
0x1fd: {  	[sflag:s2] =	ssyncadd.s32 @!p1 $0xFFFFFF7E;
	s2 =	sor.u32 @!p1 s4, s3  }
0x1fe: {  	s0 =	simm.s32 $0x0;
	[sflag:s2] =	ssyncadd.remote.s32 @!p1 $0xFFFFFFFF  }
0x1ff: {  	s0 =	simm.s32 $0xC819  }
0x200: {  	v0 =	vld.msk [tilespmem:s0+$0x0], $0x1;
	_ =	sdelay $0x4  }
0x201: {  	(v2sf) =	vpush v0, $0x0;
	_ =	sdelay $0xe  }
0x202: {  	s2 =	sadd.s32 $0xFFFFFFFE, s6;
	s3 =	spop (v2sf)  }
0x203: {  	s5 =	simm.s32 $0xCA38;
	s4 =	sadd.s32 $0xFFFFFFFF, s2;
	p1 =	sgt.u32 s3, $0x9C270  }
0x204: {  	s0 =	simm.s32 $0x0;
	p2 =	sne.s32 s4, $0x0;
	s2 =	sand.u32 @!p1 $0xFFFF8, s3  }
0x205: {  	s6 =	sadd.s32 @!p1 $0x80, s3;
	s7 =	sadd.s32 @!p1 $0x100, s3;
	s8 =	sadd.s32 @!p1 s1, s2  }
0x206: {  	s2 =	sand.u32 @!p1 $0x7, s3;
	s6 =	sand.u32 @!p1 $0x1FFFF8, s6;
	s7 =	sand.u32 @!p1 $0x1FFFF8, s7  }
0x207: {  	[hbm4b:s8+s2] =	stream.linear.scatter @!p1 [tilespmem:s5], [sflag:$0x5], $0x80, $0x38;
	[tilespmem:$0x1C938] =	vst v63  }
0x208: {  	s5 =	simm.s32 @!p1 $0xCAB8;
	s6 =	sadd.s32 @!p1 s1, s6;
	s7 =	sadd.s32 @!p1 s1, s7  }
.Ltmp43:
0x209: {  	s8 =	sadd.s32 @!p1 $0x180, s3;
	s3 =	simm.s32 $0x0;
	(pc) =	sbr.rel @!p2 .LBB2_57-.Ltmp43, $4  }
0x20a: {  	[hbm4b:s6+s2] =	stream.linear.scatter @!p1 [tilespmem:s5], [sflag:$0x5], $0x80, $0x38;
	[tilespmem:$0x1C938] =	vst v63  }
0x20b: {  	s3 =	simm.s32 @!p1 $0x800;
	s8 =	sand.u32 @!p1 $0x1FFFF8, s8;
	s6 =	simm.s32 @!p1 $0xCB38  }
0x20c: {  	[hbm4b:s7+s2] =	stream.linear.scatter @!p1 [tilespmem:s6], [sflag:$0x5], $0x80, $0x38;
	[tilespmem:$0x1C938] =	vst v63  }
0x20d: {  	s5 =	simm.s32 $0xC81A;
	s6 =	simm.s32 $0xCC38;
	s7 =	simm.s32 @!p1 $0xCBB8  }
.LBB2_56:
0x20e: {  	s4 =	sadd.s32 $0xFFFFFFFF, s4;
	s8 =	sadd.s32 @!p1 s1, s8;
	s0 =	sadd.s32 s0, s3  }
0x20f: {  	[hbm4b:s8+s2] =	stream.linear.scatter @!p1 [tilespmem:s7], [sflag:$0x5], $0x80, $0x38;
	[tilespmem:$0x1C938] =	vst v63  }
0x210: {  	p2 =	sne.s32 s4, $0x0;
	s7 =	smov.u32 s6;
	v0 =	vld.msk [tilespmem:s5+$0x0], $0x1;
	_ =	sdelay $0x4  }
0x211: {  	(v2sf) =	vpush v0, $0x0;
	_ =	sdelay $0xe  }
0x212: {  	s3 =	spop (v2sf)  }
0x213: {  	s6 =	sadd.s32 $0x200, s6;
	s5 =	sadd.s32 $0x1, s5;
	p1 =	sgt.u32 s3, $0x9C270  }
0x214: {  	s2 =	sand.u32 @!p1 $0xFFFF8, s3;
	s8 =	sadd.s32 @!p1 $0x80, s3;
	s9 =	sadd.s32 @!p1 $0x100, s3  }
0x215: {  	s10 =	sadd.s32 @!p1 s1, s2;
	s2 =	sand.u32 @!p1 $0x7, s3;
	s8 =	sand.u32 @!p1 $0x1FFFF8, s8  }
0x216: {  	[hbm4b:s10+s2] =	stream.linear.scatter @!p1 [tilespmem:s7], [sflag:$0x5], $0x80, $0x38;
	[tilespmem:$0x1C938] =	vst v63  }
0x217: {  	s9 =	sand.u32 @!p1 $0x1FFFF8, s9;
	s10 =	sadd.s32 @!p1 $0x80, s7  }
.Ltmp44:
0x218: {  	s8 =	sadd.s32 @!p1 s1, s8;
	s9 =	sadd.s32 @!p1 s1, s9;
	(pc) =	sbr.rel @p2 .LBB2_56-.Ltmp44, $4  }
0x219: {  	[hbm4b:s8+s2] =	stream.linear.scatter @!p1 [tilespmem:s10], [sflag:$0x5], $0x80, $0x38;
	[tilespmem:$0x1C938] =	vst v63  }
0x21a: {  	s8 =	sadd.s32 @!p1 $0x100, s7;
	s10 =	sadd.s32 @!p1 $0x180, s3;
	s3 =	simm.s32 $0x0  }
0x21b: {  	[hbm4b:s9+s2] =	stream.linear.scatter @!p1 [tilespmem:s8], [sflag:$0x5], $0x80, $0x38;
	[tilespmem:$0x1C938] =	vst v63  }
0x21c: {  	s7 =	sadd.s32 @!p1 $0x180, s7;
	s3 =	simm.s32 @!p1 $0x800;
	s8 =	sand.u32 @!p1 $0x1FFFF8, s10  }
.LBB2_57:
0x21d: {  	s4 =	sadd.s32 @!p1 s1, s8;
	s0 =	sadd.s32 s0, s3  }
0x21e: {  	[hbm4b:s4+s2] =	stream.linear.scatter @!p1 [tilespmem:s7], [sflag:$0x5], $0x80, $0x38;
	[tilespmem:$0x1C938] =	vst v63  }
0x21f: {  	s0 =	sshrl.u32 s0, $0x2  }
.LBB2_58:
0x220: {  	s2 =	simm.s32 $0x5  }
0x221: {  	_ =	swait.ge [sflag:s2], s0  }
0x222: {  	s31 =	ssub.s32 $0x0, s0;
	[sflag:s2] =	ssyncset.done $0x0  }
0x223: {  	[sflag:s2] =	ssyncadd.s32 s31  }
0x224: {  	[sflag:s2] =	ssyncpa.u1 $0x1  }
.LBB2_59:
0x225: {  	s0 =	sor.u32 s16, s17  }
0x226: {  	p1 =	sne.s32 s0, $0x0  }
.Ltmp45:
0x227: {  	_ = 	snop;
	(pc) =	sbr.rel @p1 .LBB2_82-.Ltmp45, $3  }
0x228: {  	_ =	sdelay $0x1  }
0x229: {  	[bflag:$0x0] =	sbarrier.arrive $0xFFFF  }
0x22a: {  	_ =	sfence  }
0x22b: {  	s0 =	simm.s32 $0x7  }
0x22c: {  	s2 =	simm.s32 $0x4000;
	s3 =	simm.s32 $0xC818;
	[sflag:s0] =	ssyncpa.u1 $0x0  }
0x22d: {  	[tilespmem:s3], [sflag:$0x7] =	stream.linear.gather [spmem:s2], $0x20, $0x38;
	[tilespmem:$0x1C938] =	vst v63  }
0x22e: {  	s2 =	simm.s32 $0x0;
	s3 =	simm.s32 $0xC838  }
0x22f: {  	[tilespmem:s3], [sflag:$0x7] =	stream.linear.gather [spmem:s2], $0x4000, $0x38;
	[tilespmem:$0x1C938] =	vst v63  }
.Ltmp46:
0x230: {  	_ = 	snop;
	(pc) =	sbr.rel .LBB2_61-.Ltmp46, $4  }
0x231: {  	_ =	swait.ge [sflag:s0], $0x4020  }
0x232: {  	s4 =	simm.s32 $0x8;
	[sflag:s0] =	ssyncset.done $0x0  }
0x233: {  	s5 =	simm.s32 $0xC688;
	s6 =	simm.s32 $0xC708;
	[sflag:s0] =	ssyncadd.s32 $0xFFFFBFE0  }
0x234: {  	s7 =	simm.s32 $0xC788;
	s8 =	simm.s32 $0x0;
	[sflag:s4] =	ssyncpa.u1 $0x0  }
.LBB2_76:
0x235: {  	s8 =	sadd.s32 $0x1, s8  }
0x236: {  	p1 =	sne.s32 s8, $0x20  }
.Ltmp47:
0x237: {  	_ = 	snop;
	(pc) =	sbr.rel @!p1 .LBB2_77-.Ltmp47, $2  }
0x238: {  	_ =	sdelay $0x2  }
0x239: {  	s3 =	sadd.s32 $0x200, s3  }
.LBB2_61:
0x23a: {  	v0 =	vld.msk [tilespmem:s8+$0xC818], $0x1;
	_ =	sdelay $0x4  }
0x23b: {  	(v2sf) =	vpush v0, $0x0;
	_ =	sdelay $0xe  }
0x23c: {  	s0 =	spop (v2sf)  }
0x23d: {  	p1 =	seq.s32 s0, $0xFFFFFFFF  }
.Ltmp48:
0x23e: {  	_ = 	snop;
	(pc) =	sbr.rel @p1 .LBB2_76-.Ltmp48, $1  }
0x23f: {  	_ =	sdelay $0x3  }
0x240: {  	p1 =	slt.s32 s2, $0x1  }
.Ltmp49:
0x241: {  	_ = 	snop;
	(pc) =	sbr.rel @p1 .LBB2_69-.Ltmp49, $1  }
0x242: {  	_ =	sdelay $0x3  }
0x243: {  	s9 =	simm.s32 $0xC818;
	p1 =	por $0x0, $0x0  }
0x244: {  	v1 =	vld.msk @!p1 [tilespmem:s9+$0x0], $0x1;
	_ =	sdelay $0x4  }
0x245: {  	(v2sf) =	vpush @!p1 v1, $0x0;
	_ =	sdelay $0xd  }
0x246: {  	p3 =	sne.s32 s2, $0x1  }
.Ltmp50:
0x247: {  	s10 =	spop @!p1 (v2sf);
	(pc) =	sbr.rel @!p3 .LBB2_65-.Ltmp50, $4  }
0x248: {  	p2 =	seq.s32 @!p1 s0, s10  }
0x249: {  	s10 =	simm.s32 $0x0;
	p2 =	por !p2, p1  }
0x24a: {  	s12 =	simm.s32 $0xFFFFFFFF;
	s10 =	simm.s32 @p2 $0xFFFFFFFF  }
0x24b: {  	s11 =	simm.s32 $0x1;
	s10 =	smov.u32 @p1 s12  }
.LBB2_64:
0x24c: {  	s12 =	smov.u32 s10;
	p1 =	sne.s32 s10, $0xFFFFFFFF  }
0x24d: {  	s9 =	sadd.s32 $0x1, s9;
	s10 =	smov.u32 s11;
	s11 =	sadd.s32 $0x1, s11  }
0x24e: {  	p2 =	sne.s32 s2, s11;
	v1 =	vld.msk @!p1 [tilespmem:s9+$0x0], $0x1;
	_ =	sdelay $0x4  }
0x24f: {  	(v2sf) =	vpush @!p1 v1, $0x0;
	_ =	sdelay $0xe  }
.Ltmp51:
0x250: {  	s13 =	spop @!p1 (v2sf);
	(pc) =	sbr.rel @p2 .LBB2_64-.Ltmp51, $4  }
0x251: {  	p3 =	seq.s32 @!p1 s0, s13  }
0x252: {  	p3 =	por !p3, p1  }
0x253: {  	s10 =	simm.s32 @p3 $0xFFFFFFFF  }
0x254: {  	s10 =	smov.u32 @p1 s12  }
.LBB2_65:
0x255: {  	p1 =	seq.s32 s10, $0xFFFFFFFF  }
.Ltmp52:
0x256: {  	_ = 	snop;
	(pc) =	sbr.rel @p1 .LBB2_69-.Ltmp52, $1  }
0x257: {  	_ =	sdelay $0x3  }
0x258: {  	s0 =	sshll.u32 s10, $0xB  }
0x259: {  	s0 =	sshra.s32 s0, $0x2  }
0x25a: {  	s9 =	simm.s32 $0x0;
	v0 =	vld [tilespmem:s3+$0x0];
	s10 =	smov.u32 s3;
	s0 =	sadd.s32 $0xC838, s0  }
.LBB2_67:
0x25b: {  	s9 =	sadd.s32 $0x10, s9  }
0x25c: {  	p1 =	slt.u32 s9, $0x1F0  }
.Ltmp53:
0x25d: {  	_ = 	snop;
	(pc) =	sbr.rel @p1 .LBB2_67-.Ltmp53, $3  }
0x25e: {  	_ =	sdelay $0x1  }
0x25f: {  	s10 =	sadd.s32 $0x10, s10;
	[tilespmem:s0+$0x0] =	vst.add.f32.msk $0xffff, v0;
	s0 =	sadd.s32 $0x10, s0  }
0x260: {  	v0 =	vld [tilespmem:s10+$0x0]  }
.Ltmp54:
0x261: {  	_ = 	snop;
	(pc) =	sbr.rel .LBB2_76-.Ltmp54, $2  }
0x262: {  	_ =	sdelay $0x2  }
0x263: {  	[tilespmem:s0+$0x0] =	vst.add.f32.msk $0xffff, v0  }
.LBB2_69:
0x264: {  	p1 =	sgt.u32 s0, $0x9C270  }
.Ltmp55:
0x265: {  	_ = 	snop;
	(pc) =	sbr.rel @p1 .LBB2_73-.Ltmp55, $1  }
0x266: {  	_ =	sdelay $0x3  }
0x267: {  	s9 =	sand.u32 $0xFFFF8, s0;
	s11 =	sand.u32 $0x7, s0  }
0x268: {  	s29 =	sadd.s32 $0x80, s0;
	s10 =	sadd.s32 s1, s9;
	s9 =	simm.s32 $0xC608  }
0x269: {  	[tilespmem:s9], [sflag:$0x8] =	stream.linear.gather [hbm4b:s10+s11], $0x80, $0x38;
	[tilespmem:$0x1C938] =	vst v63  }
0x26a: {  	s10 =	sand.u32 $0x1FFFF8, s29  }
0x26b: {  	s30 =	sadd.s32 $0x100, s0;
	s10 =	sadd.s32 s1, s10  }
0x26c: {  	[tilespmem:s5], [sflag:$0x8] =	stream.linear.gather [hbm4b:s10+s11], $0x80, $0x38;
	[tilespmem:$0x1C938] =	vst v63  }
0x26d: {  	s31 =	sadd.s32 $0x180, s0;
	s10 =	sand.u32 $0x1FFFF8, s30  }
0x26e: {  	s0 =	sand.u32 $0x1FFFF8, s31;
	s10 =	sadd.s32 s1, s10  }
0x26f: {  	[tilespmem:s6], [sflag:$0x8] =	stream.linear.gather [hbm4b:s10+s11], $0x80, $0x38;
	[tilespmem:$0x1C938] =	vst v63  }
0x270: {  	s0 =	sadd.s32 s1, s0  }
0x271: {  	[tilespmem:s7], [sflag:$0x8] =	stream.linear.gather [hbm4b:s0+s11], $0x80, $0x38;
	[tilespmem:$0x1C938] =	vst v63  }
0x272: {  	_ =	swait.ge [sflag:s4], $0x200  }
0x273: {  	[sflag:s4] =	ssyncset.done $0x0  }
0x274: {  	[sflag:s4] =	ssyncadd.s32 $0xFFFFFE00  }
0x275: {  	s10 =	smov.u32 s3;
	s0 =	simm.s32 $0x0;
	v1 =	vld [tilespmem:s9+$0x0]  }
.LBB2_71:
0x276: {  	s0 =	sadd.s32 $0x10, s0  }
0x277: {  	p1 =	slt.u32 s0, $0x1F0  }
.Ltmp56:
0x278: {  	_ = 	snop;
	(pc) =	sbr.rel @p1 .LBB2_71-.Ltmp56, $3  }
0x279: {  	_ =	sdelay $0x1  }
0x27a: {  	s9 =	sadd.s32 $0x10, s9;
	[tilespmem:s10+$0x0] =	vst.add.f32.msk $0xffff, v1;
	s10 =	sadd.s32 $0x10, s10  }
0x27b: {  	v1 =	vld [tilespmem:s9+$0x0]  }
0x27c: {  	_ =	sdelay $0x3  }
0x27d: {  	[tilespmem:s10+$0x0] =	vst.add.f32.msk $0xffff, v1  }
.LBB2_73:
0x27e: {  	s0 =	sshll.u32 s2, $0xB  }
0x27f: {  	[tilespmem:s2+$0xC818] =	vst.msk $0x1, v0;
	s0 =	sshra.s32 s0, $0x2  }
0x280: {  	s9 =	simm.s32 $0x0;
	s10 =	smov.u32 s3;
	v0 =	vld [tilespmem:s3+$0x0];
	s0 =	sadd.s32 $0xC838, s0  }
.LBB2_74:
0x281: {  	s9 =	sadd.s32 $0x10, s9  }
0x282: {  	p1 =	slt.u32 s9, $0x1F0  }
.Ltmp57:
0x283: {  	_ = 	snop;
	(pc) =	sbr.rel @p1 .LBB2_74-.Ltmp57, $3  }
0x284: {  	_ =	sdelay $0x1  }
0x285: {  	s10 =	sadd.s32 $0x10, s10;
	[tilespmem:s0+$0x0] =	vst v0;
	s0 =	sadd.s32 $0x10, s0  }
0x286: {  	v0 =	vld [tilespmem:s10+$0x0]  }
.Ltmp58:
0x287: {  	_ = 	snop;
	(pc) =	sbr.rel .LBB2_76-.Ltmp58, $2  }
0x288: {  	_ =	sdelay $0x2  }
0x289: {  	s2 =	sadd.s32 $0x1, s2;
	[tilespmem:s0+$0x0] =	vst v0  }
.LBB2_77:
0x28a: {  	p1 =	slt.s32 s2, $0x1  }
.Ltmp59:
0x28b: {  	_ = 	snop;
	(pc) =	sbr.rel @p1 .LBB2_81-.Ltmp59, $3  }
0x28c: {  	_ =	sdelay $0x1  }
0x28d: {  	s0 =	simm.s32 $0x8  }
0x28e: {  	[sflag:s0] =	ssyncpa.u1 $0x1;
	s0 =	simm.s32 $0x0  }
0x28f: {  	s3 =	simm.s32 $0xC818  }
0x290: {  	v0 =	vld.msk [tilespmem:s3+$0x0], $0x1;
	_ =	sdelay $0x4  }
0x291: {  	(v2sf) =	vpush v0, $0x0;
	_ =	sdelay $0xe  }
0x292: {  	s7 =	spop (v2sf)  }
0x293: {  	s2 =	sadd.s32 $0xFFFFFFFF, s2;
	p1 =	sgt.u32 s7, $0x9C270  }
0x294: {  	s3 =	simm.s32 $0xC838;
	s4 =	sand.u32 @!p1 $0xFFFF8, s7;
	s8 =	sadd.s32 @!p1 $0x80, s7  }
0x295: {  	s5 =	sand.u32 @!p1 $0x7, s7;
	s4 =	sadd.s32 @!p1 s1, s4;
	s8 =	sand.u32 @!p1 $0x1FFFF8, s8  }
0x296: {  	[hbm4b:s4+s5] =	stream.linear.scatter @!p1 [tilespmem:s3], [sflag:$0x7], $0x80, $0x38;
	[tilespmem:$0x1C938] =	vst v63  }
0x297: {  	p2 =	sne.s32 s2, $0x0;
	s3 =	simm.s32 @!p1 $0xC8B8;
	s4 =	sadd.s32 @!p1 s1, s8  }
0x298: {  	[hbm4b:s4+s5] =	stream.linear.scatter @!p1 [tilespmem:s3], [sflag:$0x7], $0x80, $0x38;
	[tilespmem:$0x1C938] =	vst v63  }
.Ltmp60:
0x299: {  	s6 =	simm.s32 $0x0;
	s9 =	sadd.s32 @!p1 $0x100, s7;
	(pc) =	sbr.rel @!p2 .LBB2_80-.Ltmp60, $4  }
0x29a: {  	s6 =	simm.s32 @!p1 $0x800;
	s8 =	sand.u32 @!p1 $0x1FFFF8, s9;
	s3 =	simm.s32 @!p1 $0xC938  }
0x29b: {  	s4 =	sadd.s32 @!p1 s1, s8;
	s8 =	sadd.s32 @!p1 $0x180, s7;
	s7 =	simm.s32 @!p1 $0xC9B8  }
0x29c: {  	[hbm4b:s4+s5] =	stream.linear.scatter @!p1 [tilespmem:s3], [sflag:$0x7], $0x80, $0x38;
	[tilespmem:$0x1C938] =	vst v63  }
0x29d: {  	s8 =	sand.u32 @!p1 $0x1FFFF8, s8;
	s3 =	simm.s32 $0xC819;
	s4 =	simm.s32 $0xCA38  }
.LBB2_79:
0x29e: {  	s2 =	sadd.s32 $0xFFFFFFFF, s2;
	s8 =	sadd.s32 @!p1 s1, s8;
	s0 =	sadd.s32 s0, s6  }
0x29f: {  	[hbm4b:s8+s5] =	stream.linear.scatter @!p1 [tilespmem:s7], [sflag:$0x7], $0x80, $0x38;
	[tilespmem:$0x1C938] =	vst v63  }
0x2a0: {  	p2 =	sne.s32 s2, $0x0;
	s7 =	smov.u32 s4;
	v0 =	vld.msk [tilespmem:s3+$0x0], $0x1;
	_ =	sdelay $0x4  }
0x2a1: {  	(v2sf) =	vpush v0, $0x0;
	_ =	sdelay $0xe  }
0x2a2: {  	s6 =	spop (v2sf)  }
0x2a3: {  	s4 =	sadd.s32 $0x200, s4;
	s3 =	sadd.s32 $0x1, s3;
	p1 =	sgt.u32 s6, $0x9C270  }
0x2a4: {  	s5 =	sand.u32 @!p1 $0xFFFF8, s6;
	s8 =	sadd.s32 @!p1 $0x80, s6;
	s9 =	sadd.s32 @!p1 $0x100, s6  }
0x2a5: {  	s10 =	sadd.s32 @!p1 s1, s5;
	s5 =	sand.u32 @!p1 $0x7, s6;
	s8 =	sand.u32 @!p1 $0x1FFFF8, s8  }
0x2a6: {  	[hbm4b:s10+s5] =	stream.linear.scatter @!p1 [tilespmem:s7], [sflag:$0x7], $0x80, $0x38;
	[tilespmem:$0x1C938] =	vst v63  }
0x2a7: {  	s9 =	sand.u32 @!p1 $0x1FFFF8, s9;
	s10 =	sadd.s32 @!p1 $0x80, s7  }
.Ltmp61:
0x2a8: {  	s8 =	sadd.s32 @!p1 s1, s8;
	s9 =	sadd.s32 @!p1 s1, s9;
	(pc) =	sbr.rel @p2 .LBB2_79-.Ltmp61, $4  }
0x2a9: {  	[hbm4b:s8+s5] =	stream.linear.scatter @!p1 [tilespmem:s10], [sflag:$0x7], $0x80, $0x38;
	[tilespmem:$0x1C938] =	vst v63  }
0x2aa: {  	s8 =	sadd.s32 @!p1 $0x100, s7;
	s10 =	sadd.s32 @!p1 $0x180, s6;
	s6 =	simm.s32 $0x0  }
0x2ab: {  	[hbm4b:s9+s5] =	stream.linear.scatter @!p1 [tilespmem:s8], [sflag:$0x7], $0x80, $0x38;
	[tilespmem:$0x1C938] =	vst v63  }
0x2ac: {  	s7 =	sadd.s32 @!p1 $0x180, s7;
	s6 =	simm.s32 @!p1 $0x800;
	s8 =	sand.u32 @!p1 $0x1FFFF8, s10  }
.LBB2_80:
0x2ad: {  	s1 =	sadd.s32 @!p1 s1, s8;
	s0 =	sadd.s32 s0, s6  }
0x2ae: {  	[hbm4b:s1+s5] =	stream.linear.scatter @!p1 [tilespmem:s7], [sflag:$0x7], $0x80, $0x38;
	[tilespmem:$0x1C938] =	vst v63  }
0x2af: {  	s0 =	sshrl.u32 s0, $0x2  }
.LBB2_81:
0x2b0: {  	s1 =	simm.s32 $0x7  }
0x2b1: {  	_ =	swait.ge [sflag:s1], s0  }
0x2b2: {  	s31 =	ssub.s32 $0x0, s0;
	[sflag:s1] =	ssyncset.done $0x0  }
0x2b3: {  	[sflag:s1] =	ssyncadd.s32 s31  }
0x2b4: {  	[sflag:s1] =	ssyncpa.u1 $0x1  }
.LBB2_82:
0x2b5: {  	_ =	sfence;
	s0 =	simm.s32 $0x1  }
0x2b6: {  	[sflag:s0] =	ssyncpa.u1 $0x1  }
0x2b7: {  	_ =	strace $0x90000050  }
0x2b8: {  	[bflag:$0x2] =	sbarrier.arrive $0xFFFF  }
0x2b9: {  	s0 =	rddreg [dreg:$0x3]  }
0x2ba: {  	s0 =	sadd.s32 @!p0 $0x100000, s0  }
0x2bb: {  	[sflag:s0] =	ssyncadd.tile.s32 @!p0 $0x1;
	_ =	shalt  }
.Lfunc_end2:
_tile_overlayer_lowered:
.L_overlay_start_2:
0x2bc: {  	(tag) =	ssettag $0x2  }
0x2bd: {  	s0 =	rddreg [dreg:$0x0];
	s2 =	stileid.u32  }
0x2be: {  	s1 =	rddreg [dreg:$0x1];
	p0 =	sne.s32 s2, $0x0  }
0x2bf: {  	s3 =	rddreg [dreg:$0x2];
	[bflag:$0x3] =	sbarrier.arrive $0xFFFF;
	s2 =	simm.s32 @!p0 $0x1C01  }
0x2c0: {  	[timem:s3], [sflag:s2] =	dma.local @!p0 [hbm:s0], s1  }
0x2c1: {  	s0 =	simm.s32 @!p0 $0x1  }
0x2c2: {  	_ =	swait.ge @!p0 [sflag:s0], s1  }
0x2c3: {  	s1 =	ssub.s32 @!p0 $0x0, s1;
	[sflag:s0] =	ssyncset.done @!p0 $0x0  }
0x2c4: {  	[sflag:s0] =	ssyncadd.s32 @!p0 s1  }
0x2c5: {  	[bflag:$0x3] =	sbarrier.arrive $0xFFFF  }
0x2c6: {  	_ =	shalt  }

// kernel: sparse-core-data-format-call.1.cloned.1.call-start
scs
called_computation.4_lowered:
.L_overlay_start_0:
0x0: {  	s1 =	sld [smem:$0x3FD9]  }
0x1: {  	s2 =	sld [smem:$0x3FFE];
	_ =	sdelay $0x1  }
0x2: {  	s3 =	srdreg.scid  }
0x3: {  	s0 =	sand.u32 $0x1, s3  }
0x4: {  	s17 =	sshll.u32 s0, $0xA;
	s1 =	sadd.s32 s2, s1  }
0x5: {  	s1 =	sadd.s32 s1, s17  }
0x6: {  	[smem:$0x3FC0] =	sst s1  }
0x7: {  	_ = 	snop  }
0x8: {  	(tm) =	ssettm $0x1  }
0x9: {  	s18 =	sld [smem:$0x3FFB];
	_ =	sdelay $0x3  }
0xa: {  	_ =	strace s18  }
0xb: {  	s1 =	sld [smem:$0x3FFC];
	_ =	sdelay $0x3  }
0xc: {  	_ =	strace s1  }
0xd: {  	s1 =	sld [smem:$0x3FFD];
	_ =	sdelay $0x3  }
0xe: {  	_ =	strace s1  }
0xf: {  	_ =	strace $0x8FFFFFFF  }
0x10: {  	s19 =	sld [smem:$0x3FDB];
	_ =	sdelay $0x1  }
0x11: {  	s20 =	simm.s32 $_scs_section_size  }
0x12: {  	s4 =	simm.s32 $_size__tile_overlayer_lowered;
	s5 =	simm.s32 $_tile_overlayer_lowered  }
0x13: {  	s23 =	simm.s32 $0x1BFF;
	s22 =	sshll.u32 s5, $0x1;
	s1 =	sadd.s32 s20, s19  }
0x14: {  	s6 =	simm.s32 $0x0;
	s21 =	sshll.u32 s4, $0x1;
	s4 =	sadd.s32 s22, s1  }
0x15: {  	[timem:s6], [sflag:s23] =	dma.local [hbm:s4], s21  }
0x16: {  	_ =	swait.ge [sflag:s23], s21  }
0x17: {  	s2 =	ssub.s32 $0x0, s21;
	[sflag:s23] =	ssyncset.done $0x0  }
0x18: {  	[sflag:s23] =	ssyncadd.s32 s2;
	_ =	sdelay $0x1  }
0x19: {  	s24 =	simm.s32 $0x1B8B  }
0x1a: {  	_ =	swait.ge [sflag:s24], $0x1  }
0x1b: {  	[sflag:s24] =	ssyncset.done $0x0  }
0x1c: {  	s26 =	simm.s32 $0x1B8E;
	s25 =	sld [smem:$0x3FFE];
	[sflag:s24] =	ssyncadd.s32 $0xFFFFFFFF  }
0x1d: {  	s27 =	simm.s32 $execute0_lowered;
	[smem:$0x3FD2] =	sst s26  }
0x1e: {  	s4 =	sshll.u32 s27, $0x1;
	_ =	strace $0x80000049;
	[dreg:$0x1] =	wrdreg $0xFFFFFFFF  }
0x1f: {  	s28 =	simm.s32 $_size_execute0_lowered;
	s1 =	sadd.s32 s1, s4;
	[dreg:$0x0] =	wrdreg $0x0  }
0x20: {  	s4 =	sshll.u32 s28, $0x1;
	[dreg:$0x2] =	wrdreg s1  }
0x21: {  	[dreg:$0x3] =	wrdreg s4  }
0x22: {  	[dreg:$0x4] =	wrdreg $0xC0  }
0x23: {  	_ =	task [dreg:s6], $0x5FFFF  }
0x24: {  	[dreg:$0x1] =	wrdreg $0xFFFFFFFF  }
0x25: {  	[dreg:$0x0] =	wrdreg $0x60  }
0x26: {  	[dreg:$0x2] =	wrdreg s25  }
0x27: {  	[dreg:$0x3] =	wrdreg $0x9  }
0x28: {  	_ =	task.clear_ibuf [dreg:s6], $0x4FFFF;
	_ =	strace $0x90000049  }
0x29: {  	s29 =	simm.s32 $0x9;
	_ =	strace $0x8000004B  }
0x2a: {  	_ =	swait.ge [sflag:s29], $0x1  }
0x2b: {  	[sflag:s29] =	ssyncadd.s32 $0xFFFFFFFF  }
0x2c: {  	_ =	strace $0x9000004B  }
0x2d: {  	_ =	sfence  }
0x2e: {  	s30 =	sld [smem:$0x0];
	_ =	sdelay $0x2  }
0x2f: {  	s31 =	sshll.u32 s3, $0xD;
	s3 =	sshrl.u32 s3, $0x2  }
0x30: {  	s2 =	sand.u32 $0x4000, s31;
	s1 =	sadd.s32 s3, s30  }
0x31: {  	s0 =	sor.u32 s2, s0;
	s1 =	sshll.u32 s1, $0x11  }
0x32: {  	s0 =	sor.u32 s1, s0  }
0x33: {  	s0 =	sadd.s32 $0x8F2B, s0  }
0x34: {  	[sflag:s0] =	ssyncadd.remote.s32 $0x1  }
0x35: {  	_ =	sfence.sel $0xFFFF  }
0x36: {  	[dreg:$0x0] =	wrdreg $0xFFFFFFFF;
	(pc) =	sbr.abs _section_cstart, $3  }
0x37: {  	[dreg:$0x1] =	wrdreg $0xFFFFFFFF  }
0x38: {  	_ =	task.clear_ibuf [dreg:s6], $0x2FFFF;
	_ =	strace $0x9FFFFFFF  }
0x39: {  	(tm) =	ssettm $0x7FFFFFFF  }
tec
execute0_lowered:
.L_overlay_start_1:
0x0: {  	(tag) =	ssettag $0x1  }
0x1: {  	s0 =	srdreg.scid  }
0x2: {  	s1 =	sshll.u32 s0, $0x4  }
0x3: {  	s4 =	rddreg [dreg:$0x0];
	s0 =	stileid.u32;
	s1 =	sand.u32 $0x10, s1  }
0x4: {  	s7 =	simm.s32 $0x1;
	s8 =	simm.s32 $0x2;
	s2 =	sor.u32 s0, s1  }
0x5: {  	s11 =	simm.s32 $0x0;
	s3 =	sadd.s32 $0x17D200, s4;
	s2 =	sshll.u32 s2, $0x7  }
0x6: {  	s10 =	simm.s32 $0x0;
	s4 =	sadd.s32 $0x1505200, s4;
	s6 =	ssub.s32 $0x27100, s2  }
.Ltmp0:
0x7: {  	s1 =	rddreg [dreg:$0x1];
	s5 =	sand.u32 $0xF80, s6;
	(pc) =	sbr.rel .LBB1_1-.Ltmp0, $4  }
0x8: {  	_ =	strace $0x8000004A;
	s9 =	smov.u32 s2;
	p0 =	sne.s32 s5, $0x0  }
0x9: {  	s6 =	sshrl.u32 s6, $0xC;
	s5 =	simm.s32 $0x1;
	s7 =	simm.s32 @!p0 $0x0  }
0xa: {  	[sflag:s5] =	ssyncpa.u1 $0x0;
	p0 =	por $0x0, $0x0;
	s6 =	sadd.s32 s7, s6  }
0xb: {  	[sflag:s8] =	ssyncpa.u1 $0x0;
	s8 =	simm.s32 $0x138800;
	s7 =	sadd.s32 $0x1, s6  }
.LBB1_4:
0xc: {  	s25 =	sshra.s32 s26, $0x2  }
0xd: {  	s24 =	sadd.s32 s25, s24  }
0xe: {  	[tilespmem:s24+$0x0 ss:$0x81] =	vst.msk $0xff, v4  }
0xf: {  	v4 =	vld.msk [tilespmem:s23+$0xFFFFFFE8], $0xff;
	_ =	sdelay $0x3  }
0x10: {  	[tilespmem:s20+$0x408 ss:$0x81] =	vst.msk $0xff, v3  }
0x11: {  	v3 =	vld.msk [tilespmem:s22+$0xFFFFFFF0], $0xff;
	[tilespmem:s24+$0x408 ss:$0x81] =	vst.msk $0xff, v4  }
0x12: {  	v4 =	vld.msk [tilespmem:s23+$0xFFFFFFF0], $0xff;
	_ =	sdelay $0x3  }
0x13: {  	v5 =	vld.msk [tilespmem:s19+$0xFFFFFFF8], $0xff;
	[tilespmem:s20+$0x810 ss:$0x81] =	vst.msk $0xff, v3  }
0x14: {  	v3 =	vld.msk [tilespmem:s22+$0xFFFFFFF8], $0xff;
	[tilespmem:s24+$0x810 ss:$0x81] =	vst.msk $0xff, v4  }
0x15: {  	v4 =	vld.msk [tilespmem:s23+$0xFFFFFFF8], $0xff;
	_ =	sdelay $0x2  }
0x16: {  	[tilespmem:s17+$0xC18 ss:$0x81] =	vst.msk $0xff, v5  }
0x17: {  	v5 =	vld.msk [tilespmem:s19+$0x0], $0xff;
	[tilespmem:s20+$0xC18 ss:$0x81] =	vst.msk $0xff, v3  }
0x18: {  	v3 =	vld.msk [tilespmem:s22+$0x0], $0xff;
	[tilespmem:s24+$0xC18 ss:$0x81] =	vst.msk $0xff, v4  }
0x19: {  	v4 =	vld.msk [tilespmem:s23+$0x0], $0xff;
	_ =	sdelay $0x1  }
0x1a: {  	[tilespmem:s15+$0x1020 ss:$0x81] =	vst.msk $0xff, v2  }
0x1b: {  	v2 =	vld.msk [tilespmem:s18+$0x8], $0xff;
	[tilespmem:s17+$0x1020 ss:$0x81] =	vst.msk $0xff, v5  }
0x1c: {  	v5 =	vld.msk [tilespmem:s19+$0x8], $0xff;
	[tilespmem:s20+$0x1020 ss:$0x81] =	vst.msk $0xff, v3  }
0x1d: {  	v3 =	vld.msk [tilespmem:s22+$0x8], $0xff;
	[tilespmem:s24+$0x1020 ss:$0x81] =	vst.msk $0xff, v4  }
0x1e: {  	v4 =	vld.msk [tilespmem:s23+$0x8], $0xff  }
0x1f: {  	[tilespmem:s13+$0x1428 ss:$0x81] =	vst.msk $0xff, v1  }
0x20: {  	v1 =	vld.msk [tilespmem:s16+$0x10], $0xff;
	[tilespmem:s15+$0x1428 ss:$0x81] =	vst.msk $0xff, v2  }
0x21: {  	v2 =	vld.msk [tilespmem:s18+$0x10], $0xff;
	[tilespmem:s17+$0x1428 ss:$0x81] =	vst.msk $0xff, v5  }
0x22: {  	v5 =	vld.msk [tilespmem:s19+$0x10], $0xff;
	[tilespmem:s20+$0x1428 ss:$0x81] =	vst.msk $0xff, v3  }
0x23: {  	v3 =	vld.msk [tilespmem:s22+$0x10], $0xff;
	[tilespmem:s24+$0x1428 ss:$0x81] =	vst.msk $0xff, v4  }
0x24: {  	[tilespmem:s12+$0x1830 ss:$0x81] =	vst.msk $0xff, v0;
	s31 =	sshll.u32 s11, $0x3;
	v62 =	vld.msk [tilespmem:s23+$0x10], $0xff  }
0x25: {  	v63 =	vld.msk [tilespmem:s14+$0x18], $0xff;
	s14 =	sand.u32 $0x7F, s11;
	s26 =	sand.u32 $0xFFFFFC00, s31;
	[tilespmem:s13+$0x1830 ss:$0x81] =	vst.msk $0xff, v1  }
0x26: {  	s11 =	sor.u32 s14, s26;
	v1 =	vld.msk [tilespmem:s16+$0x18], $0xff;
	[tilespmem:s15+$0x1830 ss:$0x81] =	vst.msk $0xff, v2  }
0x27: {  	s27 =	smulhi.u32 $0xD1B71759, s11;
	v2 =	vld.msk [tilespmem:s18+$0x18], $0xff;
	[tilespmem:s17+$0x1830 ss:$0x81] =	vst.msk $0xff, v5  }
0x28: {  	v5 =	vld.msk [tilespmem:s19+$0x18], $0xff;
	[tilespmem:s20+$0x1830 ss:$0x81] =	vst.msk $0xff, v3  }
0x29: {  	s14 =	smulhi.u32 $0xD1B71759, s26;
	s16 =	sshrl.u32 s27, $0x11;
	v3 =	vld.msk [tilespmem:s22+$0x18], $0xff;
	[tilespmem:s24+$0x1830 ss:$0x81] =	vst.msk $0xff, v62  }
0x2a: {  	[tilespmem:s12+$0x1C38 ss:$0x81] =	vst.msk $0xff, v63;
	s28 =	smul.u32 $0x27100, s16;
	v0 =	vld.msk [tilespmem:s23+$0x18], $0xff  }
0x2b: {  	s29 =	sshrl.u32 s14, $0x11;
	[tilespmem:s13+$0x1C38 ss:$0x81] =	vst.msk $0xff, v1  }
0x2c: {  	s30 =	sand.u32 $0x7, s29;
	s11 =	ssub.s32 s11, s28;
	[tilespmem:s15+$0x1C38 ss:$0x81] =	vst.msk $0xff, v2  }
0x2d: {  	s12 =	smul.u32 $0x4E20, s30;
	s31 =	sshrl.u32 s11, $0x3;
	s11 =	sand.u32 $0x7, s11;
	[tilespmem:s17+$0x1C38 ss:$0x81] =	vst.msk $0xff, v5  }
0x2e: {  	s13 =	sadd.s32 s4, s31;
	s11 =	sshll.u32 s11, $0x12;
	[tilespmem:s20+$0x1C38 ss:$0x81] =	vst.msk $0xff, v3  }
0x2f: {  	s12 =	sadd.s32 s12, s13;
	s11 =	sor.u32 $0x400, s11;
	[tilespmem:s24+$0x1C38 ss:$0x81] =	vst.msk $0xff, v0  }
0x30: {  	[hbm4b:s12+s11] =	stream.strided.scatter [tilespmem:s21], [sflag:$0x2], $0x2000, s8, s11, $0x20;
	[tilespmem:$0x8080] =	vst v63  }
.LBB1_5:
0x31: {  	s13 =	sadd.s32 $0x1000, s9  }
0x32: {  	p2 =	sgt.s32 s13, $0x270FF  }
0x33: {  	s13 =	smov.u32 @p2 s2;
	p2 =	sne.s32 s10, s7  }
.Ltmp1:
0x34: {  	p1 =	slt.u32 s10, $0x2;
	(pc) =	sbr.rel @!p2 .LBB1_6-.Ltmp1, $4  }
0x35: {  	s12 =	simm.s32 @!p1 $0x2  }
0x36: {  	s14 =	sadd.s32 $0x1, s10;
	_ =	swait.ge @!p1 [sflag:s12], $0x2000  }
0x37: {  	s11 =	smov.u32 s9;
	p0 =	por !p0, !p0;
	[sflag:s12] =	ssyncset.done @!p1 $0x0  }
0x38: {  	s10 =	smov.u32 s14;
	s9 =	smov.u32 s13;
	[sflag:s12] =	ssyncadd.s32 @!p1 $0xFFFFE000  }
.LBB1_1:
0x39: {  	p1 =	sge.u32 s10, s6  }
0x3a: {  	s31 =	sadd.s32 $0xFFFFFFFF, s10;
	s12 =	sxor.u32 @!p1 $0xFFFFFFFF, s10  }
0x3b: {  	s13 =	sshll.u32 @!p1 s9, $0x7;
	s14 =	simm.s32 @!p1 $0x8;
	s12 =	sshll.u32 @!p1 s12, $0xD  }
0x3c: {  	s15 =	simm.s32 @!p1 $0x80;
	s13 =	sadd.s32 @!p1 s3, s13;
	s12 =	sand.u32 @!p1 $0x2000, s12  }
0x3d: {  	[tilespmem:s12], [sflag:$0x1] =	stream.strided.gather @!p1 [hbm4b:s13+s14], $0x2000, s15, s14, $0x38;
	[tilespmem:$0x8080] =	vst v63  }
0x3e: {  	p1 =	sge.u32 s31, s6  }
.Ltmp2:
0x3f: {  	_ = 	snop;
	(pc) =	sbr.rel @p1 .LBB1_5-.Ltmp2, $1  }
0x40: {  	_ =	sdelay $0x3  }
0x41: {  	s12 =	simm.s32 $0x1  }
0x42: {  	_ =	swait.ge [sflag:s5], $0x2000;
	s12 =	simm.s32 @!p0 $0x0  }
0x43: {  	[sflag:s5] =	ssyncset.done $0x0;
	s13 =	sshll.u32 s12, $0xD  }
0x44: {  	[sflag:s5] =	ssyncadd.s32 $0xFFFFE000;
	s14 =	sor.u32 $0x20, s13  }
0x45: {  	s12 =	smul.u32 $0x8100, s12;
	v0 =	vld.msk [tilespmem:s14+$0xFFFFFFE0], $0xff;
	_ =	sdelay $0x1  }
0x46: {  	s12 =	sshrl.u32 s12, $0x2  }
0x47: {  	s24 =	sor.u32 $0x4000, s12  }
0x48: {  	s12 =	sadd.s32 $0x0, s24  }
0x49: {  	[tilespmem:s12+$0x0 ss:$0x81] =	vst.msk $0xff, v0  }
0x4a: {  	v0 =	vld.msk [tilespmem:s14+$0xFFFFFFE8], $0xff  }
0x4b: {  	s16 =	sadd.s32 $0x40, s14  }
0x4c: {  	v1 =	vld.msk [tilespmem:s16+$0xFFFFFFE0], $0xff;
	_ =	sdelay $0x2  }
0x4d: {  	[tilespmem:s12+$0x408 ss:$0x81] =	vst.msk $0xff, v0  }
0x4e: {  	s13 =	sadd.s32 $0x1, s24;
	v0 =	vld.msk [tilespmem:s14+$0xFFFFFFF0], $0xff  }
0x4f: {  	[tilespmem:s13+$0x0 ss:$0x81] =	vst.msk $0xff, v1  }
0x50: {  	v1 =	vld.msk [tilespmem:s16+$0xFFFFFFE8], $0xff  }
0x51: {  	s18 =	sadd.s32 $0x40, s16  }
0x52: {  	v2 =	vld.msk [tilespmem:s18+$0xFFFFFFE0], $0xff  }
0x53: {  	[tilespmem:s12+$0x810 ss:$0x81] =	vst.msk $0xff, v0  }
0x54: {  	v0 =	vld.msk [tilespmem:s14+$0xFFFFFFF8], $0xff  }
0x55: {  	[tilespmem:s13+$0x408 ss:$0x81] =	vst.msk $0xff, v1  }
0x56: {  	s15 =	sadd.s32 $0x2, s24;
	v1 =	vld.msk [tilespmem:s16+$0xFFFFFFF0], $0xff  }
0x57: {  	[tilespmem:s15+$0x0 ss:$0x81] =	vst.msk $0xff, v2  }
0x58: {  	s19 =	sadd.s32 $0x40, s18;
	v2 =	vld.msk [tilespmem:s18+$0xFFFFFFE8], $0xff  }
0x59: {  	[tilespmem:s12+$0xC18 ss:$0x81] =	vst.msk $0xff, v0;
	v0 =	vld.msk [tilespmem:s19+$0xFFFFFFE0], $0xff  }
0x5a: {  	v3 =	vld.msk [tilespmem:s14+$0x0], $0xff  }
0x5b: {  	[tilespmem:s13+$0x810 ss:$0x81] =	vst.msk $0xff, v1  }
0x5c: {  	v1 =	vld.msk [tilespmem:s16+$0xFFFFFFF8], $0xff  }
0x5d: {  	s17 =	sadd.s32 $0x3, s24;
	[tilespmem:s15+$0x408 ss:$0x81] =	vst.msk $0xff, v2  }
0x5e: {  	v2 =	vld.msk [tilespmem:s18+$0xFFFFFFF0], $0xff;
	[tilespmem:s17+$0x0 ss:$0x81] =	vst.msk $0xff, v0  }
0x5f: {  	v0 =	vld.msk [tilespmem:s19+$0xFFFFFFE8], $0xff;
	[tilespmem:s12+$0x1020 ss:$0x81] =	vst.msk $0xff, v3  }
0x60: {  	s22 =	sadd.s32 $0x40, s19;
	v3 =	vld.msk [tilespmem:s14+$0x8], $0xff  }
0x61: {  	[tilespmem:s13+$0xC18 ss:$0x81] =	vst.msk $0xff, v1;
	v1 =	vld.msk [tilespmem:s22+$0xFFFFFFE0], $0xff  }
0x62: {  	v4 =	vld.msk [tilespmem:s16+$0x0], $0xff  }
0x63: {  	[tilespmem:s15+$0x810 ss:$0x81] =	vst.msk $0xff, v2  }
0x64: {  	v2 =	vld.msk [tilespmem:s18+$0xFFFFFFF8], $0xff;
	[tilespmem:s17+$0x408 ss:$0x81] =	vst.msk $0xff, v0  }
0x65: {  	s20 =	sadd.s32 $0x4, s24;
	v5 =	vld.msk [tilespmem:s19+$0xFFFFFFF0], $0xff;
	[tilespmem:s12+$0x1428 ss:$0x81] =	vst.msk $0xff, v3  }
0x66: {  	s21 =	sand.u32 $0x1, s10;
	[tilespmem:s20+$0x0 ss:$0x81] =	vst.msk $0xff, v1;
	v0 =	vld.msk [tilespmem:s14+$0x10], $0xff  }
0x67: {  	s21 =	smul.u32 $0x8100, s21;
	[tilespmem:s13+$0x1020 ss:$0x81] =	vst.msk $0xff, v4;
	v3 =	vld.msk [tilespmem:s22+$0xFFFFFFE8], $0xff  }
0x68: {  	s23 =	sadd.s32 $0x40, s22;
	v1 =	vld.msk [tilespmem:s16+$0x8], $0xff  }
0x69: {  	s21 =	sshrl.u32 s21, $0x2;
	[tilespmem:s15+$0xC18 ss:$0x81] =	vst.msk $0xff, v2;
	v4 =	vld.msk [tilespmem:s23+$0xFFFFFFE0], $0xff  }
0x6a: {  	s26 =	simm.s32 $0x14;
	s25 =	simm.s32 $0x18;
	s21 =	sor.u32 $0x4000, s21;
	v2 =	vld.msk [tilespmem:s18+$0x0], $0xff;
	[tilespmem:s17+$0x810 ss:$0x81] =	vst.msk $0xff, v5  }
.LBB1_3:
0x6b: {  	p1 =	sne.s32 s25, $0x1FC;
	v5 =	vld.msk [tilespmem:s19+$0xFFFFFFF8], $0xff;
	[tilespmem:s12+$0x1830 ss:$0x81] =	vst.msk $0xff, v0  }
0x6c: {  	s26 =	sshra.s32 s26, $0x2;
	[tilespmem:s20+$0x408 ss:$0x81] =	vst.msk $0xff, v3;
	v6 =	vld.msk [tilespmem:s14+$0x18], $0xff;
	s14 =	smov.u32 s16;
	s16 =	smov.u32 s18  }
0x6d: {  	s27 =	sadd.s32 s26, s24;
	s18 =	smov.u32 s19;
	s19 =	smov.u32 s22;
	v7 =	vld.msk [tilespmem:s22+$0xFFFFFFF0], $0xff;
	[tilespmem:s13+$0x1428 ss:$0x81] =	vst.msk $0xff, v1  }
.Ltmp3:
0x6e: {  	s26 =	smov.u32 s25;
	s22 =	smov.u32 s23;
	[tilespmem:s27+$0x0 ss:$0x81] =	vst.msk $0xff, v4;
	v0 =	vld.msk [tilespmem:s14+$0x10], $0xff;
	(pc) =	sbr.rel @p1 .LBB1_3-.Ltmp3, $4  }
0x6f: {  	v3 =	vld.msk [tilespmem:s23+$0xFFFFFFE8], $0xff;
	[tilespmem:s15+$0x1020 ss:$0x81] =	vst.msk $0xff, v2  }
0x70: {  	s23 =	sadd.s32 $0x40, s23;
	[tilespmem:s17+$0xC18 ss:$0x81] =	vst.msk $0xff, v5;
	v1 =	vld.msk [tilespmem:s16+$0x8], $0xff  }
0x71: {  	v4 =	vld.msk [tilespmem:s23+$0xFFFFFFE0], $0xff;
	[tilespmem:s12+$0x1C38 ss:$0x81] =	vst.msk $0xff, v6;
	s12 =	smov.u32 s13;
	s13 =	smov.u32 s15;
	s15 =	smov.u32 s17  }
0x72: {  	s25 =	sadd.s32 $0x4, s25;
	s17 =	smov.u32 s20;
	[tilespmem:s20+$0x810 ss:$0x81] =	vst.msk $0xff, v7;
	v2 =	vld.msk [tilespmem:s18+$0x0], $0xff;
	s20 =	smov.u32 s27  }
.Ltmp4:
0x73: {  	_ = 	snop;
	(pc) =	sbr.rel .LBB1_4-.Ltmp4, $1  }
0x74: {  	_ =	sdelay $0x3  }
.LBB1_6:
0x75: {  	_ =	sfence.sel $0x180000  }
0x76: {  	s2 =	simm.s32 $0x1;
	[bflag:$0x0] =	sbarrier.arrive $0xFFFF  }
0x77: {  	s31 =	simm.s32 $0x2;
	[sflag:s2] =	ssyncpa.u1 $0x1  }
0x78: {  	[sflag:s31] =	ssyncpa.u1 $0x1  }
0x79: {  	p0 =	sne.s32 s0, $0x0;
	_ =	strace $0x9000004A  }
0x7a: {  	s0 =	sadd.s32 @!p0 $0x100000, s1;
	[bflag:$0x2] =	sbarrier.arrive $0xFFFF  }
0x7b: {  	[sflag:s0] =	ssyncadd.tile.s32 @!p0 $0x1;
	_ =	shalt  }
.Lfunc_end1:
_tile_overlayer_lowered:
.L_overlay_start_2:
0x7c: {  	(tag) =	ssettag $0x2  }
0x7d: {  	s0 =	rddreg [dreg:$0x0];
	s2 =	stileid.u32  }
0x7e: {  	s1 =	rddreg [dreg:$0x1];
	p0 =	sne.s32 s2, $0x0  }
0x7f: {  	s3 =	rddreg [dreg:$0x2];
	[bflag:$0x3] =	sbarrier.arrive $0xFFFF;
	s2 =	simm.s32 @!p0 $0x1C01  }
0x80: {  	[timem:s3], [sflag:s2] =	dma.local @!p0 [hbm:s0], s1  }
0x81: {  	s0 =	simm.s32 @!p0 $0x1  }
0x82: {  	_ =	swait.ge @!p0 [sflag:s0], s1  }
0x83: {  	s1 =	ssub.s32 @!p0 $0x0, s1;
	[sflag:s0] =	ssyncset.done @!p0 $0x0  }
0x84: {  	[sflag:s0] =	ssyncadd.s32 @!p0 s1  }
0x85: {  	[bflag:$0x3] =	sbarrier.arrive $0xFFFF  }
0x86: {  	_ =	shalt  }

// kernel: sparse-core-data-format-call.2.cloned.1.call-start
scs
called_computation.5_lowered:
.L_overlay_start_0:
0x0: {  	s2 =	sld [smem:$0x3FD9]  }
0x1: {  	s3 =	sld [smem:$0x3FFE];
	_ =	sdelay $0x1  }
0x2: {  	s1 =	srdreg.scid  }
0x3: {  	s0 =	sand.u32 $0x1, s1  }
0x4: {  	s18 =	sshll.u32 s0, $0xA;
	s2 =	sadd.s32 s3, s2  }
0x5: {  	s2 =	sadd.s32 s2, s18  }
0x6: {  	[smem:$0x3FC0] =	sst s2  }
0x7: {  	_ = 	snop  }
0x8: {  	(tm) =	ssettm $0x1  }
0x9: {  	s19 =	sld [smem:$0x3FFB];
	_ =	sdelay $0x3  }
0xa: {  	_ =	strace s19  }
0xb: {  	s2 =	sld [smem:$0x3FFC];
	_ =	sdelay $0x3  }
0xc: {  	_ =	strace s2  }
0xd: {  	s2 =	sld [smem:$0x3FFD];
	_ =	sdelay $0x3  }
0xe: {  	_ =	strace s2  }
0xf: {  	_ =	strace $0x8FFFFFFF  }
0x10: {  	s20 =	sld [smem:$0x3FDB];
	_ =	sdelay $0x1  }
0x11: {  	s21 =	simm.s32 $_scs_section_size  }
0x12: {  	s4 =	simm.s32 $_size__tile_overlayer_lowered;
	s5 =	simm.s32 $_tile_overlayer_lowered  }
0x13: {  	s6 =	simm.s32 $0x1BFF;
	s22 =	sshll.u32 s5, $0x1;
	s3 =	sadd.s32 s21, s20  }
0x14: {  	s23 =	simm.s32 $0x0;
	s4 =	sshll.u32 s4, $0x1;
	s5 =	sadd.s32 s22, s3  }
0x15: {  	[timem:s23], [sflag:s6] =	dma.local [hbm:s5], s4  }
0x16: {  	_ =	swait.ge [sflag:s6], s4  }
0x17: {  	s4 =	ssub.s32 $0x0, s4;
	[sflag:s6] =	ssyncset.done $0x0  }
0x18: {  	[sflag:s6] =	ssyncadd.s32 s4;
	_ =	sdelay $0x1  }
0x19: {  	s24 =	simm.s32 $0x1B8B  }
0x1a: {  	_ =	swait.ge [sflag:s24], $0x1  }
0x1b: {  	[sflag:s24] =	ssyncset.done $0x0  }
0x1c: {  	[sflag:s24] =	ssyncadd.s32 $0xFFFFFFFF  }
0x1d: {  	s4 =	sld [smem:$0x0]  }
0x1e: {  	s5 =	sand.u32 $0xFFFFFFFE, s1  }
0x1f: {  	p0 =	sne.s32 s1, s5  }
0x20: {  	s5 =	sshll.u32 @p0 s5, $0xE  }
0x21: {  	s5 =	sadd.s32 @p0 $0x11B8D, s5;
	s6 =	sshll.u32 @p0 s4, $0x11  }
0x22: {  	s5 =	sor.u32 @p0 s6, s5  }
0x23: {  	[sflag:s5] =	ssyncadd.remote.s32 @p0 $0x1;
	_ =	sdelay $0x1  }
0x24: {  	s5 =	simm.s32 @p0 $0x1B8D  }
0x25: {  	_ =	swait.eq @p0 [sflag:s5], $0x1  }
0x26: {  	[sflag:s5] =	ssyncadd.s32 @p0 $0xFFFFFFFF  }
0x27: {  	s6 =	sshll.u32 @!p0 s1, $0xE  }
0x28: {  	s6 =	sor.u32 @!p0 $0x4000, s6;
	s5 =	simm.s32 @!p0 $0x1B8D  }
0x29: {  	s4 =	sshll.u32 @!p0 s4, $0x11;
	s6 =	sadd.s32 @!p0 $0x11B8D, s6;
	_ =	swait.eq @!p0 [sflag:s5], $0x1  }
0x2a: {  	s4 =	sor.u32 @!p0 s4, s6;
	[sflag:s5] =	ssyncadd.s32 @!p0 $0xFFFFFFFF  }
0x2b: {  	s26 =	simm.s32 $0x1B8E;
	s25 =	sld [smem:$0x3FFE];
	[sflag:s4] =	ssyncadd.remote.s32 @!p0 $0x1  }
0x2c: {  	s27 =	simm.s32 $execute0_lowered;
	[smem:$0x3FD2] =	sst s26  }
0x2d: {  	s5 =	sshll.u32 s27, $0x1;
	_ =	strace $0x80000058;
	[dreg:$0x1] =	wrdreg $0xFFFFFFFF  }
0x2e: {  	s28 =	simm.s32 $_size_execute0_lowered;
	s3 =	sadd.s32 s3, s5;
	[dreg:$0x0] =	wrdreg $0x0  }
0x2f: {  	s5 =	sshll.u32 s28, $0x1;
	[dreg:$0x2] =	wrdreg s3  }
0x30: {  	[dreg:$0x3] =	wrdreg s5  }
0x31: {  	[dreg:$0x4] =	wrdreg $0xC0  }
0x32: {  	_ =	task [dreg:s23], $0x5FFFF  }
0x33: {  	[dreg:$0x1] =	wrdreg $0xFFFFFFFF  }
0x34: {  	[dreg:$0x0] =	wrdreg $0x60  }
0x35: {  	[dreg:$0x2] =	wrdreg s25  }
0x36: {  	[dreg:$0x3] =	wrdreg $0xB  }
0x37: {  	_ =	task.clear_ibuf [dreg:s23], $0x4FFFF;
	_ =	strace $0x90000058  }
0x38: {  	s29 =	simm.s32 $0xB;
	_ =	strace $0x8000005A  }
0x39: {  	_ =	swait.ge [sflag:s29], $0x1  }
0x3a: {  	[sflag:s29] =	ssyncadd.s32 $0xFFFFFFFF  }
0x3b: {  	_ =	strace $0x9000005A  }
0x3c: {  	_ =	sfence  }
0x3d: {  	s30 =	sld [smem:$0x0];
	_ =	sdelay $0x2  }
0x3e: {  	s31 =	sshll.u32 s1, $0xD;
	s1 =	sshrl.u32 s1, $0x2  }
0x3f: {  	s4 =	sand.u32 $0x4000, s31;
	s1 =	sadd.s32 s1, s30  }
0x40: {  	s0 =	sor.u32 s4, s0;
	s1 =	sshll.u32 s1, $0x11  }
0x41: {  	s0 =	sor.u32 s1, s0  }
0x42: {  	s0 =	sadd.s32 $0x8F2B, s0  }
0x43: {  	[sflag:s0] =	ssyncadd.remote.s32 $0x1  }
0x44: {  	_ =	sfence.sel $0xFFFF  }
0x45: {  	[dreg:$0x0] =	wrdreg $0xFFFFFFFF;
	(pc) =	sbr.abs _section_cstart, $3  }
0x46: {  	[dreg:$0x1] =	wrdreg $0xFFFFFFFF  }
0x47: {  	_ =	task.clear_ibuf [dreg:s23], $0x2FFFF;
	_ =	strace $0x9FFFFFFF  }
0x48: {  	(tm) =	ssettm $0x7FFFFFFF  }
0x49: {  	_ =	shalt  }
tec
execute0_lowered:
.L_overlay_start_1:
0x0: {  	(tag) =	ssettag $0x1  }
0x1: {  	s0 =	srdreg.scid  }
0x2: {  	s6 =	rddreg [dreg:$0x0];
	s7 =	simm.s32 $0x1;
	s1 =	sshll.u32 s0, $0x4  }
0x3: {  	s8 =	simm.s32 $0x2;
	s0 =	stileid.u32;
	s1 =	sand.u32 $0x10, s1  }
0x4: {  	s13 =	simm.s32 $0x0;
	s12 =	simm.s32 $0x0;
	s1 =	sor.u32 s0, s1  }
0x5: {  	s10 =	simm.s32 $0x0;
	s3 =	sadd.s32 $0x526A00, s6;
	s2 =	sshll.u32 s1, $0x8  }
0x6: {  	s11 =	simm.s32 $0x0;
	s6 =	sadd.s32 $0x638200, s6;
	s5 =	ssub.s32 $0x27100, s2  }
.Ltmp0:
0x7: {  	s1 =	rddreg [dreg:$0x1];
	s4 =	sand.u32 $0x1F00, s5;
	(pc) =	sbr.rel .LBB1_1-.Ltmp0, $4  }
0x8: {  	_ =	strace $0x80000059;
	s9 =	smov.u32 s2;
	p0 =	sne.s32 s4, $0x0  }
0x9: {  	s5 =	sshrl.u32 s5, $0xD;
	s4 =	simm.s32 $0x1;
	s7 =	simm.s32 @!p0 $0x0  }
0xa: {  	[sflag:s4] =	ssyncpa.u1 $0x0;
	p0 =	por $0x0, $0x0;
	s5 =	sadd.s32 s7, s5  }
0xb: {  	[sflag:s8] =	ssyncpa.u1 $0x0;
	s8 =	simm.s32 $0x80;
	s7 =	sadd.s32 $0x1, s5  }
.LBB1_4:
0xc: {  	_ =	sdelay $0x3  }
0xd: {  	s21 =	sor.u32 s24, s23;
	v47 =	vld.idx.msk [tilespmem:v0+s16+$0x470 ss:$0x1], $0xffff  }
0xe: {  	v57 =	vld.idx.msk [tilespmem:v0+s21+$0x410 ss:$0x1], $0xffff  }
0xf: {  	v58 =	vld.idx.msk [tilespmem:v0+s21+$0x420 ss:$0x1], $0xffff  }
0x10: {  	[tilespmem:s18+$0x1860 ss:$0x41] =	vst.msk $0xffff, v8;
	v59 =	vld.idx.msk [tilespmem:v0+s21+$0x430 ss:$0x1], $0xffff  }
0x11: {  	[tilespmem:s18+$0x1C70 ss:$0x41] =	vst.msk $0xffff, v7;
	v60 =	vld.idx.msk [tilespmem:v0+s21+$0x440 ss:$0x1], $0xffff  }
0x12: {  	[tilespmem:s18+$0x2490 ss:$0x41] =	vst.msk $0xffff, v1;
	s22 =	sand.u32 $0x3B00, s21;
	v61 =	vld.idx.msk [tilespmem:v0+s21+$0x450 ss:$0x1], $0xffff  }
0x13: {  	s20 =	sand.u32 $0x80, s20;
	[tilespmem:s18+$0x28A0 ss:$0x41] =	vst.msk $0xffff, v2;
	v62 =	vld.idx.msk [tilespmem:v0+s21+$0x460 ss:$0x1], $0xffff;
	s15 =	sadd.s32 s22, s15  }
0x14: {  	[tilespmem:s18+$0x2CB0 ss:$0x41] =	vst.msk $0xffff, v3;
	v63 =	vld.idx.msk [tilespmem:v0+s21+$0x470 ss:$0x1], $0xffff;
	s15 =	sadd.s32 s20, s15  }
0x15: {  	[tilespmem:s18+$0x30C0 ss:$0x41] =	vst.msk $0xffff, v4;
	v48 =	vld [tilespmem:s15+$0x400]  }
0x16: {  	[tilespmem:s18+$0x34D0 ss:$0x41] =	vst.msk $0xffff, v5;
	v49 =	vld [tilespmem:s15+$0x0]  }
0x17: {  	s25 =	sshra.s32 s19, $0x2;
	[tilespmem:s18+$0x38E0 ss:$0x41] =	vst.msk $0xffff, v6;
	v50 =	vld [tilespmem:s15+$0x10]  }
0x18: {  	s16 =	sadd.s32 s25, s17;
	v51 =	vld [tilespmem:s15+$0x20];
	[tilespmem:s18+$0x3CF0 ss:$0x41] =	vst.msk $0xffff, v47  }
0x19: {  	v52 =	vld [tilespmem:s15+$0x30];
	[tilespmem:s16+$0x2490 ss:$0x41] =	vst.msk $0xffff, v57  }
0x1a: {  	v53 =	vld [tilespmem:s15+$0x40];
	[tilespmem:s16+$0x28A0 ss:$0x41] =	vst.msk $0xffff, v58  }
0x1b: {  	v54 =	vld [tilespmem:s15+$0x50];
	[tilespmem:s16+$0x2CB0 ss:$0x41] =	vst.msk $0xffff, v59  }
0x1c: {  	s13 =	sshll.u32 s13, $0x7;
	s26 =	sshll.u32 s12, $0x3;
	v55 =	vld [tilespmem:s15+$0x60];
	[tilespmem:s16+$0x30C0 ss:$0x41] =	vst.msk $0xffff, v60  }
0x1d: {  	s27 =	sand.u32 $0xFFFFFC00, s13;
	v56 =	vld [tilespmem:s15+$0x70];
	s15 =	sand.u32 $0xFFFFFC00, s26;
	[tilespmem:s16+$0x34D0 ss:$0x41] =	vst.msk $0xffff, v61  }
0x1e: {  	s13 =	sand.u32 $0x380, s13;
	s15 =	sadd.s32 s15, s27;
	[tilespmem:s16+$0x38E0 ss:$0x41] =	vst.msk $0xffff, v62  }
0x1f: {  	s13 =	sor.u32 s13, s15;
	[tilespmem:s16+$0x3CF0 ss:$0x41] =	vst.msk $0xffff, v63  }
0x20: {  	s13 =	sshrl.u32 s13, $0x7;
	[tilespmem:s16+$0x2080 ss:$0x41] =	vst.msk $0xffff, v48  }
0x21: {  	s28 =	smulhi.u32 $0x1A36E2F, s13;
	[tilespmem:s16+$0x0 ss:$0x41] =	vst.msk $0xffff, v49  }
0x22: {  	[tilespmem:s16+$0x410 ss:$0x41] =	vst.msk $0xffff, v50  }
0x23: {  	[tilespmem:s16+$0x820 ss:$0x41] =	vst.msk $0xffff, v51;
	s15 =	sshrl.u32 s28, $0xA  }
0x24: {  	[tilespmem:s16+$0xC30 ss:$0x41] =	vst.msk $0xffff, v52;
	s15 =	smul.u32 $0x27100, s15  }
0x25: {  	s29 =	sshrl.u32 s12, $0x3;
	[tilespmem:s16+$0x1040 ss:$0x41] =	vst.msk $0xffff, v53  }
0x26: {  	s31 =	sand.u32 $0x7, s12;
	s30 =	sand.u32 $0xF, s29;
	[tilespmem:s16+$0x1450 ss:$0x41] =	vst.msk $0xffff, v54;
	s13 =	ssub.s32 s13, s15  }
0x27: {  	s12 =	sshll.u32 s31, $0x12;
	[tilespmem:s16+$0x1860 ss:$0x41] =	vst.msk $0xffff, v55;
	s15 =	sadd.s32 s6, s30;
	s13 =	sshll.u32 s13, $0x4  }
0x28: {  	s12 =	sor.u32 $0x40, s12;
	[tilespmem:s16+$0x1C70 ss:$0x41] =	vst.msk $0xffff, v56;
	s13 =	sadd.s32 s13, s15  }
0x29: {  	[hbm4b:s13+s12] =	stream.strided.scatter [tilespmem:s14], [sflag:$0x2], $0x4000, s8, s12, $0x18;
	[tilespmem:$0x10200] =	vst v63  }
.LBB1_5:
0x2a: {  	s14 =	sadd.s32 $0x2000, s9  }
0x2b: {  	s12 =	sadd.s32 $0x40, s10;
	s16 =	smov.u32 s10;
	p2 =	sgt.s32 s14, $0x270FF  }
0x2c: {  	s16 =	smov.u32 @p2 s12  }
0x2d: {  	s14 =	smov.u32 @p2 s2;
	p2 =	sgt.s32 s16, $0x37  }
0x2e: {  	s16 =	simm.s32 @p2 $0x0;
	p2 =	sne.s32 s11, s7  }
.Ltmp1:
0x2f: {  	p1 =	slt.u32 s11, $0x2;
	(pc) =	sbr.rel @!p2 .LBB1_6-.Ltmp1, $4  }
0x30: {  	s15 =	simm.s32 @!p1 $0x2  }
0x31: {  	s13 =	smov.u32 s9;
	p0 =	por !p0, !p0;
	_ =	swait.ge @!p1 [sflag:s15], $0x4000  }
0x32: {  	s12 =	smov.u32 s10;
	[sflag:s15] =	ssyncset.done @!p1 $0x0;
	s9 =	smov.u32 s14  }
0x33: {  	s11 =	sadd.s32 $0x1, s11;
	[sflag:s15] =	ssyncadd.s32 @!p1 $0xFFFFC000;
	s10 =	smov.u32 s16  }
.LBB1_1:
0x34: {  	p1 =	sge.u32 s11, s5  }
0x35: {  	s14 =	sshrl.u32 @!p1 s10, $0x3  }
0x36: {  	s15 =	sshll.u32 @!p1 s9, $0x3;
	s14 =	smul.u32 @!p1 $0x138800, s14  }
0x37: {  	s16 =	sshll.u32 @!p1 s10, $0x7;
	s15 =	sand.u32 @!p1 $0xFFFFFC00, s15  }
0x38: {  	s19 =	smov.u32 s9;
	s14 =	sadd.s32 @!p1 s14, s15;
	s15 =	sand.u32 @!p1 $0x380, s16  }
0x39: {  	s31 =	sadd.s32 $0xFFFFFFFF, s11;
	s17 =	sand.u32 @!p1 $0x7F, s9;
	s14 =	sor.u32 @!p1 s15, s14  }
0x3a: {  	p2 =	sgt.s32 @!p1 s10, $0xFFFFFFF8;
	s18 =	sshra.s32 @!p1 s10, $0x1F;
	s15 =	smulhi.u32 @!p1 $0xD1B71759, s14  }
0x3b: {  	s20 =	sshra.s32 @!p1 s9, $0x1F;
	p2 =	por !p2, p1;
	s18 =	sand.u32 @!p1 s18, s10  }
0x3c: {  	s14 =	sor.u32 @!p1 s17, s14;
	s17 =	smov.u32 s10;
	s15 =	sshrl.u32 @!p1 s15, $0x11  }
0x3d: {  	s17 =	simm.s32 @p2 $0xFFFFFFF8;
	p2 =	sgt.s32 @!p1 s9, $0x27000;
	s16 =	smul.u32 @!p1 $0x4925, s15  }
0x3e: {  	p2 =	por !p2, p1;
	s17 =	ssub.s32 @!p1 s17, s18;
	s18 =	sand.u32 @!p1 s20, s9  }
0x3f: {  	s20 =	smulhi.u32 @!p1 $0xD1B71759, s14;
	s19 =	simm.s32 @p2 $0x27000;
	s16 =	sshrl.u32 @!p1 s16, $0x14  }
0x40: {  	s18 =	ssub.s32 @!p1 s19, s18;
	s19 =	sadd.s32 @!p1 $0x8, s17;
	s16 =	smul.u32 @!p1 $0x38, s16  }
0x41: {  	s17 =	ssub.s32 @!p1 $0x38, s17;
	p2 =	sgt.s32 @!p1 s19, $0x3F;
	s19 =	sshrl.u32 @!p1 s20, $0x11  }
0x42: {  	p2 =	por !p2, p1;
	s15 =	ssub.s32 @!p1 s15, s16;
	s16 =	sadd.s32 @!p1 $0xFFFD9000, s18  }
0x43: {  	s19 =	smul.u32 @!p1 $0x27100, s19;
	s17 =	simm.s32 @!p2 $0x0;
	p3 =	sgt.s32 @!p1 s16, $0xFF  }
0x44: {  	s18 =	ssub.s32 @!p1 $0x27100, s18;
	s15 =	sand.u32 @!p1 $0xFFFF, s15;
	p3 =	por !p3, p1  }
0x45: {  	s16 =	sxor.u32 @!p1 $0xFFFFFFFF, s11;
	s15 =	smul.u32 @!p1 $0x4E20, s15;
	s18 =	simm.s32 @!p3 $0x0  }
0x46: {  	s14 =	ssub.s32 @!p1 s14, s19;
	s16 =	sshll.u32 @!p1 s16, $0xE;
	s17 =	smul.u32 @!p1 s17, s18  }
0x47: {  	s16 =	sand.u32 @!p1 $0x4000, s16;
	s18 =	sshrl.u32 @!p1 s14, $0x3;
	s14 =	sand.u32 @!p1 $0x7, s14  }
0x48: {  	s18 =	sadd.s32 @!p1 s3, s18;
	s14 =	sshll.u32 @!p1 s14, $0x12;
	s17 =	sand.u32 @!p1 $0x3FFFFFFF, s17  }
0x49: {  	s15 =	sadd.s32 @!p1 s15, s18;
	s14 =	sor.u32 @!p1 $0x800, s14;
	s18 =	simm.s32 @!p1 $0x138800  }
0x4a: {  	[tilespmem:s16], [sflag:$0x1] =	stream.strided.gather @!p1 [hbm4b:s15+s14], s17, s18, s14, $0x38;
	[tilespmem:$0x10200] =	vst v63  }
0x4b: {  	p1 =	sge.u32 s31, s5  }
.Ltmp2:
0x4c: {  	_ = 	snop;
	(pc) =	sbr.rel @p1 .LBB1_5-.Ltmp2, $1  }
0x4d: {  	_ =	sdelay $0x3  }
0x4e: {  	p1 =	sgt.s32 s12, $0xFFFFFFF8  }
0x4f: {  	s14 =	smov.u32 s12;
	s15 =	sshra.s32 s12, $0x1F;
	s16 =	smov.u32 s13  }
0x50: {  	s17 =	sshra.s32 s13, $0x1F;
	s14 =	simm.s32 @!p1 $0xFFFFFFF8;
	p1 =	sgt.s32 s13, $0x27000  }
0x51: {  	s15 =	sand.u32 s15, s12;
	s26 =	sand.u32 s17, s13;
	s16 =	simm.s32 @!p1 $0x27000  }
0x52: {  	s14 =	ssub.s32 s14, s15;
	s15 =	ssub.s32 s16, s26  }
0x53: {  	s27 =	sadd.s32 $0x8, s14;
	s14 =	ssub.s32 $0x38, s14;
	s16 =	sadd.s32 $0xFFFD9000, s15  }
0x54: {  	p1 =	sgt.s32 s27, $0x3F;
	s15 =	ssub.s32 $0x27100, s15;
	p2 =	sgt.s32 s16, $0xFF  }
0x55: {  	s19 =	sand.u32 $0x1, s11;
	s14 =	simm.s32 @p1 $0x0;
	s15 =	simm.s32 @p2 $0x0  }
0x56: {  	s14 =	smul.u32 s14, s15;
	s15 =	sshll.u32 s19, $0xE  }
0x57: {  	v0 =	vmov s15  }
0x58: {  	s29 =	simm.s32 $0x0;
	s14 =	sand.u32 $0x3FFFFFFF, s14  }
0x59: {  	s30 =	sand.u32 $0x3800, s29;
	_ =	swait.ge [sflag:s4], s14  }
0x5a: {  	s18 =	sand.u32 $0x380, s29;
	s28 =	ssub.s32 $0x0, s14;
	[sflag:s4] =	ssyncset.done $0x0  }
0x5b: {  	s16 =	sor.u32 s18, s30;
	[sflag:s4] =	ssyncadd.s32 s28  }
0x5c: {  	s17 =	sand.u32 $0x3B00, s16;
	v1 =	vld.idx.msk [tilespmem:v0+s16+$0x410 ss:$0x1], $0xffff  }
0x5d: {  	s18 =	simm.s32 $0x1;
	s17 =	sadd.s32 s17, s15;
	s14 =	sand.u32 $0x80, s29;
	v2 =	vld.idx.msk [tilespmem:v0+s16+$0x420 ss:$0x1], $0xffff  }
0x5e: {  	s18 =	simm.s32 @!p0 $0x0;
	s14 =	sadd.s32 s14, s17;
	v3 =	vld.idx.msk [tilespmem:v0+s16+$0x430 ss:$0x1], $0xffff  }
0x5f: {  	s31 =	smul.u32 $0x10400, s18;
	v4 =	vld [tilespmem:s14+$0x400]  }
0x60: {  	v5 =	vld [tilespmem:s14+$0x0]  }
0x61: {  	s17 =	sshrl.u32 s31, $0x2;
	v6 =	vld [tilespmem:s14+$0x10]  }
0x62: {  	s17 =	sor.u32 $0x8000, s17;
	v7 =	vld [tilespmem:s14+$0x20]  }
0x63: {  	s18 =	sadd.s32 $0x0, s17;
	v9 =	vld [tilespmem:s14+$0x30]  }
0x64: {  	v10 =	vld [tilespmem:s14+$0x40];
	[tilespmem:s18+$0x2080 ss:$0x41] =	vst.msk $0xffff, v4  }
0x65: {  	v11 =	vld [tilespmem:s14+$0x50];
	[tilespmem:s18+$0x0 ss:$0x41] =	vst.msk $0xffff, v5  }
0x66: {  	v8 =	vld [tilespmem:s14+$0x60];
	[tilespmem:s18+$0x410 ss:$0x41] =	vst.msk $0xffff, v6  }
0x67: {  	s19 =	smul.u32 $0x10400, s19;
	[tilespmem:s18+$0x820 ss:$0x41] =	vst.msk $0xffff, v7;
	v7 =	vld [tilespmem:s14+$0x70]  }
0x68: {  	s20 =	simm.s32 $0x80;
	s21 =	simm.s32 $0x100;
	[tilespmem:s18+$0xC30 ss:$0x41] =	vst.msk $0xffff, v9;
	v4 =	vld.idx.msk [tilespmem:v0+s16+$0x440 ss:$0x1], $0xffff  }
0x69: {  	s22 =	simm.s32 $0x8;
	s23 =	sand.u32 $0x3800, s21;
	s19 =	sshrl.u32 s19, $0x2;
	[tilespmem:s18+$0x1040 ss:$0x41] =	vst.msk $0xffff, v10;
	v5 =	vld.idx.msk [tilespmem:v0+s16+$0x450 ss:$0x1], $0xffff  }
0x6a: {  	s24 =	sand.u32 $0x380, s20;
	s14 =	sor.u32 $0x8000, s19;
	s19 =	simm.s32 $0x4;
	[tilespmem:s18+$0x1450 ss:$0x41] =	vst.msk $0xffff, v11;
	v6 =	vld.idx.msk [tilespmem:v0+s16+$0x460 ss:$0x1], $0xffff  }
.LBB1_3:
0x6b: {  	p1 =	sne.s32 s22, $0xFC;
	[tilespmem:s18+$0x1860 ss:$0x41] =	vst.msk $0xffff, v8;
	v8 =	vld.idx.msk [tilespmem:v0+s16+$0x470 ss:$0x1], $0xffff;
	s16 =	sor.u32 s24, s23  }
0x6c: {  	s23 =	sand.u32 $0x3B00, s16;
	v9 =	vld.idx.msk [tilespmem:v0+s16+$0x410 ss:$0x1], $0xffff;
	[tilespmem:s18+$0x1C70 ss:$0x41] =	vst.msk $0xffff, v7  }
0x6d: {  	s24 =	sand.u32 $0x80, s20;
	s23 =	sadd.s32 s23, s15;
	v7 =	vld.idx.msk [tilespmem:v0+s16+$0x420 ss:$0x1], $0xffff;
	[tilespmem:s18+$0x2490 ss:$0x41] =	vst.msk $0xffff, v1  }
0x6e: {  	s23 =	sadd.s32 s24, s23;
	v10 =	vld.idx.msk [tilespmem:v0+s16+$0x430 ss:$0x1], $0xffff;
	[tilespmem:s18+$0x28A0 ss:$0x41] =	vst.msk $0xffff, v2  }
0x6f: {  	v11 =	vld [tilespmem:s23+$0x400];
	[tilespmem:s18+$0x2CB0 ss:$0x41] =	vst.msk $0xffff, v3  }
0x70: {  	v12 =	vld [tilespmem:s23+$0x0];
	[tilespmem:s18+$0x30C0 ss:$0x41] =	vst.msk $0xffff, v4  }
0x71: {  	v4 =	vld [tilespmem:s23+$0x10];
	[tilespmem:s18+$0x34D0 ss:$0x41] =	vst.msk $0xffff, v5  }
0x72: {  	s24 =	sshra.s32 s19, $0x2;
	s19 =	smov.u32 s22;
	v1 =	vmov v9;
	v5 =	vld [tilespmem:s23+$0x20];
	[tilespmem:s18+$0x38E0 ss:$0x41] =	vst.msk $0xffff, v6  }
0x73: {  	v2 =	vmov v7;
	v6 =	vld [tilespmem:s23+$0x30];
	[tilespmem:s18+$0x3CF0 ss:$0x41] =	vst.msk $0xffff, v8;
	s18 =	sadd.s32 s24, s17  }
0x74: {  	v3 =	vmov v10;
	v9 =	vld [tilespmem:s23+$0x40];
	[tilespmem:s18+$0x2080 ss:$0x41] =	vst.msk $0xffff, v11  }
0x75: {  	[tilespmem:s18+$0x0 ss:$0x41] =	vst.msk $0xffff, v12;
	v10 =	vld [tilespmem:s23+$0x50]  }
.Ltmp3:
0x76: {  	[tilespmem:s18+$0x410 ss:$0x41] =	vst.msk $0xffff, v4;
	v8 =	vld [tilespmem:s23+$0x60];
	(pc) =	sbr.rel @p1 .LBB1_3-.Ltmp3, $4  }
0x77: {  	[tilespmem:s18+$0x820 ss:$0x41] =	vst.msk $0xffff, v5;
	v7 =	vld [tilespmem:s23+$0x70]  }
0x78: {  	[tilespmem:s18+$0xC30 ss:$0x41] =	vst.msk $0xffff, v6;
	v4 =	vld.idx.msk [tilespmem:v0+s16+$0x440 ss:$0x1], $0xffff  }
0x79: {  	s20 =	sadd.s32 $0x80, s20;
	s21 =	sadd.s32 $0x100, s21;
	[tilespmem:s18+$0x1040 ss:$0x41] =	vst.msk $0xffff, v9;
	v5 =	vld.idx.msk [tilespmem:v0+s16+$0x450 ss:$0x1], $0xffff  }
0x7a: {  	s22 =	sadd.s32 $0x4, s22;
	s24 =	sand.u32 $0x380, s20;
	s23 =	sand.u32 $0x3800, s21;
	[tilespmem:s18+$0x1450 ss:$0x41] =	vst.msk $0xffff, v10;
	v6 =	vld.idx.msk [tilespmem:v0+s16+$0x460 ss:$0x1], $0xffff  }
.Ltmp4:
0x7b: {  	_ = 	snop;
	(pc) =	sbr.rel .LBB1_4-.Ltmp4, $1  }
0x7c: {  	_ =	sdelay $0x3  }
.LBB1_6:
0x7d: {  	_ =	sfence.sel $0x180000  }
0x7e: {  	s2 =	simm.s32 $0x1;
	[bflag:$0x0] =	sbarrier.arrive $0xFFFF  }
0x7f: {  	s31 =	simm.s32 $0x2;
	[sflag:s2] =	ssyncpa.u1 $0x1  }
0x80: {  	[sflag:s31] =	ssyncpa.u1 $0x1  }
0x81: {  	p0 =	sne.s32 s0, $0x0;
	_ =	strace $0x90000059  }
0x82: {  	s0 =	sadd.s32 @!p0 $0x100000, s1;
	[bflag:$0x2] =	sbarrier.arrive $0xFFFF  }
0x83: {  	[sflag:s0] =	ssyncadd.tile.s32 @!p0 $0x1;
	_ =	shalt  }
.Lfunc_end1:
_tile_overlayer_lowered:
.L_overlay_start_2:
0x84: {  	(tag) =	ssettag $0x2  }
0x85: {  	s0 =	rddreg [dreg:$0x0];
	s2 =	stileid.u32  }
0x86: {  	s1 =	rddreg [dreg:$0x1];
	p0 =	sne.s32 s2, $0x0  }
0x87: {  	s3 =	rddreg [dreg:$0x2];
	[bflag:$0x3] =	sbarrier.arrive $0xFFFF;
	s2 =	simm.s32 @!p0 $0x1C01  }
0x88: {  	[timem:s3], [sflag:s2] =	dma.local @!p0 [hbm:s0], s1  }
0x89: {  	s0 =	simm.s32 @!p0 $0x1  }
0x8a: {  	_ =	swait.ge @!p0 [sflag:s0], s1  }
0x8b: {  	s1 =	ssub.s32 @!p0 $0x0, s1;
	[sflag:s0] =	ssyncset.done @!p0 $0x0  }
0x8c: {  	[sflag:s0] =	ssyncadd.s32 @!p0 s1  }
0x8d: {  	[bflag:$0x3] =	sbarrier.arrive $0xFFFF  }
0x8e: {  	_ =	shalt  }

// kernel: sparse-core-data-format-call.cloned.1.call-start
scs
called_computation.3_lowered:
.L_overlay_start_0:
0x0: {  	s1 =	sld [smem:$0x3FD9]  }
0x1: {  	s2 =	sld [smem:$0x3FFE];
	_ =	sdelay $0x1  }
0x2: {  	s3 =	srdreg.scid  }
0x3: {  	s0 =	sand.u32 $0x1, s3  }
0x4: {  	s17 =	sshll.u32 s0, $0xA;
	s1 =	sadd.s32 s2, s1  }
0x5: {  	s1 =	sadd.s32 s1, s17  }
0x6: {  	[smem:$0x3FC0] =	sst s1  }
0x7: {  	_ = 	snop  }
0x8: {  	(tm) =	ssettm $0x1  }
0x9: {  	s18 =	sld [smem:$0x3FFB];
	_ =	sdelay $0x3  }
0xa: {  	_ =	strace s18  }
0xb: {  	s1 =	sld [smem:$0x3FFC];
	_ =	sdelay $0x3  }
0xc: {  	_ =	strace s1  }
0xd: {  	s1 =	sld [smem:$0x3FFD];
	_ =	sdelay $0x3  }
0xe: {  	_ =	strace s1  }
0xf: {  	_ =	strace $0x8FFFFFFF  }
0x10: {  	s19 =	sld [smem:$0x3FDB];
	_ =	sdelay $0x1  }
0x11: {  	s20 =	simm.s32 $_scs_section_size  }
0x12: {  	s4 =	simm.s32 $_size__tile_overlayer_lowered;
	s5 =	simm.s32 $_tile_overlayer_lowered  }
0x13: {  	s23 =	simm.s32 $0x1BFF;
	s22 =	sshll.u32 s5, $0x1;
	s1 =	sadd.s32 s20, s19  }
0x14: {  	s6 =	simm.s32 $0x0;
	s21 =	sshll.u32 s4, $0x1;
	s4 =	sadd.s32 s22, s1  }
0x15: {  	[timem:s6], [sflag:s23] =	dma.local [hbm:s4], s21  }
0x16: {  	_ =	swait.ge [sflag:s23], s21  }
0x17: {  	s2 =	ssub.s32 $0x0, s21;
	[sflag:s23] =	ssyncset.done $0x0  }
0x18: {  	[sflag:s23] =	ssyncadd.s32 s2;
	_ =	sdelay $0x1  }
0x19: {  	s24 =	simm.s32 $0x1B8B  }
0x1a: {  	_ =	swait.ge [sflag:s24], $0x1  }
0x1b: {  	[sflag:s24] =	ssyncset.done $0x0  }
0x1c: {  	s26 =	simm.s32 $0x1B8E;
	s25 =	sld [smem:$0x3FFE];
	[sflag:s24] =	ssyncadd.s32 $0xFFFFFFFF  }
0x1d: {  	s27 =	simm.s32 $execute0_lowered;
	[smem:$0x3FD2] =	sst s26  }
0x1e: {  	s4 =	sshll.u32 s27, $0x1;
	_ =	strace $0x8000004C;
	[dreg:$0x1] =	wrdreg $0xFFFFFFFF  }
0x1f: {  	s28 =	simm.s32 $_size_execute0_lowered;
	s1 =	sadd.s32 s1, s4;
	[dreg:$0x0] =	wrdreg $0x0  }
0x20: {  	s4 =	sshll.u32 s28, $0x1;
	[dreg:$0x2] =	wrdreg s1  }
0x21: {  	[dreg:$0x3] =	wrdreg s4  }
0x22: {  	[dreg:$0x4] =	wrdreg $0xC0  }
0x23: {  	_ =	task [dreg:s6], $0x5FFFF  }
0x24: {  	[dreg:$0x1] =	wrdreg $0xFFFFFFFF  }
0x25: {  	[dreg:$0x0] =	wrdreg $0x60  }
0x26: {  	[dreg:$0x2] =	wrdreg s25  }
0x27: {  	[dreg:$0x3] =	wrdreg $0x9  }
0x28: {  	_ =	task.clear_ibuf [dreg:s6], $0x4FFFF;
	_ =	strace $0x9000004C  }
0x29: {  	s29 =	simm.s32 $0x9;
	_ =	strace $0x8000004E  }
0x2a: {  	_ =	swait.ge [sflag:s29], $0x1  }
0x2b: {  	[sflag:s29] =	ssyncadd.s32 $0xFFFFFFFF  }
0x2c: {  	_ =	strace $0x9000004E  }
0x2d: {  	_ =	sfence  }
0x2e: {  	s30 =	sld [smem:$0x0];
	_ =	sdelay $0x2  }
0x2f: {  	s31 =	sshll.u32 s3, $0xD;
	s3 =	sshrl.u32 s3, $0x2  }
0x30: {  	s2 =	sand.u32 $0x4000, s31;
	s1 =	sadd.s32 s3, s30  }
0x31: {  	s0 =	sor.u32 s2, s0;
	s1 =	sshll.u32 s1, $0x11  }
0x32: {  	s0 =	sor.u32 s1, s0  }
0x33: {  	s0 =	sadd.s32 $0x8F2B, s0  }
0x34: {  	[sflag:s0] =	ssyncadd.remote.s32 $0x1  }
0x35: {  	_ =	sfence.sel $0xFFFF  }
0x36: {  	[dreg:$0x0] =	wrdreg $0xFFFFFFFF;
	(pc) =	sbr.abs _section_cstart, $3  }
0x37: {  	[dreg:$0x1] =	wrdreg $0xFFFFFFFF  }
0x38: {  	_ =	task.clear_ibuf [dreg:s6], $0x2FFFF;
	_ =	strace $0x9FFFFFFF  }
0x39: {  	(tm) =	ssettm $0x7FFFFFFF  }
tec
execute0_lowered:
.L_overlay_start_1:
0x0: {  	(tag) =	ssettag $0x1  }
0x1: {  	s0 =	stileid.u32;
	s1 =	srdreg.scid  }
0x2: {  	s7 =	rddreg [dreg:$0x0];
	s31 =	simm.s32 $0x2;
	s14 =	simm.s32 $0x0  }
0x3: {  	s13 =	simm.s32 $0x0;
	s12 =	simm.s32 $0x0;
	s2 =	sshll.u32 s0, $0x7  }
0x4: {  	s3 =	sshll.u32 s0, $0x5;
	s1 =	sshll.u32 s1, $0x9;
	s2 =	sand.u32 $0x180, s2  }
0x5: {  	s3 =	sor.u32 s3, s1;
	s1 =	rddreg [dreg:$0x1];
	_ =	strace $0x8000004D  }
0x6: {  	s3 =	sand.u32 $0x380, s3;
	s4 =	ssub.s32 $0x200, s2;
	s11 =	smov.u32 s2  }
0x7: {  	s5 =	sand.u32 $0x180, s4;
	s6 =	ssub.s32 $0x27100, s3;
	s9 =	sshrl.u32 s4, $0x9  }
0x8: {  	p0 =	sne.s32 s5, $0x0;
	s5 =	simm.s32 $0x1;
	s8 =	sand.u32 $0x380, s6  }
0x9: {  	s5 =	simm.s32 @!p0 $0x0;
	p0 =	sne.s32 s8, $0x0;
	s8 =	simm.s32 $0x1  }
.Ltmp0:
0xa: {  	s6 =	sshrl.u32 s6, $0xA;
	s8 =	simm.s32 @!p0 $0x0;
	(pc) =	sbr.rel .LBB1_1-.Ltmp0, $4  }
0xb: {  	s4 =	simm.s32 $0x1;
	s5 =	sadd.s32 s5, s9;
	s6 =	sadd.s32 s8, s6  }
0xc: {  	s10 =	smov.u32 s3;
	[sflag:s4] =	ssyncpa.u1 $0x0;
	s5 =	smul.u32 s5, s6  }
0xd: {  	[sflag:s31] =	ssyncpa.u1 $0x0;
	p0 =	por $0x0, $0x0;
	s9 =	simm.s32 $0x1000  }
0xe: {  	s6 =	sadd.s32 $0x17D200, s7;
	s7 =	sadd.s32 $0xB41200, s7;
	s8 =	sadd.s32 $0x1, s5  }
.LBB1_4:
0xf: {  	s20 =	sshll.u32 s14, $0x9;
	s21 =	sshll.u32 s13, $0x3  }
0x10: {  	v5 =	vld [tilespmem:s18+$0xFFFFFFD0];
	[tilespmem:s17+$0x2040 ss:$0x81] =	vst.msk $0xffff, v4;
	s25 =	sshll.u32 s14, $0x7;
	s20 =	sand.u32 $0xFFFFF000, s20;
	s21 =	sand.u32 $0xFFFFFC00, s21  }
0x11: {  	v58 =	vld [tilespmem:s18+$0xFFFFFFE0];
	[tilespmem:s17+$0x2850 ss:$0x81] =	vst.msk $0xffff, v3;
	s26 =	sand.u32 $0x200, s25;
	s20 =	sadd.s32 s21, s20  }
0x12: {  	s19 =	sshra.s32 s19, $0x2;
	v59 =	vld [tilespmem:s18+$0xFFFFFFF0];
	[tilespmem:s17+$0x3060 ss:$0x81] =	vst.msk $0xffff, v2;
	s20 =	sor.u32 s26, s20  }
0x13: {  	v60 =	vld [tilespmem:s18+$0x0];
	[tilespmem:s17+$0x0 ss:$0x81] =	vst.msk $0xffff, v0;
	s16 =	sadd.s32 s19, s16;
	s27 =	sshrl.u32 s20, $0x9  }
0x14: {  	v61 =	vld [tilespmem:s18+$0x10];
	[tilespmem:s16+$0x3870 ss:$0x81] =	vst.msk $0xffff, v1;
	s28 =	smulhi.u32 $0x1A36E3, s27  }
0x15: {  	v62 =	vld [tilespmem:s18+$0x20];
	[tilespmem:s16+$0x810 ss:$0x81] =	vst.msk $0xffff, v5  }
0x16: {  	v63 =	vld [tilespmem:s18+$0xFFFFFFC0];
	[tilespmem:s16+$0x1020 ss:$0x81] =	vst.msk $0xffff, v58;
	s29 =	sshrl.u32 s28, $0x6  }
0x17: {  	s30 =	sand.u32 $0x78, s13;
	s14 =	sand.u32 $0x180, s25;
	[tilespmem:s16+$0x1830 ss:$0x81] =	vst.msk $0xffff, v59;
	s18 =	smul.u32 $0x27100, s29  }
0x18: {  	s14 =	sor.u32 s30, s14;
	[tilespmem:s16+$0x2040 ss:$0x81] =	vst.msk $0xffff, v60  }
0x19: {  	s31 =	sand.u32 $0x7, s13;
	s14 =	sshrl.u32 s14, $0x3;
	[tilespmem:s16+$0x2850 ss:$0x81] =	vst.msk $0xffff, v61;
	s17 =	ssub.s32 s27, s18  }
0x1a: {  	s13 =	sshll.u32 s31, $0x12;
	s14 =	sadd.s32 s7, s14;
	[tilespmem:s16+$0x3060 ss:$0x81] =	vst.msk $0xffff, v62;
	s17 =	sshll.u32 s17, $0x6  }
0x1b: {  	s13 =	sor.u32 $0x400, s13;
	[tilespmem:s16+$0x0 ss:$0x81] =	vst.msk $0xffff, v63;
	s14 =	sadd.s32 s17, s14  }
0x1c: {  	[hbm4b:s14+s13] =	stream.strided.scatter [tilespmem:s15], [sflag:$0x2], $0x4000, s9, s13, $0x20;
	[tilespmem:$0x10100] =	vst v63  }
.LBB1_5:
0x1d: {  	s15 =	sadd.s32 $0x400, s10  }
0x1e: {  	s13 =	sadd.s32 $0x200, s11;
	s17 =	smov.u32 s11;
	p2 =	sgt.s32 s15, $0x270FF  }
0x1f: {  	s17 =	smov.u32 @p2 s13  }
0x20: {  	s15 =	smov.u32 @p2 s3;
	p2 =	sgt.s32 s17, $0x1FF  }
0x21: {  	s17 =	smov.u32 @p2 s2;
	p2 =	sne.s32 s12, s8  }
.Ltmp1:
0x22: {  	p1 =	slt.u32 s12, $0x2;
	(pc) =	sbr.rel @!p2 .LBB1_6-.Ltmp1, $4  }
0x23: {  	s16 =	simm.s32 @!p1 $0x2  }
0x24: {  	s14 =	smov.u32 s10;
	p0 =	por !p0, !p0;
	_ =	swait.ge @!p1 [sflag:s16], $0x4000  }
0x25: {  	s13 =	smov.u32 s11;
	[sflag:s16] =	ssyncset.done @!p1 $0x0;
	s10 =	smov.u32 s15  }
0x26: {  	s12 =	sadd.s32 $0x1, s12;
	[sflag:s16] =	ssyncadd.s32 @!p1 $0xFFFFC000;
	s11 =	smov.u32 s17  }
.LBB1_1:
0x27: {  	p1 =	sge.u32 s12, s5  }
0x28: {  	s15 =	sshrl.u32 @!p1 s11, $0x3  }
0x29: {  	s16 =	sshll.u32 @!p1 s10, $0x3;
	s15 =	smul.u32 @!p1 $0x138800, s15  }
0x2a: {  	s17 =	sshll.u32 @!p1 s11, $0x7;
	s16 =	sand.u32 @!p1 $0xFFFFFC00, s16  }
0x2b: {  	s15 =	sadd.s32 @!p1 s15, s16;
	s16 =	sand.u32 @!p1 $0x380, s17  }
0x2c: {  	s17 =	sand.u32 @!p1 $0x7F, s10;
	s15 =	sor.u32 @!p1 s16, s15  }
0x2d: {  	s16 =	sor.u32 @!p1 s17, s15  }
0x2e: {  	s17 =	smulhi.u32 @!p1 $0xD1B71759, s16;
	_ =	sdelay $0x1  }
0x2f: {  	s15 =	smulhi.u32 @!p1 $0xD1B71759, s15;
	s17 =	sshrl.u32 @!p1 s17, $0x11  }
0x30: {  	s17 =	smul.u32 @!p1 $0x27100, s17  }
0x31: {  	s31 =	sadd.s32 $0xFFFFFFFF, s12;
	s18 =	sxor.u32 @!p1 $0xFFFFFFFF, s12;
	s15 =	sshrl.u32 @!p1 s15, $0x11  }
0x32: {  	s18 =	sshll.u32 @!p1 s18, $0xE;
	s15 =	sand.u32 @!p1 $0x1FF, s15;
	s16 =	ssub.s32 @!p1 s16, s17  }
0x33: {  	s15 =	smul.u32 @!p1 $0x4E20, s15;
	s17 =	sshrl.u32 @!p1 s16, $0x3;
	s16 =	sand.u32 @!p1 $0x7, s16  }
0x34: {  	s18 =	sand.u32 @!p1 $0x4000, s18;
	s17 =	sadd.s32 @!p1 s6, s17;
	s16 =	sshll.u32 @!p1 s16, $0x12  }
0x35: {  	s15 =	sadd.s32 @!p1 s15, s17;
	s16 =	sor.u32 @!p1 $0x400, s16;
	s17 =	simm.s32 @!p1 $0x138800  }
0x36: {  	[tilespmem:s18], [sflag:$0x1] =	stream.strided.gather @!p1 [hbm4b:s15+s16], $0x4000, s17, s16, $0x38;
	[tilespmem:$0x10100] =	vst v63  }
0x37: {  	p1 =	sge.u32 s31, s5  }
.Ltmp2:
0x38: {  	_ = 	snop;
	(pc) =	sbr.rel @p1 .LBB1_5-.Ltmp2, $1  }
0x39: {  	_ =	sdelay $0x3  }
0x3a: {  	s15 =	simm.s32 $0x1  }
0x3b: {  	_ =	swait.ge [sflag:s4], $0x4000;
	s15 =	simm.s32 @!p0 $0x0  }
0x3c: {  	[sflag:s4] =	ssyncset.done $0x0;
	s16 =	sshll.u32 s15, $0xE  }
0x3d: {  	[sflag:s4] =	ssyncadd.s32 $0xFFFFC000;
	s18 =	sor.u32 $0x40, s16  }
0x3e: {  	s15 =	smul.u32 $0x10200, s15;
	v0 =	vld [tilespmem:s18+$0x30]  }
0x3f: {  	v1 =	vld [tilespmem:s18+$0xFFFFFFD0]  }
0x40: {  	s15 =	sshrl.u32 s15, $0x2;
	v5 =	vld [tilespmem:s18+$0xFFFFFFE0]  }
0x41: {  	v6 =	vld [tilespmem:s18+$0xFFFFFFF0];
	s16 =	sor.u32 $0x8000, s15  }
0x42: {  	s31 =	sand.u32 $0x1, s12;
	v4 =	vld [tilespmem:s18+$0x0];
	s17 =	sadd.s32 $0x0, s16  }
0x43: {  	v3 =	vld [tilespmem:s18+$0x10];
	s15 =	smul.u32 $0x10200, s31;
	[tilespmem:s17+$0x3870 ss:$0x81] =	vst.msk $0xffff, v0  }
0x44: {  	v2 =	vld [tilespmem:s18+$0x20];
	[tilespmem:s17+$0x810 ss:$0x81] =	vst.msk $0xffff, v1  }
0x45: {  	s15 =	sshrl.u32 s15, $0x2;
	v0 =	vld [tilespmem:s18+$0xFFFFFFC0];
	[tilespmem:s17+$0x1020 ss:$0x81] =	vst.msk $0xffff, v5;
	s18 =	sadd.s32 $0x80, s18  }
0x46: {  	s19 =	simm.s32 $0x4;
	s20 =	simm.s32 $0x8;
	s15 =	sor.u32 $0x8000, s15;
	[tilespmem:s17+$0x1830 ss:$0x81] =	vst.msk $0xffff, v6;
	v1 =	vld [tilespmem:s18+$0x30]  }
.LBB1_3:
0x47: {  	p1 =	sne.s32 s20, $0x1FC;
	v5 =	vld [tilespmem:s18+$0xFFFFFFD0];
	[tilespmem:s17+$0x2040 ss:$0x81] =	vst.msk $0xffff, v4  }
0x48: {  	v6 =	vld [tilespmem:s18+$0xFFFFFFE0];
	[tilespmem:s17+$0x2850 ss:$0x81] =	vst.msk $0xffff, v3  }
0x49: {  	s21 =	sshra.s32 s19, $0x2;
	s19 =	smov.u32 s20;
	v7 =	vld [tilespmem:s18+$0xFFFFFFF0];
	[tilespmem:s17+$0x3060 ss:$0x81] =	vst.msk $0xffff, v2  }
.Ltmp3:
0x4a: {  	v4 =	vld [tilespmem:s18+$0x0];
	[tilespmem:s17+$0x0 ss:$0x81] =	vst.msk $0xffff, v0;
	s17 =	sadd.s32 s21, s16;
	(pc) =	sbr.rel @p1 .LBB1_3-.Ltmp3, $4  }
0x4b: {  	v3 =	vld [tilespmem:s18+$0x10];
	[tilespmem:s17+$0x3870 ss:$0x81] =	vst.msk $0xffff, v1  }
0x4c: {  	[tilespmem:s17+$0x810 ss:$0x81] =	vst.msk $0xffff, v5;
	v2 =	vld [tilespmem:s18+$0x20]  }
0x4d: {  	v0 =	vld [tilespmem:s18+$0xFFFFFFC0];
	[tilespmem:s17+$0x1020 ss:$0x81] =	vst.msk $0xffff, v6;
	s18 =	sadd.s32 $0x80, s18  }
0x4e: {  	s20 =	sadd.s32 $0x4, s20;
	v1 =	vld [tilespmem:s18+$0x30];
	[tilespmem:s17+$0x1830 ss:$0x81] =	vst.msk $0xffff, v7  }
.Ltmp4:
0x4f: {  	_ = 	snop;
	(pc) =	sbr.rel .LBB1_4-.Ltmp4, $1  }
0x50: {  	_ =	sdelay $0x3  }
.LBB1_6:
0x51: {  	_ =	sfence.sel $0x180000  }
0x52: {  	s2 =	simm.s32 $0x1;
	[bflag:$0x0] =	sbarrier.arrive $0xFFFF  }
0x53: {  	s31 =	simm.s32 $0x2;
	[sflag:s2] =	ssyncpa.u1 $0x1  }
0x54: {  	[sflag:s31] =	ssyncpa.u1 $0x1  }
0x55: {  	p0 =	sne.s32 s0, $0x0;
	_ =	strace $0x9000004D  }
0x56: {  	s0 =	sadd.s32 @!p0 $0x100000, s1;
	[bflag:$0x2] =	sbarrier.arrive $0xFFFF  }
0x57: {  	[sflag:s0] =	ssyncadd.tile.s32 @!p0 $0x1;
	_ =	shalt  }
.Lfunc_end1:
_tile_overlayer_lowered:
.L_overlay_start_2:
0x58: {  	(tag) =	ssettag $0x2  }
0x59: {  	s0 =	rddreg [dreg:$0x0];
	s2 =	stileid.u32  }
0x5a: {  	s1 =	rddreg [dreg:$0x1];
	p0 =	sne.s32 s2, $0x0  }
0x5b: {  	s3 =	rddreg [dreg:$0x2];
	[bflag:$0x3] =	sbarrier.arrive $0xFFFF;
	s2 =	simm.s32 @!p0 $0x1C01  }
0x5c: {  	[timem:s3], [sflag:s2] =	dma.local @!p0 [hbm:s0], s1  }
0x5d: {  	s0 =	simm.s32 @!p0 $0x1  }
0x5e: {  	_ =	swait.ge @!p0 [sflag:s0], s1  }
0x5f: {  	s1 =	ssub.s32 @!p0 $0x0, s1;
	[sflag:s0] =	ssyncset.done @!p0 $0x0  }
0x60: {  	[sflag:s0] =	ssyncadd.s32 @!p0 s1  }
0x61: {  	[bflag:$0x3] =	sbarrier.arrive $0xFFFF  }
0x62: {  	_ =	shalt  }

</sc_bundles>
